<compile_context>
chip_gen: v7x
topology: tpu7x:2x2x1
jax: 0.10.2.dev20260603
libtpu: 0.0.44.dev20260713+nightly
codegen_flags: <defaults>
</compile_context>

<pallas_src>
import functools

import jax
import jax.numpy as jnp
from jax import lax
from jax.experimental import pallas as pl
from jax.experimental.pallas import tpu as pltpu
from jax.experimental.pallas import tpu_sc as plsc

_NC = 2
_NS = 16
_CG = 64


def _sc_gather_body(b_per_w, idx4_hbm, idxp_hbm, mu_hbm, ls_hbm, phi_hbm,
                    mu_out, ls_out, phi_out,
                    idx4_v, idxp_v, buf0, buf1, buf2, buf3, sem, sem2):
    bufs = (buf0, buf1, buf2, buf3)
    wid = lax.axis_index("s") * _NC + lax.axis_index("c")
    base = wid * b_per_w
    pltpu.sync_copy(idx4_hbm.at[pl.ds(base, b_per_w)], idx4_v)
    pltpu.sync_copy(idxp_hbm.at[pl.ds(base, b_per_w)], idxp_v)

    n_per_tab = b_per_w // _CG
    plan = [(mu_hbm, mu_out, idx4_v), (ls_hbm, ls_out, idx4_v),
            (phi_hbm, phi_out, idxp_v)]
    n_tot = 3 * n_per_tab
    nb = len(bufs)
    lookahead = 2
    gather_h = {}
    write_h = {}
    for i in range(n_tot + lookahead):
        if i < n_tot:
            tab, _, idx_v = plan[i // n_per_tab]
            lo = (i % n_per_tab) * _CG
            if i >= nb:
                write_h[i - nb].wait()
            gather_h[i] = pltpu.async_copy(
                tab.at[idx_v.at[pl.ds(lo, _CG)]], bufs[i % nb], sem)
        j = i - lookahead
        if 0 <= j < n_tot:
            _, out, _ = plan[j // n_per_tab]
            lo = (j % n_per_tab) * _CG
            gather_h[j].wait()
            write_h[j] = pltpu.async_copy(
                bufs[j % nb], out.at[pl.ds(base + lo, _CG)], sem2)
    for j in range(n_tot - nb, n_tot):
        write_h[j].wait()


def _sc_gather(idx4, idxp, mu_w, ls_w, phi_w):
    n = idx4.shape[0]
    nw = _NC * _NS
    b_per_w = n // nw
    mesh = plsc.VectorSubcoreMesh(core_axis_name="c", subcore_axis_name="s",
                                  num_cores=_NC, num_subcores=_NS)
    kern = pl.kernel(
        functools.partial(_sc_gather_body, b_per_w),
        out_type=(
            jax.ShapeDtypeStruct((n, 128), jnp.float32),
            jax.ShapeDtypeStruct((n, 128), jnp.float32),
            jax.ShapeDtypeStruct((n, 128), jnp.float32),
        ),
        mesh=mesh,
        scratch_types=[
            pltpu.VMEM((b_per_w,), jnp.int32),
            pltpu.VMEM((b_per_w,), jnp.int32),
            pltpu.VMEM((_CG, 128), jnp.float32),
            pltpu.VMEM((_CG, 128), jnp.float32),
            pltpu.VMEM((_CG, 128), jnp.float32),
            pltpu.VMEM((_CG, 128), jnp.float32),
            pltpu.SemaphoreType.DMA,
            pltpu.SemaphoreType.DMA,
        ],
        compiler_params=pltpu.CompilerParams(use_tc_tiling_on_sc=True,
                                             needs_layout_passes=False),
    )
    return kern(idx4, idxp, mu_w, ls_w, phi_w)


def _extract_body(mu_ref, ls_ref, phi_ref, sub4_ref, subp_ref,
                  mu_out, sig_out, phi_out):
    t, w = mu_ref.shape
    k = 32
    c = lax.broadcasted_iota(jnp.int32, (t, w), 1)
    zero = jnp.float32(0.0)
    one = jnp.float32(1.0)

    mask4 = (c & 3) == sub4_ref[...]
    cr = lax.broadcasted_iota(jnp.int32, (w, k), 0)
    kr = lax.broadcasted_iota(jnp.int32, (w, k), 1)
    r32 = jnp.where((cr >> 2) == kr, one, zero)
    mu_out[...] = jnp.dot(jnp.where(mask4, mu_ref[...], zero), r32,
                          preferred_element_type=jnp.float32,
                          precision=lax.Precision.HIGHEST)
    ls_sel = jnp.dot(jnp.where(mask4, ls_ref[...], zero), r32,
                     preferred_element_type=jnp.float32,
                          precision=lax.Precision.HIGHEST)
    sig = jnp.exp(ls_sel)
    je = lax.broadcasted_iota(jnp.int32, (k, k * k), 0)
    ce = lax.broadcasted_iota(jnp.int32, (k, k * k), 1)
    e = jnp.where(ce == (k + 1) * je, one, zero)
    sig_out[...] = jnp.dot(sig, e, preferred_element_type=jnp.float32,
                          precision=lax.Precision.HIGHEST)

    maskp = (c >> 2) == subp_ref[...]
    cp = lax.broadcasted_iota(jnp.int32, (w, 4), 0)
    kp = lax.broadcasted_iota(jnp.int32, (w, 4), 1)
    r4 = jnp.where((cp & 3) == kp, one, zero)
    phi_out[...] = jnp.dot(jnp.where(maskp, phi_ref[...], zero), r4,
                           preferred_element_type=jnp.float32,
                          precision=lax.Precision.HIGHEST)


def _extract_expand(mu128, ls128, phi128, sub4, subp, block):
    n, w = mu128.shape
    k = 32
    grid = n // block
    row_spec = pl.BlockSpec((block, w), lambda i: (i, 0))
    sub_spec = pl.BlockSpec((block, 1), lambda i: (i, 0))
    return pl.pallas_call(
        _extract_body,
        grid=(grid,),
        in_specs=[row_spec, row_spec, row_spec, sub_spec, sub_spec],
        out_specs=[
            pl.BlockSpec((block, k), lambda i: (i, 0)),
            pl.BlockSpec((block, k * k), lambda i: (i, 0)),
            pl.BlockSpec((block, 4), lambda i: (i, 0)),
        ],
        out_shape=[
            jax.ShapeDtypeStruct((n, k), jnp.float32),
            jax.ShapeDtypeStruct((n, k * k), jnp.float32),
            jax.ShapeDtypeStruct((n, 4), jnp.float32),
        ],
    )(mu128, ls128, phi128, sub4, subp)


def kernel(token_ids, mu_table, log_sigma_diag, phi_table):
    b, l = token_ids.shape
    v, k = mu_table.shape
    p = phi_table.shape[1]
    n = b * l
    tok = token_ids.reshape(n).astype(jnp.int32)
    idx4 = tok // 4
    idxp = tok // 32
    sub4 = (tok % 4).reshape(n, 1)
    subp = (tok % 32).reshape(n, 1)
    mu_w = mu_table.reshape(v // 4, 4, k).transpose(0, 2, 1).reshape(v * k // 128, 128)
    ls_w = log_sigma_diag.reshape(v // 4, 4, k).transpose(0, 2, 1).reshape(v * k // 128, 128)
    phi_pad = jnp.pad(phi_table, ((0, 0), (0, 1)))
    phi_w = phi_pad.reshape(v * 4 // 128, 128)
    mu128, ls128, phi128 = _sc_gather(idx4, idxp, mu_w, ls_w, phi_w)
    mu_flat, sigma_rows, phi4 = _extract_expand(
        mu128, ls128, phi128, sub4, subp, block=256)
    mu = mu_flat.reshape(b, l, k)
    sigma = sigma_rows.reshape(b, l, k, k)
    phi = phi4[:, :p].reshape(b, l, p)
    return (mu, sigma, phi)

# --- scband reference (transcript-rebuilt; emitter-appended) ---
"""Pipeline reference for scband-gauge-token-embedding-10857677324505 (READ-ONLY COPY).

The authoritative reference and input builder live on the scoring server;
editing this copy changes nothing except your own understanding.
"""

import jax, jax.numpy as jnp
import numpy as np

VOCAB = 1000000
K = 32
B = 1024
L = 50
INIT_STD = 0.02
INIT_SIGMA_SCALE = 0.1


def setup_inputs(seed: int = 0) -> dict:
    key = jax.random.key(seed)
    k1, k2 = jax.random.split(key)
    token_ids = jax.random.randint(k1, (B, L), 0, VOCAB)
    mu_table = jax.random.normal(k2, (VOCAB, K), dtype=jnp.float32) * INIT_STD
    log_sigma_diag = jnp.full((VOCAB, K), np.log(INIT_SIGMA_SCALE), dtype=jnp.float32)
    phi_table = jnp.zeros((VOCAB, 3), dtype=jnp.float32)
    return {
        "token_ids": token_ids,
        "mu_table": mu_table,
        "log_sigma_diag": log_sigma_diag,
        "phi_table": phi_table,
    }


def reference(token_ids, mu_table, log_sigma_diag, phi_table):
    # mu: (B, L, K) standard embedding gather
    mu = jnp.take(mu_table, token_ids, axis=0)
    # learnable_sigma=True: per-token log-sigma gather, then exp
    log_sigma = jnp.take(log_sigma_diag, token_ids, axis=0)
    sigma_diag = jnp.exp(log_sigma)
    # diag_embed: (B, L, K) -> (B, L, K, K)
    eye = jnp.eye(sigma_diag.shape[-1], dtype=sigma_diag.dtype)
    sigma = sigma_diag[..., :, None] * eye
    # learnable_phi=True: per-token gauge frame gather
    phi = jnp.take(phi_table, token_ids, axis=0)
    return (mu, sigma, phi)

if __name__ == "__main__":
    import jax
    _d = setup_inputs()
    print(jax.jit(kernel)(*tuple(_d.values())))

</pallas_src>

<mosaic_0001>
#map = affine_map<(d0, d1) -> (0)>
#map1 = affine_map<(d0, d1) -> (0, 0)>
module attributes {stable_mosaic.version = 14 : i64} {
  func.func @_sc_gather_body(%arg0: i32, %arg1: i32, %arg2: memref<51200xi32, #tpu.memory_space<hbm>>, %arg3: memref<51200xi32, #tpu.memory_space<hbm>>, %arg4: memref<250000x128xf32, #tpu.memory_space<hbm>>, %arg5: memref<250000x128xf32, #tpu.memory_space<hbm>>, %arg6: memref<31250x128xf32, #tpu.memory_space<hbm>>, %arg7: memref<51200x128xf32, #tpu.memory_space<hbm>>, %arg8: memref<51200x128xf32, #tpu.memory_space<hbm>>, %arg9: memref<51200x128xf32, #tpu.memory_space<hbm>>, %arg10: memref<1600xi32, #tpu.memory_space<vmem>>, %arg11: memref<1600xi32, #tpu.memory_space<vmem>>, %arg12: memref<64x128xf32, #tpu.memory_space<vmem>>, %arg13: memref<64x128xf32, #tpu.memory_space<vmem>>, %arg14: memref<64x128xf32, #tpu.memory_space<vmem>>, %arg15: memref<64x128xf32, #tpu.memory_space<vmem>>, %arg16: memref<!tpu.dma_semaphore, #tpu.memory_space<semaphore_mem>>, %arg17: memref<!tpu.dma_semaphore, #tpu.memory_space<semaphore_mem>>) attributes {dimension_semantics = [#tpu.dimension_semantics<core_parallel>, #tpu.dimension_semantics<subcore_parallel>], iteration_bounds = array<i64: 2, 16>, scalar_prefetch = 0 : i64, scratch_operands = 8 : i64, tpu.core_type = #tpu.core_type<sc_vector_subcore>, window_params = [{transform_indices = #map}, {transform_indices = #map}, {transform_indices = #map1}, {transform_indices = #map1}, {transform_indices = #map1}, {transform_indices = #map1}, {transform_indices = #map1}, {transform_indices = #map1}]} {
    %mul3A = arith.constant 2 : i32
    %mul3A_0 = arith.muli %arg1, %mul3A : i32
    %add3A = arith.addi %mul3A_0, %arg0 : i32
    %mul3A_1 = arith.constant 1600 : i32
    %mul3A_2 = arith.muli %add3A, %mul3A_1 : i32
    "tpu.region"() ({
      %run_scoped3A = tpu.sem_alloc : memref<!tpu.dma_semaphore, #tpu.memory_space<semaphore_mem>>
      %dma_start3A_1501 = tpu.memref_slice %arg2[%mul3A_2] : memref<51200xi32, #tpu.memory_space<hbm>> -> memref<1600xi32, #tpu.memory_space<hbm>>
      %dma_start3A_1502 = tpu.memref_slice %arg2[%mul3A_2] : memref<51200xi32, #tpu.memory_space<hbm>> -> memref<1600xi32, #tpu.memory_space<hbm>>
      tpu.enqueue_dma source(%dma_start3A_1502 : memref<1600xi32, #tpu.memory_space<hbm>>) target(%arg10 : memref<1600xi32, #tpu.memory_space<vmem>>) target_semaphore(%run_scoped3A : memref<!tpu.dma_semaphore, #tpu.memory_space<semaphore_mem>>)
      %dma_wait3A_1503 = tpu.memref_slice %arg2[%mul3A_2] : memref<51200xi32, #tpu.memory_space<hbm>> -> memref<1600xi32, #tpu.memory_space<hbm>>
      %dma_wait3A_1504 = tpu.memref_slice %arg2[%mul3A_2] : memref<51200xi32, #tpu.memory_space<hbm>> -> memref<1600xi32, #tpu.memory_space<hbm>>
      tpu.wait_dma2 semaphore(%run_scoped3A : memref<!tpu.dma_semaphore, #tpu.memory_space<semaphore_mem>>) src(%dma_wait3A_1504 : memref<1600xi32, #tpu.memory_space<hbm>>) dst(%arg10 : memref<1600xi32, #tpu.memory_space<vmem>>)
      tpu.yield
    }) : () -> ()
    "tpu.region"() ({
      %run_scoped3A = tpu.sem_alloc : memref<!tpu.dma_semaphore, #tpu.memory_space<semaphore_mem>>
      %dma_start3A_1501 = tpu.memref_slice %arg3[%mul3A_2] : memref<51200xi32, #tpu.memory_space<hbm>> -> memref<1600xi32, #tpu.memory_space<hbm>>
      %dma_start3A_1502 = tpu.memref_slice %arg3[%mul3A_2] : memref<51200xi32, #tpu.memory_space<hbm>> -> memref<1600xi32, #tpu.memory_space<hbm>>
      tpu.enqueue_dma source(%dma_start3A_1502 : memref<1600xi32, #tpu.memory_space<hbm>>) target(%arg11 : memref<1600xi32, #tpu.memory_space<vmem>>) target_semaphore(%run_scoped3A : memref<!tpu.dma_semaphore, #tpu.memory_space<semaphore_mem>>)
      %dma_wait3A_1503 = tpu.memref_slice %arg3[%mul3A_2] : memref<51200xi32, #tpu.memory_space<hbm>> -> memref<1600xi32, #tpu.memory_space<hbm>>
      %dma_wait3A_1504 = tpu.memref_slice %arg3[%mul3A_2] : memref<51200xi32, #tpu.memory_space<hbm>> -> memref<1600xi32, #tpu.memory_space<hbm>>
      tpu.wait_dma2 semaphore(%run_scoped3A : memref<!tpu.dma_semaphore, #tpu.memory_space<semaphore_mem>>) src(%dma_wait3A_1504 : memref<1600xi32, #tpu.memory_space<hbm>>) dst(%arg11 : memref<1600xi32, #tpu.memory_space<vmem>>)
      tpu.yield
    }) : () -> ()
    %dma_start3A = arith.constant 0 : i32
    %dma_start3A_3 = tpu.memref_slice %arg10[%dma_start3A] : memref<1600xi32, #tpu.memory_space<vmem>> -> memref<64xi32, #tpu.memory_space<vmem>>
    %dma_start3A_4 = arith.constant 0 : i32
    %dma_start3A_5 = arith.constant 0 : i32
    %dma_start3A_6 = tpu.memref_slice %arg4[%dma_start3A_4, %dma_start3A_5] : memref<250000x128xf32, #tpu.memory_space<hbm>> -> memref<250000x128xf32, #tpu.memory_space<hbm>>
    tpu.enqueue_indirect_dma source(%dma_start3A_6 : memref<250000x128xf32, #tpu.memory_space<hbm>>) target(%arg12 : memref<64x128xf32, #tpu.memory_space<vmem>>) offsets(%dma_start3A_3 : memref<64xi32, #tpu.memory_space<vmem>>) semaphore(%arg16 : memref<!tpu.dma_semaphore, #tpu.memory_space<semaphore_mem>>)
    %dma_start3A_7 = arith.constant 64 : i32
    %dma_start3A_8 = tpu.memref_slice %arg10[%dma_start3A_7] : memref<1600xi32, #tpu.memory_space<vmem>> -> memref<64xi32, #tpu.memory_space<vmem>>
    %dma_start3A_9 = arith.constant 0 : i32
    %dma_start3A_10 = arith.constant 0 : i32
    %dma_start3A_11 = tpu.memref_slice %arg4[%dma_start3A_9, %dma_start3A_10] : memref<250000x128xf32, #tpu.memory_space<hbm>> -> memref<250000x128xf32, #tpu.memory_space<hbm>>
    tpu.enqueue_indirect_dma source(%dma_start3A_11 : memref<250000x128xf32, #tpu.memory_space<hbm>>) target(%arg13 : memref<64x128xf32, #tpu.memory_space<vmem>>) offsets(%dma_start3A_8 : memref<64xi32, #tpu.memory_space<vmem>>) semaphore(%arg16 : memref<!tpu.dma_semaphore, #tpu.memory_space<semaphore_mem>>)
    %dma_start3A_12 = arith.constant 128 : i32
    %dma_start3A_13 = tpu.memref_slice %arg10[%dma_start3A_12] : memref<1600xi32, #tpu.memory_space<vmem>> -> memref<64xi32, #tpu.memory_space<vmem>>
    %dma_start3A_14 = arith.constant 0 : i32
    %dma_start3A_15 = arith.constant 0 : i32
    %dma_start3A_16 = tpu.memref_slice %arg4[%dma_start3A_14, %dma_start3A_15] : memref<250000x128xf32, #tpu.memory_space<hbm>> -> memref<250000x128xf32, #tpu.memory_space<hbm>>
    tpu.enqueue_indirect_dma source(%dma_start3A_16 : memref<250000x128xf32, #tpu.memory_space<hbm>>) target(%arg14 : memref<64x128xf32, #tpu.memory_space<vmem>>) offsets(%dma_start3A_13 : memref<64xi32, #tpu.memory_space<vmem>>) semaphore(%arg16 : memref<!tpu.dma_semaphore, #tpu.memory_space<semaphore_mem>>)
    %dma_wait3A = arith.constant 0 : i32
    %dma_wait3A_17 = tpu.memref_slice %arg10[%dma_wait3A] : memref<1600xi32, #tpu.memory_space<vmem>> -> memref<64xi32, #tpu.memory_space<vmem>>
    %dma_wait3A_18 = arith.constant 0 : i32
    %dma_wait3A_19 = arith.constant 0 : i32
    %dma_wait3A_20 = tpu.memref_slice %arg4[%dma_wait3A_18, %dma_wait3A_19] : memref<250000x128xf32, #tpu.memory_space<hbm>> -> memref<250000x128xf32, #tpu.memory_space<hbm>>
    tpu.wait_indirect_dma semaphore(%arg16 : memref<!tpu.dma_semaphore, #tpu.memory_space<semaphore_mem>>) src(%dma_wait3A_20 : memref<250000x128xf32, #tpu.memory_space<hbm>>) dst(%arg12 : memref<64x128xf32, #tpu.memory_space<vmem>>)
    %add3A_21 = arith.constant 0 : i32
    %add3A_22 = arith.addi %mul3A_2, %add3A_21 : i32
    %dma_start3A_23 = arith.constant 0 : i32
    %dma_start3A_24 = tpu.memref_slice %arg7[%add3A_22, %dma_start3A_23] : memref<51200x128xf32, #tpu.memory_space<hbm>> -> memref<64x128xf32, #tpu.memory_space<hbm>>
    %dma_start3A_25 = arith.constant 0 : i32
    %dma_start3A_26 = tpu.memref_slice %arg7[%add3A_22, %dma_start3A_25] : memref<51200x128xf32, #tpu.memory_space<hbm>> -> memref<64x128xf32, #tpu.memory_space<hbm>>
    tpu.enqueue_dma source(%arg12 : memref<64x128xf32, #tpu.memory_space<vmem>>) target(%dma_start3A_26 : memref<64x128xf32, #tpu.memory_space<hbm>>) target_semaphore(%arg17 : memref<!tpu.dma_semaphore, #tpu.memory_space<semaphore_mem>>)
    %dma_start3A_27 = arith.constant 192 : i32
    %dma_start3A_28 = tpu.memref_slice %arg10[%dma_start3A_27] : memref<1600xi32, #tpu.memory_space<vmem>> -> memref<64xi32, #tpu.memory_space<vmem>>
    %dma_start3A_29 = arith.constant 0 : i32
    %dma_start3A_30 = arith.constant 0 : i32
    %dma_start3A_31 = tpu.memref_slice %arg4[%dma_start3A_29, %dma_start3A_30] : memref<250000x128xf32, #tpu.memory_space<hbm>> -> memref<250000x128xf32, #tpu.memory_space<hbm>>
    tpu.enqueue_indirect_dma source(%dma_start3A_31 : memref<250000x128xf32, #tpu.memory_space<hbm>>) target(%arg15 : memref<64x128xf32, #tpu.memory_space<vmem>>) offsets(%dma_start3A_28 : memref<64xi32, #tpu.memory_space<vmem>>) semaphore(%arg16 : memref<!tpu.dma_semaphore, #tpu.memory_space<semaphore_mem>>)
    %dma_wait3A_32 = arith.constant 64 : i32
    %dma_wait3A_33 = tpu.memref_slice %arg10[%dma_wait3A_32] : memref<1600xi32, #tpu.memory_space<vmem>> -> memref<64xi32, #tpu.memory_space<vmem>>
    %dma_wait3A_34 = arith.constant 0 : i32
    %dma_wait3A_35 = arith.constant 0 : i32
    %dma_wait3A_36 = tpu.memref_slice %arg4[%dma_wait3A_34, %dma_wait3A_35] : memref<250000x128xf32, #tpu.memory_space<hbm>> -> memref<250000x128xf32, #tpu.memory_space<hbm>>
    tpu.wait_indirect_dma semaphore(%arg16 : memref<!tpu.dma_semaphore, #tpu.memory_space<semaphore_mem>>) src(%dma_wait3A_36 : memref<250000x128xf32, #tpu.memory_space<hbm>>) dst(%arg13 : memref<64x128xf32, #tpu.memory_space<vmem>>)
    %add3A_37 = arith.constant 64 : i32
    %add3A_38 = arith.addi %mul3A_2, %add3A_37 : i32
    %dma_start3A_39 = arith.constant 0 : i32
    %dma_start3A_40 = tpu.memref_slice %arg7[%add3A_38, %dma_start3A_39] : memref<51200x128xf32, #tpu.memory_space<hbm>> -> memref<64x128xf32, #tpu.memory_space<hbm>>
    %dma_start3A_41 = arith.constant 0 : i32
    %dma_start3A_42 = tpu.memref_slice %arg7[%add3A_38, %dma_start3A_41] : memref<51200x128xf32, #tpu.memory_space<hbm>> -> memref<64x128xf32, #tpu.memory_space<hbm>>
    tpu.enqueue_dma source(%arg13 : memref<64x128xf32, #tpu.memory_space<vmem>>) target(%dma_start3A_42 : memref<64x128xf32, #tpu.memory_space<hbm>>) target_semaphore(%arg17 : memref<!tpu.dma_semaphore, #tpu.memory_space<semaphore_mem>>)
    %dma_wait3A_43 = arith.constant 0 : i32
    %dma_wait3A_44 = tpu.memref_slice %arg7[%add3A_22, %dma_wait3A_43] : memref<51200x128xf32, #tpu.memory_space<hbm>> -> memref<64x128xf32, #tpu.memory_space<hbm>>
    %dma_wait3A_45 = arith.constant 0 : i32
    %dma_wait3A_46 = tpu.memref_slice %arg7[%add3A_22, %dma_wait3A_45] : memref<51200x128xf32, #tpu.memory_space<hbm>> -> memref<64x128xf32, #tpu.memory_space<hbm>>
    tpu.wait_dma2 semaphore(%arg17 : memref<!tpu.dma_semaphore, #tpu.memory_space<semaphore_mem>>) src(%arg12 : memref<64x128xf32, #tpu.memory_space<vmem>>) dst(%dma_wait3A_46 : memref<64x128xf32, #tpu.memory_space<hbm>>)
    %dma_start3A_47 = arith.constant 256 : i32
    %dma_start3A_48 = tpu.memref_slice %arg10[%dma_start3A_47] : memref<1600xi32, #tpu.memory_space<vmem>> -> memref<64xi32, #tpu.memory_space<vmem>>
    %dma_start3A_49 = arith.constant 0 : i32
    %dma_start3A_50 = arith.constant 0 : i32
    %dma_start3A_51 = tpu.memref_slice %arg4[%dma_start3A_49, %dma_start3A_50] : memref<250000x128xf32, #tpu.memory_space<hbm>> -> memref<250000x128xf32, #tpu.memory_space<hbm>>
    tpu.enqueue_indirect_dma source(%dma_start3A_51 : memref<250000x128xf32, #tpu.memory_space<hbm>>) target(%arg12 : memref<64x128xf32, #tpu.memory_space<vmem>>) offsets(%dma_start3A_48 : memref<64xi32, #tpu.memory_space<vmem>>) semaphore(%arg16 : memref<!tpu.dma_semaphore, #tpu.memory_space<semaphore_mem>>)
    %dma_wait3A_52 = arith.constant 128 : i32
    %dma_wait3A_53 = tpu.memref_slice %arg10[%dma_wait3A_52] : memref<1600xi32, #tpu.memory_space<vmem>> -> memref<64xi32, #tpu.memory_space<vmem>>
    %dma_wait3A_54 = arith.constant 0 : i32
    %dma_wait3A_55 = arith.constant 0 : i32
    %dma_wait3A_56 = tpu.memref_slice %arg4[%dma_wait3A_54, %dma_wait3A_55] : memref<250000x128xf32, #tpu.memory_space<hbm>> -> memref<250000x128xf32, #tpu.memory_space<hbm>>
    tpu.wait_indirect_dma semaphore(%arg16 : memref<!tpu.dma_semaphore, #tpu.memory_space<semaphore_mem>>) src(%dma_wait3A_56 : memref<250000x128xf32, #tpu.memory_space<hbm>>) dst(%arg14 : memref<64x128xf32, #tpu.memory_space<vmem>>)
    %add3A_57 = arith.constant 128 : i32
    %add3A_58 = arith.addi %mul3A_2, %add3A_57 : i32
    %dma_start3A_59 = arith.constant 0 : i32
    %dma_start3A_60 = tpu.memref_slice %arg7[%add3A_58, %dma_start3A_59] : memref<51200x128xf32, #tpu.memory_space<hbm>> -> memref<64x128xf32, #tpu.memory_space<hbm>>
    %dma_start3A_61 = arith.constant 0 : i32
    %dma_start3A_62 = tpu.memref_slice %arg7[%add3A_58, %dma_start3A_61] : memref<51200x128xf32, #tpu.memory_space<hbm>> -> memref<64x128xf32, #tpu.memory_space<hbm>>
    tpu.enqueue_dma source(%arg14 : memref<64x128xf32, #tpu.memory_space<vmem>>) target(%dma_start3A_62 : memref<64x128xf32, #tpu.memory_space<hbm>>) target_semaphore(%arg17 : memref<!tpu.dma_semaphore, #tpu.memory_space<semaphore_mem>>)
    %dma_wait3A_63 = arith.constant 0 : i32
    %dma_wait3A_64 = tpu.memref_slice %arg7[%add3A_38, %dma_wait3A_63] : memref<51200x128xf32, #tpu.memory_space<hbm>> -> memref<64x128xf32, #tpu.memory_space<hbm>>
    %dma_wait3A_65 = arith.constant 0 : i32
    %dma_wait3A_66 = tpu.memref_slice %arg7[%add3A_38, %dma_wait3A_65] : memref<51200x128xf32, #tpu.memory_space<hbm>> -> memref<64x128xf32, #tpu.memory_space<hbm>>
    tpu.wait_dma2 semaphore(%arg17 : memref<!tpu.dma_semaphore, #tpu.memory_space<semaphore_mem>>) src(%arg13 : memref<64x128xf32, #tpu.memory_space<vmem>>) dst(%dma_wait3A_66 : memref<64x128xf32, #tpu.memory_space<hbm>>)
    %dma_start3A_67 = arith.constant 320 : i32
    %dma_start3A_68 = tpu.memref_slice %arg10[%dma_start3A_67] : memref<1600xi32, #tpu.memory_space<vmem>> -> memref<64xi32, #tpu.memory_space<vmem>>
    %dma_start3A_69 = arith.constant 0 : i32
    %dma_start3A_70 = arith.constant 0 : i32
    %dma_start3A_71 = tpu.memref_slice %arg4[%dma_start3A_69, %dma_start3A_70] : memref<250000x128xf32, #tpu.memory_space<hbm>> -> memref<250000x128xf32, #tpu.memory_space<hbm>>
    tpu.enqueue_indirect_dma source(%dma_start3A_71 : memref<250000x128xf32, #tpu.memory_space<hbm>>) target(%arg13 : memref<64x128xf32, #tpu.memory_space<vmem>>) offsets(%dma_start3A_68 : memref<64xi32, #tpu.memory_space<vmem>>) semaphore(%arg16 : memref<!tpu.dma_semaphore, #tpu.memory_space<semaphore_mem>>)
    %dma_wait3A_72 = arith.constant 192 : i32
    %dma_wait3A_73 = tpu.memref_slice %arg10[%dma_wait3A_72] : memref<1600xi32, #tpu.memory_space<vmem>> -> memref<64xi32, #tpu.memory_space<vmem>>
    %dma_wait3A_74 = arith.constant 0 : i32
    %dma_wait3A_75 = arith.constant 0 : i32
    %dma_wait3A_76 = tpu.memref_slice %arg4[%dma_wait3A_74, %dma_wait3A_75] : memref<250000x128xf32, #tpu.memory_space<hbm>> -> memref<250000x128xf32, #tpu.memory_space<hbm>>
    tpu.wait_indirect_dma semaphore(%arg16 : memref<!tpu.dma_semaphore, #tpu.memory_space<semaphore_mem>>) src(%dma_wait3A_76 : memref<250000x128xf32, #tpu.memory_space<hbm>>) dst(%arg15 : memref<64x128xf32, #tpu.memory_space<vmem>>)
    %add3A_77 = arith.constant 192 : i32
    %add3A_78 = arith.addi %mul3A_2, %add3A_77 : i32
    %dma_start3A_79 = arith.constant 0 : i32
    %dma_start3A_80 = tpu.memref_slice %arg7[%add3A_78, %dma_start3A_79] : memref<51200x128xf32, #tpu.memory_space<hbm>> -> memref<64x128xf32, #tpu.memory_space<hbm>>
    %dma_start3A_81 = arith.constant 0 : i32
    %dma_start3A_82 = tpu.memref_slice %arg7[%add3A_78, %dma_start3A_81] : memref<51200x128xf32, #tpu.memory_space<hbm>> -> memref<64x128xf32, #tpu.memory_space<hbm>>
    tpu.enqueue_dma source(%arg15 : memref<64x128xf32, #tpu.memory_space<vmem>>) target(%dma_start3A_82 : memref<64x128xf32, #tpu.memory_space<hbm>>) target_semaphore(%arg17 : memref<!tpu.dma_semaphore, #tpu.memory_space<semaphore_mem>>)
    %dma_wait3A_83 = arith.constant 0 : i32
    %dma_wait3A_84 = tpu.memref_slice %arg7[%add3A_58, %dma_wait3A_83] : memref<51200x128xf32, #tpu.memory_space<hbm>> -> memref<64x128xf32, #tpu.memory_space<hbm>>
    %dma_wait3A_85 = arith.constant 0 : i32
    %dma_wait3A_86 = tpu.memref_slice %arg7[%add3A_58, %dma_wait3A_85] : memref<51200x128xf32, #tpu.memory_space<hbm>> -> memref<64x128xf32, #tpu.memory_space<hbm>>
    tpu.wait_dma2 semaphore(%arg17 : memref<!tpu.dma_semaphore, #tpu.memory_space<semaphore_mem>>) src(%arg14 : memref<64x128xf32, #tpu.memory_space<vmem>>) dst(%dma_wait3A_86 : memref<64x128xf32, #tpu.memory_space<hbm>>)
    %dma_start3A_87 = arith.constant 384 : i32
    %dma_start3A_88 = tpu.memref_slice %arg10[%dma_start3A_87] : memref<1600xi32, #tpu.memory_space<vmem>> -> memref<64xi32, #tpu.memory_space<vmem>>
    %dma_start3A_89 = arith.constant 0 : i32
    %dma_start3A_90 = arith.constant 0 : i32
    %dma_start3A_91 = tpu.memref_slice %arg4[%dma_start3A_89, %dma_start3A_90] : memref<250000x128xf32, #tpu.memory_space<hbm>> -> memref<250000x128xf32, #tpu.memory_space<hbm>>
    tpu.enqueue_indirect_dma source(%dma_start3A_91 : memref<250000x128xf32, #tpu.memory_space<hbm>>) target(%arg14 : memref<64x128xf32, #tpu.memory_space<vmem>>) offsets(%dma_start3A_88 : memref<64xi32, #tpu.memory_space<vmem>>) semaphore(%arg16 : memref<!tpu.dma_semaphore, #tpu.memory_space<semaphore_mem>>)
    %dma_wait3A_92 = arith.constant 256 : i32
    %dma_wait3A_93 = tpu.memref_slice %arg10[%dma_wait3A_92] : memref<1600xi32, #tpu.memory_space<vmem>> -> memref<64xi32, #tpu.memory_space<vmem>>
    %dma_wait3A_94 = arith.constant 0 : i32
    %dma_wait3A_95 = arith.constant 0 : i32
    %dma_wait3A_96 = tpu.memref_slice %arg4[%dma_wait3A_94, %dma_wait3A_95] : memref<250000x128xf32, #tpu.memory_space<hbm>> -> memref<250000x128xf32, #tpu.memory_space<hbm>>
    tpu.wait_indirect_dma semaphore(%arg16 : memref<!tpu.dma_semaphore, #tpu.memory_space<semaphore_mem>>) src(%dma_wait3A_96 : memref<250000x128xf32, #tpu.memory_space<hbm>>) dst(%arg12 : memref<64x128xf32, #tpu.memory_space<vmem>>)
    %add3A_97 = arith.constant 256 : i32
    %add3A_98 = arith.addi %mul3A_2, %add3A_97 : i32
    %dma_start3A_99 = arith.constant 0 : i32
    %dma_start3A_100 = tpu.memref_slice %arg7[%add3A_98, %dma_start3A_99] : memref<51200x128xf32, #tpu.memory_space<hbm>> -> memref<64x128xf32, #tpu.memory_space<hbm>>
    %dma_start3A_101 = arith.constant 0 : i32
    %dma_start3A_102 = tpu.memref_slice %arg7[%add3A_98, %dma_start3A_101] : memref<51200x128xf32, #tpu.memory_space<hbm>> -> memref<64x128xf32, #tpu.memory_space<hbm>>
    tpu.enqueue_dma source(%arg12 : memref<64x128xf32, #tpu.memory_space<vmem>>) target(%dma_start3A_102 : memref<64x128xf32, #tpu.memory_space<hbm>>) target_semaphore(%arg17 : memref<!tpu.dma_semaphore, #tpu.memory_space<semaphore_mem>>)
    %dma_wait3A_103 = arith.constant 0 : i32
    %dma_wait3A_104 = tpu.memref_slice %arg7[%add3A_78, %dma_wait3A_103] : memref<51200x128xf32, #tpu.memory_space<hbm>> -> memref<64x128xf32, #tpu.memory_space<hbm>>
    %dma_wait3A_105 = arith.constant 0 : i32
    %dma_wait3A_106 = tpu.memref_slice %arg7[%add3A_78, %dma_wait3A_105] : memref<51200x128xf32, #tpu.memory_space<hbm>> -> memref<64x128xf32, #tpu.memory_space<hbm>>
    tpu.wait_dma2 semaphore(%arg17 : memref<!tpu.dma_semaphore, #tpu.memory_space<semaphore_mem>>) src(%arg15 : memref<64x128xf32, #tpu.memory_space<vmem>>) dst(%dma_wait3A_106 : memref<64x128xf32, #tpu.memory_space<hbm>>)
    %dma_start3A_107 = arith.constant 448 : i32
    %dma_start3A_108 = tpu.memref_slice %arg10[%dma_start3A_107] : memref<1600xi32, #tpu.memory_space<vmem>> -> memref<64xi32, #tpu.memory_space<vmem>>
    %dma_start3A_109 = arith.constant 0 : i32
    %dma_start3A_110 = arith.constant 0 : i32
    %dma_start3A_111 = tpu.memref_slice %arg4[%dma_start3A_109, %dma_start3A_110] : memref<250000x128xf32, #tpu.memory_space<hbm>> -> memref<250000x128xf32, #tpu.memory_space<hbm>>
    tpu.enqueue_indirect_dma source(%dma_start3A_111 : memref<250000x128xf32, #tpu.memory_space<hbm>>) target(%arg15 : memref<64x128xf32, #tpu.memory_space<vmem>>) offsets(%dma_start3A_108 : memref<64xi32, #tpu.memory_space<vmem>>) semaphore(%arg16 : memref<!tpu.dma_semaphore, #tpu.memory_space<semaphore_mem>>)
    %dma_wait3A_112 = arith.constant 320 : i32
    %dma_wait3A_113 = tpu.memref_slice %arg10[%dma_wait3A_112] : memref<1600xi32, #tpu.memory_space<vmem>> -> memref<64xi32, #tpu.memory_space<vmem>>
    %dma_wait3A_114 = arith.constant 0 : i32
    %dma_wait3A_115 = arith.constant 0 : i32
    %dma_wait3A_116 = tpu.memref_slice %arg4[%dma_wait3A_114, %dma_wait3A_115] : memref<250000x128xf32, #tpu.memory_space<hbm>> -> memref<250000x128xf32, #tpu.memory_space<hbm>>
    tpu.wait_indirect_dma semaphore(%arg16 : memref<!tpu.dma_semaphore, #tpu.memory_space<semaphore_mem>>) src(%dma_wait3A_116 : memref<250000x128xf32, #tpu.memory_space<hbm>>) dst(%arg13 : memref<64x128xf32, #tpu.memory_space<vmem>>)
    %add3A_117 = arith.constant 320 : i32
    %add3A_118 = arith.addi %mul3A_2, %add3A_117 : i32
    %dma_start3A_119 = arith.constant 0 : i32
    %dma_start3A_120 = tpu.memref_slice %arg7[%add3A_118, %dma_start3A_119] : memref<51200x128xf32, #tpu.memory_space<hbm>> -> memref<64x128xf32, #tpu.memory_space<hbm>>
    %dma_start3A_121 = arith.constant 0 : i32
    %dma_start3A_122 = tpu.memref_slice %arg7[%add3A_118, %dma_start3A_121] : memref<51200x128xf32, #tpu.memory_space<hbm>> -> memref<64x128xf32, #tpu.memory_space<hbm>>
    tpu.enqueue_dma source(%arg13 : memref<64x128xf32, #tpu.memory_space<vmem>>) target(%dma_start3A_122 : memref<64x128xf32, #tpu.memory_space<hbm>>) target_semaphore(%arg17 : memref<!tpu.dma_semaphore, #tpu.memory_space<semaphore_mem>>)
    %dma_wait3A_123 = arith.constant 0 : i32
    %dma_wait3A_124 = tpu.memref_slice %arg7[%add3A_98, %dma_wait3A_123] : memref<51200x128xf32, #tpu.memory_space<hbm>> -> memref<64x128xf32, #tpu.memory_space<hbm>>
    %dma_wait3A_125 = arith.constant 0 : i32
    %dma_wait3A_126 = tpu.memref_slice %arg7[%add3A_98, %dma_wait3A_125] : memref<51200x128xf32, #tpu.memory_space<hbm>> -> memref<64x128xf32, #tpu.memory_space<hbm>>
    tpu.wait_dma2 semaphore(%arg17 : memref<!tpu.dma_semaphore, #tpu.memory_space<semaphore_mem>>) src(%arg12 : memref<64x128xf32, #tpu.memory_space<vmem>>) dst(%dma_wait3A_126 : memref<64x128xf32, #tpu.memory_space<hbm>>)
    %dma_start3A_127 = arith.constant 512 : i32
    %dma_start3A_128 = tpu.memref_slice %arg10[%dma_start3A_127] : memref<1600xi32, #tpu.memory_space<vmem>> -> memref<64xi32, #tpu.memory_space<vmem>>
    %dma_start3A_129 = arith.constant 0 : i32
    %dma_start3A_130 = arith.constant 0 : i32
    %dma_start3A_131 = tpu.memref_slice %arg4[%dma_start3A_129, %dma_start3A_130] : memref<250000x128xf32, #tpu.memory_space<hbm>> -> memref<250000x128xf32, #tpu.memory_space<hbm>>
    tpu.enqueue_indirect_dma source(%dma_start3A_131 : memref<250000x128xf32, #tpu.memory_space<hbm>>) target(%arg12 : memref<64x128xf32, #tpu.memory_space<vmem>>) offsets(%dma_start3A_128 : memref<64xi32, #tpu.memory_space<vmem>>) semaphore(%arg16 : memref<!tpu.dma_semaphore, #tpu.memory_space<semaphore_mem>>)
    %dma_wait3A_132 = arith.constant 384 : i32
    %dma_wait3A_133 = tpu.memref_slice %arg10[%dma_wait3A_132] : memref<1600xi32, #tpu.memory_space<vmem>> -> memref<64xi32, #tpu.memory_space<vmem>>
    %dma_wait3A_134 = arith.constant 0 : i32
    %dma_wait3A_135 = arith.constant 0 : i32
    %dma_wait3A_136 = tpu.memref_slice %arg4[%dma_wait3A_134, %dma_wait3A_135] : memref<250000x128xf32, #tpu.memory_space<hbm>> -> memref<250000x128xf32, #tpu.memory_space<hbm>>
    tpu.wait_indirect_dma semaphore(%arg16 : memref<!tpu.dma_semaphore, #tpu.memory_space<semaphore_mem>>) src(%dma_wait3A_136 : memref<250000x128xf32, #tpu.memory_space<hbm>>) dst(%arg14 : memref<64x128xf32, #tpu.memory_space<vmem>>)
    %add3A_137 = arith.constant 384 : i32
    %add3A_138 = arith.addi %mul3A_2, %add3A_137 : i32
    %dma_start3A_139 = arith.constant 0 : i32
    %dma_start3A_140 = tpu.memref_slice %arg7[%add3A_138, %dma_start3A_139] : memref<51200x128xf32, #tpu.memory_space<hbm>> -> memref<64x128xf32, #tpu.memory_space<hbm>>
    %dma_start3A_141 = arith.constant 0 : i32
    %dma_start3A_142 = tpu.memref_slice %arg7[%add3A_138, %dma_start3A_141] : memref<51200x128xf32, #tpu.memory_space<hbm>> -> memref<64x128xf32, #tpu.memory_space<hbm>>
    tpu.enqueue_dma source(%arg14 : memref<64x128xf32, #tpu.memory_space<vmem>>) target(%dma_start3A_142 : memref<64x128xf32, #tpu.memory_space<hbm>>) target_semaphore(%arg17 : memref<!tpu.dma_semaphore, #tpu.memory_space<semaphore_mem>>)
    %dma_wait3A_143 = arith.constant 0 : i32
    %dma_wait3A_144 = tpu.memref_slice %arg7[%add3A_118, %dma_wait3A_143] : memref<51200x128xf32, #tpu.memory_space<hbm>> -> memref<64x128xf32, #tpu.memory_space<hbm>>
    %dma_wait3A_145 = arith.constant 0 : i32
    %dma_wait3A_146 = tpu.memref_slice %arg7[%add3A_118, %dma_wait3A_145] : memref<51200x128xf32, #tpu.memory_space<hbm>> -> memref<64x128xf32, #tpu.memory_space<hbm>>
    tpu.wait_dma2 semaphore(%arg17 : memref<!tpu.dma_semaphore, #tpu.memory_space<semaphore_mem>>) src(%arg13 : memref<64x128xf32, #tpu.memory_space<vmem>>) dst(%dma_wait3A_146 : memref<64x128xf32, #tpu.memory_space<hbm>>)
    %dma_start3A_147 = arith.constant 576 : i32
    %dma_start3A_148 = tpu.memref_slice %arg10[%dma_start3A_147] : memref<1600xi32, #tpu.memory_space<vmem>> -> memref<64xi32, #tpu.memory_space<vmem>>
    %dma_start3A_149 = arith.constant 0 : i32
    %dma_start3A_150 = arith.constant 0 : i32
    %dma_start3A_151 = tpu.memref_slice %arg4[%dma_start3A_149, %dma_start3A_150] : memref<250000x128xf32, #tpu.memory_space<hbm>> -> memref<250000x128xf32, #tpu.memory_space<hbm>>
    tpu.enqueue_indirect_dma source(%dma_start3A_151 : memref<250000x128xf32, #tpu.memory_space<hbm>>) target(%arg13 : memref<64x128xf32, #tpu.memory_space<vmem>>) offsets(%dma_start3A_148 : memref<64xi32, #tpu.memory_space<vmem>>) semaphore(%arg16 : memref<!tpu.dma_semaphore, #tpu.memory_space<semaphore_mem>>)
    %dma_wait3A_152 = arith.constant 448 : i32
    %dma_wait3A_153 = tpu.memref_slice %arg10[%dma_wait3A_152] : memref<1600xi32, #tpu.memory_space<vmem>> -> memref<64xi32, #tpu.memory_space<vmem>>
    %dma_wait3A_154 = arith.constant 0 : i32
    %dma_wait3A_155 = arith.constant 0 : i32
    %dma_wait3A_156 = tpu.memref_slice %arg4[%dma_wait3A_154, %dma_wait3A_155] : memref<250000x128xf32, #tpu.memory_space<hbm>> -> memref<250000x128xf32, #tpu.memory_space<hbm>>
    tpu.wait_indirect_dma semaphore(%arg16 : memref<!tpu.dma_semaphore, #tpu.memory_space<semaphore_mem>>) src(%dma_wait3A_156 : memref<250000x128xf32, #tpu.memory_space<hbm>>) dst(%arg15 : memref<64x128xf32, #tpu.memory_space<vmem>>)
    %add3A_157 = arith.constant 448 : i32
    %add3A_158 = arith.addi %mul3A_2, %add3A_157 : i32
    %dma_start3A_159 = arith.constant 0 : i32
    %dma_start3A_160 = tpu.memref_slice %arg7[%add3A_158, %dma_start3A_159] : memref<51200x128xf32, #tpu.memory_space<hbm>> -> memref<64x128xf32, #tpu.memory_space<hbm>>
    %dma_start3A_161 = arith.constant 0 : i32
    %dma_start3A_162 = tpu.memref_slice %arg7[%add3A_158, %dma_start3A_161] : memref<51200x128xf32, #tpu.memory_space<hbm>> -> memref<64x128xf32, #tpu.memory_space<hbm>>
    tpu.enqueue_dma source(%arg15 : memref<64x128xf32, #tpu.memory_space<vmem>>) target(%dma_start3A_162 : memref<64x128xf32, #tpu.memory_space<hbm>>) target_semaphore(%arg17 : memref<!tpu.dma_semaphore, #tpu.memory_space<semaphore_mem>>)
    %dma_wait3A_163 = arith.constant 0 : i32
    %dma_wait3A_164 = tpu.memref_slice %arg7[%add3A_138, %dma_wait3A_163] : memref<51200x128xf32, #tpu.memory_space<hbm>> -> memref<64x128xf32, #tpu.memory_space<hbm>>
    %dma_wait3A_165 = arith.constant 0 : i32
    %dma_wait3A_166 = tpu.memref_slice %arg7[%add3A_138, %dma_wait3A_165] : memref<51200x128xf32, #tpu.memory_space<hbm>> -> memref<64x128xf32, #tpu.memory_space<hbm>>
    tpu.wait_dma2 semaphore(%arg17 : memref<!tpu.dma_semaphore, #tpu.memory_space<semaphore_mem>>) src(%arg14 : memref<64x128xf32, #tpu.memory_space<vmem>>) dst(%dma_wait3A_166 : memref<64x128xf32, #tpu.memory_space<hbm>>)
    %dma_start3A_167 = arith.constant 640 : i32
    %dma_start3A_168 = tpu.memref_slice %arg10[%dma_start3A_167] : memref<1600xi32, #tpu.memory_space<vmem>> -> memref<64xi32, #tpu.memory_space<vmem>>
    %dma_start3A_169 = arith.constant 0 : i32
    %dma_start3A_170 = arith.constant 0 : i32
    %dma_start3A_171 = tpu.memref_slice %arg4[%dma_start3A_169, %dma_start3A_170] : memref<250000x128xf32, #tpu.memory_space<hbm>> -> memref<250000x128xf32, #tpu.memory_space<hbm>>
    tpu.enqueue_indirect_dma source(%dma_start3A_171 : memref<250000x128xf32, #tpu.memory_space<hbm>>) target(%arg14 : memref<64x128xf32, #tpu.memory_space<vmem>>) offsets(%dma_start3A_168 : memref<64xi32, #tpu.memory_space<vmem>>) semaphore(%arg16 : memref<!tpu.dma_semaphore, #tpu.memory_space<semaphore_mem>>)
    %dma_wait3A_172 = arith.constant 512 : i32
    %dma_wait3A_173 = tpu.memref_slice %arg10[%dma_wait3A_172] : memref<1600xi32, #tpu.memory_space<vmem>> -> memref<64xi32, #tpu.memory_space<vmem>>
    %dma_wait3A_174 = arith.constant 0 : i32
    %dma_wait3A_175 = arith.constant 0 : i32
    %dma_wait3A_176 = tpu.memref_slice %arg4[%dma_wait3A_174, %dma_wait3A_175] : memref<250000x128xf32, #tpu.memory_space<hbm>> -> memref<250000x128xf32, #tpu.memory_space<hbm>>
    tpu.wait_indirect_dma semaphore(%arg16 : memref<!tpu.dma_semaphore, #tpu.memory_space<semaphore_mem>>) src(%dma_wait3A_176 : memref<250000x128xf32, #tpu.memory_space<hbm>>) dst(%arg12 : memref<64x128xf32, #tpu.memory_space<vmem>>)
    %add3A_177 = arith.constant 512 : i32
    %add3A_178 = arith.addi %mul3A_2, %add3A_177 : i32
    %dma_start3A_179 = arith.constant 0 : i32
    %dma_start3A_180 = tpu.memref_slice %arg7[%add3A_178, %dma_start3A_179] : memref<51200x128xf32, #tpu.memory_space<hbm>> -> memref<64x128xf32, #tpu.memory_space<hbm>>
    %dma_start3A_181 = arith.constant 0 : i32
    %dma_start3A_182 = tpu.memref_slice %arg7[%add3A_178, %dma_start3A_181] : memref<51200x128xf32, #tpu.memory_space<hbm>> -> memref<64x128xf32, #tpu.memory_space<hbm>>
    tpu.enqueue_dma source(%arg12 : memref<64x128xf32, #tpu.memory_space<vmem>>) target(%dma_start3A_182 : memref<64x128xf32, #tpu.memory_space<hbm>>) target_semaphore(%arg17 : memref<!tpu.dma_semaphore, #tpu.memory_space<semaphore_mem>>)
    %dma_wait3A_183 = arith.constant 0 : i32
    %dma_wait3A_184 = tpu.memref_slice %arg7[%add3A_158, %dma_wait3A_183] : memref<51200x128xf32, #tpu.memory_space<hbm>> -> memref<64x128xf32, #tpu.memory_space<hbm>>
    %dma_wait3A_185 = arith.constant 0 : i32
    %dma_wait3A_186 = tpu.memref_slice %arg7[%add3A_158, %dma_wait3A_185] : memref<51200x128xf32, #tpu.memory_space<hbm>> -> memref<64x128xf32, #tpu.memory_space<hbm>>
    tpu.wait_dma2 semaphore(%arg17 : memref<!tpu.dma_semaphore, #tpu.memory_space<semaphore_mem>>) src(%arg15 : memref<64x128xf32, #tpu.memory_space<vmem>>) dst(%dma_wait3A_186 : memref<64x128xf32, #tpu.memory_space<hbm>>)
    %dma_start3A_187 = arith.constant 704 : i32
    %dma_start3A_188 = tpu.memref_slice %arg10[%dma_start3A_187] : memref<1600xi32, #tpu.memory_space<vmem>> -> memref<64xi32, #tpu.memory_space<vmem>>
    %dma_start3A_189 = arith.constant 0 : i32
    %dma_start3A_190 = arith.constant 0 : i32
    %dma_start3A_191 = tpu.memref_slice %arg4[%dma_start3A_189, %dma_start3A_190] : memref<250000x128xf32, #tpu.memory_space<hbm>> -> memref<250000x128xf32, #tpu.memory_space<hbm>>
    tpu.enqueue_indirect_dma source(%dma_start3A_191 : memref<250000x128xf32, #tpu.memory_space<hbm>>) target(%arg15 : memref<64x128xf32, #tpu.memory_space<vmem>>) offsets(%dma_start3A_188 : memref<64xi32, #tpu.memory_space<vmem>>) semaphore(%arg16 : memref<!tpu.dma_semaphore, #tpu.memory_space<semaphore_mem>>)
    %dma_wait3A_192 = arith.constant 576 : i32
    %dma_wait3A_193 = tpu.memref_slice %arg10[%dma_wait3A_192] : memref<1600xi32, #tpu.memory_space<vmem>> -> memref<64xi32, #tpu.memory_space<vmem>>
    %dma_wait3A_194 = arith.constant 0 : i32
    %dma_wait3A_195 = arith.constant 0 : i32
    %dma_wait3A_196 = tpu.memref_slice %arg4[%dma_wait3A_194, %dma_wait3A_195] : memref<250000x128xf32, #tpu.memory_space<hbm>> -> memref<250000x128xf32, #tpu.memory_space<hbm>>
    tpu.wait_indirect_dma semaphore(%arg16 : memref<!tpu.dma_semaphore, #tpu.memory_space<semaphore_mem>>) src(%dma_wait3A_196 : memref<250000x128xf32, #tpu.memory_space<hbm>>) dst(%arg13 : memref<64x128xf32, #tpu.memory_space<vmem>>)
    %add3A_197 = arith.constant 576 : i32
    %add3A_198 = arith.addi %mul3A_2, %add3A_197 : i32
    %dma_start3A_199 = arith.constant 0 : i32
    %dma_start3A_200 = tpu.memref_slice %arg7[%add3A_198, %dma_start3A_199] : memref<51200x128xf32, #tpu.memory_space<hbm>> -> memref<64x128xf32, #tpu.memory_space<hbm>>
    %dma_start3A_201 = arith.constant 0 : i32
    %dma_start3A_202 = tpu.memref_slice %arg7[%add3A_198, %dma_start3A_201] : memref<51200x128xf32, #tpu.memory_space<hbm>> -> memref<64x128xf32, #tpu.memory_space<hbm>>
    tpu.enqueue_dma source(%arg13 : memref<64x128xf32, #tpu.memory_space<vmem>>) target(%dma_start3A_202 : memref<64x128xf32, #tpu.memory_space<hbm>>) target_semaphore(%arg17 : memref<!tpu.dma_semaphore, #tpu.memory_space<semaphore_mem>>)
    %dma_wait3A_203 = arith.constant 0 : i32
    %dma_wait3A_204 = tpu.memref_slice %arg7[%add3A_178, %dma_wait3A_203] : memref<51200x128xf32, #tpu.memory_space<hbm>> -> memref<64x128xf32, #tpu.memory_space<hbm>>
    %dma_wait3A_205 = arith.constant 0 : i32
    %dma_wait3A_206 = tpu.memref_slice %arg7[%add3A_178, %dma_wait3A_205] : memref<51200x128xf32, #tpu.memory_space<hbm>> -> memref<64x128xf32, #tpu.memory_space<hbm>>
    tpu.wait_dma2 semaphore(%arg17 : memref<!tpu.dma_semaphore, #tpu.memory_space<semaphore_mem>>) src(%arg12 : memref<64x128xf32, #tpu.memory_space<vmem>>) dst(%dma_wait3A_206 : memref<64x128xf32, #tpu.memory_space<hbm>>)
    %dma_start3A_207 = arith.constant 768 : i32
    %dma_start3A_208 = tpu.memref_slice %arg10[%dma_start3A_207] : memref<1600xi32, #tpu.memory_space<vmem>> -> memref<64xi32, #tpu.memory_space<vmem>>
    %dma_start3A_209 = arith.constant 0 : i32
    %dma_start3A_210 = arith.constant 0 : i32
    %dma_start3A_211 = tpu.memref_slice %arg4[%dma_start3A_209, %dma_start3A_210] : memref<250000x128xf32, #tpu.memory_space<hbm>> -> memref<250000x128xf32, #tpu.memory_space<hbm>>
    tpu.enqueue_indirect_dma source(%dma_start3A_211 : memref<250000x128xf32, #tpu.memory_space<hbm>>) target(%arg12 : memref<64x128xf32, #tpu.memory_space<vmem>>) offsets(%dma_start3A_208 : memref<64xi32, #tpu.memory_space<vmem>>) semaphore(%arg16 : memref<!tpu.dma_semaphore, #tpu.memory_space<semaphore_mem>>)
    %dma_wait3A_212 = arith.constant 640 : i32
    %dma_wait3A_213 = tpu.memref_slice %arg10[%dma_wait3A_212] : memref<1600xi32, #tpu.memory_space<vmem>> -> memref<64xi32, #tpu.memory_space<vmem>>
    %dma_wait3A_214 = arith.constant 0 : i32
    %dma_wait3A_215 = arith.constant 0 : i32
    %dma_wait3A_216 = tpu.memref_slice %arg4[%dma_wait3A_214, %dma_wait3A_215] : memref<250000x128xf32, #tpu.memory_space<hbm>> -> memref<250000x128xf32, #tpu.memory_space<hbm>>
    tpu.wait_indirect_dma semaphore(%arg16 : memref<!tpu.dma_semaphore, #tpu.memory_space<semaphore_mem>>) src(%dma_wait3A_216 : memref<250000x128xf32, #tpu.memory_space<hbm>>) dst(%arg14 : memref<64x128xf32, #tpu.memory_space<vmem>>)
    %add3A_217 = arith.constant 640 : i32
    %add3A_218 = arith.addi %mul3A_2, %add3A_217 : i32
    %dma_start3A_219 = arith.constant 0 : i32
    %dma_start3A_220 = tpu.memref_slice %arg7[%add3A_218, %dma_start3A_219] : memref<51200x128xf32, #tpu.memory_space<hbm>> -> memref<64x128xf32, #tpu.memory_space<hbm>>
    %dma_start3A_221 = arith.constant 0 : i32
    %dma_start3A_222 = tpu.memref_slice %arg7[%add3A_218, %dma_start3A_221] : memref<51200x128xf32, #tpu.memory_space<hbm>> -> memref<64x128xf32, #tpu.memory_space<hbm>>
    tpu.enqueue_dma source(%arg14 : memref<64x128xf32, #tpu.memory_space<vmem>>) target(%dma_start3A_222 : memref<64x128xf32, #tpu.memory_space<hbm>>) target_semaphore(%arg17 : memref<!tpu.dma_semaphore, #tpu.memory_space<semaphore_mem>>)
    %dma_wait3A_223 = arith.constant 0 : i32
    %dma_wait3A_224 = tpu.memref_slice %arg7[%add3A_198, %dma_wait3A_223] : memref<51200x128xf32, #tpu.memory_space<hbm>> -> memref<64x128xf32, #tpu.memory_space<hbm>>
    %dma_wait3A_225 = arith.constant 0 : i32
    %dma_wait3A_226 = tpu.memref_slice %arg7[%add3A_198, %dma_wait3A_225] : memref<51200x128xf32, #tpu.memory_space<hbm>> -> memref<64x128xf32, #tpu.memory_space<hbm>>
    tpu.wait_dma2 semaphore(%arg17 : memref<!tpu.dma_semaphore, #tpu.memory_space<semaphore_mem>>) src(%arg13 : memref<64x128xf32, #tpu.memory_space<vmem>>) dst(%dma_wait3A_226 : memref<64x128xf32, #tpu.memory_space<hbm>>)
    %dma_start3A_227 = arith.constant 832 : i32
    %dma_start3A_228 = tpu.memref_slice %arg10[%dma_start3A_227] : memref<1600xi32, #tpu.memory_space<vmem>> -> memref<64xi32, #tpu.memory_space<vmem>>
    %dma_start3A_229 = arith.constant 0 : i32
    %dma_start3A_230 = arith.constant 0 : i32
    %dma_start3A_231 = tpu.memref_slice %arg4[%dma_start3A_229, %dma_start3A_230] : memref<250000x128xf32, #tpu.memory_space<hbm>> -> memref<250000x128xf32, #tpu.memory_space<hbm>>
    tpu.enqueue_indirect_dma source(%dma_start3A_231 : memref<250000x128xf32, #tpu.memory_space<hbm>>) target(%arg13 : memref<64x128xf32, #tpu.memory_space<vmem>>) offsets(%dma_start3A_228 : memref<64xi32, #tpu.memory_space<vmem>>) semaphore(%arg16 : memref<!tpu.dma_semaphore, #tpu.memory_space<semaphore_mem>>)
    %dma_wait3A_232 = arith.constant 704 : i32
    %dma_wait3A_233 = tpu.memref_slice %arg10[%dma_wait3A_232] : memref<1600xi32, #tpu.memory_space<vmem>> -> memref<64xi32, #tpu.memory_space<vmem>>
    %dma_wait3A_234 = arith.constant 0 : i32
    %dma_wait3A_235 = arith.constant 0 : i32
    %dma_wait3A_236 = tpu.memref_slice %arg4[%dma_wait3A_234, %dma_wait3A_235] : memref<250000x128xf32, #tpu.memory_space<hbm>> -> memref<250000x128xf32, #tpu.memory_space<hbm>>
    tpu.wait_indirect_dma semaphore(%arg16 : memref<!tpu.dma_semaphore, #tpu.memory_space<semaphore_mem>>) src(%dma_wait3A_236 : memref<250000x128xf32, #tpu.memory_space<hbm>>) dst(%arg15 : memref<64x128xf32, #tpu.memory_space<vmem>>)
    %add3A_237 = arith.constant 704 : i32
    %add3A_238 = arith.addi %mul3A_2, %add3A_237 : i32
    %dma_start3A_239 = arith.constant 0 : i32
    %dma_start3A_240 = tpu.memref_slice %arg7[%add3A_238, %dma_start3A_239] : memref<51200x128xf32, #tpu.memory_space<hbm>> -> memref<64x128xf32, #tpu.memory_space<hbm>>
    %dma_start3A_241 = arith.constant 0 : i32
    %dma_start3A_242 = tpu.memref_slice %arg7[%add3A_238, %dma_start3A_241] : memref<51200x128xf32, #tpu.memory_space<hbm>> -> memref<64x128xf32, #tpu.memory_space<hbm>>
    tpu.enqueue_dma source(%arg15 : memref<64x128xf32, #tpu.memory_space<vmem>>) target(%dma_start3A_242 : memref<64x128xf32, #tpu.memory_space<hbm>>) target_semaphore(%arg17 : memref<!tpu.dma_semaphore, #tpu.memory_space<semaphore_mem>>)
    %dma_wait3A_243 = arith.constant 0 : i32
    %dma_wait3A_244 = tpu.memref_slice %arg7[%add3A_218, %dma_wait3A_243] : memref<51200x128xf32, #tpu.memory_space<hbm>> -> memref<64x128xf32, #tpu.memory_space<hbm>>
    %dma_wait3A_245 = arith.constant 0 : i32
    %dma_wait3A_246 = tpu.memref_slice %arg7[%add3A_218, %dma_wait3A_245] : memref<51200x128xf32, #tpu.memory_space<hbm>> -> memref<64x128xf32, #tpu.memory_space<hbm>>
    tpu.wait_dma2 semaphore(%arg17 : memref<!tpu.dma_semaphore, #tpu.memory_space<semaphore_mem>>) src(%arg14 : memref<64x128xf32, #tpu.memory_space<vmem>>) dst(%dma_wait3A_246 : memref<64x128xf32, #tpu.memory_space<hbm>>)
    %dma_start3A_247 = arith.constant 896 : i32
    %dma_start3A_248 = tpu.memref_slice %arg10[%dma_start3A_247] : memref<1600xi32, #tpu.memory_space<vmem>> -> memref<64xi32, #tpu.memory_space<vmem>>
    %dma_start3A_249 = arith.constant 0 : i32
    %dma_start3A_250 = arith.constant 0 : i32
    %dma_start3A_251 = tpu.memref_slice %arg4[%dma_start3A_249, %dma_start3A_250] : memref<250000x128xf32, #tpu.memory_space<hbm>> -> memref<250000x128xf32, #tpu.memory_space<hbm>>
    tpu.enqueue_indirect_dma source(%dma_start3A_251 : memref<250000x128xf32, #tpu.memory_space<hbm>>) target(%arg14 : memref<64x128xf32, #tpu.memory_space<vmem>>) offsets(%dma_start3A_248 : memref<64xi32, #tpu.memory_space<vmem>>) semaphore(%arg16 : memref<!tpu.dma_semaphore, #tpu.memory_space<semaphore_mem>>)
    %dma_wait3A_252 = arith.constant 768 : i32
    %dma_wait3A_253 = tpu.memref_slice %arg10[%dma_wait3A_252] : memref<1600xi32, #tpu.memory_space<vmem>> -> memref<64xi32, #tpu.memory_space<vmem>>
    %dma_wait3A_254 = arith.constant 0 : i32
    %dma_wait3A_255 = arith.constant 0 : i32
    %dma_wait3A_256 = tpu.memref_slice %arg4[%dma_wait3A_254, %dma_wait3A_255] : memref<250000x128xf32, #tpu.memory_space<hbm>> -> memref<250000x128xf32, #tpu.memory_space<hbm>>
    tpu.wait_indirect_dma semaphore(%arg16 : memref<!tpu.dma_semaphore, #tpu.memory_space<semaphore_mem>>) src(%dma_wait3A_256 : memref<250000x128xf32, #tpu.memory_space<hbm>>) dst(%arg12 : memref<64x128xf32, #tpu.memory_space<vmem>>)
    %add3A_257 = arith.constant 768 : i32
    %add3A_258 = arith.addi %mul3A_2, %add3A_257 : i32
    %dma_start3A_259 = arith.constant 0 : i32
    %dma_start3A_260 = tpu.memref_slice %arg7[%add3A_258, %dma_start3A_259] : memref<51200x128xf32, #tpu.memory_space<hbm>> -> memref<64x128xf32, #tpu.memory_space<hbm>>
    %dma_start3A_261 = arith.constant 0 : i32
    %dma_start3A_262 = tpu.memref_slice %arg7[%add3A_258, %dma_start3A_261] : memref<51200x128xf32, #tpu.memory_space<hbm>> -> memref<64x128xf32, #tpu.memory_space<hbm>>
    tpu.enqueue_dma source(%arg12 : memref<64x128xf32, #tpu.memory_space<vmem>>) target(%dma_start3A_262 : memref<64x128xf32, #tpu.memory_space<hbm>>) target_semaphore(%arg17 : memref<!tpu.dma_semaphore, #tpu.memory_space<semaphore_mem>>)
    %dma_wait3A_263 = arith.constant 0 : i32
    %dma_wait3A_264 = tpu.memref_slice %arg7[%add3A_238, %dma_wait3A_263] : memref<51200x128xf32, #tpu.memory_space<hbm>> -> memref<64x128xf32, #tpu.memory_space<hbm>>
    %dma_wait3A_265 = arith.constant 0 : i32
    %dma_wait3A_266 = tpu.memref_slice %arg7[%add3A_238, %dma_wait3A_265] : memref<51200x128xf32, #tpu.memory_space<hbm>> -> memref<64x128xf32, #tpu.memory_space<hbm>>
    tpu.wait_dma2 semaphore(%arg17 : memref<!tpu.dma_semaphore, #tpu.memory_space<semaphore_mem>>) src(%arg15 : memref<64x128xf32, #tpu.memory_space<vmem>>) dst(%dma_wait3A_266 : memref<64x128xf32, #tpu.memory_space<hbm>>)
    %dma_start3A_267 = arith.constant 960 : i32
    %dma_start3A_268 = tpu.memref_slice %arg10[%dma_start3A_267] : memref<1600xi32, #tpu.memory_space<vmem>> -> memref<64xi32, #tpu.memory_space<vmem>>
    %dma_start3A_269 = arith.constant 0 : i32
    %dma_start3A_270 = arith.constant 0 : i32
    %dma_start3A_271 = tpu.memref_slice %arg4[%dma_start3A_269, %dma_start3A_270] : memref<250000x128xf32, #tpu.memory_space<hbm>> -> memref<250000x128xf32, #tpu.memory_space<hbm>>
    tpu.enqueue_indirect_dma source(%dma_start3A_271 : memref<250000x128xf32, #tpu.memory_space<hbm>>) target(%arg15 : memref<64x128xf32, #tpu.memory_space<vmem>>) offsets(%dma_start3A_268 : memref<64xi32, #tpu.memory_space<vmem>>) semaphore(%arg16 : memref<!tpu.dma_semaphore, #tpu.memory_space<semaphore_mem>>)
    %dma_wait3A_272 = arith.constant 832 : i32
    %dma_wait3A_273 = tpu.memref_slice %arg10[%dma_wait3A_272] : memref<1600xi32, #tpu.memory_space<vmem>> -> memref<64xi32, #tpu.memory_space<vmem>>
    %dma_wait3A_274 = arith.constant 0 : i32
    %dma_wait3A_275 = arith.constant 0 : i32
    %dma_wait3A_276 = tpu.memref_slice %arg4[%dma_wait3A_274, %dma_wait3A_275] : memref<250000x128xf32, #tpu.memory_space<hbm>> -> memref<250000x128xf32, #tpu.memory_space<hbm>>
    tpu.wait_indirect_dma semaphore(%arg16 : memref<!tpu.dma_semaphore, #tpu.memory_space<semaphore_mem>>) src(%dma_wait3A_276 : memref<250000x128xf32, #tpu.memory_space<hbm>>) dst(%arg13 : memref<64x128xf32, #tpu.memory_space<vmem>>)
    %add3A_277 = arith.constant 832 : i32
    %add3A_278 = arith.addi %mul3A_2, %add3A_277 : i32
    %dma_start3A_279 = arith.constant 0 : i32
    %dma_start3A_280 = tpu.memref_slice %arg7[%add3A_278, %dma_start3A_279] : memref<51200x128xf32, #tpu.memory_space<hbm>> -> memref<64x128xf32, #tpu.memory_space<hbm>>
    %dma_start3A_281 = arith.constant 0 : i32
    %dma_start3A_282 = tpu.memref_slice %arg7[%add3A_278, %dma_start3A_281] : memref<51200x128xf32, #tpu.memory_space<hbm>> -> memref<64x128xf32, #tpu.memory_space<hbm>>
    tpu.enqueue_dma source(%arg13 : memref<64x128xf32, #tpu.memory_space<vmem>>) target(%dma_start3A_282 : memref<64x128xf32, #tpu.memory_space<hbm>>) target_semaphore(%arg17 : memref<!tpu.dma_semaphore, #tpu.memory_space<semaphore_mem>>)
    %dma_wait3A_283 = arith.constant 0 : i32
    %dma_wait3A_284 = tpu.memref_slice %arg7[%add3A_258, %dma_wait3A_283] : memref<51200x128xf32, #tpu.memory_space<hbm>> -> memref<64x128xf32, #tpu.memory_space<hbm>>
    %dma_wait3A_285 = arith.constant 0 : i32
    %dma_wait3A_286 = tpu.memref_slice %arg7[%add3A_258, %dma_wait3A_285] : memref<51200x128xf32, #tpu.memory_space<hbm>> -> memref<64x128xf32, #tpu.memory_space<hbm>>
    tpu.wait_dma2 semaphore(%arg17 : memref<!tpu.dma_semaphore, #tpu.memory_space<semaphore_mem>>) src(%arg12 : memref<64x128xf32, #tpu.memory_space<vmem>>) dst(%dma_wait3A_286 : memref<64x128xf32, #tpu.memory_space<hbm>>)
    %dma_start3A_287 = arith.constant 1024 : i32
    %dma_start3A_288 = tpu.memref_slice %arg10[%dma_start3A_287] : memref<1600xi32, #tpu.memory_space<vmem>> -> memref<64xi32, #tpu.memory_space<vmem>>
    %dma_start3A_289 = arith.constant 0 : i32
    %dma_start3A_290 = arith.constant 0 : i32
    %dma_start3A_291 = tpu.memref_slice %arg4[%dma_start3A_289, %dma_start3A_290] : memref<250000x128xf32, #tpu.memory_space<hbm>> -> memref<250000x128xf32, #tpu.memory_space<hbm>>
    tpu.enqueue_indirect_dma source(%dma_start3A_291 : memref<250000x128xf32, #tpu.memory_space<hbm>>) target(%arg12 : memref<64x128xf32, #tpu.memory_space<vmem>>) offsets(%dma_start3A_288 : memref<64xi32, #tpu.memory_space<vmem>>) semaphore(%arg16 : memref<!tpu.dma_semaphore, #tpu.memory_space<semaphore_mem>>)
    %dma_wait3A_292 = arith.constant 896 : i32
    %dma_wait3A_293 = tpu.memref_slice %arg10[%dma_wait3A_292] : memref<1600xi32, #tpu.memory_space<vmem>> -> memref<64xi32, #tpu.memory_space<vmem>>
    %dma_wait3A_294 = arith.constant 0 : i32
    %dma_wait3A_295 = arith.constant 0 : i32
    %dma_wait3A_296 = tpu.memref_slice %arg4[%dma_wait3A_294, %dma_wait3A_295] : memref<250000x128xf32, #tpu.memory_space<hbm>> -> memref<250000x128xf32, #tpu.memory_space<hbm>>
    tpu.wait_indirect_dma semaphore(%arg16 : memref<!tpu.dma_semaphore, #tpu.memory_space<semaphore_mem>>) src(%dma_wait3A_296 : memref<250000x128xf32, #tpu.memory_space<hbm>>) dst(%arg14 : memref<64x128xf32, #tpu.memory_space<vmem>>)
    %add3A_297 = arith.constant 896 : i32
    %add3A_298 = arith.addi %mul3A_2, %add3A_297 : i32
    %dma_start3A_299 = arith.constant 0 : i32
    %dma_start3A_300 = tpu.memref_slice %arg7[%add3A_298, %dma_start3A_299] : memref<51200x128xf32, #tpu.memory_space<hbm>> -> memref<64x128xf32, #tpu.memory_space<hbm>>
    %dma_start3A_301 = arith.constant 0 : i32
    %dma_start3A_302 = tpu.memref_slice %arg7[%add3A_298, %dma_start3A_301] : memref<51200x128xf32, #tpu.memory_space<hbm>> -> memref<64x128xf32, #tpu.memory_space<hbm>>
    tpu.enqueue_dma source(%arg14 : memref<64x128xf32, #tpu.memory_space<vmem>>) target(%dma_start3A_302 : memref<64x128xf32, #tpu.memory_space<hbm>>) target_semaphore(%arg17 : memref<!tpu.dma_semaphore, #tpu.memory_space<semaphore_mem>>)
    %dma_wait3A_303 = arith.constant 0 : i32
    %dma_wait3A_304 = tpu.memref_slice %arg7[%add3A_278, %dma_wait3A_303] : memref<51200x128xf32, #tpu.memory_space<hbm>> -> memref<64x128xf32, #tpu.memory_space<hbm>>
    %dma_wait3A_305 = arith.constant 0 : i32
    %dma_wait3A_306 = tpu.memref_slice %arg7[%add3A_278, %dma_wait3A_305] : memref<51200x128xf32, #tpu.memory_space<hbm>> -> memref<64x128xf32, #tpu.memory_space<hbm>>
    tpu.wait_dma2 semaphore(%arg17 : memref<!tpu.dma_semaphore, #tpu.memory_space<semaphore_mem>>) src(%arg13 : memref<64x128xf32, #tpu.memory_space<vmem>>) dst(%dma_wait3A_306 : memref<64x128xf32, #tpu.memory_space<hbm>>)
    %dma_start3A_307 = arith.constant 1088 : i32
    %dma_start3A_308 = tpu.memref_slice %arg10[%dma_start3A_307] : memref<1600xi32, #tpu.memory_space<vmem>> -> memref<64xi32, #tpu.memory_space<vmem>>
    %dma_start3A_309 = arith.constant 0 : i32
    %dma_start3A_310 = arith.constant 0 : i32
    %dma_start3A_311 = tpu.memref_slice %arg4[%dma_start3A_309, %dma_start3A_310] : memref<250000x128xf32, #tpu.memory_space<hbm>> -> memref<250000x128xf32, #tpu.memory_space<hbm>>
    tpu.enqueue_indirect_dma source(%dma_start3A_311 : memref<250000x128xf32, #tpu.memory_space<hbm>>) target(%arg13 : memref<64x128xf32, #tpu.memory_space<vmem>>) offsets(%dma_start3A_308 : memref<64xi32, #tpu.memory_space<vmem>>) semaphore(%arg16 : memref<!tpu.dma_semaphore, #tpu.memory_space<semaphore_mem>>)
    %dma_wait3A_312 = arith.constant 960 : i32
    %dma_wait3A_313 = tpu.memref_slice %arg10[%dma_wait3A_312] : memref<1600xi32, #tpu.memory_space<vmem>> -> memref<64xi32, #tpu.memory_space<vmem>>
    %dma_wait3A_314 = arith.constant 0 : i32
    %dma_wait3A_315 = arith.constant 0 : i32
    %dma_wait3A_316 = tpu.memref_slice %arg4[%dma_wait3A_314, %dma_wait3A_315] : memref<250000x128xf32, #tpu.memory_space<hbm>> -> memref<250000x128xf32, #tpu.memory_space<hbm>>
    tpu.wait_indirect_dma semaphore(%arg16 : memref<!tpu.dma_semaphore, #tpu.memory_space<semaphore_mem>>) src(%dma_wait3A_316 : memref<250000x128xf32, #tpu.memory_space<hbm>>) dst(%arg15 : memref<64x128xf32, #tpu.memory_space<vmem>>)
    %add3A_317 = arith.constant 960 : i32
    %add3A_318 = arith.addi %mul3A_2, %add3A_317 : i32
    %dma_start3A_319 = arith.constant 0 : i32
    %dma_start3A_320 = tpu.memref_slice %arg7[%add3A_318, %dma_start3A_319] : memref<51200x128xf32, #tpu.memory_space<hbm>> -> memref<64x128xf32, #tpu.memory_space<hbm>>
    %dma_start3A_321 = arith.constant 0 : i32
    %dma_start3A_322 = tpu.memref_slice %arg7[%add3A_318, %dma_start3A_321] : memref<51200x128xf32, #tpu.memory_space<hbm>> -> memref<64x128xf32, #tpu.memory_space<hbm>>
    tpu.enqueue_dma source(%arg15 : memref<64x128xf32, #tpu.memory_space<vmem>>) target(%dma_start3A_322 : memref<64x128xf32, #tpu.memory_space<hbm>>) target_semaphore(%arg17 : memref<!tpu.dma_semaphore, #tpu.memory_space<semaphore_mem>>)
    %dma_wait3A_323 = arith.constant 0 : i32
    %dma_wait3A_324 = tpu.memref_slice %arg7[%add3A_298, %dma_wait3A_323] : memref<51200x128xf32, #tpu.memory_space<hbm>> -> memref<64x128xf32, #tpu.memory_space<hbm>>
    %dma_wait3A_325 = arith.constant 0 : i32
    %dma_wait3A_326 = tpu.memref_slice %arg7[%add3A_298, %dma_wait3A_325] : memref<51200x128xf32, #tpu.memory_space<hbm>> -> memref<64x128xf32, #tpu.memory_space<hbm>>
    tpu.wait_dma2 semaphore(%arg17 : memref<!tpu.dma_semaphore, #tpu.memory_space<semaphore_mem>>) src(%arg14 : memref<64x128xf32, #tpu.memory_space<vmem>>) dst(%dma_wait3A_326 : memref<64x128xf32, #tpu.memory_space<hbm>>)
    %dma_start3A_327 = arith.constant 1152 : i32
    %dma_start3A_328 = tpu.memref_slice %arg10[%dma_start3A_327] : memref<1600xi32, #tpu.memory_space<vmem>> -> memref<64xi32, #tpu.memory_space<vmem>>
    %dma_start3A_329 = arith.constant 0 : i32
    %dma_start3A_330 = arith.constant 0 : i32
    %dma_start3A_331 = tpu.memref_slice %arg4[%dma_start3A_329, %dma_start3A_330] : memref<250000x128xf32, #tpu.memory_space<hbm>> -> memref<250000x128xf32, #tpu.memory_space<hbm>>
    tpu.enqueue_indirect_dma source(%dma_start3A_331 : memref<250000x128xf32, #tpu.memory_space<hbm>>) target(%arg14 : memref<64x128xf32, #tpu.memory_space<vmem>>) offsets(%dma_start3A_328 : memref<64xi32, #tpu.memory_space<vmem>>) semaphore(%arg16 : memref<!tpu.dma_semaphore, #tpu.memory_space<semaphore_mem>>)
    %dma_wait3A_332 = arith.constant 1024 : i32
    %dma_wait3A_333 = tpu.memref_slice %arg10[%dma_wait3A_332] : memref<1600xi32, #tpu.memory_space<vmem>> -> memref<64xi32, #tpu.memory_space<vmem>>
    %dma_wait3A_334 = arith.constant 0 : i32
    %dma_wait3A_335 = arith.constant 0 : i32
    %dma_wait3A_336 = tpu.memref_slice %arg4[%dma_wait3A_334, %dma_wait3A_335] : memref<250000x128xf32, #tpu.memory_space<hbm>> -> memref<250000x128xf32, #tpu.memory_space<hbm>>
    tpu.wait_indirect_dma semaphore(%arg16 : memref<!tpu.dma_semaphore, #tpu.memory_space<semaphore_mem>>) src(%dma_wait3A_336 : memref<250000x128xf32, #tpu.memory_space<hbm>>) dst(%arg12 : memref<64x128xf32, #tpu.memory_space<vmem>>)
    %add3A_337 = arith.constant 1024 : i32
    %add3A_338 = arith.addi %mul3A_2, %add3A_337 : i32
    %dma_start3A_339 = arith.constant 0 : i32
    %dma_start3A_340 = tpu.memref_slice %arg7[%add3A_338, %dma_start3A_339] : memref<51200x128xf32, #tpu.memory_space<hbm>> -> memref<64x128xf32, #tpu.memory_space<hbm>>
    %dma_start3A_341 = arith.constant 0 : i32
    %dma_start3A_342 = tpu.memref_slice %arg7[%add3A_338, %dma_start3A_341] : memref<51200x128xf32, #tpu.memory_space<hbm>> -> memref<64x128xf32, #tpu.memory_space<hbm>>
    tpu.enqueue_dma source(%arg12 : memref<64x128xf32, #tpu.memory_space<vmem>>) target(%dma_start3A_342 : memref<64x128xf32, #tpu.memory_space<hbm>>) target_semaphore(%arg17 : memref<!tpu.dma_semaphore, #tpu.memory_space<semaphore_mem>>)
    %dma_wait3A_343 = arith.constant 0 : i32
    %dma_wait3A_344 = tpu.memref_slice %arg7[%add3A_318, %dma_wait3A_343] : memref<51200x128xf32, #tpu.memory_space<hbm>> -> memref<64x128xf32, #tpu.memory_space<hbm>>
    %dma_wait3A_345 = arith.constant 0 : i32
    %dma_wait3A_346 = tpu.memref_slice %arg7[%add3A_318, %dma_wait3A_345] : memref<51200x128xf32, #tpu.memory_space<hbm>> -> memref<64x128xf32, #tpu.memory_space<hbm>>
    tpu.wait_dma2 semaphore(%arg17 : memref<!tpu.dma_semaphore, #tpu.memory_space<semaphore_mem>>) src(%arg15 : memref<64x128xf32, #tpu.memory_space<vmem>>) dst(%dma_wait3A_346 : memref<64x128xf32, #tpu.memory_space<hbm>>)
    %dma_start3A_347 = arith.constant 1216 : i32
    %dma_start3A_348 = tpu.memref_slice %arg10[%dma_start3A_347] : memref<1600xi32, #tpu.memory_space<vmem>> -> memref<64xi32, #tpu.memory_space<vmem>>
    %dma_start3A_349 = arith.constant 0 : i32
    %dma_start3A_350 = arith.constant 0 : i32
    %dma_start3A_351 = tpu.memref_slice %arg4[%dma_start3A_349, %dma_start3A_350] : memref<250000x128xf32, #tpu.memory_space<hbm>> -> memref<250000x128xf32, #tpu.memory_space<hbm>>
    tpu.enqueue_indirect_dma source(%dma_start3A_351 : memref<250000x128xf32, #tpu.memory_space<hbm>>) target(%arg15 : memref<64x128xf32, #tpu.memory_space<vmem>>) offsets(%dma_start3A_348 : memref<64xi32, #tpu.memory_space<vmem>>) semaphore(%arg16 : memref<!tpu.dma_semaphore, #tpu.memory_space<semaphore_mem>>)
    %dma_wait3A_352 = arith.constant 1088 : i32
    %dma_wait3A_353 = tpu.memref_slice %arg10[%dma_wait3A_352] : memref<1600xi32, #tpu.memory_space<vmem>> -> memref<64xi32, #tpu.memory_space<vmem>>
    %dma_wait3A_354 = arith.constant 0 : i32
    %dma_wait3A_355 = arith.constant 0 : i32
    %dma_wait3A_356 = tpu.memref_slice %arg4[%dma_wait3A_354, %dma_wait3A_355] : memref<250000x128xf32, #tpu.memory_space<hbm>> -> memref<250000x128xf32, #tpu.memory_space<hbm>>
    tpu.wait_indirect_dma semaphore(%arg16 : memref<!tpu.dma_semaphore, #tpu.memory_space<semaphore_mem>>) src(%dma_wait3A_356 : memref<250000x128xf32, #tpu.memory_space<hbm>>) dst(%arg13 : memref<64x128xf32, #tpu.memory_space<vmem>>)
    %add3A_357 = arith.constant 1088 : i32
    %add3A_358 = arith.addi %mul3A_2, %add3A_357 : i32
    %dma_start3A_359 = arith.constant 0 : i32
    %dma_start3A_360 = tpu.memref_slice %arg7[%add3A_358, %dma_start3A_359] : memref<51200x128xf32, #tpu.memory_space<hbm>> -> memref<64x128xf32, #tpu.memory_space<hbm>>
    %dma_start3A_361 = arith.constant 0 : i32
    %dma_start3A_362 = tpu.memref_slice %arg7[%add3A_358, %dma_start3A_361] : memref<51200x128xf32, #tpu.memory_space<hbm>> -> memref<64x128xf32, #tpu.memory_space<hbm>>
    tpu.enqueue_dma source(%arg13 : memref<64x128xf32, #tpu.memory_space<vmem>>) target(%dma_start3A_362 : memref<64x128xf32, #tpu.memory_space<hbm>>) target_semaphore(%arg17 : memref<!tpu.dma_semaphore, #tpu.memory_space<semaphore_mem>>)
    %dma_wait3A_363 = arith.constant 0 : i32
    %dma_wait3A_364 = tpu.memref_slice %arg7[%add3A_338, %dma_wait3A_363] : memref<51200x128xf32, #tpu.memory_space<hbm>> -> memref<64x128xf32, #tpu.memory_space<hbm>>
    %dma_wait3A_365 = arith.constant 0 : i32
    %dma_wait3A_366 = tpu.memref_slice %arg7[%add3A_338, %dma_wait3A_365] : memref<51200x128xf32, #tpu.memory_space<hbm>> -> memref<64x128xf32, #tpu.memory_space<hbm>>
    tpu.wait_dma2 semaphore(%arg17 : memref<!tpu.dma_semaphore, #tpu.memory_space<semaphore_mem>>) src(%arg12 : memref<64x128xf32, #tpu.memory_space<vmem>>) dst(%dma_wait3A_366 : memref<64x128xf32, #tpu.memory_space<hbm>>)
    %dma_start3A_367 = arith.constant 1280 : i32
    %dma_start3A_368 = tpu.memref_slice %arg10[%dma_start3A_367] : memref<1600xi32, #tpu.memory_space<vmem>> -> memref<64xi32, #tpu.memory_space<vmem>>
    %dma_start3A_369 = arith.constant 0 : i32
    %dma_start3A_370 = arith.constant 0 : i32
    %dma_start3A_371 = tpu.memref_slice %arg4[%dma_start3A_369, %dma_start3A_370] : memref<250000x128xf32, #tpu.memory_space<hbm>> -> memref<250000x128xf32, #tpu.memory_space<hbm>>
    tpu.enqueue_indirect_dma source(%dma_start3A_371 : memref<250000x128xf32, #tpu.memory_space<hbm>>) target(%arg12 : memref<64x128xf32, #tpu.memory_space<vmem>>) offsets(%dma_start3A_368 : memref<64xi32, #tpu.memory_space<vmem>>) semaphore(%arg16 : memref<!tpu.dma_semaphore, #tpu.memory_space<semaphore_mem>>)
    %dma_wait3A_372 = arith.constant 1152 : i32
    %dma_wait3A_373 = tpu.memref_slice %arg10[%dma_wait3A_372] : memref<1600xi32, #tpu.memory_space<vmem>> -> memref<64xi32, #tpu.memory_space<vmem>>
    %dma_wait3A_374 = arith.constant 0 : i32
    %dma_wait3A_375 = arith.constant 0 : i32
    %dma_wait3A_376 = tpu.memref_slice %arg4[%dma_wait3A_374, %dma_wait3A_375] : memref<250000x128xf32, #tpu.memory_space<hbm>> -> memref<250000x128xf32, #tpu.memory_space<hbm>>
    tpu.wait_indirect_dma semaphore(%arg16 : memref<!tpu.dma_semaphore, #tpu.memory_space<semaphore_mem>>) src(%dma_wait3A_376 : memref<250000x128xf32, #tpu.memory_space<hbm>>) dst(%arg14 : memref<64x128xf32, #tpu.memory_space<vmem>>)
    %add3A_377 = arith.constant 1152 : i32
    %add3A_378 = arith.addi %mul3A_2, %add3A_377 : i32
    %dma_start3A_379 = arith.constant 0 : i32
    %dma_start3A_380 = tpu.memref_slice %arg7[%add3A_378, %dma_start3A_379] : memref<51200x128xf32, #tpu.memory_space<hbm>> -> memref<64x128xf32, #tpu.memory_space<hbm>>
    %dma_start3A_381 = arith.constant 0 : i32
    %dma_start3A_382 = tpu.memref_slice %arg7[%add3A_378, %dma_start3A_381] : memref<51200x128xf32, #tpu.memory_space<hbm>> -> memref<64x128xf32, #tpu.memory_space<hbm>>
    tpu.enqueue_dma source(%arg14 : memref<64x128xf32, #tpu.memory_space<vmem>>) target(%dma_start3A_382 : memref<64x128xf32, #tpu.memory_space<hbm>>) target_semaphore(%arg17 : memref<!tpu.dma_semaphore, #tpu.memory_space<semaphore_mem>>)
    %dma_wait3A_383 = arith.constant 0 : i32
    %dma_wait3A_384 = tpu.memref_slice %arg7[%add3A_358, %dma_wait3A_383] : memref<51200x128xf32, #tpu.memory_space<hbm>> -> memref<64x128xf32, #tpu.memory_space<hbm>>
    %dma_wait3A_385 = arith.constant 0 : i32
    %dma_wait3A_386 = tpu.memref_slice %arg7[%add3A_358, %dma_wait3A_385] : memref<51200x128xf32, #tpu.memory_space<hbm>> -> memref<64x128xf32, #tpu.memory_space<hbm>>
    tpu.wait_dma2 semaphore(%arg17 : memref<!tpu.dma_semaphore, #tpu.memory_space<semaphore_mem>>) src(%arg13 : memref<64x128xf32, #tpu.memory_space<vmem>>) dst(%dma_wait3A_386 : memref<64x128xf32, #tpu.memory_space<hbm>>)
    %dma_start3A_387 = arith.constant 1344 : i32
    %dma_start3A_388 = tpu.memref_slice %arg10[%dma_start3A_387] : memref<1600xi32, #tpu.memory_space<vmem>> -> memref<64xi32, #tpu.memory_space<vmem>>
    %dma_start3A_389 = arith.constant 0 : i32
    %dma_start3A_390 = arith.constant 0 : i32
    %dma_start3A_391 = tpu.memref_slice %arg4[%dma_start3A_389, %dma_start3A_390] : memref<250000x128xf32, #tpu.memory_space<hbm>> -> memref<250000x128xf32, #tpu.memory_space<hbm>>
    tpu.enqueue_indirect_dma source(%dma_start3A_391 : memref<250000x128xf32, #tpu.memory_space<hbm>>) target(%arg13 : memref<64x128xf32, #tpu.memory_space<vmem>>) offsets(%dma_start3A_388 : memref<64xi32, #tpu.memory_space<vmem>>) semaphore(%arg16 : memref<!tpu.dma_semaphore, #tpu.memory_space<semaphore_mem>>)
    %dma_wait3A_392 = arith.constant 1216 : i32
    %dma_wait3A_393 = tpu.memref_slice %arg10[%dma_wait3A_392] : memref<1600xi32, #tpu.memory_space<vmem>> -> memref<64xi32, #tpu.memory_space<vmem>>
    %dma_wait3A_394 = arith.constant 0 : i32
    %dma_wait3A_395 = arith.constant 0 : i32
    %dma_wait3A_396 = tpu.memref_slice %arg4[%dma_wait3A_394, %dma_wait3A_395] : memref<250000x128xf32, #tpu.memory_space<hbm>> -> memref<250000x128xf32, #tpu.memory_space<hbm>>
    tpu.wait_indirect_dma semaphore(%arg16 : memref<!tpu.dma_semaphore, #tpu.memory_space<semaphore_mem>>) src(%dma_wait3A_396 : memref<250000x128xf32, #tpu.memory_space<hbm>>) dst(%arg15 : memref<64x128xf32, #tpu.memory_space<vmem>>)
    %add3A_397 = arith.constant 1216 : i32
    %add3A_398 = arith.addi %mul3A_2, %add3A_397 : i32
    %dma_start3A_399 = arith.constant 0 : i32
    %dma_start3A_400 = tpu.memref_slice %arg7[%add3A_398, %dma_start3A_399] : memref<51200x128xf32, #tpu.memory_space<hbm>> -> memref<64x128xf32, #tpu.memory_space<hbm>>
    %dma_start3A_401 = arith.constant 0 : i32
    %dma_start3A_402 = tpu.memref_slice %arg7[%add3A_398, %dma_start3A_401] : memref<51200x128xf32, #tpu.memory_space<hbm>> -> memref<64x128xf32, #tpu.memory_space<hbm>>
    tpu.enqueue_dma source(%arg15 : memref<64x128xf32, #tpu.memory_space<vmem>>) target(%dma_start3A_402 : memref<64x128xf32, #tpu.memory_space<hbm>>) target_semaphore(%arg17 : memref<!tpu.dma_semaphore, #tpu.memory_space<semaphore_mem>>)
    %dma_wait3A_403 = arith.constant 0 : i32
    %dma_wait3A_404 = tpu.memref_slice %arg7[%add3A_378, %dma_wait3A_403] : memref<51200x128xf32, #tpu.memory_space<hbm>> -> memref<64x128xf32, #tpu.memory_space<hbm>>
    %dma_wait3A_405 = arith.constant 0 : i32
    %dma_wait3A_406 = tpu.memref_slice %arg7[%add3A_378, %dma_wait3A_405] : memref<51200x128xf32, #tpu.memory_space<hbm>> -> memref<64x128xf32, #tpu.memory_space<hbm>>
    tpu.wait_dma2 semaphore(%arg17 : memref<!tpu.dma_semaphore, #tpu.memory_space<semaphore_mem>>) src(%arg14 : memref<64x128xf32, #tpu.memory_space<vmem>>) dst(%dma_wait3A_406 : memref<64x128xf32, #tpu.memory_space<hbm>>)
    %dma_start3A_407 = arith.constant 1408 : i32
    %dma_start3A_408 = tpu.memref_slice %arg10[%dma_start3A_407] : memref<1600xi32, #tpu.memory_space<vmem>> -> memref<64xi32, #tpu.memory_space<vmem>>
    %dma_start3A_409 = arith.constant 0 : i32
    %dma_start3A_410 = arith.constant 0 : i32
    %dma_start3A_411 = tpu.memref_slice %arg4[%dma_start3A_409, %dma_start3A_410] : memref<250000x128xf32, #tpu.memory_space<hbm>> -> memref<250000x128xf32, #tpu.memory_space<hbm>>
    tpu.enqueue_indirect_dma source(%dma_start3A_411 : memref<250000x128xf32, #tpu.memory_space<hbm>>) target(%arg14 : memref<64x128xf32, #tpu.memory_space<vmem>>) offsets(%dma_start3A_408 : memref<64xi32, #tpu.memory_space<vmem>>) semaphore(%arg16 : memref<!tpu.dma_semaphore, #tpu.memory_space<semaphore_mem>>)
    %dma_wait3A_412 = arith.constant 1280 : i32
    %dma_wait3A_413 = tpu.memref_slice %arg10[%dma_wait3A_412] : memref<1600xi32, #tpu.memory_space<vmem>> -> memref<64xi32, #tpu.memory_space<vmem>>
    %dma_wait3A_414 = arith.constant 0 : i32
    %dma_wait3A_415 = arith.constant 0 : i32
    %dma_wait3A_416 = tpu.memref_slice %arg4[%dma_wait3A_414, %dma_wait3A_415] : memref<250000x128xf32, #tpu.memory_space<hbm>> -> memref<250000x128xf32, #tpu.memory_space<hbm>>
    tpu.wait_indirect_dma semaphore(%arg16 : memref<!tpu.dma_semaphore, #tpu.memory_space<semaphore_mem>>) src(%dma_wait3A_416 : memref<250000x128xf32, #tpu.memory_space<hbm>>) dst(%arg12 : memref<64x128xf32, #tpu.memory_space<vmem>>)
    %add3A_417 = arith.constant 1280 : i32
    %add3A_418 = arith.addi %mul3A_2, %add3A_417 : i32
    %dma_start3A_419 = arith.constant 0 : i32
    %dma_start3A_420 = tpu.memref_slice %arg7[%add3A_418, %dma_start3A_419] : memref<51200x128xf32, #tpu.memory_space<hbm>> -> memref<64x128xf32, #tpu.memory_space<hbm>>
    %dma_start3A_421 = arith.constant 0 : i32
    %dma_start3A_422 = tpu.memref_slice %arg7[%add3A_418, %dma_start3A_421] : memref<51200x128xf32, #tpu.memory_space<hbm>> -> memref<64x128xf32, #tpu.memory_space<hbm>>
    tpu.enqueue_dma source(%arg12 : memref<64x128xf32, #tpu.memory_space<vmem>>) target(%dma_start3A_422 : memref<64x128xf32, #tpu.memory_space<hbm>>) target_semaphore(%arg17 : memref<!tpu.dma_semaphore, #tpu.memory_space<semaphore_mem>>)
    %dma_wait3A_423 = arith.constant 0 : i32
    %dma_wait3A_424 = tpu.memref_slice %arg7[%add3A_398, %dma_wait3A_423] : memref<51200x128xf32, #tpu.memory_space<hbm>> -> memref<64x128xf32, #tpu.memory_space<hbm>>
    %dma_wait3A_425 = arith.constant 0 : i32
    %dma_wait3A_426 = tpu.memref_slice %arg7[%add3A_398, %dma_wait3A_425] : memref<51200x128xf32, #tpu.memory_space<hbm>> -> memref<64x128xf32, #tpu.memory_space<hbm>>
    tpu.wait_dma2 semaphore(%arg17 : memref<!tpu.dma_semaphore, #tpu.memory_space<semaphore_mem>>) src(%arg15 : memref<64x128xf32, #tpu.memory_space<vmem>>) dst(%dma_wait3A_426 : memref<64x128xf32, #tpu.memory_space<hbm>>)
    %dma_start3A_427 = arith.constant 1472 : i32
    %dma_start3A_428 = tpu.memref_slice %arg10[%dma_start3A_427] : memref<1600xi32, #tpu.memory_space<vmem>> -> memref<64xi32, #tpu.memory_space<vmem>>
    %dma_start3A_429 = arith.constant 0 : i32
    %dma_start3A_430 = arith.constant 0 : i32
    %dma_start3A_431 = tpu.memref_slice %arg4[%dma_start3A_429, %dma_start3A_430] : memref<250000x128xf32, #tpu.memory_space<hbm>> -> memref<250000x128xf32, #tpu.memory_space<hbm>>
    tpu.enqueue_indirect_dma source(%dma_start3A_431 : memref<250000x128xf32, #tpu.memory_space<hbm>>) target(%arg15 : memref<64x128xf32, #tpu.memory_space<vmem>>) offsets(%dma_start3A_428 : memref<64xi32, #tpu.memory_space<vmem>>) semaphore(%arg16 : memref<!tpu.dma_semaphore, #tpu.memory_space<semaphore_mem>>)
    %dma_wait3A_432 = arith.constant 1344 : i32
    %dma_wait3A_433 = tpu.memref_slice %arg10[%dma_wait3A_432] : memref<1600xi32, #tpu.memory_space<vmem>> -> memref<64xi32, #tpu.memory_space<vmem>>
    %dma_wait3A_434 = arith.constant 0 : i32
    %dma_wait3A_435 = arith.constant 0 : i32
    %dma_wait3A_436 = tpu.memref_slice %arg4[%dma_wait3A_434, %dma_wait3A_435] : memref<250000x128xf32, #tpu.memory_space<hbm>> -> memref<250000x128xf32, #tpu.memory_space<hbm>>
    tpu.wait_indirect_dma semaphore(%arg16 : memref<!tpu.dma_semaphore, #tpu.memory_space<semaphore_mem>>) src(%dma_wait3A_436 : memref<250000x128xf32, #tpu.memory_space<hbm>>) dst(%arg13 : memref<64x128xf32, #tpu.memory_space<vmem>>)
    %add3A_437 = arith.constant 1344 : i32
    %add3A_438 = arith.addi %mul3A_2, %add3A_437 : i32
    %dma_start3A_439 = arith.constant 0 : i32
    %dma_start3A_440 = tpu.memref_slice %arg7[%add3A_438, %dma_start3A_439] : memref<51200x128xf32, #tpu.memory_space<hbm>> -> memref<64x128xf32, #tpu.memory_space<hbm>>
    %dma_start3A_441 = arith.constant 0 : i32
    %dma_start3A_442 = tpu.memref_slice %arg7[%add3A_438, %dma_start3A_441] : memref<51200x128xf32, #tpu.memory_space<hbm>> -> memref<64x128xf32, #tpu.memory_space<hbm>>
    tpu.enqueue_dma source(%arg13 : memref<64x128xf32, #tpu.memory_space<vmem>>) target(%dma_start3A_442 : memref<64x128xf32, #tpu.memory_space<hbm>>) target_semaphore(%arg17 : memref<!tpu.dma_semaphore, #tpu.memory_space<semaphore_mem>>)
    %dma_wait3A_443 = arith.constant 0 : i32
    %dma_wait3A_444 = tpu.memref_slice %arg7[%add3A_418, %dma_wait3A_443] : memref<51200x128xf32, #tpu.memory_space<hbm>> -> memref<64x128xf32, #tpu.memory_space<hbm>>
    %dma_wait3A_445 = arith.constant 0 : i32
    %dma_wait3A_446 = tpu.memref_slice %arg7[%add3A_418, %dma_wait3A_445] : memref<51200x128xf32, #tpu.memory_space<hbm>> -> memref<64x128xf32, #tpu.memory_space<hbm>>
    tpu.wait_dma2 semaphore(%arg17 : memref<!tpu.dma_semaphore, #tpu.memory_space<semaphore_mem>>) src(%arg12 : memref<64x128xf32, #tpu.memory_space<vmem>>) dst(%dma_wait3A_446 : memref<64x128xf32, #tpu.memory_space<hbm>>)
    %dma_start3A_447 = arith.constant 1536 : i32
    %dma_start3A_448 = tpu.memref_slice %arg10[%dma_start3A_447] : memref<1600xi32, #tpu.memory_space<vmem>> -> memref<64xi32, #tpu.memory_space<vmem>>
    %dma_start3A_449 = arith.constant 0 : i32
    %dma_start3A_450 = arith.constant 0 : i32
    %dma_start3A_451 = tpu.memref_slice %arg4[%dma_start3A_449, %dma_start3A_450] : memref<250000x128xf32, #tpu.memory_space<hbm>> -> memref<250000x128xf32, #tpu.memory_space<hbm>>
    tpu.enqueue_indirect_dma source(%dma_start3A_451 : memref<250000x128xf32, #tpu.memory_space<hbm>>) target(%arg12 : memref<64x128xf32, #tpu.memory_space<vmem>>) offsets(%dma_start3A_448 : memref<64xi32, #tpu.memory_space<vmem>>) semaphore(%arg16 : memref<!tpu.dma_semaphore, #tpu.memory_space<semaphore_mem>>)
    %dma_wait3A_452 = arith.constant 1408 : i32
    %dma_wait3A_453 = tpu.memref_slice %arg10[%dma_wait3A_452] : memref<1600xi32, #tpu.memory_space<vmem>> -> memref<64xi32, #tpu.memory_space<vmem>>
    %dma_wait3A_454 = arith.constant 0 : i32
    %dma_wait3A_455 = arith.constant 0 : i32
    %dma_wait3A_456 = tpu.memref_slice %arg4[%dma_wait3A_454, %dma_wait3A_455] : memref<250000x128xf32, #tpu.memory_space<hbm>> -> memref<250000x128xf32, #tpu.memory_space<hbm>>
    tpu.wait_indirect_dma semaphore(%arg16 : memref<!tpu.dma_semaphore, #tpu.memory_space<semaphore_mem>>) src(%dma_wait3A_456 : memref<250000x128xf32, #tpu.memory_space<hbm>>) dst(%arg14 : memref<64x128xf32, #tpu.memory_space<vmem>>)
    %add3A_457 = arith.constant 1408 : i32
    %add3A_458 = arith.addi %mul3A_2, %add3A_457 : i32
    %dma_start3A_459 = arith.constant 0 : i32
    %dma_start3A_460 = tpu.memref_slice %arg7[%add3A_458, %dma_start3A_459] : memref<51200x128xf32, #tpu.memory_space<hbm>> -> memref<64x128xf32, #tpu.memory_space<hbm>>
    %dma_start3A_461 = arith.constant 0 : i32
    %dma_start3A_462 = tpu.memref_slice %arg7[%add3A_458, %dma_start3A_461] : memref<51200x128xf32, #tpu.memory_space<hbm>> -> memref<64x128xf32, #tpu.memory_space<hbm>>
    tpu.enqueue_dma source(%arg14 : memref<64x128xf32, #tpu.memory_space<vmem>>) target(%dma_start3A_462 : memref<64x128xf32, #tpu.memory_space<hbm>>) target_semaphore(%arg17 : memref<!tpu.dma_semaphore, #tpu.memory_space<semaphore_mem>>)
    %dma_wait3A_463 = arith.constant 0 : i32
    %dma_wait3A_464 = tpu.memref_slice %arg7[%add3A_438, %dma_wait3A_463] : memref<51200x128xf32, #tpu.memory_space<hbm>> -> memref<64x128xf32, #tpu.memory_space<hbm>>
    %dma_wait3A_465 = arith.constant 0 : i32
    %dma_wait3A_466 = tpu.memref_slice %arg7[%add3A_438, %dma_wait3A_465] : memref<51200x128xf32, #tpu.memory_space<hbm>> -> memref<64x128xf32, #tpu.memory_space<hbm>>
    tpu.wait_dma2 semaphore(%arg17 : memref<!tpu.dma_semaphore, #tpu.memory_space<semaphore_mem>>) src(%arg13 : memref<64x128xf32, #tpu.memory_space<vmem>>) dst(%dma_wait3A_466 : memref<64x128xf32, #tpu.memory_space<hbm>>)
    %dma_start3A_467 = arith.constant 0 : i32
    %dma_start3A_468 = tpu.memref_slice %arg10[%dma_start3A_467] : memref<1600xi32, #tpu.memory_space<vmem>> -> memref<64xi32, #tpu.memory_space<vmem>>
    %dma_start3A_469 = arith.constant 0 : i32
    %dma_start3A_470 = arith.constant 0 : i32
    %dma_start3A_471 = tpu.memref_slice %arg5[%dma_start3A_469, %dma_start3A_470] : memref<250000x128xf32, #tpu.memory_space<hbm>> -> memref<250000x128xf32, #tpu.memory_space<hbm>>
    tpu.enqueue_indirect_dma source(%dma_start3A_471 : memref<250000x128xf32, #tpu.memory_space<hbm>>) target(%arg13 : memref<64x128xf32, #tpu.memory_space<vmem>>) offsets(%dma_start3A_468 : memref<64xi32, #tpu.memory_space<vmem>>) semaphore(%arg16 : memref<!tpu.dma_semaphore, #tpu.memory_space<semaphore_mem>>)
    %dma_wait3A_472 = arith.constant 1472 : i32
    %dma_wait3A_473 = tpu.memref_slice %arg10[%dma_wait3A_472] : memref<1600xi32, #tpu.memory_space<vmem>> -> memref<64xi32, #tpu.memory_space<vmem>>
    %dma_wait3A_474 = arith.constant 0 : i32
    %dma_wait3A_475 = arith.constant 0 : i32
    %dma_wait3A_476 = tpu.memref_slice %arg4[%dma_wait3A_474, %dma_wait3A_475] : memref<250000x128xf32, #tpu.memory_space<hbm>> -> memref<250000x128xf32, #tpu.memory_space<hbm>>
    tpu.wait_indirect_dma semaphore(%arg16 : memref<!tpu.dma_semaphore, #tpu.memory_space<semaphore_mem>>) src(%dma_wait3A_476 : memref<250000x128xf32, #tpu.memory_space<hbm>>) dst(%arg15 : memref<64x128xf32, #tpu.memory_space<vmem>>)
    %add3A_477 = arith.constant 1472 : i32
    %add3A_478 = arith.addi %mul3A_2, %add3A_477 : i32
    %dma_start3A_479 = arith.constant 0 : i32
    %dma_start3A_480 = tpu.memref_slice %arg7[%add3A_478, %dma_start3A_479] : memref<51200x128xf32, #tpu.memory_space<hbm>> -> memref<64x128xf32, #tpu.memory_space<hbm>>
    %dma_start3A_481 = arith.constant 0 : i32
    %dma_start3A_482 = tpu.memref_slice %arg7[%add3A_478, %dma_start3A_481] : memref<51200x128xf32, #tpu.memory_space<hbm>> -> memref<64x128xf32, #tpu.memory_space<hbm>>
    tpu.enqueue_dma source(%arg15 : memref<64x128xf32, #tpu.memory_space<vmem>>) target(%dma_start3A_482 : memref<64x128xf32, #tpu.memory_space<hbm>>) target_semaphore(%arg17 : memref<!tpu.dma_semaphore, #tpu.memory_space<semaphore_mem>>)
    %dma_wait3A_483 = arith.constant 0 : i32
    %dma_wait3A_484 = tpu.memref_slice %arg7[%add3A_458, %dma_wait3A_483] : memref<51200x128xf32, #tpu.memory_space<hbm>> -> memref<64x128xf32, #tpu.memory_space<hbm>>
    %dma_wait3A_485 = arith.constant 0 : i32
    %dma_wait3A_486 = tpu.memref_slice %arg7[%add3A_458, %dma_wait3A_485] : memref<51200x128xf32, #tpu.memory_space<hbm>> -> memref<64x128xf32, #tpu.memory_space<hbm>>
    tpu.wait_dma2 semaphore(%arg17 : memref<!tpu.dma_semaphore, #tpu.memory_space<semaphore_mem>>) src(%arg14 : memref<64x128xf32, #tpu.memory_space<vmem>>) dst(%dma_wait3A_486 : memref<64x128xf32, #tpu.memory_space<hbm>>)
    %dma_start3A_487 = arith.constant 64 : i32
    %dma_start3A_488 = tpu.memref_slice %arg10[%dma_start3A_487] : memref<1600xi32, #tpu.memory_space<vmem>> -> memref<64xi32, #tpu.memory_space<vmem>>
    %dma_start3A_489 = arith.constant 0 : i32
    %dma_start3A_490 = arith.constant 0 : i32
    %dma_start3A_491 = tpu.memref_slice %arg5[%dma_start3A_489, %dma_start3A_490] : memref<250000x128xf32, #tpu.memory_space<hbm>> -> memref<250000x128xf32, #tpu.memory_space<hbm>>
    tpu.enqueue_indirect_dma source(%dma_start3A_491 : memref<250000x128xf32, #tpu.memory_space<hbm>>) target(%arg14 : memref<64x128xf32, #tpu.memory_space<vmem>>) offsets(%dma_start3A_488 : memref<64xi32, #tpu.memory_space<vmem>>) semaphore(%arg16 : memref<!tpu.dma_semaphore, #tpu.memory_space<semaphore_mem>>)
    %dma_wait3A_492 = arith.constant 1536 : i32
    %dma_wait3A_493 = tpu.memref_slice %arg10[%dma_wait3A_492] : memref<1600xi32, #tpu.memory_space<vmem>> -> memref<64xi32, #tpu.memory_space<vmem>>
    %dma_wait3A_494 = arith.constant 0 : i32
    %dma_wait3A_495 = arith.constant 0 : i32
    %dma_wait3A_496 = tpu.memref_slice %arg4[%dma_wait3A_494, %dma_wait3A_495] : memref<250000x128xf32, #tpu.memory_space<hbm>> -> memref<250000x128xf32, #tpu.memory_space<hbm>>
    tpu.wait_indirect_dma semaphore(%arg16 : memref<!tpu.dma_semaphore, #tpu.memory_space<semaphore_mem>>) src(%dma_wait3A_496 : memref<250000x128xf32, #tpu.memory_space<hbm>>) dst(%arg12 : memref<64x128xf32, #tpu.memory_space<vmem>>)
    %add3A_497 = arith.constant 1536 : i32
    %add3A_498 = arith.addi %mul3A_2, %add3A_497 : i32
    %dma_start3A_499 = arith.constant 0 : i32
    %dma_start3A_500 = tpu.memref_slice %arg7[%add3A_498, %dma_start3A_499] : memref<51200x128xf32, #tpu.memory_space<hbm>> -> memref<64x128xf32, #tpu.memory_space<hbm>>
    %dma_start3A_501 = arith.constant 0 : i32
    %dma_start3A_502 = tpu.memref_slice %arg7[%add3A_498, %dma_start3A_501] : memref<51200x128xf32, #tpu.memory_space<hbm>> -> memref<64x128xf32, #tpu.memory_space<hbm>>
    tpu.enqueue_dma source(%arg12 : memref<64x128xf32, #tpu.memory_space<vmem>>) target(%dma_start3A_502 : memref<64x128xf32, #tpu.memory_space<hbm>>) target_semaphore(%arg17 : memref<!tpu.dma_semaphore, #tpu.memory_space<semaphore_mem>>)
    %dma_wait3A_503 = arith.constant 0 : i32
    %dma_wait3A_504 = tpu.memref_slice %arg7[%add3A_478, %dma_wait3A_503] : memref<51200x128xf32, #tpu.memory_space<hbm>> -> memref<64x128xf32, #tpu.memory_space<hbm>>
    %dma_wait3A_505 = arith.constant 0 : i32
    %dma_wait3A_506 = tpu.memref_slice %arg7[%add3A_478, %dma_wait3A_505] : memref<51200x128xf32, #tpu.memory_space<hbm>> -> memref<64x128xf32, #tpu.memory_space<hbm>>
    tpu.wait_dma2 semaphore(%arg17 : memref<!tpu.dma_semaphore, #tpu.memory_space<semaphore_mem>>) src(%arg15 : memref<64x128xf32, #tpu.memory_space<vmem>>) dst(%dma_wait3A_506 : memref<64x128xf32, #tpu.memory_space<hbm>>)
    %dma_start3A_507 = arith.constant 128 : i32
    %dma_start3A_508 = tpu.memref_slice %arg10[%dma_start3A_507] : memref<1600xi32, #tpu.memory_space<vmem>> -> memref<64xi32, #tpu.memory_space<vmem>>
    %dma_start3A_509 = arith.constant 0 : i32
    %dma_start3A_510 = arith.constant 0 : i32
    %dma_start3A_511 = tpu.memref_slice %arg5[%dma_start3A_509, %dma_start3A_510] : memref<250000x128xf32, #tpu.memory_space<hbm>> -> memref<250000x128xf32, #tpu.memory_space<hbm>>
    tpu.enqueue_indirect_dma source(%dma_start3A_511 : memref<250000x128xf32, #tpu.memory_space<hbm>>) target(%arg15 : memref<64x128xf32, #tpu.memory_space<vmem>>) offsets(%dma_start3A_508 : memref<64xi32, #tpu.memory_space<vmem>>) semaphore(%arg16 : memref<!tpu.dma_semaphore, #tpu.memory_space<semaphore_mem>>)
    %dma_wait3A_512 = arith.constant 0 : i32
    %dma_wait3A_513 = tpu.memref_slice %arg10[%dma_wait3A_512] : memref<1600xi32, #tpu.memory_space<vmem>> -> memref<64xi32, #tpu.memory_space<vmem>>
    %dma_wait3A_514 = arith.constant 0 : i32
    %dma_wait3A_515 = arith.constant 0 : i32
    %dma_wait3A_516 = tpu.memref_slice %arg5[%dma_wait3A_514, %dma_wait3A_515] : memref<250000x128xf32, #tpu.memory_space<hbm>> -> memref<250000x128xf32, #tpu.memory_space<hbm>>
    tpu.wait_indirect_dma semaphore(%arg16 : memref<!tpu.dma_semaphore, #tpu.memory_space<semaphore_mem>>) src(%dma_wait3A_516 : memref<250000x128xf32, #tpu.memory_space<hbm>>) dst(%arg13 : memref<64x128xf32, #tpu.memory_space<vmem>>)
    %add3A_517 = arith.constant 0 : i32
    %add3A_518 = arith.addi %mul3A_2, %add3A_517 : i32
    %dma_start3A_519 = arith.constant 0 : i32
    %dma_start3A_520 = tpu.memref_slice %arg8[%add3A_518, %dma_start3A_519] : memref<51200x128xf32, #tpu.memory_space<hbm>> -> memref<64x128xf32, #tpu.memory_space<hbm>>
    %dma_start3A_521 = arith.constant 0 : i32
    %dma_start3A_522 = tpu.memref_slice %arg8[%add3A_518, %dma_start3A_521] : memref<51200x128xf32, #tpu.memory_space<hbm>> -> memref<64x128xf32, #tpu.memory_space<hbm>>
    tpu.enqueue_dma source(%arg13 : memref<64x128xf32, #tpu.memory_space<vmem>>) target(%dma_start3A_522 : memref<64x128xf32, #tpu.memory_space<hbm>>) target_semaphore(%arg17 : memref<!tpu.dma_semaphore, #tpu.memory_space<semaphore_mem>>)
    %dma_wait3A_523 = arith.constant 0 : i32
    %dma_wait3A_524 = tpu.memref_slice %arg7[%add3A_498, %dma_wait3A_523] : memref<51200x128xf32, #tpu.memory_space<hbm>> -> memref<64x128xf32, #tpu.memory_space<hbm>>
    %dma_wait3A_525 = arith.constant 0 : i32
    %dma_wait3A_526 = tpu.memref_slice %arg7[%add3A_498, %dma_wait3A_525] : memref<51200x128xf32, #tpu.memory_space<hbm>> -> memref<64x128xf32, #tpu.memory_space<hbm>>
    tpu.wait_dma2 semaphore(%arg17 : memref<!tpu.dma_semaphore, #tpu.memory_space<semaphore_mem>>) src(%arg12 : memref<64x128xf32, #tpu.memory_space<vmem>>) dst(%dma_wait3A_526 : memref<64x128xf32, #tpu.memory_space<hbm>>)
    %dma_start3A_527 = arith.constant 192 : i32
    %dma_start3A_528 = tpu.memref_slice %arg10[%dma_start3A_527] : memref<1600xi32, #tpu.memory_space<vmem>> -> memref<64xi32, #tpu.memory_space<vmem>>
    %dma_start3A_529 = arith.constant 0 : i32
    %dma_start3A_530 = arith.constant 0 : i32
    %dma_start3A_531 = tpu.memref_slice %arg5[%dma_start3A_529, %dma_start3A_530] : memref<250000x128xf32, #tpu.memory_space<hbm>> -> memref<250000x128xf32, #tpu.memory_space<hbm>>
    tpu.enqueue_indirect_dma source(%dma_start3A_531 : memref<250000x128xf32, #tpu.memory_space<hbm>>) target(%arg12 : memref<64x128xf32, #tpu.memory_space<vmem>>) offsets(%dma_start3A_528 : memref<64xi32, #tpu.memory_space<vmem>>) semaphore(%arg16 : memref<!tpu.dma_semaphore, #tpu.memory_space<semaphore_mem>>)
    %dma_wait3A_532 = arith.constant 64 : i32
    %dma_wait3A_533 = tpu.memref_slice %arg10[%dma_wait3A_532] : memref<1600xi32, #tpu.memory_space<vmem>> -> memref<64xi32, #tpu.memory_space<vmem>>
    %dma_wait3A_534 = arith.constant 0 : i32
    %dma_wait3A_535 = arith.constant 0 : i32
    %dma_wait3A_536 = tpu.memref_slice %arg5[%dma_wait3A_534, %dma_wait3A_535] : memref<250000x128xf32, #tpu.memory_space<hbm>> -> memref<250000x128xf32, #tpu.memory_space<hbm>>
    tpu.wait_indirect_dma semaphore(%arg16 : memref<!tpu.dma_semaphore, #tpu.memory_space<semaphore_mem>>) src(%dma_wait3A_536 : memref<250000x128xf32, #tpu.memory_space<hbm>>) dst(%arg14 : memref<64x128xf32, #tpu.memory_space<vmem>>)
    %add3A_537 = arith.constant 64 : i32
    %add3A_538 = arith.addi %mul3A_2, %add3A_537 : i32
    %dma_start3A_539 = arith.constant 0 : i32
    %dma_start3A_540 = tpu.memref_slice %arg8[%add3A_538, %dma_start3A_539] : memref<51200x128xf32, #tpu.memory_space<hbm>> -> memref<64x128xf32, #tpu.memory_space<hbm>>
    %dma_start3A_541 = arith.constant 0 : i32
    %dma_start3A_542 = tpu.memref_slice %arg8[%add3A_538, %dma_start3A_541] : memref<51200x128xf32, #tpu.memory_space<hbm>> -> memref<64x128xf32, #tpu.memory_space<hbm>>
    tpu.enqueue_dma source(%arg14 : memref<64x128xf32, #tpu.memory_space<vmem>>) target(%dma_start3A_542 : memref<64x128xf32, #tpu.memory_space<hbm>>) target_semaphore(%arg17 : memref<!tpu.dma_semaphore, #tpu.memory_space<semaphore_mem>>)
    %dma_wait3A_543 = arith.constant 0 : i32
    %dma_wait3A_544 = tpu.memref_slice %arg8[%add3A_518, %dma_wait3A_543] : memref<51200x128xf32, #tpu.memory_space<hbm>> -> memref<64x128xf32, #tpu.memory_space<hbm>>
    %dma_wait3A_545 = arith.constant 0 : i32
    %dma_wait3A_546 = tpu.memref_slice %arg8[%add3A_518, %dma_wait3A_545] : memref<51200x128xf32, #tpu.memory_space<hbm>> -> memref<64x128xf32, #tpu.memory_space<hbm>>
    tpu.wait_dma2 semaphore(%arg17 : memref<!tpu.dma_semaphore, #tpu.memory_space<semaphore_mem>>) src(%arg13 : memref<64x128xf32, #tpu.memory_space<vmem>>) dst(%dma_wait3A_546 : memref<64x128xf32, #tpu.memory_space<hbm>>)
    %dma_start3A_547 = arith.constant 256 : i32
    %dma_start3A_548 = tpu.memref_slice %arg10[%dma_start3A_547] : memref<1600xi32, #tpu.memory_space<vmem>> -> memref<64xi32, #tpu.memory_space<vmem>>
    %dma_start3A_549 = arith.constant 0 : i32
    %dma_start3A_550 = arith.constant 0 : i32
    %dma_start3A_551 = tpu.memref_slice %arg5[%dma_start3A_549, %dma_start3A_550] : memref<250000x128xf32, #tpu.memory_space<hbm>> -> memref<250000x128xf32, #tpu.memory_space<hbm>>
    tpu.enqueue_indirect_dma source(%dma_start3A_551 : memref<250000x128xf32, #tpu.memory_space<hbm>>) target(%arg13 : memref<64x128xf32, #tpu.memory_space<vmem>>) offsets(%dma_start3A_548 : memref<64xi32, #tpu.memory_space<vmem>>) semaphore(%arg16 : memref<!tpu.dma_semaphore, #tpu.memory_space<semaphore_mem>>)
    %dma_wait3A_552 = arith.constant 128 : i32
    %dma_wait3A_553 = tpu.memref_slice %arg10[%dma_wait3A_552] : memref<1600xi32, #tpu.memory_space<vmem>> -> memref<64xi32, #tpu.memory_space<vmem>>
    %dma_wait3A_554 = arith.constant 0 : i32
    %dma_wait3A_555 = arith.constant 0 : i32
    %dma_wait3A_556 = tpu.memref_slice %arg5[%dma_wait3A_554, %dma_wait3A_555] : memref<250000x128xf32, #tpu.memory_space<hbm>> -> memref<250000x128xf32, #tpu.memory_space<hbm>>
    tpu.wait_indirect_dma semaphore(%arg16 : memref<!tpu.dma_semaphore, #tpu.memory_space<semaphore_mem>>) src(%dma_wait3A_556 : memref<250000x128xf32, #tpu.memory_space<hbm>>) dst(%arg15 : memref<64x128xf32, #tpu.memory_space<vmem>>)
    %add3A_557 = arith.constant 128 : i32
    %add3A_558 = arith.addi %mul3A_2, %add3A_557 : i32
    %dma_start3A_559 = arith.constant 0 : i32
    %dma_start3A_560 = tpu.memref_slice %arg8[%add3A_558, %dma_start3A_559] : memref<51200x128xf32, #tpu.memory_space<hbm>> -> memref<64x128xf32, #tpu.memory_space<hbm>>
    %dma_start3A_561 = arith.constant 0 : i32
    %dma_start3A_562 = tpu.memref_slice %arg8[%add3A_558, %dma_start3A_561] : memref<51200x128xf32, #tpu.memory_space<hbm>> -> memref<64x128xf32, #tpu.memory_space<hbm>>
    tpu.enqueue_dma source(%arg15 : memref<64x128xf32, #tpu.memory_space<vmem>>) target(%dma_start3A_562 : memref<64x128xf32, #tpu.memory_space<hbm>>) target_semaphore(%arg17 : memref<!tpu.dma_semaphore, #tpu.memory_space<semaphore_mem>>)
    %dma_wait3A_563 = arith.constant 0 : i32
    %dma_wait3A_564 = tpu.memref_slice %arg8[%add3A_538, %dma_wait3A_563] : memref<51200x128xf32, #tpu.memory_space<hbm>> -> memref<64x128xf32, #tpu.memory_space<hbm>>
    %dma_wait3A_565 = arith.constant 0 : i32
    %dma_wait3A_566 = tpu.memref_slice %arg8[%add3A_538, %dma_wait3A_565] : memref<51200x128xf32, #tpu.memory_space<hbm>> -> memref<64x128xf32, #tpu.memory_space<hbm>>
    tpu.wait_dma2 semaphore(%arg17 : memref<!tpu.dma_semaphore, #tpu.memory_space<semaphore_mem>>) src(%arg14 : memref<64x128xf32, #tpu.memory_space<vmem>>) dst(%dma_wait3A_566 : memref<64x128xf32, #tpu.memory_space<hbm>>)
    %dma_start3A_567 = arith.constant 320 : i32
    %dma_start3A_568 = tpu.memref_slice %arg10[%dma_start3A_567] : memref<1600xi32, #tpu.memory_space<vmem>> -> memref<64xi32, #tpu.memory_space<vmem>>
    %dma_start3A_569 = arith.constant 0 : i32
    %dma_start3A_570 = arith.constant 0 : i32
    %dma_start3A_571 = tpu.memref_slice %arg5[%dma_start3A_569, %dma_start3A_570] : memref<250000x128xf32, #tpu.memory_space<hbm>> -> memref<250000x128xf32, #tpu.memory_space<hbm>>
    tpu.enqueue_indirect_dma source(%dma_start3A_571 : memref<250000x128xf32, #tpu.memory_space<hbm>>) target(%arg14 : memref<64x128xf32, #tpu.memory_space<vmem>>) offsets(%dma_start3A_568 : memref<64xi32, #tpu.memory_space<vmem>>) semaphore(%arg16 : memref<!tpu.dma_semaphore, #tpu.memory_space<semaphore_mem>>)
    %dma_wait3A_572 = arith.constant 192 : i32
    %dma_wait3A_573 = tpu.memref_slice %arg10[%dma_wait3A_572] : memref<1600xi32, #tpu.memory_space<vmem>> -> memref<64xi32, #tpu.memory_space<vmem>>
    %dma_wait3A_574 = arith.constant 0 : i32
    %dma_wait3A_575 = arith.constant 0 : i32
    %dma_wait3A_576 = tpu.memref_slice %arg5[%dma_wait3A_574, %dma_wait3A_575] : memref<250000x128xf32, #tpu.memory_space<hbm>> -> memref<250000x128xf32, #tpu.memory_space<hbm>>
    tpu.wait_indirect_dma semaphore(%arg16 : memref<!tpu.dma_semaphore, #tpu.memory_space<semaphore_mem>>) src(%dma_wait3A_576 : memref<250000x128xf32, #tpu.memory_space<hbm>>) dst(%arg12 : memref<64x128xf32, #tpu.memory_space<vmem>>)
    %add3A_577 = arith.constant 192 : i32
    %add3A_578 = arith.addi %mul3A_2, %add3A_577 : i32
    %dma_start3A_579 = arith.constant 0 : i32
    %dma_start3A_580 = tpu.memref_slice %arg8[%add3A_578, %dma_start3A_579] : memref<51200x128xf32, #tpu.memory_space<hbm>> -> memref<64x128xf32, #tpu.memory_space<hbm>>
    %dma_start3A_581 = arith.constant 0 : i32
    %dma_start3A_582 = tpu.memref_slice %arg8[%add3A_578, %dma_start3A_581] : memref<51200x128xf32, #tpu.memory_space<hbm>> -> memref<64x128xf32, #tpu.memory_space<hbm>>
    tpu.enqueue_dma source(%arg12 : memref<64x128xf32, #tpu.memory_space<vmem>>) target(%dma_start3A_582 : memref<64x128xf32, #tpu.memory_space<hbm>>) target_semaphore(%arg17 : memref<!tpu.dma_semaphore, #tpu.memory_space<semaphore_mem>>)
    %dma_wait3A_583 = arith.constant 0 : i32
    %dma_wait3A_584 = tpu.memref_slice %arg8[%add3A_558, %dma_wait3A_583] : memref<51200x128xf32, #tpu.memory_space<hbm>> -> memref<64x128xf32, #tpu.memory_space<hbm>>
    %dma_wait3A_585 = arith.constant 0 : i32
    %dma_wait3A_586 = tpu.memref_slice %arg8[%add3A_558, %dma_wait3A_585] : memref<51200x128xf32, #tpu.memory_space<hbm>> -> memref<64x128xf32, #tpu.memory_space<hbm>>
    tpu.wait_dma2 semaphore(%arg17 : memref<!tpu.dma_semaphore, #tpu.memory_space<semaphore_mem>>) src(%arg15 : memref<64x128xf32, #tpu.memory_space<vmem>>) dst(%dma_wait3A_586 : memref<64x128xf32, #tpu.memory_space<hbm>>)
    %dma_start3A_587 = arith.constant 384 : i32
    %dma_start3A_588 = tpu.memref_slice %arg10[%dma_start3A_587] : memref<1600xi32, #tpu.memory_space<vmem>> -> memref<64xi32, #tpu.memory_space<vmem>>
    %dma_start3A_589 = arith.constant 0 : i32
    %dma_start3A_590 = arith.constant 0 : i32
    %dma_start3A_591 = tpu.memref_slice %arg5[%dma_start3A_589, %dma_start3A_590] : memref<250000x128xf32, #tpu.memory_space<hbm>> -> memref<250000x128xf32, #tpu.memory_space<hbm>>
    tpu.enqueue_indirect_dma source(%dma_start3A_591 : memref<250000x128xf32, #tpu.memory_space<hbm>>) target(%arg15 : memref<64x128xf32, #tpu.memory_space<vmem>>) offsets(%dma_start3A_588 : memref<64xi32, #tpu.memory_space<vmem>>) semaphore(%arg16 : memref<!tpu.dma_semaphore, #tpu.memory_space<semaphore_mem>>)
    %dma_wait3A_592 = arith.constant 256 : i32
    %dma_wait3A_593 = tpu.memref_slice %arg10[%dma_wait3A_592] : memref<1600xi32, #tpu.memory_space<vmem>> -> memref<64xi32, #tpu.memory_space<vmem>>
    %dma_wait3A_594 = arith.constant 0 : i32
    %dma_wait3A_595 = arith.constant 0 : i32
    %dma_wait3A_596 = tpu.memref_slice %arg5[%dma_wait3A_594, %dma_wait3A_595] : memref<250000x128xf32, #tpu.memory_space<hbm>> -> memref<250000x128xf32, #tpu.memory_space<hbm>>
    tpu.wait_indirect_dma semaphore(%arg16 : memref<!tpu.dma_semaphore, #tpu.memory_space<semaphore_mem>>) src(%dma_wait3A_596 : memref<250000x128xf32, #tpu.memory_space<hbm>>) dst(%arg13 : memref<64x128xf32, #tpu.memory_space<vmem>>)
    %add3A_597 = arith.constant 256 : i32
    %add3A_598 = arith.addi %mul3A_2, %add3A_597 : i32
    %dma_start3A_599 = arith.constant 0 : i32
    %dma_start3A_600 = tpu.memref_slice %arg8[%add3A_598, %dma_start3A_599] : memref<51200x128xf32, #tpu.memory_space<hbm>> -> memref<64x128xf32, #tpu.memory_space<hbm>>
    %dma_start3A_601 = arith.constant 0 : i32
    %dma_start3A_602 = tpu.memref_slice %arg8[%add3A_598, %dma_start3A_601] : memref<51200x128xf32, #tpu.memory_space<hbm>> -> memref<64x128xf32, #tpu.memory_space<hbm>>
    tpu.enqueue_dma source(%arg13 : memref<64x128xf32, #tpu.memory_space<vmem>>) target(%dma_start3A_602 : memref<64x128xf32, #tpu.memory_space<hbm>>) target_semaphore(%arg17 : memref<!tpu.dma_semaphore, #tpu.memory_space<semaphore_mem>>)
    %dma_wait3A_603 = arith.constant 0 : i32
    %dma_wait3A_604 = tpu.memref_slice %arg8[%add3A_578, %dma_wait3A_603] : memref<51200x128xf32, #tpu.memory_space<hbm>> -> memref<64x128xf32, #tpu.memory_space<hbm>>
    %dma_wait3A_605 = arith.constant 0 : i32
    %dma_wait3A_606 = tpu.memref_slice %arg8[%add3A_578, %dma_wait3A_605] : memref<51200x128xf32, #tpu.memory_space<hbm>> -> memref<64x128xf32, #tpu.memory_space<hbm>>
    tpu.wait_dma2 semaphore(%arg17 : memref<!tpu.dma_semaphore, #tpu.memory_space<semaphore_mem>>) src(%arg12 : memref<64x128xf32, #tpu.memory_space<vmem>>) dst(%dma_wait3A_606 : memref<64x128xf32, #tpu.memory_space<hbm>>)
    %dma_start3A_607 = arith.constant 448 : i32
    %dma_start3A_608 = tpu.memref_slice %arg10[%dma_start3A_607] : memref<1600xi32, #tpu.memory_space<vmem>> -> memref<64xi32, #tpu.memory_space<vmem>>
    %dma_start3A_609 = arith.constant 0 : i32
    %dma_start3A_610 = arith.constant 0 : i32
    %dma_start3A_611 = tpu.memref_slice %arg5[%dma_start3A_609, %dma_start3A_610] : memref<250000x128xf32, #tpu.memory_space<hbm>> -> memref<250000x128xf32, #tpu.memory_space<hbm>>
    tpu.enqueue_indirect_dma source(%dma_start3A_611 : memref<250000x128xf32, #tpu.memory_space<hbm>>) target(%arg12 : memref<64x128xf32, #tpu.memory_space<vmem>>) offsets(%dma_start3A_608 : memref<64xi32, #tpu.memory_space<vmem>>) semaphore(%arg16 : memref<!tpu.dma_semaphore, #tpu.memory_space<semaphore_mem>>)
    %dma_wait3A_612 = arith.constant 320 : i32
    %dma_wait3A_613 = tpu.memref_slice %arg10[%dma_wait3A_612] : memref<1600xi32, #tpu.memory_space<vmem>> -> memref<64xi32, #tpu.memory_space<vmem>>
    %dma_wait3A_614 = arith.constant 0 : i32
    %dma_wait3A_615 = arith.constant 0 : i32
    %dma_wait3A_616 = tpu.memref_slice %arg5[%dma_wait3A_614, %dma_wait3A_615] : memref<250000x128xf32, #tpu.memory_space<hbm>> -> memref<250000x128xf32, #tpu.memory_space<hbm>>
    tpu.wait_indirect_dma semaphore(%arg16 : memref<!tpu.dma_semaphore, #tpu.memory_space<semaphore_mem>>) src(%dma_wait3A_616 : memref<250000x128xf32, #tpu.memory_space<hbm>>) dst(%arg14 : memref<64x128xf32, #tpu.memory_space<vmem>>)
    %add3A_617 = arith.constant 320 : i32
    %add3A_618 = arith.addi %mul3A_2, %add3A_617 : i32
    %dma_start3A_619 = arith.constant 0 : i32
    %dma_start3A_620 = tpu.memref_slice %arg8[%add3A_618, %dma_start3A_619] : memref<51200x128xf32, #tpu.memory_space<hbm>> -> memref<64x128xf32, #tpu.memory_space<hbm>>
    %dma_start3A_621 = arith.constant 0 : i32
    %dma_start3A_622 = tpu.memref_slice %arg8[%add3A_618, %dma_start3A_621] : memref<51200x128xf32, #tpu.memory_space<hbm>> -> memref<64x128xf32, #tpu.memory_space<hbm>>
    tpu.enqueue_dma source(%arg14 : memref<64x128xf32, #tpu.memory_space<vmem>>) target(%dma_start3A_622 : memref<64x128xf32, #tpu.memory_space<hbm>>) target_semaphore(%arg17 : memref<!tpu.dma_semaphore, #tpu.memory_space<semaphore_mem>>)
    %dma_wait3A_623 = arith.constant 0 : i32
    %dma_wait3A_624 = tpu.memref_slice %arg8[%add3A_598, %dma_wait3A_623] : memref<51200x128xf32, #tpu.memory_space<hbm>> -> memref<64x128xf32, #tpu.memory_space<hbm>>
    %dma_wait3A_625 = arith.constant 0 : i32
    %dma_wait3A_626 = tpu.memref_slice %arg8[%add3A_598, %dma_wait3A_625] : memref<51200x128xf32, #tpu.memory_space<hbm>> -> memref<64x128xf32, #tpu.memory_space<hbm>>
    tpu.wait_dma2 semaphore(%arg17 : memref<!tpu.dma_semaphore, #tpu.memory_space<semaphore_mem>>) src(%arg13 : memref<64x128xf32, #tpu.memory_space<vmem>>) dst(%dma_wait3A_626 : memref<64x128xf32, #tpu.memory_space<hbm>>)
    %dma_start3A_627 = arith.constant 512 : i32
    %dma_start3A_628 = tpu.memref_slice %arg10[%dma_start3A_627] : memref<1600xi32, #tpu.memory_space<vmem>> -> memref<64xi32, #tpu.memory_space<vmem>>
    %dma_start3A_629 = arith.constant 0 : i32
    %dma_start3A_630 = arith.constant 0 : i32
    %dma_start3A_631 = tpu.memref_slice %arg5[%dma_start3A_629, %dma_start3A_630] : memref<250000x128xf32, #tpu.memory_space<hbm>> -> memref<250000x128xf32, #tpu.memory_space<hbm>>
    tpu.enqueue_indirect_dma source(%dma_start3A_631 : memref<250000x128xf32, #tpu.memory_space<hbm>>) target(%arg13 : memref<64x128xf32, #tpu.memory_space<vmem>>) offsets(%dma_start3A_628 : memref<64xi32, #tpu.memory_space<vmem>>) semaphore(%arg16 : memref<!tpu.dma_semaphore, #tpu.memory_space<semaphore_mem>>)
    %dma_wait3A_632 = arith.constant 384 : i32
    %dma_wait3A_633 = tpu.memref_slice %arg10[%dma_wait3A_632] : memref<1600xi32, #tpu.memory_space<vmem>> -> memref<64xi32, #tpu.memory_space<vmem>>
    %dma_wait3A_634 = arith.constant 0 : i32
    %dma_wait3A_635 = arith.constant 0 : i32
    %dma_wait3A_636 = tpu.memref_slice %arg5[%dma_wait3A_634, %dma_wait3A_635] : memref<250000x128xf32, #tpu.memory_space<hbm>> -> memref<250000x128xf32, #tpu.memory_space<hbm>>
    tpu.wait_indirect_dma semaphore(%arg16 : memref<!tpu.dma_semaphore, #tpu.memory_space<semaphore_mem>>) src(%dma_wait3A_636 : memref<250000x128xf32, #tpu.memory_space<hbm>>) dst(%arg15 : memref<64x128xf32, #tpu.memory_space<vmem>>)
    %add3A_637 = arith.constant 384 : i32
    %add3A_638 = arith.addi %mul3A_2, %add3A_637 : i32
    %dma_start3A_639 = arith.constant 0 : i32
    %dma_start3A_640 = tpu.memref_slice %arg8[%add3A_638, %dma_start3A_639] : memref<51200x128xf32, #tpu.memory_space<hbm>> -> memref<64x128xf32, #tpu.memory_space<hbm>>
    %dma_start3A_641 = arith.constant 0 : i32
    %dma_start3A_642 = tpu.memref_slice %arg8[%add3A_638, %dma_start3A_641] : memref<51200x128xf32, #tpu.memory_space<hbm>> -> memref<64x128xf32, #tpu.memory_space<hbm>>
    tpu.enqueue_dma source(%arg15 : memref<64x128xf32, #tpu.memory_space<vmem>>) target(%dma_start3A_642 : memref<64x128xf32, #tpu.memory_space<hbm>>) target_semaphore(%arg17 : memref<!tpu.dma_semaphore, #tpu.memory_space<semaphore_mem>>)
    %dma_wait3A_643 = arith.constant 0 : i32
    %dma_wait3A_644 = tpu.memref_slice %arg8[%add3A_618, %dma_wait3A_643] : memref<51200x128xf32, #tpu.memory_space<hbm>> -> memref<64x128xf32, #tpu.memory_space<hbm>>
    %dma_wait3A_645 = arith.constant 0 : i32
    %dma_wait3A_646 = tpu.memref_slice %arg8[%add3A_618, %dma_wait3A_645] : memref<51200x128xf32, #tpu.memory_space<hbm>> -> memref<64x128xf32, #tpu.memory_space<hbm>>
    tpu.wait_dma2 semaphore(%arg17 : memref<!tpu.dma_semaphore, #tpu.memory_space<semaphore_mem>>) src(%arg14 : memref<64x128xf32, #tpu.memory_space<vmem>>) dst(%dma_wait3A_646 : memref<64x128xf32, #tpu.memory_space<hbm>>)
    %dma_start3A_647 = arith.constant 576 : i32
    %dma_start3A_648 = tpu.memref_slice %arg10[%dma_start3A_647] : memref<1600xi32, #tpu.memory_space<vmem>> -> memref<64xi32, #tpu.memory_space<vmem>>
    %dma_start3A_649 = arith.constant 0 : i32
    %dma_start3A_650 = arith.constant 0 : i32
    %dma_start3A_651 = tpu.memref_slice %arg5[%dma_start3A_649, %dma_start3A_650] : memref<250000x128xf32, #tpu.memory_space<hbm>> -> memref<250000x128xf32, #tpu.memory_space<hbm>>
    tpu.enqueue_indirect_dma source(%dma_start3A_651 : memref<250000x128xf32, #tpu.memory_space<hbm>>) target(%arg14 : memref<64x128xf32, #tpu.memory_space<vmem>>) offsets(%dma_start3A_648 : memref<64xi32, #tpu.memory_space<vmem>>) semaphore(%arg16 : memref<!tpu.dma_semaphore, #tpu.memory_space<semaphore_mem>>)
    %dma_wait3A_652 = arith.constant 448 : i32
    %dma_wait3A_653 = tpu.memref_slice %arg10[%dma_wait3A_652] : memref<1600xi32, #tpu.memory_space<vmem>> -> memref<64xi32, #tpu.memory_space<vmem>>
    %dma_wait3A_654 = arith.constant 0 : i32
    %dma_wait3A_655 = arith.constant 0 : i32
    %dma_wait3A_656 = tpu.memref_slice %arg5[%dma_wait3A_654, %dma_wait3A_655] : memref<250000x128xf32, #tpu.memory_space<hbm>> -> memref<250000x128xf32, #tpu.memory_space<hbm>>
    tpu.wait_indirect_dma semaphore(%arg16 : memref<!tpu.dma_semaphore, #tpu.memory_space<semaphore_mem>>) src(%dma_wait3A_656 : memref<250000x128xf32, #tpu.memory_space<hbm>>) dst(%arg12 : memref<64x128xf32, #tpu.memory_space<vmem>>)
    %add3A_657 = arith.constant 448 : i32
    %add3A_658 = arith.addi %mul3A_2, %add3A_657 : i32
    %dma_start3A_659 = arith.constant 0 : i32
    %dma_start3A_660 = tpu.memref_slice %arg8[%add3A_658, %dma_start3A_659] : memref<51200x128xf32, #tpu.memory_space<hbm>> -> memref<64x128xf32, #tpu.memory_space<hbm>>
    %dma_start3A_661 = arith.constant 0 : i32
    %dma_start3A_662 = tpu.memref_slice %arg8[%add3A_658, %dma_start3A_661] : memref<51200x128xf32, #tpu.memory_space<hbm>> -> memref<64x128xf32, #tpu.memory_space<hbm>>
    tpu.enqueue_dma source(%arg12 : memref<64x128xf32, #tpu.memory_space<vmem>>) target(%dma_start3A_662 : memref<64x128xf32, #tpu.memory_space<hbm>>) target_semaphore(%arg17 : memref<!tpu.dma_semaphore, #tpu.memory_space<semaphore_mem>>)
    %dma_wait3A_663 = arith.constant 0 : i32
    %dma_wait3A_664 = tpu.memref_slice %arg8[%add3A_638, %dma_wait3A_663] : memref<51200x128xf32, #tpu.memory_space<hbm>> -> memref<64x128xf32, #tpu.memory_space<hbm>>
    %dma_wait3A_665 = arith.constant 0 : i32
    %dma_wait3A_666 = tpu.memref_slice %arg8[%add3A_638, %dma_wait3A_665] : memref<51200x128xf32, #tpu.memory_space<hbm>> -> memref<64x128xf32, #tpu.memory_space<hbm>>
    tpu.wait_dma2 semaphore(%arg17 : memref<!tpu.dma_semaphore, #tpu.memory_space<semaphore_mem>>) src(%arg15 : memref<64x128xf32, #tpu.memory_space<vmem>>) dst(%dma_wait3A_666 : memref<64x128xf32, #tpu.memory_space<hbm>>)
    %dma_start3A_667 = arith.constant 640 : i32
    %dma_start3A_668 = tpu.memref_slice %arg10[%dma_start3A_667] : memref<1600xi32, #tpu.memory_space<vmem>> -> memref<64xi32, #tpu.memory_space<vmem>>
    %dma_start3A_669 = arith.constant 0 : i32
    %dma_start3A_670 = arith.constant 0 : i32
    %dma_start3A_671 = tpu.memref_slice %arg5[%dma_start3A_669, %dma_start3A_670] : memref<250000x128xf32, #tpu.memory_space<hbm>> -> memref<250000x128xf32, #tpu.memory_space<hbm>>
    tpu.enqueue_indirect_dma source(%dma_start3A_671 : memref<250000x128xf32, #tpu.memory_space<hbm>>) target(%arg15 : memref<64x128xf32, #tpu.memory_space<vmem>>) offsets(%dma_start3A_668 : memref<64xi32, #tpu.memory_space<vmem>>) semaphore(%arg16 : memref<!tpu.dma_semaphore, #tpu.memory_space<semaphore_mem>>)
    %dma_wait3A_672 = arith.constant 512 : i32
    %dma_wait3A_673 = tpu.memref_slice %arg10[%dma_wait3A_672] : memref<1600xi32, #tpu.memory_space<vmem>> -> memref<64xi32, #tpu.memory_space<vmem>>
    %dma_wait3A_674 = arith.constant 0 : i32
    %dma_wait3A_675 = arith.constant 0 : i32
    %dma_wait3A_676 = tpu.memref_slice %arg5[%dma_wait3A_674, %dma_wait3A_675] : memref<250000x128xf32, #tpu.memory_space<hbm>> -> memref<250000x128xf32, #tpu.memory_space<hbm>>
    tpu.wait_indirect_dma semaphore(%arg16 : memref<!tpu.dma_semaphore, #tpu.memory_space<semaphore_mem>>) src(%dma_wait3A_676 : memref<250000x128xf32, #tpu.memory_space<hbm>>) dst(%arg13 : memref<64x128xf32, #tpu.memory_space<vmem>>)
    %add3A_677 = arith.constant 512 : i32
    %add3A_678 = arith.addi %mul3A_2, %add3A_677 : i32
    %dma_start3A_679 = arith.constant 0 : i32
    %dma_start3A_680 = tpu.memref_slice %arg8[%add3A_678, %dma_start3A_679] : memref<51200x128xf32, #tpu.memory_space<hbm>> -> memref<64x128xf32, #tpu.memory_space<hbm>>
    %dma_start3A_681 = arith.constant 0 : i32
    %dma_start3A_682 = tpu.memref_slice %arg8[%add3A_678, %dma_start3A_681] : memref<51200x128xf32, #tpu.memory_space<hbm>> -> memref<64x128xf32, #tpu.memory_space<hbm>>
    tpu.enqueue_dma source(%arg13 : memref<64x128xf32, #tpu.memory_space<vmem>>) target(%dma_start3A_682 : memref<64x128xf32, #tpu.memory_space<hbm>>) target_semaphore(%arg17 : memref<!tpu.dma_semaphore, #tpu.memory_space<semaphore_mem>>)
    %dma_wait3A_683 = arith.constant 0 : i32
    %dma_wait3A_684 = tpu.memref_slice %arg8[%add3A_658, %dma_wait3A_683] : memref<51200x128xf32, #tpu.memory_space<hbm>> -> memref<64x128xf32, #tpu.memory_space<hbm>>
    %dma_wait3A_685 = arith.constant 0 : i32
    %dma_wait3A_686 = tpu.memref_slice %arg8[%add3A_658, %dma_wait3A_685] : memref<51200x128xf32, #tpu.memory_space<hbm>> -> memref<64x128xf32, #tpu.memory_space<hbm>>
    tpu.wait_dma2 semaphore(%arg17 : memref<!tpu.dma_semaphore, #tpu.memory_space<semaphore_mem>>) src(%arg12 : memref<64x128xf32, #tpu.memory_space<vmem>>) dst(%dma_wait3A_686 : memref<64x128xf32, #tpu.memory_space<hbm>>)
    %dma_start3A_687 = arith.constant 704 : i32
    %dma_start3A_688 = tpu.memref_slice %arg10[%dma_start3A_687] : memref<1600xi32, #tpu.memory_space<vmem>> -> memref<64xi32, #tpu.memory_space<vmem>>
    %dma_start3A_689 = arith.constant 0 : i32
    %dma_start3A_690 = arith.constant 0 : i32
    %dma_start3A_691 = tpu.memref_slice %arg5[%dma_start3A_689, %dma_start3A_690] : memref<250000x128xf32, #tpu.memory_space<hbm>> -> memref<250000x128xf32, #tpu.memory_space<hbm>>
    tpu.enqueue_indirect_dma source(%dma_start3A_691 : memref<250000x128xf32, #tpu.memory_space<hbm>>) target(%arg12 : memref<64x128xf32, #tpu.memory_space<vmem>>) offsets(%dma_start3A_688 : memref<64xi32, #tpu.memory_space<vmem>>) semaphore(%arg16 : memref<!tpu.dma_semaphore, #tpu.memory_space<semaphore_mem>>)
    %dma_wait3A_692 = arith.constant 576 : i32
    %dma_wait3A_693 = tpu.memref_slice %arg10[%dma_wait3A_692] : memref<1600xi32, #tpu.memory_space<vmem>> -> memref<64xi32, #tpu.memory_space<vmem>>
    %dma_wait3A_694 = arith.constant 0 : i32
    %dma_wait3A_695 = arith.constant 0 : i32
    %dma_wait3A_696 = tpu.memref_slice %arg5[%dma_wait3A_694, %dma_wait3A_695] : memref<250000x128xf32, #tpu.memory_space<hbm>> -> memref<250000x128xf32, #tpu.memory_space<hbm>>
    tpu.wait_indirect_dma semaphore(%arg16 : memref<!tpu.dma_semaphore, #tpu.memory_space<semaphore_mem>>) src(%dma_wait3A_696 : memref<250000x128xf32, #tpu.memory_space<hbm>>) dst(%arg14 : memref<64x128xf32, #tpu.memory_space<vmem>>)
    %add3A_697 = arith.constant 576 : i32
    %add3A_698 = arith.addi %mul3A_2, %add3A_697 : i32
    %dma_start3A_699 = arith.constant 0 : i32
    %dma_start3A_700 = tpu.memref_slice %arg8[%add3A_698, %dma_start3A_699] : memref<51200x128xf32, #tpu.memory_space<hbm>> -> memref<64x128xf32, #tpu.memory_space<hbm>>
    %dma_start3A_701 = arith.constant 0 : i32
    %dma_start3A_702 = tpu.memref_slice %arg8[%add3A_698, %dma_start3A_701] : memref<51200x128xf32, #tpu.memory_space<hbm>> -> memref<64x128xf32, #tpu.memory_space<hbm>>
    tpu.enqueue_dma source(%arg14 : memref<64x128xf32, #tpu.memory_space<vmem>>) target(%dma_start3A_702 : memref<64x128xf32, #tpu.memory_space<hbm>>) target_semaphore(%arg17 : memref<!tpu.dma_semaphore, #tpu.memory_space<semaphore_mem>>)
    %dma_wait3A_703 = arith.constant 0 : i32
    %dma_wait3A_704 = tpu.memref_slice %arg8[%add3A_678, %dma_wait3A_703] : memref<51200x128xf32, #tpu.memory_space<hbm>> -> memref<64x128xf32, #tpu.memory_space<hbm>>
    %dma_wait3A_705 = arith.constant 0 : i32
    %dma_wait3A_706 = tpu.memref_slice %arg8[%add3A_678, %dma_wait3A_705] : memref<51200x128xf32, #tpu.memory_space<hbm>> -> memref<64x128xf32, #tpu.memory_space<hbm>>
    tpu.wait_dma2 semaphore(%arg17 : memref<!tpu.dma_semaphore, #tpu.memory_space<semaphore_mem>>) src(%arg13 : memref<64x128xf32, #tpu.memory_space<vmem>>) dst(%dma_wait3A_706 : memref<64x128xf32, #tpu.memory_space<hbm>>)
    %dma_start3A_707 = arith.constant 768 : i32
    %dma_start3A_708 = tpu.memref_slice %arg10[%dma_start3A_707] : memref<1600xi32, #tpu.memory_space<vmem>> -> memref<64xi32, #tpu.memory_space<vmem>>
    %dma_start3A_709 = arith.constant 0 : i32
    %dma_start3A_710 = arith.constant 0 : i32
    %dma_start3A_711 = tpu.memref_slice %arg5[%dma_start3A_709, %dma_start3A_710] : memref<250000x128xf32, #tpu.memory_space<hbm>> -> memref<250000x128xf32, #tpu.memory_space<hbm>>
    tpu.enqueue_indirect_dma source(%dma_start3A_711 : memref<250000x128xf32, #tpu.memory_space<hbm>>) target(%arg13 : memref<64x128xf32, #tpu.memory_space<vmem>>) offsets(%dma_start3A_708 : memref<64xi32, #tpu.memory_space<vmem>>) semaphore(%arg16 : memref<!tpu.dma_semaphore, #tpu.memory_space<semaphore_mem>>)
    %dma_wait3A_712 = arith.constant 640 : i32
    %dma_wait3A_713 = tpu.memref_slice %arg10[%dma_wait3A_712] : memref<1600xi32, #tpu.memory_space<vmem>> -> memref<64xi32, #tpu.memory_space<vmem>>
    %dma_wait3A_714 = arith.constant 0 : i32
    %dma_wait3A_715 = arith.constant 0 : i32
    %dma_wait3A_716 = tpu.memref_slice %arg5[%dma_wait3A_714, %dma_wait3A_715] : memref<250000x128xf32, #tpu.memory_space<hbm>> -> memref<250000x128xf32, #tpu.memory_space<hbm>>
    tpu.wait_indirect_dma semaphore(%arg16 : memref<!tpu.dma_semaphore, #tpu.memory_space<semaphore_mem>>) src(%dma_wait3A_716 : memref<250000x128xf32, #tpu.memory_space<hbm>>) dst(%arg15 : memref<64x128xf32, #tpu.memory_space<vmem>>)
    %add3A_717 = arith.constant 640 : i32
    %add3A_718 = arith.addi %mul3A_2, %add3A_717 : i32
    %dma_start3A_719 = arith.constant 0 : i32
    %dma_start3A_720 = tpu.memref_slice %arg8[%add3A_718, %dma_start3A_719] : memref<51200x128xf32, #tpu.memory_space<hbm>> -> memref<64x128xf32, #tpu.memory_space<hbm>>
    %dma_start3A_721 = arith.constant 0 : i32
    %dma_start3A_722 = tpu.memref_slice %arg8[%add3A_718, %dma_start3A_721] : memref<51200x128xf32, #tpu.memory_space<hbm>> -> memref<64x128xf32, #tpu.memory_space<hbm>>
    tpu.enqueue_dma source(%arg15 : memref<64x128xf32, #tpu.memory_space<vmem>>) target(%dma_start3A_722 : memref<64x128xf32, #tpu.memory_space<hbm>>) target_semaphore(%arg17 : memref<!tpu.dma_semaphore, #tpu.memory_space<semaphore_mem>>)
    %dma_wait3A_723 = arith.constant 0 : i32
    %dma_wait3A_724 = tpu.memref_slice %arg8[%add3A_698, %dma_wait3A_723] : memref<51200x128xf32, #tpu.memory_space<hbm>> -> memref<64x128xf32, #tpu.memory_space<hbm>>
    %dma_wait3A_725 = arith.constant 0 : i32
    %dma_wait3A_726 = tpu.memref_slice %arg8[%add3A_698, %dma_wait3A_725] : memref<51200x128xf32, #tpu.memory_space<hbm>> -> memref<64x128xf32, #tpu.memory_space<hbm>>
    tpu.wait_dma2 semaphore(%arg17 : memref<!tpu.dma_semaphore, #tpu.memory_space<semaphore_mem>>) src(%arg14 : memref<64x128xf32, #tpu.memory_space<vmem>>) dst(%dma_wait3A_726 : memref<64x128xf32, #tpu.memory_space<hbm>>)
    %dma_start3A_727 = arith.constant 832 : i32
    %dma_start3A_728 = tpu.memref_slice %arg10[%dma_start3A_727] : memref<1600xi32, #tpu.memory_space<vmem>> -> memref<64xi32, #tpu.memory_space<vmem>>
    %dma_start3A_729 = arith.constant 0 : i32
    %dma_start3A_730 = arith.constant 0 : i32
    %dma_start3A_731 = tpu.memref_slice %arg5[%dma_start3A_729, %dma_start3A_730] : memref<250000x128xf32, #tpu.memory_space<hbm>> -> memref<250000x128xf32, #tpu.memory_space<hbm>>
    tpu.enqueue_indirect_dma source(%dma_start3A_731 : memref<250000x128xf32, #tpu.memory_space<hbm>>) target(%arg14 : memref<64x128xf32, #tpu.memory_space<vmem>>) offsets(%dma_start3A_728 : memref<64xi32, #tpu.memory_space<vmem>>) semaphore(%arg16 : memref<!tpu.dma_semaphore, #tpu.memory_space<semaphore_mem>>)
    %dma_wait3A_732 = arith.constant 704 : i32
    %dma_wait3A_733 = tpu.memref_slice %arg10[%dma_wait3A_732] : memref<1600xi32, #tpu.memory_space<vmem>> -> memref<64xi32, #tpu.memory_space<vmem>>
    %dma_wait3A_734 = arith.constant 0 : i32
    %dma_wait3A_735 = arith.constant 0 : i32
    %dma_wait3A_736 = tpu.memref_slice %arg5[%dma_wait3A_734, %dma_wait3A_735] : memref<250000x128xf32, #tpu.memory_space<hbm>> -> memref<250000x128xf32, #tpu.memory_space<hbm>>
    tpu.wait_indirect_dma semaphore(%arg16 : memref<!tpu.dma_semaphore, #tpu.memory_space<semaphore_mem>>) src(%dma_wait3A_736 : memref<250000x128xf32, #tpu.memory_space<hbm>>) dst(%arg12 : memref<64x128xf32, #tpu.memory_space<vmem>>)
    %add3A_737 = arith.constant 704 : i32
    %add3A_738 = arith.addi %mul3A_2, %add3A_737 : i32
    %dma_start3A_739 = arith.constant 0 : i32
    %dma_start3A_740 = tpu.memref_slice %arg8[%add3A_738, %dma_start3A_739] : memref<51200x128xf32, #tpu.memory_space<hbm>> -> memref<64x128xf32, #tpu.memory_space<hbm>>
    %dma_start3A_741 = arith.constant 0 : i32
    %dma_start3A_742 = tpu.memref_slice %arg8[%add3A_738, %dma_start3A_741] : memref<51200x128xf32, #tpu.memory_space<hbm>> -> memref<64x128xf32, #tpu.memory_space<hbm>>
    tpu.enqueue_dma source(%arg12 : memref<64x128xf32, #tpu.memory_space<vmem>>) target(%dma_start3A_742 : memref<64x128xf32, #tpu.memory_space<hbm>>) target_semaphore(%arg17 : memref<!tpu.dma_semaphore, #tpu.memory_space<semaphore_mem>>)
    %dma_wait3A_743 = arith.constant 0 : i32
    %dma_wait3A_744 = tpu.memref_slice %arg8[%add3A_718, %dma_wait3A_743] : memref<51200x128xf32, #tpu.memory_space<hbm>> -> memref<64x128xf32, #tpu.memory_space<hbm>>
    %dma_wait3A_745 = arith.constant 0 : i32
    %dma_wait3A_746 = tpu.memref_slice %arg8[%add3A_718, %dma_wait3A_745] : memref<51200x128xf32, #tpu.memory_space<hbm>> -> memref<64x128xf32, #tpu.memory_space<hbm>>
    tpu.wait_dma2 semaphore(%arg17 : memref<!tpu.dma_semaphore, #tpu.memory_space<semaphore_mem>>) src(%arg15 : memref<64x128xf32, #tpu.memory_space<vmem>>) dst(%dma_wait3A_746 : memref<64x128xf32, #tpu.memory_space<hbm>>)
    %dma_start3A_747 = arith.constant 896 : i32
    %dma_start3A_748 = tpu.memref_slice %arg10[%dma_start3A_747] : memref<1600xi32, #tpu.memory_space<vmem>> -> memref<64xi32, #tpu.memory_space<vmem>>
    %dma_start3A_749 = arith.constant 0 : i32
    %dma_start3A_750 = arith.constant 0 : i32
    %dma_start3A_751 = tpu.memref_slice %arg5[%dma_start3A_749, %dma_start3A_750] : memref<250000x128xf32, #tpu.memory_space<hbm>> -> memref<250000x128xf32, #tpu.memory_space<hbm>>
    tpu.enqueue_indirect_dma source(%dma_start3A_751 : memref<250000x128xf32, #tpu.memory_space<hbm>>) target(%arg15 : memref<64x128xf32, #tpu.memory_space<vmem>>) offsets(%dma_start3A_748 : memref<64xi32, #tpu.memory_space<vmem>>) semaphore(%arg16 : memref<!tpu.dma_semaphore, #tpu.memory_space<semaphore_mem>>)
    %dma_wait3A_752 = arith.constant 768 : i32
    %dma_wait3A_753 = tpu.memref_slice %arg10[%dma_wait3A_752] : memref<1600xi32, #tpu.memory_space<vmem>> -> memref<64xi32, #tpu.memory_space<vmem>>
    %dma_wait3A_754 = arith.constant 0 : i32
    %dma_wait3A_755 = arith.constant 0 : i32
    %dma_wait3A_756 = tpu.memref_slice %arg5[%dma_wait3A_754, %dma_wait3A_755] : memref<250000x128xf32, #tpu.memory_space<hbm>> -> memref<250000x128xf32, #tpu.memory_space<hbm>>
    tpu.wait_indirect_dma semaphore(%arg16 : memref<!tpu.dma_semaphore, #tpu.memory_space<semaphore_mem>>) src(%dma_wait3A_756 : memref<250000x128xf32, #tpu.memory_space<hbm>>) dst(%arg13 : memref<64x128xf32, #tpu.memory_space<vmem>>)
    %add3A_757 = arith.constant 768 : i32
    %add3A_758 = arith.addi %mul3A_2, %add3A_757 : i32
    %dma_start3A_759 = arith.constant 0 : i32
    %dma_start3A_760 = tpu.memref_slice %arg8[%add3A_758, %dma_start3A_759] : memref<51200x128xf32, #tpu.memory_space<hbm>> -> memref<64x128xf32, #tpu.memory_space<hbm>>
    %dma_start3A_761 = arith.constant 0 : i32
    %dma_start3A_762 = tpu.memref_slice %arg8[%add3A_758, %dma_start3A_761] : memref<51200x128xf32, #tpu.memory_space<hbm>> -> memref<64x128xf32, #tpu.memory_space<hbm>>
    tpu.enqueue_dma source(%arg13 : memref<64x128xf32, #tpu.memory_space<vmem>>) target(%dma_start3A_762 : memref<64x128xf32, #tpu.memory_space<hbm>>) target_semaphore(%arg17 : memref<!tpu.dma_semaphore, #tpu.memory_space<semaphore_mem>>)
    %dma_wait3A_763 = arith.constant 0 : i32
    %dma_wait3A_764 = tpu.memref_slice %arg8[%add3A_738, %dma_wait3A_763] : memref<51200x128xf32, #tpu.memory_space<hbm>> -> memref<64x128xf32, #tpu.memory_space<hbm>>
    %dma_wait3A_765 = arith.constant 0 : i32
    %dma_wait3A_766 = tpu.memref_slice %arg8[%add3A_738, %dma_wait3A_765] : memref<51200x128xf32, #tpu.memory_space<hbm>> -> memref<64x128xf32, #tpu.memory_space<hbm>>
    tpu.wait_dma2 semaphore(%arg17 : memref<!tpu.dma_semaphore, #tpu.memory_space<semaphore_mem>>) src(%arg12 : memref<64x128xf32, #tpu.memory_space<vmem>>) dst(%dma_wait3A_766 : memref<64x128xf32, #tpu.memory_space<hbm>>)
    %dma_start3A_767 = arith.constant 960 : i32
    %dma_start3A_768 = tpu.memref_slice %arg10[%dma_start3A_767] : memref<1600xi32, #tpu.memory_space<vmem>> -> memref<64xi32, #tpu.memory_space<vmem>>
    %dma_start3A_769 = arith.constant 0 : i32
    %dma_start3A_770 = arith.constant 0 : i32
    %dma_start3A_771 = tpu.memref_slice %arg5[%dma_start3A_769, %dma_start3A_770] : memref<250000x128xf32, #tpu.memory_space<hbm>> -> memref<250000x128xf32, #tpu.memory_space<hbm>>
    tpu.enqueue_indirect_dma source(%dma_start3A_771 : memref<250000x128xf32, #tpu.memory_space<hbm>>) target(%arg12 : memref<64x128xf32, #tpu.memory_space<vmem>>) offsets(%dma_start3A_768 : memref<64xi32, #tpu.memory_space<vmem>>) semaphore(%arg16 : memref<!tpu.dma_semaphore, #tpu.memory_space<semaphore_mem>>)
    %dma_wait3A_772 = arith.constant 832 : i32
    %dma_wait3A_773 = tpu.memref_slice %arg10[%dma_wait3A_772] : memref<1600xi32, #tpu.memory_space<vmem>> -> memref<64xi32, #tpu.memory_space<vmem>>
    %dma_wait3A_774 = arith.constant 0 : i32
    %dma_wait3A_775 = arith.constant 0 : i32
    %dma_wait3A_776 = tpu.memref_slice %arg5[%dma_wait3A_774, %dma_wait3A_775] : memref<250000x128xf32, #tpu.memory_space<hbm>> -> memref<250000x128xf32, #tpu.memory_space<hbm>>
    tpu.wait_indirect_dma semaphore(%arg16 : memref<!tpu.dma_semaphore, #tpu.memory_space<semaphore_mem>>) src(%dma_wait3A_776 : memref<250000x128xf32, #tpu.memory_space<hbm>>) dst(%arg14 : memref<64x128xf32, #tpu.memory_space<vmem>>)
    %add3A_777 = arith.constant 832 : i32
    %add3A_778 = arith.addi %mul3A_2, %add3A_777 : i32
    %dma_start3A_779 = arith.constant 0 : i32
    %dma_start3A_780 = tpu.memref_slice %arg8[%add3A_778, %dma_start3A_779] : memref<51200x128xf32, #tpu.memory_space<hbm>> -> memref<64x128xf32, #tpu.memory_space<hbm>>
    %dma_start3A_781 = arith.constant 0 : i32
    %dma_start3A_782 = tpu.memref_slice %arg8[%add3A_778, %dma_start3A_781] : memref<51200x128xf32, #tpu.memory_space<hbm>> -> memref<64x128xf32, #tpu.memory_space<hbm>>
    tpu.enqueue_dma source(%arg14 : memref<64x128xf32, #tpu.memory_space<vmem>>) target(%dma_start3A_782 : memref<64x128xf32, #tpu.memory_space<hbm>>) target_semaphore(%arg17 : memref<!tpu.dma_semaphore, #tpu.memory_space<semaphore_mem>>)
    %dma_wait3A_783 = arith.constant 0 : i32
    %dma_wait3A_784 = tpu.memref_slice %arg8[%add3A_758, %dma_wait3A_783] : memref<51200x128xf32, #tpu.memory_space<hbm>> -> memref<64x128xf32, #tpu.memory_space<hbm>>
    %dma_wait3A_785 = arith.constant 0 : i32
    %dma_wait3A_786 = tpu.memref_slice %arg8[%add3A_758, %dma_wait3A_785] : memref<51200x128xf32, #tpu.memory_space<hbm>> -> memref<64x128xf32, #tpu.memory_space<hbm>>
    tpu.wait_dma2 semaphore(%arg17 : memref<!tpu.dma_semaphore, #tpu.memory_space<semaphore_mem>>) src(%arg13 : memref<64x128xf32, #tpu.memory_space<vmem>>) dst(%dma_wait3A_786 : memref<64x128xf32, #tpu.memory_space<hbm>>)
    %dma_start3A_787 = arith.constant 1024 : i32
    %dma_start3A_788 = tpu.memref_slice %arg10[%dma_start3A_787] : memref<1600xi32, #tpu.memory_space<vmem>> -> memref<64xi32, #tpu.memory_space<vmem>>
    %dma_start3A_789 = arith.constant 0 : i32
    %dma_start3A_790 = arith.constant 0 : i32
    %dma_start3A_791 = tpu.memref_slice %arg5[%dma_start3A_789, %dma_start3A_790] : memref<250000x128xf32, #tpu.memory_space<hbm>> -> memref<250000x128xf32, #tpu.memory_space<hbm>>
    tpu.enqueue_indirect_dma source(%dma_start3A_791 : memref<250000x128xf32, #tpu.memory_space<hbm>>) target(%arg13 : memref<64x128xf32, #tpu.memory_space<vmem>>) offsets(%dma_start3A_788 : memref<64xi32, #tpu.memory_space<vmem>>) semaphore(%arg16 : memref<!tpu.dma_semaphore, #tpu.memory_space<semaphore_mem>>)
    %dma_wait3A_792 = arith.constant 896 : i32
    %dma_wait3A_793 = tpu.memref_slice %arg10[%dma_wait3A_792] : memref<1600xi32, #tpu.memory_space<vmem>> -> memref<64xi32, #tpu.memory_space<vmem>>
    %dma_wait3A_794 = arith.constant 0 : i32
    %dma_wait3A_795 = arith.constant 0 : i32
    %dma_wait3A_796 = tpu.memref_slice %arg5[%dma_wait3A_794, %dma_wait3A_795] : memref<250000x128xf32, #tpu.memory_space<hbm>> -> memref<250000x128xf32, #tpu.memory_space<hbm>>
    tpu.wait_indirect_dma semaphore(%arg16 : memref<!tpu.dma_semaphore, #tpu.memory_space<semaphore_mem>>) src(%dma_wait3A_796 : memref<250000x128xf32, #tpu.memory_space<hbm>>) dst(%arg15 : memref<64x128xf32, #tpu.memory_space<vmem>>)
    %add3A_797 = arith.constant 896 : i32
    %add3A_798 = arith.addi %mul3A_2, %add3A_797 : i32
    %dma_start3A_799 = arith.constant 0 : i32
    %dma_start3A_800 = tpu.memref_slice %arg8[%add3A_798, %dma_start3A_799] : memref<51200x128xf32, #tpu.memory_space<hbm>> -> memref<64x128xf32, #tpu.memory_space<hbm>>
    %dma_start3A_801 = arith.constant 0 : i32
    %dma_start3A_802 = tpu.memref_slice %arg8[%add3A_798, %dma_start3A_801] : memref<51200x128xf32, #tpu.memory_space<hbm>> -> memref<64x128xf32, #tpu.memory_space<hbm>>
    tpu.enqueue_dma source(%arg15 : memref<64x128xf32, #tpu.memory_space<vmem>>) target(%dma_start3A_802 : memref<64x128xf32, #tpu.memory_space<hbm>>) target_semaphore(%arg17 : memref<!tpu.dma_semaphore, #tpu.memory_space<semaphore_mem>>)
    %dma_wait3A_803 = arith.constant 0 : i32
    %dma_wait3A_804 = tpu.memref_slice %arg8[%add3A_778, %dma_wait3A_803] : memref<51200x128xf32, #tpu.memory_space<hbm>> -> memref<64x128xf32, #tpu.memory_space<hbm>>
    %dma_wait3A_805 = arith.constant 0 : i32
    %dma_wait3A_806 = tpu.memref_slice %arg8[%add3A_778, %dma_wait3A_805] : memref<51200x128xf32, #tpu.memory_space<hbm>> -> memref<64x128xf32, #tpu.memory_space<hbm>>
    tpu.wait_dma2 semaphore(%arg17 : memref<!tpu.dma_semaphore, #tpu.memory_space<semaphore_mem>>) src(%arg14 : memref<64x128xf32, #tpu.memory_space<vmem>>) dst(%dma_wait3A_806 : memref<64x128xf32, #tpu.memory_space<hbm>>)
    %dma_start3A_807 = arith.constant 1088 : i32
    %dma_start3A_808 = tpu.memref_slice %arg10[%dma_start3A_807] : memref<1600xi32, #tpu.memory_space<vmem>> -> memref<64xi32, #tpu.memory_space<vmem>>
    %dma_start3A_809 = arith.constant 0 : i32
    %dma_start3A_810 = arith.constant 0 : i32
    %dma_start3A_811 = tpu.memref_slice %arg5[%dma_start3A_809, %dma_start3A_810] : memref<250000x128xf32, #tpu.memory_space<hbm>> -> memref<250000x128xf32, #tpu.memory_space<hbm>>
    tpu.enqueue_indirect_dma source(%dma_start3A_811 : memref<250000x128xf32, #tpu.memory_space<hbm>>) target(%arg14 : memref<64x128xf32, #tpu.memory_space<vmem>>) offsets(%dma_start3A_808 : memref<64xi32, #tpu.memory_space<vmem>>) semaphore(%arg16 : memref<!tpu.dma_semaphore, #tpu.memory_space<semaphore_mem>>)
    %dma_wait3A_812 = arith.constant 960 : i32
    %dma_wait3A_813 = tpu.memref_slice %arg10[%dma_wait3A_812] : memref<1600xi32, #tpu.memory_space<vmem>> -> memref<64xi32, #tpu.memory_space<vmem>>
    %dma_wait3A_814 = arith.constant 0 : i32
    %dma_wait3A_815 = arith.constant 0 : i32
    %dma_wait3A_816 = tpu.memref_slice %arg5[%dma_wait3A_814, %dma_wait3A_815] : memref<250000x128xf32, #tpu.memory_space<hbm>> -> memref<250000x128xf32, #tpu.memory_space<hbm>>
    tpu.wait_indirect_dma semaphore(%arg16 : memref<!tpu.dma_semaphore, #tpu.memory_space<semaphore_mem>>) src(%dma_wait3A_816 : memref<250000x128xf32, #tpu.memory_space<hbm>>) dst(%arg12 : memref<64x128xf32, #tpu.memory_space<vmem>>)
    %add3A_817 = arith.constant 960 : i32
    %add3A_818 = arith.addi %mul3A_2, %add3A_817 : i32
    %dma_start3A_819 = arith.constant 0 : i32
    %dma_start3A_820 = tpu.memref_slice %arg8[%add3A_818, %dma_start3A_819] : memref<51200x128xf32, #tpu.memory_space<hbm>> -> memref<64x128xf32, #tpu.memory_space<hbm>>
    %dma_start3A_821 = arith.constant 0 : i32
    %dma_start3A_822 = tpu.memref_slice %arg8[%add3A_818, %dma_start3A_821] : memref<51200x128xf32, #tpu.memory_space<hbm>> -> memref<64x128xf32, #tpu.memory_space<hbm>>
    tpu.enqueue_dma source(%arg12 : memref<64x128xf32, #tpu.memory_space<vmem>>) target(%dma_start3A_822 : memref<64x128xf32, #tpu.memory_space<hbm>>) target_semaphore(%arg17 : memref<!tpu.dma_semaphore, #tpu.memory_space<semaphore_mem>>)
    %dma_wait3A_823 = arith.constant 0 : i32
    %dma_wait3A_824 = tpu.memref_slice %arg8[%add3A_798, %dma_wait3A_823] : memref<51200x128xf32, #tpu.memory_space<hbm>> -> memref<64x128xf32, #tpu.memory_space<hbm>>
    %dma_wait3A_825 = arith.constant 0 : i32
    %dma_wait3A_826 = tpu.memref_slice %arg8[%add3A_798, %dma_wait3A_825] : memref<51200x128xf32, #tpu.memory_space<hbm>> -> memref<64x128xf32, #tpu.memory_space<hbm>>
    tpu.wait_dma2 semaphore(%arg17 : memref<!tpu.dma_semaphore, #tpu.memory_space<semaphore_mem>>) src(%arg15 : memref<64x128xf32, #tpu.memory_space<vmem>>) dst(%dma_wait3A_826 : memref<64x128xf32, #tpu.memory_space<hbm>>)
    %dma_start3A_827 = arith.constant 1152 : i32
    %dma_start3A_828 = tpu.memref_slice %arg10[%dma_start3A_827] : memref<1600xi32, #tpu.memory_space<vmem>> -> memref<64xi32, #tpu.memory_space<vmem>>
    %dma_start3A_829 = arith.constant 0 : i32
    %dma_start3A_830 = arith.constant 0 : i32
    %dma_start3A_831 = tpu.memref_slice %arg5[%dma_start3A_829, %dma_start3A_830] : memref<250000x128xf32, #tpu.memory_space<hbm>> -> memref<250000x128xf32, #tpu.memory_space<hbm>>
    tpu.enqueue_indirect_dma source(%dma_start3A_831 : memref<250000x128xf32, #tpu.memory_space<hbm>>) target(%arg15 : memref<64x128xf32, #tpu.memory_space<vmem>>) offsets(%dma_start3A_828 : memref<64xi32, #tpu.memory_space<vmem>>) semaphore(%arg16 : memref<!tpu.dma_semaphore, #tpu.memory_space<semaphore_mem>>)
    %dma_wait3A_832 = arith.constant 1024 : i32
    %dma_wait3A_833 = tpu.memref_slice %arg10[%dma_wait3A_832] : memref<1600xi32, #tpu.memory_space<vmem>> -> memref<64xi32, #tpu.memory_space<vmem>>
    %dma_wait3A_834 = arith.constant 0 : i32
    %dma_wait3A_835 = arith.constant 0 : i32
    %dma_wait3A_836 = tpu.memref_slice %arg5[%dma_wait3A_834, %dma_wait3A_835] : memref<250000x128xf32, #tpu.memory_space<hbm>> -> memref<250000x128xf32, #tpu.memory_space<hbm>>
    tpu.wait_indirect_dma semaphore(%arg16 : memref<!tpu.dma_semaphore, #tpu.memory_space<semaphore_mem>>) src(%dma_wait3A_836 : memref<250000x128xf32, #tpu.memory_space<hbm>>) dst(%arg13 : memref<64x128xf32, #tpu.memory_space<vmem>>)
    %add3A_837 = arith.constant 1024 : i32
    %add3A_838 = arith.addi %mul3A_2, %add3A_837 : i32
    %dma_start3A_839 = arith.constant 0 : i32
    %dma_start3A_840 = tpu.memref_slice %arg8[%add3A_838, %dma_start3A_839] : memref<51200x128xf32, #tpu.memory_space<hbm>> -> memref<64x128xf32, #tpu.memory_space<hbm>>
    %dma_start3A_841 = arith.constant 0 : i32
    %dma_start3A_842 = tpu.memref_slice %arg8[%add3A_838, %dma_start3A_841] : memref<51200x128xf32, #tpu.memory_space<hbm>> -> memref<64x128xf32, #tpu.memory_space<hbm>>
    tpu.enqueue_dma source(%arg13 : memref<64x128xf32, #tpu.memory_space<vmem>>) target(%dma_start3A_842 : memref<64x128xf32, #tpu.memory_space<hbm>>) target_semaphore(%arg17 : memref<!tpu.dma_semaphore, #tpu.memory_space<semaphore_mem>>)
    %dma_wait3A_843 = arith.constant 0 : i32
    %dma_wait3A_844 = tpu.memref_slice %arg8[%add3A_818, %dma_wait3A_843] : memref<51200x128xf32, #tpu.memory_space<hbm>> -> memref<64x128xf32, #tpu.memory_space<hbm>>
    %dma_wait3A_845 = arith.constant 0 : i32
    %dma_wait3A_846 = tpu.memref_slice %arg8[%add3A_818, %dma_wait3A_845] : memref<51200x128xf32, #tpu.memory_space<hbm>> -> memref<64x128xf32, #tpu.memory_space<hbm>>
    tpu.wait_dma2 semaphore(%arg17 : memref<!tpu.dma_semaphore, #tpu.memory_space<semaphore_mem>>) src(%arg12 : memref<64x128xf32, #tpu.memory_space<vmem>>) dst(%dma_wait3A_846 : memref<64x128xf32, #tpu.memory_space<hbm>>)
    %dma_start3A_847 = arith.constant 1216 : i32
    %dma_start3A_848 = tpu.memref_slice %arg10[%dma_start3A_847] : memref<1600xi32, #tpu.memory_space<vmem>> -> memref<64xi32, #tpu.memory_space<vmem>>
    %dma_start3A_849 = arith.constant 0 : i32
    %dma_start3A_850 = arith.constant 0 : i32
    %dma_start3A_851 = tpu.memref_slice %arg5[%dma_start3A_849, %dma_start3A_850] : memref<250000x128xf32, #tpu.memory_space<hbm>> -> memref<250000x128xf32, #tpu.memory_space<hbm>>
    tpu.enqueue_indirect_dma source(%dma_start3A_851 : memref<250000x128xf32, #tpu.memory_space<hbm>>) target(%arg12 : memref<64x128xf32, #tpu.memory_space<vmem>>) offsets(%dma_start3A_848 : memref<64xi32, #tpu.memory_space<vmem>>) semaphore(%arg16 : memref<!tpu.dma_semaphore, #tpu.memory_space<semaphore_mem>>)
    %dma_wait3A_852 = arith.constant 1088 : i32
    %dma_wait3A_853 = tpu.memref_slice %arg10[%dma_wait3A_852] : memref<1600xi32, #tpu.memory_space<vmem>> -> memref<64xi32, #tpu.memory_space<vmem>>
    %dma_wait3A_854 = arith.constant 0 : i32
    %dma_wait3A_855 = arith.constant 0 : i32
    %dma_wait3A_856 = tpu.memref_slice %arg5[%dma_wait3A_854, %dma_wait3A_855] : memref<250000x128xf32, #tpu.memory_space<hbm>> -> memref<250000x128xf32, #tpu.memory_space<hbm>>
    tpu.wait_indirect_dma semaphore(%arg16 : memref<!tpu.dma_semaphore, #tpu.memory_space<semaphore_mem>>) src(%dma_wait3A_856 : memref<250000x128xf32, #tpu.memory_space<hbm>>) dst(%arg14 : memref<64x128xf32, #tpu.memory_space<vmem>>)
    %add3A_857 = arith.constant 1088 : i32
    %add3A_858 = arith.addi %mul3A_2, %add3A_857 : i32
    %dma_start3A_859 = arith.constant 0 : i32
    %dma_start3A_860 = tpu.memref_slice %arg8[%add3A_858, %dma_start3A_859] : memref<51200x128xf32, #tpu.memory_space<hbm>> -> memref<64x128xf32, #tpu.memory_space<hbm>>
    %dma_start3A_861 = arith.constant 0 : i32
    %dma_start3A_862 = tpu.memref_slice %arg8[%add3A_858, %dma_start3A_861] : memref<51200x128xf32, #tpu.memory_space<hbm>> -> memref<64x128xf32, #tpu.memory_space<hbm>>
    tpu.enqueue_dma source(%arg14 : memref<64x128xf32, #tpu.memory_space<vmem>>) target(%dma_start3A_862 : memref<64x128xf32, #tpu.memory_space<hbm>>) target_semaphore(%arg17 : memref<!tpu.dma_semaphore, #tpu.memory_space<semaphore_mem>>)
    %dma_wait3A_863 = arith.constant 0 : i32
    %dma_wait3A_864 = tpu.memref_slice %arg8[%add3A_838, %dma_wait3A_863] : memref<51200x128xf32, #tpu.memory_space<hbm>> -> memref<64x128xf32, #tpu.memory_space<hbm>>
    %dma_wait3A_865 = arith.constant 0 : i32
    %dma_wait3A_866 = tpu.memref_slice %arg8[%add3A_838, %dma_wait3A_865] : memref<51200x128xf32, #tpu.memory_space<hbm>> -> memref<64x128xf32, #tpu.memory_space<hbm>>
    tpu.wait_dma2 semaphore(%arg17 : memref<!tpu.dma_semaphore, #tpu.memory_space<semaphore_mem>>) src(%arg13 : memref<64x128xf32, #tpu.memory_space<vmem>>) dst(%dma_wait3A_866 : memref<64x128xf32, #tpu.memory_space<hbm>>)
    %dma_start3A_867 = arith.constant 1280 : i32
    %dma_start3A_868 = tpu.memref_slice %arg10[%dma_start3A_867] : memref<1600xi32, #tpu.memory_space<vmem>> -> memref<64xi32, #tpu.memory_space<vmem>>
    %dma_start3A_869 = arith.constant 0 : i32
    %dma_start3A_870 = arith.constant 0 : i32
    %dma_start3A_871 = tpu.memref_slice %arg5[%dma_start3A_869, %dma_start3A_870] : memref<250000x128xf32, #tpu.memory_space<hbm>> -> memref<250000x128xf32, #tpu.memory_space<hbm>>
    tpu.enqueue_indirect_dma source(%dma_start3A_871 : memref<250000x128xf32, #tpu.memory_space<hbm>>) target(%arg13 : memref<64x128xf32, #tpu.memory_space<vmem>>) offsets(%dma_start3A_868 : memref<64xi32, #tpu.memory_space<vmem>>) semaphore(%arg16 : memref<!tpu.dma_semaphore, #tpu.memory_space<semaphore_mem>>)
    %dma_wait3A_872 = arith.constant 1152 : i32
    %dma_wait3A_873 = tpu.memref_slice %arg10[%dma_wait3A_872] : memref<1600xi32, #tpu.memory_space<vmem>> -> memref<64xi32, #tpu.memory_space<vmem>>
    %dma_wait3A_874 = arith.constant 0 : i32
    %dma_wait3A_875 = arith.constant 0 : i32
    %dma_wait3A_876 = tpu.memref_slice %arg5[%dma_wait3A_874, %dma_wait3A_875] : memref<250000x128xf32, #tpu.memory_space<hbm>> -> memref<250000x128xf32, #tpu.memory_space<hbm>>
    tpu.wait_indirect_dma semaphore(%arg16 : memref<!tpu.dma_semaphore, #tpu.memory_space<semaphore_mem>>) src(%dma_wait3A_876 : memref<250000x128xf32, #tpu.memory_space<hbm>>) dst(%arg15 : memref<64x128xf32, #tpu.memory_space<vmem>>)
    %add3A_877 = arith.constant 1152 : i32
    %add3A_878 = arith.addi %mul3A_2, %add3A_877 : i32
    %dma_start3A_879 = arith.constant 0 : i32
    %dma_start3A_880 = tpu.memref_slice %arg8[%add3A_878, %dma_start3A_879] : memref<51200x128xf32, #tpu.memory_space<hbm>> -> memref<64x128xf32, #tpu.memory_space<hbm>>
    %dma_start3A_881 = arith.constant 0 : i32
    %dma_start3A_882 = tpu.memref_slice %arg8[%add3A_878, %dma_start3A_881] : memref<51200x128xf32, #tpu.memory_space<hbm>> -> memref<64x128xf32, #tpu.memory_space<hbm>>
    tpu.enqueue_dma source(%arg15 : memref<64x128xf32, #tpu.memory_space<vmem>>) target(%dma_start3A_882 : memref<64x128xf32, #tpu.memory_space<hbm>>) target_semaphore(%arg17 : memref<!tpu.dma_semaphore, #tpu.memory_space<semaphore_mem>>)
    %dma_wait3A_883 = arith.constant 0 : i32
    %dma_wait3A_884 = tpu.memref_slice %arg8[%add3A_858, %dma_wait3A_883] : memref<51200x128xf32, #tpu.memory_space<hbm>> -> memref<64x128xf32, #tpu.memory_space<hbm>>
    %dma_wait3A_885 = arith.constant 0 : i32
    %dma_wait3A_886 = tpu.memref_slice %arg8[%add3A_858, %dma_wait3A_885] : memref<51200x128xf32, #tpu.memory_space<hbm>> -> memref<64x128xf32, #tpu.memory_space<hbm>>
    tpu.wait_dma2 semaphore(%arg17 : memref<!tpu.dma_semaphore, #tpu.memory_space<semaphore_mem>>) src(%arg14 : memref<64x128xf32, #tpu.memory_space<vmem>>) dst(%dma_wait3A_886 : memref<64x128xf32, #tpu.memory_space<hbm>>)
    %dma_start3A_887 = arith.constant 1344 : i32
    %dma_start3A_888 = tpu.memref_slice %arg10[%dma_start3A_887] : memref<1600xi32, #tpu.memory_space<vmem>> -> memref<64xi32, #tpu.memory_space<vmem>>
    %dma_start3A_889 = arith.constant 0 : i32
    %dma_start3A_890 = arith.constant 0 : i32
    %dma_start3A_891 = tpu.memref_slice %arg5[%dma_start3A_889, %dma_start3A_890] : memref<250000x128xf32, #tpu.memory_space<hbm>> -> memref<250000x128xf32, #tpu.memory_space<hbm>>
    tpu.enqueue_indirect_dma source(%dma_start3A_891 : memref<250000x128xf32, #tpu.memory_space<hbm>>) target(%arg14 : memref<64x128xf32, #tpu.memory_space<vmem>>) offsets(%dma_start3A_888 : memref<64xi32, #tpu.memory_space<vmem>>) semaphore(%arg16 : memref<!tpu.dma_semaphore, #tpu.memory_space<semaphore_mem>>)
    %dma_wait3A_892 = arith.constant 1216 : i32
    %dma_wait3A_893 = tpu.memref_slice %arg10[%dma_wait3A_892] : memref<1600xi32, #tpu.memory_space<vmem>> -> memref<64xi32, #tpu.memory_space<vmem>>
    %dma_wait3A_894 = arith.constant 0 : i32
    %dma_wait3A_895 = arith.constant 0 : i32
    %dma_wait3A_896 = tpu.memref_slice %arg5[%dma_wait3A_894, %dma_wait3A_895] : memref<250000x128xf32, #tpu.memory_space<hbm>> -> memref<250000x128xf32, #tpu.memory_space<hbm>>
    tpu.wait_indirect_dma semaphore(%arg16 : memref<!tpu.dma_semaphore, #tpu.memory_space<semaphore_mem>>) src(%dma_wait3A_896 : memref<250000x128xf32, #tpu.memory_space<hbm>>) dst(%arg12 : memref<64x128xf32, #tpu.memory_space<vmem>>)
    %add3A_897 = arith.constant 1216 : i32
    %add3A_898 = arith.addi %mul3A_2, %add3A_897 : i32
    %dma_start3A_899 = arith.constant 0 : i32
    %dma_start3A_900 = tpu.memref_slice %arg8[%add3A_898, %dma_start3A_899] : memref<51200x128xf32, #tpu.memory_space<hbm>> -> memref<64x128xf32, #tpu.memory_space<hbm>>
    %dma_start3A_901 = arith.constant 0 : i32
    %dma_start3A_902 = tpu.memref_slice %arg8[%add3A_898, %dma_start3A_901] : memref<51200x128xf32, #tpu.memory_space<hbm>> -> memref<64x128xf32, #tpu.memory_space<hbm>>
    tpu.enqueue_dma source(%arg12 : memref<64x128xf32, #tpu.memory_space<vmem>>) target(%dma_start3A_902 : memref<64x128xf32, #tpu.memory_space<hbm>>) target_semaphore(%arg17 : memref<!tpu.dma_semaphore, #tpu.memory_space<semaphore_mem>>)
    %dma_wait3A_903 = arith.constant 0 : i32
    %dma_wait3A_904 = tpu.memref_slice %arg8[%add3A_878, %dma_wait3A_903] : memref<51200x128xf32, #tpu.memory_space<hbm>> -> memref<64x128xf32, #tpu.memory_space<hbm>>
    %dma_wait3A_905 = arith.constant 0 : i32
    %dma_wait3A_906 = tpu.memref_slice %arg8[%add3A_878, %dma_wait3A_905] : memref<51200x128xf32, #tpu.memory_space<hbm>> -> memref<64x128xf32, #tpu.memory_space<hbm>>
    tpu.wait_dma2 semaphore(%arg17 : memref<!tpu.dma_semaphore, #tpu.memory_space<semaphore_mem>>) src(%arg15 : memref<64x128xf32, #tpu.memory_space<vmem>>) dst(%dma_wait3A_906 : memref<64x128xf32, #tpu.memory_space<hbm>>)
    %dma_start3A_907 = arith.constant 1408 : i32
    %dma_start3A_908 = tpu.memref_slice %arg10[%dma_start3A_907] : memref<1600xi32, #tpu.memory_space<vmem>> -> memref<64xi32, #tpu.memory_space<vmem>>
    %dma_start3A_909 = arith.constant 0 : i32
    %dma_start3A_910 = arith.constant 0 : i32
    %dma_start3A_911 = tpu.memref_slice %arg5[%dma_start3A_909, %dma_start3A_910] : memref<250000x128xf32, #tpu.memory_space<hbm>> -> memref<250000x128xf32, #tpu.memory_space<hbm>>
    tpu.enqueue_indirect_dma source(%dma_start3A_911 : memref<250000x128xf32, #tpu.memory_space<hbm>>) target(%arg15 : memref<64x128xf32, #tpu.memory_space<vmem>>) offsets(%dma_start3A_908 : memref<64xi32, #tpu.memory_space<vmem>>) semaphore(%arg16 : memref<!tpu.dma_semaphore, #tpu.memory_space<semaphore_mem>>)
    %dma_wait3A_912 = arith.constant 1280 : i32
    %dma_wait3A_913 = tpu.memref_slice %arg10[%dma_wait3A_912] : memref<1600xi32, #tpu.memory_space<vmem>> -> memref<64xi32, #tpu.memory_space<vmem>>
    %dma_wait3A_914 = arith.constant 0 : i32
    %dma_wait3A_915 = arith.constant 0 : i32
    %dma_wait3A_916 = tpu.memref_slice %arg5[%dma_wait3A_914, %dma_wait3A_915] : memref<250000x128xf32, #tpu.memory_space<hbm>> -> memref<250000x128xf32, #tpu.memory_space<hbm>>
    tpu.wait_indirect_dma semaphore(%arg16 : memref<!tpu.dma_semaphore, #tpu.memory_space<semaphore_mem>>) src(%dma_wait3A_916 : memref<250000x128xf32, #tpu.memory_space<hbm>>) dst(%arg13 : memref<64x128xf32, #tpu.memory_space<vmem>>)
    %add3A_917 = arith.constant 1280 : i32
    %add3A_918 = arith.addi %mul3A_2, %add3A_917 : i32
    %dma_start3A_919 = arith.constant 0 : i32
    %dma_start3A_920 = tpu.memref_slice %arg8[%add3A_918, %dma_start3A_919] : memref<51200x128xf32, #tpu.memory_space<hbm>> -> memref<64x128xf32, #tpu.memory_space<hbm>>
    %dma_start3A_921 = arith.constant 0 : i32
    %dma_start3A_922 = tpu.memref_slice %arg8[%add3A_918, %dma_start3A_921] : memref<51200x128xf32, #tpu.memory_space<hbm>> -> memref<64x128xf32, #tpu.memory_space<hbm>>
    tpu.enqueue_dma source(%arg13 : memref<64x128xf32, #tpu.memory_space<vmem>>) target(%dma_start3A_922 : memref<64x128xf32, #tpu.memory_space<hbm>>) target_semaphore(%arg17 : memref<!tpu.dma_semaphore, #tpu.memory_space<semaphore_mem>>)
    %dma_wait3A_923 = arith.constant 0 : i32
    %dma_wait3A_924 = tpu.memref_slice %arg8[%add3A_898, %dma_wait3A_923] : memref<51200x128xf32, #tpu.memory_space<hbm>> -> memref<64x128xf32, #tpu.memory_space<hbm>>
    %dma_wait3A_925 = arith.constant 0 : i32
    %dma_wait3A_926 = tpu.memref_slice %arg8[%add3A_898, %dma_wait3A_925] : memref<51200x128xf32, #tpu.memory_space<hbm>> -> memref<64x128xf32, #tpu.memory_space<hbm>>
    tpu.wait_dma2 semaphore(%arg17 : memref<!tpu.dma_semaphore, #tpu.memory_space<semaphore_mem>>) src(%arg12 : memref<64x128xf32, #tpu.memory_space<vmem>>) dst(%dma_wait3A_926 : memref<64x128xf32, #tpu.memory_space<hbm>>)
    %dma_start3A_927 = arith.constant 1472 : i32
    %dma_start3A_928 = tpu.memref_slice %arg10[%dma_start3A_927] : memref<1600xi32, #tpu.memory_space<vmem>> -> memref<64xi32, #tpu.memory_space<vmem>>
    %dma_start3A_929 = arith.constant 0 : i32
    %dma_start3A_930 = arith.constant 0 : i32
    %dma_start3A_931 = tpu.memref_slice %arg5[%dma_start3A_929, %dma_start3A_930] : memref<250000x128xf32, #tpu.memory_space<hbm>> -> memref<250000x128xf32, #tpu.memory_space<hbm>>
    tpu.enqueue_indirect_dma source(%dma_start3A_931 : memref<250000x128xf32, #tpu.memory_space<hbm>>) target(%arg12 : memref<64x128xf32, #tpu.memory_space<vmem>>) offsets(%dma_start3A_928 : memref<64xi32, #tpu.memory_space<vmem>>) semaphore(%arg16 : memref<!tpu.dma_semaphore, #tpu.memory_space<semaphore_mem>>)
    %dma_wait3A_932 = arith.constant 1344 : i32
    %dma_wait3A_933 = tpu.memref_slice %arg10[%dma_wait3A_932] : memref<1600xi32, #tpu.memory_space<vmem>> -> memref<64xi32, #tpu.memory_space<vmem>>
    %dma_wait3A_934 = arith.constant 0 : i32
    %dma_wait3A_935 = arith.constant 0 : i32
    %dma_wait3A_936 = tpu.memref_slice %arg5[%dma_wait3A_934, %dma_wait3A_935] : memref<250000x128xf32, #tpu.memory_space<hbm>> -> memref<250000x128xf32, #tpu.memory_space<hbm>>
    tpu.wait_indirect_dma semaphore(%arg16 : memref<!tpu.dma_semaphore, #tpu.memory_space<semaphore_mem>>) src(%dma_wait3A_936 : memref<250000x128xf32, #tpu.memory_space<hbm>>) dst(%arg14 : memref<64x128xf32, #tpu.memory_space<vmem>>)
    %add3A_937 = arith.constant 1344 : i32
    %add3A_938 = arith.addi %mul3A_2, %add3A_937 : i32
    %dma_start3A_939 = arith.constant 0 : i32
    %dma_start3A_940 = tpu.memref_slice %arg8[%add3A_938, %dma_start3A_939] : memref<51200x128xf32, #tpu.memory_space<hbm>> -> memref<64x128xf32, #tpu.memory_space<hbm>>
    %dma_start3A_941 = arith.constant 0 : i32
    %dma_start3A_942 = tpu.memref_slice %arg8[%add3A_938, %dma_start3A_941] : memref<51200x128xf32, #tpu.memory_space<hbm>> -> memref<64x128xf32, #tpu.memory_space<hbm>>
    tpu.enqueue_dma source(%arg14 : memref<64x128xf32, #tpu.memory_space<vmem>>) target(%dma_start3A_942 : memref<64x128xf32, #tpu.memory_space<hbm>>) target_semaphore(%arg17 : memref<!tpu.dma_semaphore, #tpu.memory_space<semaphore_mem>>)
    %dma_wait3A_943 = arith.constant 0 : i32
    %dma_wait3A_944 = tpu.memref_slice %arg8[%add3A_918, %dma_wait3A_943] : memref<51200x128xf32, #tpu.memory_space<hbm>> -> memref<64x128xf32, #tpu.memory_space<hbm>>
    %dma_wait3A_945 = arith.constant 0 : i32
    %dma_wait3A_946 = tpu.memref_slice %arg8[%add3A_918, %dma_wait3A_945] : memref<51200x128xf32, #tpu.memory_space<hbm>> -> memref<64x128xf32, #tpu.memory_space<hbm>>
    tpu.wait_dma2 semaphore(%arg17 : memref<!tpu.dma_semaphore, #tpu.memory_space<semaphore_mem>>) src(%arg13 : memref<64x128xf32, #tpu.memory_space<vmem>>) dst(%dma_wait3A_946 : memref<64x128xf32, #tpu.memory_space<hbm>>)
    %dma_start3A_947 = arith.constant 1536 : i32
    %dma_start3A_948 = tpu.memref_slice %arg10[%dma_start3A_947] : memref<1600xi32, #tpu.memory_space<vmem>> -> memref<64xi32, #tpu.memory_space<vmem>>
    %dma_start3A_949 = arith.constant 0 : i32
    %dma_start3A_950 = arith.constant 0 : i32
    %dma_start3A_951 = tpu.memref_slice %arg5[%dma_start3A_949, %dma_start3A_950] : memref<250000x128xf32, #tpu.memory_space<hbm>> -> memref<250000x128xf32, #tpu.memory_space<hbm>>
    tpu.enqueue_indirect_dma source(%dma_start3A_951 : memref<250000x128xf32, #tpu.memory_space<hbm>>) target(%arg13 : memref<64x128xf32, #tpu.memory_space<vmem>>) offsets(%dma_start3A_948 : memref<64xi32, #tpu.memory_space<vmem>>) semaphore(%arg16 : memref<!tpu.dma_semaphore, #tpu.memory_space<semaphore_mem>>)
    %dma_wait3A_952 = arith.constant 1408 : i32
    %dma_wait3A_953 = tpu.memref_slice %arg10[%dma_wait3A_952] : memref<1600xi32, #tpu.memory_space<vmem>> -> memref<64xi32, #tpu.memory_space<vmem>>
    %dma_wait3A_954 = arith.constant 0 : i32
    %dma_wait3A_955 = arith.constant 0 : i32
    %dma_wait3A_956 = tpu.memref_slice %arg5[%dma_wait3A_954, %dma_wait3A_955] : memref<250000x128xf32, #tpu.memory_space<hbm>> -> memref<250000x128xf32, #tpu.memory_space<hbm>>
    tpu.wait_indirect_dma semaphore(%arg16 : memref<!tpu.dma_semaphore, #tpu.memory_space<semaphore_mem>>) src(%dma_wait3A_956 : memref<250000x128xf32, #tpu.memory_space<hbm>>) dst(%arg15 : memref<64x128xf32, #tpu.memory_space<vmem>>)
    %add3A_957 = arith.constant 1408 : i32
    %add3A_958 = arith.addi %mul3A_2, %add3A_957 : i32
    %dma_start3A_959 = arith.constant 0 : i32
    %dma_start3A_960 = tpu.memref_slice %arg8[%add3A_958, %dma_start3A_959] : memref<51200x128xf32, #tpu.memory_space<hbm>> -> memref<64x128xf32, #tpu.memory_space<hbm>>
    %dma_start3A_961 = arith.constant 0 : i32
    %dma_start3A_962 = tpu.memref_slice %arg8[%add3A_958, %dma_start3A_961] : memref<51200x128xf32, #tpu.memory_space<hbm>> -> memref<64x128xf32, #tpu.memory_space<hbm>>
    tpu.enqueue_dma source(%arg15 : memref<64x128xf32, #tpu.memory_space<vmem>>) target(%dma_start3A_962 : memref<64x128xf32, #tpu.memory_space<hbm>>) target_semaphore(%arg17 : memref<!tpu.dma_semaphore, #tpu.memory_space<semaphore_mem>>)
    %dma_wait3A_963 = arith.constant 0 : i32
    %dma_wait3A_964 = tpu.memref_slice %arg8[%add3A_938, %dma_wait3A_963] : memref<51200x128xf32, #tpu.memory_space<hbm>> -> memref<64x128xf32, #tpu.memory_space<hbm>>
    %dma_wait3A_965 = arith.constant 0 : i32
    %dma_wait3A_966 = tpu.memref_slice %arg8[%add3A_938, %dma_wait3A_965] : memref<51200x128xf32, #tpu.memory_space<hbm>> -> memref<64x128xf32, #tpu.memory_space<hbm>>
    tpu.wait_dma2 semaphore(%arg17 : memref<!tpu.dma_semaphore, #tpu.memory_space<semaphore_mem>>) src(%arg14 : memref<64x128xf32, #tpu.memory_space<vmem>>) dst(%dma_wait3A_966 : memref<64x128xf32, #tpu.memory_space<hbm>>)
    %dma_start3A_967 = arith.constant 0 : i32
    %dma_start3A_968 = tpu.memref_slice %arg11[%dma_start3A_967] : memref<1600xi32, #tpu.memory_space<vmem>> -> memref<64xi32, #tpu.memory_space<vmem>>
    %dma_start3A_969 = arith.constant 0 : i32
    %dma_start3A_970 = arith.constant 0 : i32
    %dma_start3A_971 = tpu.memref_slice %arg6[%dma_start3A_969, %dma_start3A_970] : memref<31250x128xf32, #tpu.memory_space<hbm>> -> memref<31250x128xf32, #tpu.memory_space<hbm>>
    tpu.enqueue_indirect_dma source(%dma_start3A_971 : memref<31250x128xf32, #tpu.memory_space<hbm>>) target(%arg14 : memref<64x128xf32, #tpu.memory_space<vmem>>) offsets(%dma_start3A_968 : memref<64xi32, #tpu.memory_space<vmem>>) semaphore(%arg16 : memref<!tpu.dma_semaphore, #tpu.memory_space<semaphore_mem>>)
    %dma_wait3A_972 = arith.constant 1472 : i32
    %dma_wait3A_973 = tpu.memref_slice %arg10[%dma_wait3A_972] : memref<1600xi32, #tpu.memory_space<vmem>> -> memref<64xi32, #tpu.memory_space<vmem>>
    %dma_wait3A_974 = arith.constant 0 : i32
    %dma_wait3A_975 = arith.constant 0 : i32
    %dma_wait3A_976 = tpu.memref_slice %arg5[%dma_wait3A_974, %dma_wait3A_975] : memref<250000x128xf32, #tpu.memory_space<hbm>> -> memref<250000x128xf32, #tpu.memory_space<hbm>>
    tpu.wait_indirect_dma semaphore(%arg16 : memref<!tpu.dma_semaphore, #tpu.memory_space<semaphore_mem>>) src(%dma_wait3A_976 : memref<250000x128xf32, #tpu.memory_space<hbm>>) dst(%arg12 : memref<64x128xf32, #tpu.memory_space<vmem>>)
    %add3A_977 = arith.constant 1472 : i32
    %add3A_978 = arith.addi %mul3A_2, %add3A_977 : i32
    %dma_start3A_979 = arith.constant 0 : i32
    %dma_start3A_980 = tpu.memref_slice %arg8[%add3A_978, %dma_start3A_979] : memref<51200x128xf32, #tpu.memory_space<hbm>> -> memref<64x128xf32, #tpu.memory_space<hbm>>
    %dma_start3A_981 = arith.constant 0 : i32
    %dma_start3A_982 = tpu.memref_slice %arg8[%add3A_978, %dma_start3A_981] : memref<51200x128xf32, #tpu.memory_space<hbm>> -> memref<64x128xf32, #tpu.memory_space<hbm>>
    tpu.enqueue_dma source(%arg12 : memref<64x128xf32, #tpu.memory_space<vmem>>) target(%dma_start3A_982 : memref<64x128xf32, #tpu.memory_space<hbm>>) target_semaphore(%arg17 : memref<!tpu.dma_semaphore, #tpu.memory_space<semaphore_mem>>)
    %dma_wait3A_983 = arith.constant 0 : i32
    %dma_wait3A_984 = tpu.memref_slice %arg8[%add3A_958, %dma_wait3A_983] : memref<51200x128xf32, #tpu.memory_space<hbm>> -> memref<64x128xf32, #tpu.memory_space<hbm>>
    %dma_wait3A_985 = arith.constant 0 : i32
    %dma_wait3A_986 = tpu.memref_slice %arg8[%add3A_958, %dma_wait3A_985] : memref<51200x128xf32, #tpu.memory_space<hbm>> -> memref<64x128xf32, #tpu.memory_space<hbm>>
    tpu.wait_dma2 semaphore(%arg17 : memref<!tpu.dma_semaphore, #tpu.memory_space<semaphore_mem>>) src(%arg15 : memref<64x128xf32, #tpu.memory_space<vmem>>) dst(%dma_wait3A_986 : memref<64x128xf32, #tpu.memory_space<hbm>>)
    %dma_start3A_987 = arith.constant 64 : i32
    %dma_start3A_988 = tpu.memref_slice %arg11[%dma_start3A_987] : memref<1600xi32, #tpu.memory_space<vmem>> -> memref<64xi32, #tpu.memory_space<vmem>>
    %dma_start3A_989 = arith.constant 0 : i32
    %dma_start3A_990 = arith.constant 0 : i32
    %dma_start3A_991 = tpu.memref_slice %arg6[%dma_start3A_989, %dma_start3A_990] : memref<31250x128xf32, #tpu.memory_space<hbm>> -> memref<31250x128xf32, #tpu.memory_space<hbm>>
    tpu.enqueue_indirect_dma source(%dma_start3A_991 : memref<31250x128xf32, #tpu.memory_space<hbm>>) target(%arg15 : memref<64x128xf32, #tpu.memory_space<vmem>>) offsets(%dma_start3A_988 : memref<64xi32, #tpu.memory_space<vmem>>) semaphore(%arg16 : memref<!tpu.dma_semaphore, #tpu.memory_space<semaphore_mem>>)
    %dma_wait3A_992 = arith.constant 1536 : i32
    %dma_wait3A_993 = tpu.memref_slice %arg10[%dma_wait3A_992] : memref<1600xi32, #tpu.memory_space<vmem>> -> memref<64xi32, #tpu.memory_space<vmem>>
    %dma_wait3A_994 = arith.constant 0 : i32
    %dma_wait3A_995 = arith.constant 0 : i32
    %dma_wait3A_996 = tpu.memref_slice %arg5[%dma_wait3A_994, %dma_wait3A_995] : memref<250000x128xf32, #tpu.memory_space<hbm>> -> memref<250000x128xf32, #tpu.memory_space<hbm>>
    tpu.wait_indirect_dma semaphore(%arg16 : memref<!tpu.dma_semaphore, #tpu.memory_space<semaphore_mem>>) src(%dma_wait3A_996 : memref<250000x128xf32, #tpu.memory_space<hbm>>) dst(%arg13 : memref<64x128xf32, #tpu.memory_space<vmem>>)
    %add3A_997 = arith.constant 1536 : i32
    %add3A_998 = arith.addi %mul3A_2, %add3A_997 : i32
    %dma_start3A_999 = arith.constant 0 : i32
    %dma_start3A_1000 = tpu.memref_slice %arg8[%add3A_998, %dma_start3A_999] : memref<51200x128xf32, #tpu.memory_space<hbm>> -> memref<64x128xf32, #tpu.memory_space<hbm>>
    %dma_start3A_1001 = arith.constant 0 : i32
    %dma_start3A_1002 = tpu.memref_slice %arg8[%add3A_998, %dma_start3A_1001] : memref<51200x128xf32, #tpu.memory_space<hbm>> -> memref<64x128xf32, #tpu.memory_space<hbm>>
    tpu.enqueue_dma source(%arg13 : memref<64x128xf32, #tpu.memory_space<vmem>>) target(%dma_start3A_1002 : memref<64x128xf32, #tpu.memory_space<hbm>>) target_semaphore(%arg17 : memref<!tpu.dma_semaphore, #tpu.memory_space<semaphore_mem>>)
    %dma_wait3A_1003 = arith.constant 0 : i32
    %dma_wait3A_1004 = tpu.memref_slice %arg8[%add3A_978, %dma_wait3A_1003] : memref<51200x128xf32, #tpu.memory_space<hbm>> -> memref<64x128xf32, #tpu.memory_space<hbm>>
    %dma_wait3A_1005 = arith.constant 0 : i32
    %dma_wait3A_1006 = tpu.memref_slice %arg8[%add3A_978, %dma_wait3A_1005] : memref<51200x128xf32, #tpu.memory_space<hbm>> -> memref<64x128xf32, #tpu.memory_space<hbm>>
    tpu.wait_dma2 semaphore(%arg17 : memref<!tpu.dma_semaphore, #tpu.memory_space<semaphore_mem>>) src(%arg12 : memref<64x128xf32, #tpu.memory_space<vmem>>) dst(%dma_wait3A_1006 : memref<64x128xf32, #tpu.memory_space<hbm>>)
    %dma_start3A_1007 = arith.constant 128 : i32
    %dma_start3A_1008 = tpu.memref_slice %arg11[%dma_start3A_1007] : memref<1600xi32, #tpu.memory_space<vmem>> -> memref<64xi32, #tpu.memory_space<vmem>>
    %dma_start3A_1009 = arith.constant 0 : i32
    %dma_start3A_1010 = arith.constant 0 : i32
    %dma_start3A_1011 = tpu.memref_slice %arg6[%dma_start3A_1009, %dma_start3A_1010] : memref<31250x128xf32, #tpu.memory_space<hbm>> -> memref<31250x128xf32, #tpu.memory_space<hbm>>
    tpu.enqueue_indirect_dma source(%dma_start3A_1011 : memref<31250x128xf32, #tpu.memory_space<hbm>>) target(%arg12 : memref<64x128xf32, #tpu.memory_space<vmem>>) offsets(%dma_start3A_1008 : memref<64xi32, #tpu.memory_space<vmem>>) semaphore(%arg16 : memref<!tpu.dma_semaphore, #tpu.memory_space<semaphore_mem>>)
    %dma_wait3A_1012 = arith.constant 0 : i32
    %dma_wait3A_1013 = tpu.memref_slice %arg11[%dma_wait3A_1012] : memref<1600xi32, #tpu.memory_space<vmem>> -> memref<64xi32, #tpu.memory_space<vmem>>
    %dma_wait3A_1014 = arith.constant 0 : i32
    %dma_wait3A_1015 = arith.constant 0 : i32
    %dma_wait3A_1016 = tpu.memref_slice %arg6[%dma_wait3A_1014, %dma_wait3A_1015] : memref<31250x128xf32, #tpu.memory_space<hbm>> -> memref<31250x128xf32, #tpu.memory_space<hbm>>
    tpu.wait_indirect_dma semaphore(%arg16 : memref<!tpu.dma_semaphore, #tpu.memory_space<semaphore_mem>>) src(%dma_wait3A_1016 : memref<31250x128xf32, #tpu.memory_space<hbm>>) dst(%arg14 : memref<64x128xf32, #tpu.memory_space<vmem>>)
    %add3A_1017 = arith.constant 0 : i32
    %add3A_1018 = arith.addi %mul3A_2, %add3A_1017 : i32
    %dma_start3A_1019 = arith.constant 0 : i32
    %dma_start3A_1020 = tpu.memref_slice %arg9[%add3A_1018, %dma_start3A_1019] : memref<51200x128xf32, #tpu.memory_space<hbm>> -> memref<64x128xf32, #tpu.memory_space<hbm>>
    %dma_start3A_1021 = arith.constant 0 : i32
    %dma_start3A_1022 = tpu.memref_slice %arg9[%add3A_1018, %dma_start3A_1021] : memref<51200x128xf32, #tpu.memory_space<hbm>> -> memref<64x128xf32, #tpu.memory_space<hbm>>
    tpu.enqueue_dma source(%arg14 : memref<64x128xf32, #tpu.memory_space<vmem>>) target(%dma_start3A_1022 : memref<64x128xf32, #tpu.memory_space<hbm>>) target_semaphore(%arg17 : memref<!tpu.dma_semaphore, #tpu.memory_space<semaphore_mem>>)
    %dma_wait3A_1023 = arith.constant 0 : i32
    %dma_wait3A_1024 = tpu.memref_slice %arg8[%add3A_998, %dma_wait3A_1023] : memref<51200x128xf32, #tpu.memory_space<hbm>> -> memref<64x128xf32, #tpu.memory_space<hbm>>
    %dma_wait3A_1025 = arith.constant 0 : i32
    %dma_wait3A_1026 = tpu.memref_slice %arg8[%add3A_998, %dma_wait3A_1025] : memref<51200x128xf32, #tpu.memory_space<hbm>> -> memref<64x128xf32, #tpu.memory_space<hbm>>
    tpu.wait_dma2 semaphore(%arg17 : memref<!tpu.dma_semaphore, #tpu.memory_space<semaphore_mem>>) src(%arg13 : memref<64x128xf32, #tpu.memory_space<vmem>>) dst(%dma_wait3A_1026 : memref<64x128xf32, #tpu.memory_space<hbm>>)
    %dma_start3A_1027 = arith.constant 192 : i32
    %dma_start3A_1028 = tpu.memref_slice %arg11[%dma_start3A_1027] : memref<1600xi32, #tpu.memory_space<vmem>> -> memref<64xi32, #tpu.memory_space<vmem>>
    %dma_start3A_1029 = arith.constant 0 : i32
    %dma_start3A_1030 = arith.constant 0 : i32
    %dma_start3A_1031 = tpu.memref_slice %arg6[%dma_start3A_1029, %dma_start3A_1030] : memref<31250x128xf32, #tpu.memory_space<hbm>> -> memref<31250x128xf32, #tpu.memory_space<hbm>>
    tpu.enqueue_indirect_dma source(%dma_start3A_1031 : memref<31250x128xf32, #tpu.memory_space<hbm>>) target(%arg13 : memref<64x128xf32, #tpu.memory_space<vmem>>) offsets(%dma_start3A_1028 : memref<64xi32, #tpu.memory_space<vmem>>) semaphore(%arg16 : memref<!tpu.dma_semaphore, #tpu.memory_space<semaphore_mem>>)
    %dma_wait3A_1032 = arith.constant 64 : i32
    %dma_wait3A_1033 = tpu.memref_slice %arg11[%dma_wait3A_1032] : memref<1600xi32, #tpu.memory_space<vmem>> -> memref<64xi32, #tpu.memory_space<vmem>>
    %dma_wait3A_1034 = arith.constant 0 : i32
    %dma_wait3A_1035 = arith.constant 0 : i32
    %dma_wait3A_1036 = tpu.memref_slice %arg6[%dma_wait3A_1034, %dma_wait3A_1035] : memref<31250x128xf32, #tpu.memory_space<hbm>> -> memref<31250x128xf32, #tpu.memory_space<hbm>>
    tpu.wait_indirect_dma semaphore(%arg16 : memref<!tpu.dma_semaphore, #tpu.memory_space<semaphore_mem>>) src(%dma_wait3A_1036 : memref<31250x128xf32, #tpu.memory_space<hbm>>) dst(%arg15 : memref<64x128xf32, #tpu.memory_space<vmem>>)
    %add3A_1037 = arith.constant 64 : i32
    %add3A_1038 = arith.addi %mul3A_2, %add3A_1037 : i32
    %dma_start3A_1039 = arith.constant 0 : i32
    %dma_start3A_1040 = tpu.memref_slice %arg9[%add3A_1038, %dma_start3A_1039] : memref<51200x128xf32, #tpu.memory_space<hbm>> -> memref<64x128xf32, #tpu.memory_space<hbm>>
    %dma_start3A_1041 = arith.constant 0 : i32
    %dma_start3A_1042 = tpu.memref_slice %arg9[%add3A_1038, %dma_start3A_1041] : memref<51200x128xf32, #tpu.memory_space<hbm>> -> memref<64x128xf32, #tpu.memory_space<hbm>>
    tpu.enqueue_dma source(%arg15 : memref<64x128xf32, #tpu.memory_space<vmem>>) target(%dma_start3A_1042 : memref<64x128xf32, #tpu.memory_space<hbm>>) target_semaphore(%arg17 : memref<!tpu.dma_semaphore, #tpu.memory_space<semaphore_mem>>)
    %dma_wait3A_1043 = arith.constant 0 : i32
    %dma_wait3A_1044 = tpu.memref_slice %arg9[%add3A_1018, %dma_wait3A_1043] : memref<51200x128xf32, #tpu.memory_space<hbm>> -> memref<64x128xf32, #tpu.memory_space<hbm>>
    %dma_wait3A_1045 = arith.constant 0 : i32
    %dma_wait3A_1046 = tpu.memref_slice %arg9[%add3A_1018, %dma_wait3A_1045] : memref<51200x128xf32, #tpu.memory_space<hbm>> -> memref<64x128xf32, #tpu.memory_space<hbm>>
    tpu.wait_dma2 semaphore(%arg17 : memref<!tpu.dma_semaphore, #tpu.memory_space<semaphore_mem>>) src(%arg14 : memref<64x128xf32, #tpu.memory_space<vmem>>) dst(%dma_wait3A_1046 : memref<64x128xf32, #tpu.memory_space<hbm>>)
    %dma_start3A_1047 = arith.constant 256 : i32
    %dma_start3A_1048 = tpu.memref_slice %arg11[%dma_start3A_1047] : memref<1600xi32, #tpu.memory_space<vmem>> -> memref<64xi32, #tpu.memory_space<vmem>>
    %dma_start3A_1049 = arith.constant 0 : i32
    %dma_start3A_1050 = arith.constant 0 : i32
    %dma_start3A_1051 = tpu.memref_slice %arg6[%dma_start3A_1049, %dma_start3A_1050] : memref<31250x128xf32, #tpu.memory_space<hbm>> -> memref<31250x128xf32, #tpu.memory_space<hbm>>
    tpu.enqueue_indirect_dma source(%dma_start3A_1051 : memref<31250x128xf32, #tpu.memory_space<hbm>>) target(%arg14 : memref<64x128xf32, #tpu.memory_space<vmem>>) offsets(%dma_start3A_1048 : memref<64xi32, #tpu.memory_space<vmem>>) semaphore(%arg16 : memref<!tpu.dma_semaphore, #tpu.memory_space<semaphore_mem>>)
    %dma_wait3A_1052 = arith.constant 128 : i32
    %dma_wait3A_1053 = tpu.memref_slice %arg11[%dma_wait3A_1052] : memref<1600xi32, #tpu.memory_space<vmem>> -> memref<64xi32, #tpu.memory_space<vmem>>
    %dma_wait3A_1054 = arith.constant 0 : i32
    %dma_wait3A_1055 = arith.constant 0 : i32
    %dma_wait3A_1056 = tpu.memref_slice %arg6[%dma_wait3A_1054, %dma_wait3A_1055] : memref<31250x128xf32, #tpu.memory_space<hbm>> -> memref<31250x128xf32, #tpu.memory_space<hbm>>
    tpu.wait_indirect_dma semaphore(%arg16 : memref<!tpu.dma_semaphore, #tpu.memory_space<semaphore_mem>>) src(%dma_wait3A_1056 : memref<31250x128xf32, #tpu.memory_space<hbm>>) dst(%arg12 : memref<64x128xf32, #tpu.memory_space<vmem>>)
    %add3A_1057 = arith.constant 128 : i32
    %add3A_1058 = arith.addi %mul3A_2, %add3A_1057 : i32
    %dma_start3A_1059 = arith.constant 0 : i32
    %dma_start3A_1060 = tpu.memref_slice %arg9[%add3A_1058, %dma_start3A_1059] : memref<51200x128xf32, #tpu.memory_space<hbm>> -> memref<64x128xf32, #tpu.memory_space<hbm>>
    %dma_start3A_1061 = arith.constant 0 : i32
    %dma_start3A_1062 = tpu.memref_slice %arg9[%add3A_1058, %dma_start3A_1061] : memref<51200x128xf32, #tpu.memory_space<hbm>> -> memref<64x128xf32, #tpu.memory_space<hbm>>
    tpu.enqueue_dma source(%arg12 : memref<64x128xf32, #tpu.memory_space<vmem>>) target(%dma_start3A_1062 : memref<64x128xf32, #tpu.memory_space<hbm>>) target_semaphore(%arg17 : memref<!tpu.dma_semaphore, #tpu.memory_space<semaphore_mem>>)
    %dma_wait3A_1063 = arith.constant 0 : i32
    %dma_wait3A_1064 = tpu.memref_slice %arg9[%add3A_1038, %dma_wait3A_1063] : memref<51200x128xf32, #tpu.memory_space<hbm>> -> memref<64x128xf32, #tpu.memory_space<hbm>>
    %dma_wait3A_1065 = arith.constant 0 : i32
    %dma_wait3A_1066 = tpu.memref_slice %arg9[%add3A_1038, %dma_wait3A_1065] : memref<51200x128xf32, #tpu.memory_space<hbm>> -> memref<64x128xf32, #tpu.memory_space<hbm>>
    tpu.wait_dma2 semaphore(%arg17 : memref<!tpu.dma_semaphore, #tpu.memory_space<semaphore_mem>>) src(%arg15 : memref<64x128xf32, #tpu.memory_space<vmem>>) dst(%dma_wait3A_1066 : memref<64x128xf32, #tpu.memory_space<hbm>>)
    %dma_start3A_1067 = arith.constant 320 : i32
    %dma_start3A_1068 = tpu.memref_slice %arg11[%dma_start3A_1067] : memref<1600xi32, #tpu.memory_space<vmem>> -> memref<64xi32, #tpu.memory_space<vmem>>
    %dma_start3A_1069 = arith.constant 0 : i32
    %dma_start3A_1070 = arith.constant 0 : i32
    %dma_start3A_1071 = tpu.memref_slice %arg6[%dma_start3A_1069, %dma_start3A_1070] : memref<31250x128xf32, #tpu.memory_space<hbm>> -> memref<31250x128xf32, #tpu.memory_space<hbm>>
    tpu.enqueue_indirect_dma source(%dma_start3A_1071 : memref<31250x128xf32, #tpu.memory_space<hbm>>) target(%arg15 : memref<64x128xf32, #tpu.memory_space<vmem>>) offsets(%dma_start3A_1068 : memref<64xi32, #tpu.memory_space<vmem>>) semaphore(%arg16 : memref<!tpu.dma_semaphore, #tpu.memory_space<semaphore_mem>>)
    %dma_wait3A_1072 = arith.constant 192 : i32
    %dma_wait3A_1073 = tpu.memref_slice %arg11[%dma_wait3A_1072] : memref<1600xi32, #tpu.memory_space<vmem>> -> memref<64xi32, #tpu.memory_space<vmem>>
    %dma_wait3A_1074 = arith.constant 0 : i32
    %dma_wait3A_1075 = arith.constant 0 : i32
    %dma_wait3A_1076 = tpu.memref_slice %arg6[%dma_wait3A_1074, %dma_wait3A_1075] : memref<31250x128xf32, #tpu.memory_space<hbm>> -> memref<31250x128xf32, #tpu.memory_space<hbm>>
    tpu.wait_indirect_dma semaphore(%arg16 : memref<!tpu.dma_semaphore, #tpu.memory_space<semaphore_mem>>) src(%dma_wait3A_1076 : memref<31250x128xf32, #tpu.memory_space<hbm>>) dst(%arg13 : memref<64x128xf32, #tpu.memory_space<vmem>>)
    %add3A_1077 = arith.constant 192 : i32
    %add3A_1078 = arith.addi %mul3A_2, %add3A_1077 : i32
    %dma_start3A_1079 = arith.constant 0 : i32
    %dma_start3A_1080 = tpu.memref_slice %arg9[%add3A_1078, %dma_start3A_1079] : memref<51200x128xf32, #tpu.memory_space<hbm>> -> memref<64x128xf32, #tpu.memory_space<hbm>>
    %dma_start3A_1081 = arith.constant 0 : i32
    %dma_start3A_1082 = tpu.memref_slice %arg9[%add3A_1078, %dma_start3A_1081] : memref<51200x128xf32, #tpu.memory_space<hbm>> -> memref<64x128xf32, #tpu.memory_space<hbm>>
    tpu.enqueue_dma source(%arg13 : memref<64x128xf32, #tpu.memory_space<vmem>>) target(%dma_start3A_1082 : memref<64x128xf32, #tpu.memory_space<hbm>>) target_semaphore(%arg17 : memref<!tpu.dma_semaphore, #tpu.memory_space<semaphore_mem>>)
    %dma_wait3A_1083 = arith.constant 0 : i32
    %dma_wait3A_1084 = tpu.memref_slice %arg9[%add3A_1058, %dma_wait3A_1083] : memref<51200x128xf32, #tpu.memory_space<hbm>> -> memref<64x128xf32, #tpu.memory_space<hbm>>
    %dma_wait3A_1085 = arith.constant 0 : i32
    %dma_wait3A_1086 = tpu.memref_slice %arg9[%add3A_1058, %dma_wait3A_1085] : memref<51200x128xf32, #tpu.memory_space<hbm>> -> memref<64x128xf32, #tpu.memory_space<hbm>>
    tpu.wait_dma2 semaphore(%arg17 : memref<!tpu.dma_semaphore, #tpu.memory_space<semaphore_mem>>) src(%arg12 : memref<64x128xf32, #tpu.memory_space<vmem>>) dst(%dma_wait3A_1086 : memref<64x128xf32, #tpu.memory_space<hbm>>)
    %dma_start3A_1087 = arith.constant 384 : i32
    %dma_start3A_1088 = tpu.memref_slice %arg11[%dma_start3A_1087] : memref<1600xi32, #tpu.memory_space<vmem>> -> memref<64xi32, #tpu.memory_space<vmem>>
    %dma_start3A_1089 = arith.constant 0 : i32
    %dma_start3A_1090 = arith.constant 0 : i32
    %dma_start3A_1091 = tpu.memref_slice %arg6[%dma_start3A_1089, %dma_start3A_1090] : memref<31250x128xf32, #tpu.memory_space<hbm>> -> memref<31250x128xf32, #tpu.memory_space<hbm>>
    tpu.enqueue_indirect_dma source(%dma_start3A_1091 : memref<31250x128xf32, #tpu.memory_space<hbm>>) target(%arg12 : memref<64x128xf32, #tpu.memory_space<vmem>>) offsets(%dma_start3A_1088 : memref<64xi32, #tpu.memory_space<vmem>>) semaphore(%arg16 : memref<!tpu.dma_semaphore, #tpu.memory_space<semaphore_mem>>)
    %dma_wait3A_1092 = arith.constant 256 : i32
    %dma_wait3A_1093 = tpu.memref_slice %arg11[%dma_wait3A_1092] : memref<1600xi32, #tpu.memory_space<vmem>> -> memref<64xi32, #tpu.memory_space<vmem>>
    %dma_wait3A_1094 = arith.constant 0 : i32
    %dma_wait3A_1095 = arith.constant 0 : i32
    %dma_wait3A_1096 = tpu.memref_slice %arg6[%dma_wait3A_1094, %dma_wait3A_1095] : memref<31250x128xf32, #tpu.memory_space<hbm>> -> memref<31250x128xf32, #tpu.memory_space<hbm>>
    tpu.wait_indirect_dma semaphore(%arg16 : memref<!tpu.dma_semaphore, #tpu.memory_space<semaphore_mem>>) src(%dma_wait3A_1096 : memref<31250x128xf32, #tpu.memory_space<hbm>>) dst(%arg14 : memref<64x128xf32, #tpu.memory_space<vmem>>)
    %add3A_1097 = arith.constant 256 : i32
    %add3A_1098 = arith.addi %mul3A_2, %add3A_1097 : i32
    %dma_start3A_1099 = arith.constant 0 : i32
    %dma_start3A_1100 = tpu.memref_slice %arg9[%add3A_1098, %dma_start3A_1099] : memref<51200x128xf32, #tpu.memory_space<hbm>> -> memref<64x128xf32, #tpu.memory_space<hbm>>
    %dma_start3A_1101 = arith.constant 0 : i32
    %dma_start3A_1102 = tpu.memref_slice %arg9[%add3A_1098, %dma_start3A_1101] : memref<51200x128xf32, #tpu.memory_space<hbm>> -> memref<64x128xf32, #tpu.memory_space<hbm>>
    tpu.enqueue_dma source(%arg14 : memref<64x128xf32, #tpu.memory_space<vmem>>) target(%dma_start3A_1102 : memref<64x128xf32, #tpu.memory_space<hbm>>) target_semaphore(%arg17 : memref<!tpu.dma_semaphore, #tpu.memory_space<semaphore_mem>>)
    %dma_wait3A_1103 = arith.constant 0 : i32
    %dma_wait3A_1104 = tpu.memref_slice %arg9[%add3A_1078, %dma_wait3A_1103] : memref<51200x128xf32, #tpu.memory_space<hbm>> -> memref<64x128xf32, #tpu.memory_space<hbm>>
    %dma_wait3A_1105 = arith.constant 0 : i32
    %dma_wait3A_1106 = tpu.memref_slice %arg9[%add3A_1078, %dma_wait3A_1105] : memref<51200x128xf32, #tpu.memory_space<hbm>> -> memref<64x128xf32, #tpu.memory_space<hbm>>
    tpu.wait_dma2 semaphore(%arg17 : memref<!tpu.dma_semaphore, #tpu.memory_space<semaphore_mem>>) src(%arg13 : memref<64x128xf32, #tpu.memory_space<vmem>>) dst(%dma_wait3A_1106 : memref<64x128xf32, #tpu.memory_space<hbm>>)
    %dma_start3A_1107 = arith.constant 448 : i32
    %dma_start3A_1108 = tpu.memref_slice %arg11[%dma_start3A_1107] : memref<1600xi32, #tpu.memory_space<vmem>> -> memref<64xi32, #tpu.memory_space<vmem>>
    %dma_start3A_1109 = arith.constant 0 : i32
    %dma_start3A_1110 = arith.constant 0 : i32
    %dma_start3A_1111 = tpu.memref_slice %arg6[%dma_start3A_1109, %dma_start3A_1110] : memref<31250x128xf32, #tpu.memory_space<hbm>> -> memref<31250x128xf32, #tpu.memory_space<hbm>>
    tpu.enqueue_indirect_dma source(%dma_start3A_1111 : memref<31250x128xf32, #tpu.memory_space<hbm>>) target(%arg13 : memref<64x128xf32, #tpu.memory_space<vmem>>) offsets(%dma_start3A_1108 : memref<64xi32, #tpu.memory_space<vmem>>) semaphore(%arg16 : memref<!tpu.dma_semaphore, #tpu.memory_space<semaphore_mem>>)
    %dma_wait3A_1112 = arith.constant 320 : i32
    %dma_wait3A_1113 = tpu.memref_slice %arg11[%dma_wait3A_1112] : memref<1600xi32, #tpu.memory_space<vmem>> -> memref<64xi32, #tpu.memory_space<vmem>>
    %dma_wait3A_1114 = arith.constant 0 : i32
    %dma_wait3A_1115 = arith.constant 0 : i32
    %dma_wait3A_1116 = tpu.memref_slice %arg6[%dma_wait3A_1114, %dma_wait3A_1115] : memref<31250x128xf32, #tpu.memory_space<hbm>> -> memref<31250x128xf32, #tpu.memory_space<hbm>>
    tpu.wait_indirect_dma semaphore(%arg16 : memref<!tpu.dma_semaphore, #tpu.memory_space<semaphore_mem>>) src(%dma_wait3A_1116 : memref<31250x128xf32, #tpu.memory_space<hbm>>) dst(%arg15 : memref<64x128xf32, #tpu.memory_space<vmem>>)
    %add3A_1117 = arith.constant 320 : i32
    %add3A_1118 = arith.addi %mul3A_2, %add3A_1117 : i32
    %dma_start3A_1119 = arith.constant 0 : i32
    %dma_start3A_1120 = tpu.memref_slice %arg9[%add3A_1118, %dma_start3A_1119] : memref<51200x128xf32, #tpu.memory_space<hbm>> -> memref<64x128xf32, #tpu.memory_space<hbm>>
    %dma_start3A_1121 = arith.constant 0 : i32
    %dma_start3A_1122 = tpu.memref_slice %arg9[%add3A_1118, %dma_start3A_1121] : memref<51200x128xf32, #tpu.memory_space<hbm>> -> memref<64x128xf32, #tpu.memory_space<hbm>>
    tpu.enqueue_dma source(%arg15 : memref<64x128xf32, #tpu.memory_space<vmem>>) target(%dma_start3A_1122 : memref<64x128xf32, #tpu.memory_space<hbm>>) target_semaphore(%arg17 : memref<!tpu.dma_semaphore, #tpu.memory_space<semaphore_mem>>)
    %dma_wait3A_1123 = arith.constant 0 : i32
    %dma_wait3A_1124 = tpu.memref_slice %arg9[%add3A_1098, %dma_wait3A_1123] : memref<51200x128xf32, #tpu.memory_space<hbm>> -> memref<64x128xf32, #tpu.memory_space<hbm>>
    %dma_wait3A_1125 = arith.constant 0 : i32
    %dma_wait3A_1126 = tpu.memref_slice %arg9[%add3A_1098, %dma_wait3A_1125] : memref<51200x128xf32, #tpu.memory_space<hbm>> -> memref<64x128xf32, #tpu.memory_space<hbm>>
    tpu.wait_dma2 semaphore(%arg17 : memref<!tpu.dma_semaphore, #tpu.memory_space<semaphore_mem>>) src(%arg14 : memref<64x128xf32, #tpu.memory_space<vmem>>) dst(%dma_wait3A_1126 : memref<64x128xf32, #tpu.memory_space<hbm>>)
    %dma_start3A_1127 = arith.constant 512 : i32
    %dma_start3A_1128 = tpu.memref_slice %arg11[%dma_start3A_1127] : memref<1600xi32, #tpu.memory_space<vmem>> -> memref<64xi32, #tpu.memory_space<vmem>>
    %dma_start3A_1129 = arith.constant 0 : i32
    %dma_start3A_1130 = arith.constant 0 : i32
    %dma_start3A_1131 = tpu.memref_slice %arg6[%dma_start3A_1129, %dma_start3A_1130] : memref<31250x128xf32, #tpu.memory_space<hbm>> -> memref<31250x128xf32, #tpu.memory_space<hbm>>
    tpu.enqueue_indirect_dma source(%dma_start3A_1131 : memref<31250x128xf32, #tpu.memory_space<hbm>>) target(%arg14 : memref<64x128xf32, #tpu.memory_space<vmem>>) offsets(%dma_start3A_1128 : memref<64xi32, #tpu.memory_space<vmem>>) semaphore(%arg16 : memref<!tpu.dma_semaphore, #tpu.memory_space<semaphore_mem>>)
    %dma_wait3A_1132 = arith.constant 384 : i32
    %dma_wait3A_1133 = tpu.memref_slice %arg11[%dma_wait3A_1132] : memref<1600xi32, #tpu.memory_space<vmem>> -> memref<64xi32, #tpu.memory_space<vmem>>
    %dma_wait3A_1134 = arith.constant 0 : i32
    %dma_wait3A_1135 = arith.constant 0 : i32
    %dma_wait3A_1136 = tpu.memref_slice %arg6[%dma_wait3A_1134, %dma_wait3A_1135] : memref<31250x128xf32, #tpu.memory_space<hbm>> -> memref<31250x128xf32, #tpu.memory_space<hbm>>
    tpu.wait_indirect_dma semaphore(%arg16 : memref<!tpu.dma_semaphore, #tpu.memory_space<semaphore_mem>>) src(%dma_wait3A_1136 : memref<31250x128xf32, #tpu.memory_space<hbm>>) dst(%arg12 : memref<64x128xf32, #tpu.memory_space<vmem>>)
    %add3A_1137 = arith.constant 384 : i32
    %add3A_1138 = arith.addi %mul3A_2, %add3A_1137 : i32
    %dma_start3A_1139 = arith.constant 0 : i32
    %dma_start3A_1140 = tpu.memref_slice %arg9[%add3A_1138, %dma_start3A_1139] : memref<51200x128xf32, #tpu.memory_space<hbm>> -> memref<64x128xf32, #tpu.memory_space<hbm>>
    %dma_start3A_1141 = arith.constant 0 : i32
    %dma_start3A_1142 = tpu.memref_slice %arg9[%add3A_1138, %dma_start3A_1141] : memref<51200x128xf32, #tpu.memory_space<hbm>> -> memref<64x128xf32, #tpu.memory_space<hbm>>
    tpu.enqueue_dma source(%arg12 : memref<64x128xf32, #tpu.memory_space<vmem>>) target(%dma_start3A_1142 : memref<64x128xf32, #tpu.memory_space<hbm>>) target_semaphore(%arg17 : memref<!tpu.dma_semaphore, #tpu.memory_space<semaphore_mem>>)
    %dma_wait3A_1143 = arith.constant 0 : i32
    %dma_wait3A_1144 = tpu.memref_slice %arg9[%add3A_1118, %dma_wait3A_1143] : memref<51200x128xf32, #tpu.memory_space<hbm>> -> memref<64x128xf32, #tpu.memory_space<hbm>>
    %dma_wait3A_1145 = arith.constant 0 : i32
    %dma_wait3A_1146 = tpu.memref_slice %arg9[%add3A_1118, %dma_wait3A_1145] : memref<51200x128xf32, #tpu.memory_space<hbm>> -> memref<64x128xf32, #tpu.memory_space<hbm>>
    tpu.wait_dma2 semaphore(%arg17 : memref<!tpu.dma_semaphore, #tpu.memory_space<semaphore_mem>>) src(%arg15 : memref<64x128xf32, #tpu.memory_space<vmem>>) dst(%dma_wait3A_1146 : memref<64x128xf32, #tpu.memory_space<hbm>>)
    %dma_start3A_1147 = arith.constant 576 : i32
    %dma_start3A_1148 = tpu.memref_slice %arg11[%dma_start3A_1147] : memref<1600xi32, #tpu.memory_space<vmem>> -> memref<64xi32, #tpu.memory_space<vmem>>
    %dma_start3A_1149 = arith.constant 0 : i32
    %dma_start3A_1150 = arith.constant 0 : i32
    %dma_start3A_1151 = tpu.memref_slice %arg6[%dma_start3A_1149, %dma_start3A_1150] : memref<31250x128xf32, #tpu.memory_space<hbm>> -> memref<31250x128xf32, #tpu.memory_space<hbm>>
    tpu.enqueue_indirect_dma source(%dma_start3A_1151 : memref<31250x128xf32, #tpu.memory_space<hbm>>) target(%arg15 : memref<64x128xf32, #tpu.memory_space<vmem>>) offsets(%dma_start3A_1148 : memref<64xi32, #tpu.memory_space<vmem>>) semaphore(%arg16 : memref<!tpu.dma_semaphore, #tpu.memory_space<semaphore_mem>>)
    %dma_wait3A_1152 = arith.constant 448 : i32
    %dma_wait3A_1153 = tpu.memref_slice %arg11[%dma_wait3A_1152] : memref<1600xi32, #tpu.memory_space<vmem>> -> memref<64xi32, #tpu.memory_space<vmem>>
    %dma_wait3A_1154 = arith.constant 0 : i32
    %dma_wait3A_1155 = arith.constant 0 : i32
    %dma_wait3A_1156 = tpu.memref_slice %arg6[%dma_wait3A_1154, %dma_wait3A_1155] : memref<31250x128xf32, #tpu.memory_space<hbm>> -> memref<31250x128xf32, #tpu.memory_space<hbm>>
    tpu.wait_indirect_dma semaphore(%arg16 : memref<!tpu.dma_semaphore, #tpu.memory_space<semaphore_mem>>) src(%dma_wait3A_1156 : memref<31250x128xf32, #tpu.memory_space<hbm>>) dst(%arg13 : memref<64x128xf32, #tpu.memory_space<vmem>>)
    %add3A_1157 = arith.constant 448 : i32
    %add3A_1158 = arith.addi %mul3A_2, %add3A_1157 : i32
    %dma_start3A_1159 = arith.constant 0 : i32
    %dma_start3A_1160 = tpu.memref_slice %arg9[%add3A_1158, %dma_start3A_1159] : memref<51200x128xf32, #tpu.memory_space<hbm>> -> memref<64x128xf32, #tpu.memory_space<hbm>>
    %dma_start3A_1161 = arith.constant 0 : i32
    %dma_start3A_1162 = tpu.memref_slice %arg9[%add3A_1158, %dma_start3A_1161] : memref<51200x128xf32, #tpu.memory_space<hbm>> -> memref<64x128xf32, #tpu.memory_space<hbm>>
    tpu.enqueue_dma source(%arg13 : memref<64x128xf32, #tpu.memory_space<vmem>>) target(%dma_start3A_1162 : memref<64x128xf32, #tpu.memory_space<hbm>>) target_semaphore(%arg17 : memref<!tpu.dma_semaphore, #tpu.memory_space<semaphore_mem>>)
    %dma_wait3A_1163 = arith.constant 0 : i32
    %dma_wait3A_1164 = tpu.memref_slice %arg9[%add3A_1138, %dma_wait3A_1163] : memref<51200x128xf32, #tpu.memory_space<hbm>> -> memref<64x128xf32, #tpu.memory_space<hbm>>
    %dma_wait3A_1165 = arith.constant 0 : i32
    %dma_wait3A_1166 = tpu.memref_slice %arg9[%add3A_1138, %dma_wait3A_1165] : memref<51200x128xf32, #tpu.memory_space<hbm>> -> memref<64x128xf32, #tpu.memory_space<hbm>>
    tpu.wait_dma2 semaphore(%arg17 : memref<!tpu.dma_semaphore, #tpu.memory_space<semaphore_mem>>) src(%arg12 : memref<64x128xf32, #tpu.memory_space<vmem>>) dst(%dma_wait3A_1166 : memref<64x128xf32, #tpu.memory_space<hbm>>)
    %dma_start3A_1167 = arith.constant 640 : i32
    %dma_start3A_1168 = tpu.memref_slice %arg11[%dma_start3A_1167] : memref<1600xi32, #tpu.memory_space<vmem>> -> memref<64xi32, #tpu.memory_space<vmem>>
    %dma_start3A_1169 = arith.constant 0 : i32
    %dma_start3A_1170 = arith.constant 0 : i32
    %dma_start3A_1171 = tpu.memref_slice %arg6[%dma_start3A_1169, %dma_start3A_1170] : memref<31250x128xf32, #tpu.memory_space<hbm>> -> memref<31250x128xf32, #tpu.memory_space<hbm>>
    tpu.enqueue_indirect_dma source(%dma_start3A_1171 : memref<31250x128xf32, #tpu.memory_space<hbm>>) target(%arg12 : memref<64x128xf32, #tpu.memory_space<vmem>>) offsets(%dma_start3A_1168 : memref<64xi32, #tpu.memory_space<vmem>>) semaphore(%arg16 : memref<!tpu.dma_semaphore, #tpu.memory_space<semaphore_mem>>)
    %dma_wait3A_1172 = arith.constant 512 : i32
    %dma_wait3A_1173 = tpu.memref_slice %arg11[%dma_wait3A_1172] : memref<1600xi32, #tpu.memory_space<vmem>> -> memref<64xi32, #tpu.memory_space<vmem>>
    %dma_wait3A_1174 = arith.constant 0 : i32
    %dma_wait3A_1175 = arith.constant 0 : i32
    %dma_wait3A_1176 = tpu.memref_slice %arg6[%dma_wait3A_1174, %dma_wait3A_1175] : memref<31250x128xf32, #tpu.memory_space<hbm>> -> memref<31250x128xf32, #tpu.memory_space<hbm>>
    tpu.wait_indirect_dma semaphore(%arg16 : memref<!tpu.dma_semaphore, #tpu.memory_space<semaphore_mem>>) src(%dma_wait3A_1176 : memref<31250x128xf32, #tpu.memory_space<hbm>>) dst(%arg14 : memref<64x128xf32, #tpu.memory_space<vmem>>)
    %add3A_1177 = arith.constant 512 : i32
    %add3A_1178 = arith.addi %mul3A_2, %add3A_1177 : i32
    %dma_start3A_1179 = arith.constant 0 : i32
    %dma_start3A_1180 = tpu.memref_slice %arg9[%add3A_1178, %dma_start3A_1179] : memref<51200x128xf32, #tpu.memory_space<hbm>> -> memref<64x128xf32, #tpu.memory_space<hbm>>
    %dma_start3A_1181 = arith.constant 0 : i32
    %dma_start3A_1182 = tpu.memref_slice %arg9[%add3A_1178, %dma_start3A_1181] : memref<51200x128xf32, #tpu.memory_space<hbm>> -> memref<64x128xf32, #tpu.memory_space<hbm>>
    tpu.enqueue_dma source(%arg14 : memref<64x128xf32, #tpu.memory_space<vmem>>) target(%dma_start3A_1182 : memref<64x128xf32, #tpu.memory_space<hbm>>) target_semaphore(%arg17 : memref<!tpu.dma_semaphore, #tpu.memory_space<semaphore_mem>>)
    %dma_wait3A_1183 = arith.constant 0 : i32
    %dma_wait3A_1184 = tpu.memref_slice %arg9[%add3A_1158, %dma_wait3A_1183] : memref<51200x128xf32, #tpu.memory_space<hbm>> -> memref<64x128xf32, #tpu.memory_space<hbm>>
    %dma_wait3A_1185 = arith.constant 0 : i32
    %dma_wait3A_1186 = tpu.memref_slice %arg9[%add3A_1158, %dma_wait3A_1185] : memref<51200x128xf32, #tpu.memory_space<hbm>> -> memref<64x128xf32, #tpu.memory_space<hbm>>
    tpu.wait_dma2 semaphore(%arg17 : memref<!tpu.dma_semaphore, #tpu.memory_space<semaphore_mem>>) src(%arg13 : memref<64x128xf32, #tpu.memory_space<vmem>>) dst(%dma_wait3A_1186 : memref<64x128xf32, #tpu.memory_space<hbm>>)
    %dma_start3A_1187 = arith.constant 704 : i32
    %dma_start3A_1188 = tpu.memref_slice %arg11[%dma_start3A_1187] : memref<1600xi32, #tpu.memory_space<vmem>> -> memref<64xi32, #tpu.memory_space<vmem>>
    %dma_start3A_1189 = arith.constant 0 : i32
    %dma_start3A_1190 = arith.constant 0 : i32
    %dma_start3A_1191 = tpu.memref_slice %arg6[%dma_start3A_1189, %dma_start3A_1190] : memref<31250x128xf32, #tpu.memory_space<hbm>> -> memref<31250x128xf32, #tpu.memory_space<hbm>>
    tpu.enqueue_indirect_dma source(%dma_start3A_1191 : memref<31250x128xf32, #tpu.memory_space<hbm>>) target(%arg13 : memref<64x128xf32, #tpu.memory_space<vmem>>) offsets(%dma_start3A_1188 : memref<64xi32, #tpu.memory_space<vmem>>) semaphore(%arg16 : memref<!tpu.dma_semaphore, #tpu.memory_space<semaphore_mem>>)
    %dma_wait3A_1192 = arith.constant 576 : i32
    %dma_wait3A_1193 = tpu.memref_slice %arg11[%dma_wait3A_1192] : memref<1600xi32, #tpu.memory_space<vmem>> -> memref<64xi32, #tpu.memory_space<vmem>>
    %dma_wait3A_1194 = arith.constant 0 : i32
    %dma_wait3A_1195 = arith.constant 0 : i32
    %dma_wait3A_1196 = tpu.memref_slice %arg6[%dma_wait3A_1194, %dma_wait3A_1195] : memref<31250x128xf32, #tpu.memory_space<hbm>> -> memref<31250x128xf32, #tpu.memory_space<hbm>>
    tpu.wait_indirect_dma semaphore(%arg16 : memref<!tpu.dma_semaphore, #tpu.memory_space<semaphore_mem>>) src(%dma_wait3A_1196 : memref<31250x128xf32, #tpu.memory_space<hbm>>) dst(%arg15 : memref<64x128xf32, #tpu.memory_space<vmem>>)
    %add3A_1197 = arith.constant 576 : i32
    %add3A_1198 = arith.addi %mul3A_2, %add3A_1197 : i32
    %dma_start3A_1199 = arith.constant 0 : i32
    %dma_start3A_1200 = tpu.memref_slice %arg9[%add3A_1198, %dma_start3A_1199] : memref<51200x128xf32, #tpu.memory_space<hbm>> -> memref<64x128xf32, #tpu.memory_space<hbm>>
    %dma_start3A_1201 = arith.constant 0 : i32
    %dma_start3A_1202 = tpu.memref_slice %arg9[%add3A_1198, %dma_start3A_1201] : memref<51200x128xf32, #tpu.memory_space<hbm>> -> memref<64x128xf32, #tpu.memory_space<hbm>>
    tpu.enqueue_dma source(%arg15 : memref<64x128xf32, #tpu.memory_space<vmem>>) target(%dma_start3A_1202 : memref<64x128xf32, #tpu.memory_space<hbm>>) target_semaphore(%arg17 : memref<!tpu.dma_semaphore, #tpu.memory_space<semaphore_mem>>)
    %dma_wait3A_1203 = arith.constant 0 : i32
    %dma_wait3A_1204 = tpu.memref_slice %arg9[%add3A_1178, %dma_wait3A_1203] : memref<51200x128xf32, #tpu.memory_space<hbm>> -> memref<64x128xf32, #tpu.memory_space<hbm>>
    %dma_wait3A_1205 = arith.constant 0 : i32
    %dma_wait3A_1206 = tpu.memref_slice %arg9[%add3A_1178, %dma_wait3A_1205] : memref<51200x128xf32, #tpu.memory_space<hbm>> -> memref<64x128xf32, #tpu.memory_space<hbm>>
    tpu.wait_dma2 semaphore(%arg17 : memref<!tpu.dma_semaphore, #tpu.memory_space<semaphore_mem>>) src(%arg14 : memref<64x128xf32, #tpu.memory_space<vmem>>) dst(%dma_wait3A_1206 : memref<64x128xf32, #tpu.memory_space<hbm>>)
    %dma_start3A_1207 = arith.constant 768 : i32
    %dma_start3A_1208 = tpu.memref_slice %arg11[%dma_start3A_1207] : memref<1600xi32, #tpu.memory_space<vmem>> -> memref<64xi32, #tpu.memory_space<vmem>>
    %dma_start3A_1209 = arith.constant 0 : i32
    %dma_start3A_1210 = arith.constant 0 : i32
    %dma_start3A_1211 = tpu.memref_slice %arg6[%dma_start3A_1209, %dma_start3A_1210] : memref<31250x128xf32, #tpu.memory_space<hbm>> -> memref<31250x128xf32, #tpu.memory_space<hbm>>
    tpu.enqueue_indirect_dma source(%dma_start3A_1211 : memref<31250x128xf32, #tpu.memory_space<hbm>>) target(%arg14 : memref<64x128xf32, #tpu.memory_space<vmem>>) offsets(%dma_start3A_1208 : memref<64xi32, #tpu.memory_space<vmem>>) semaphore(%arg16 : memref<!tpu.dma_semaphore, #tpu.memory_space<semaphore_mem>>)
    %dma_wait3A_1212 = arith.constant 640 : i32
    %dma_wait3A_1213 = tpu.memref_slice %arg11[%dma_wait3A_1212] : memref<1600xi32, #tpu.memory_space<vmem>> -> memref<64xi32, #tpu.memory_space<vmem>>
    %dma_wait3A_1214 = arith.constant 0 : i32
    %dma_wait3A_1215 = arith.constant 0 : i32
    %dma_wait3A_1216 = tpu.memref_slice %arg6[%dma_wait3A_1214, %dma_wait3A_1215] : memref<31250x128xf32, #tpu.memory_space<hbm>> -> memref<31250x128xf32, #tpu.memory_space<hbm>>
    tpu.wait_indirect_dma semaphore(%arg16 : memref<!tpu.dma_semaphore, #tpu.memory_space<semaphore_mem>>) src(%dma_wait3A_1216 : memref<31250x128xf32, #tpu.memory_space<hbm>>) dst(%arg12 : memref<64x128xf32, #tpu.memory_space<vmem>>)
    %add3A_1217 = arith.constant 640 : i32
    %add3A_1218 = arith.addi %mul3A_2, %add3A_1217 : i32
    %dma_start3A_1219 = arith.constant 0 : i32
    %dma_start3A_1220 = tpu.memref_slice %arg9[%add3A_1218, %dma_start3A_1219] : memref<51200x128xf32, #tpu.memory_space<hbm>> -> memref<64x128xf32, #tpu.memory_space<hbm>>
    %dma_start3A_1221 = arith.constant 0 : i32
    %dma_start3A_1222 = tpu.memref_slice %arg9[%add3A_1218, %dma_start3A_1221] : memref<51200x128xf32, #tpu.memory_space<hbm>> -> memref<64x128xf32, #tpu.memory_space<hbm>>
    tpu.enqueue_dma source(%arg12 : memref<64x128xf32, #tpu.memory_space<vmem>>) target(%dma_start3A_1222 : memref<64x128xf32, #tpu.memory_space<hbm>>) target_semaphore(%arg17 : memref<!tpu.dma_semaphore, #tpu.memory_space<semaphore_mem>>)
    %dma_wait3A_1223 = arith.constant 0 : i32
    %dma_wait3A_1224 = tpu.memref_slice %arg9[%add3A_1198, %dma_wait3A_1223] : memref<51200x128xf32, #tpu.memory_space<hbm>> -> memref<64x128xf32, #tpu.memory_space<hbm>>
    %dma_wait3A_1225 = arith.constant 0 : i32
    %dma_wait3A_1226 = tpu.memref_slice %arg9[%add3A_1198, %dma_wait3A_1225] : memref<51200x128xf32, #tpu.memory_space<hbm>> -> memref<64x128xf32, #tpu.memory_space<hbm>>
    tpu.wait_dma2 semaphore(%arg17 : memref<!tpu.dma_semaphore, #tpu.memory_space<semaphore_mem>>) src(%arg15 : memref<64x128xf32, #tpu.memory_space<vmem>>) dst(%dma_wait3A_1226 : memref<64x128xf32, #tpu.memory_space<hbm>>)
    %dma_start3A_1227 = arith.constant 832 : i32
    %dma_start3A_1228 = tpu.memref_slice %arg11[%dma_start3A_1227] : memref<1600xi32, #tpu.memory_space<vmem>> -> memref<64xi32, #tpu.memory_space<vmem>>
    %dma_start3A_1229 = arith.constant 0 : i32
    %dma_start3A_1230 = arith.constant 0 : i32
    %dma_start3A_1231 = tpu.memref_slice %arg6[%dma_start3A_1229, %dma_start3A_1230] : memref<31250x128xf32, #tpu.memory_space<hbm>> -> memref<31250x128xf32, #tpu.memory_space<hbm>>
    tpu.enqueue_indirect_dma source(%dma_start3A_1231 : memref<31250x128xf32, #tpu.memory_space<hbm>>) target(%arg15 : memref<64x128xf32, #tpu.memory_space<vmem>>) offsets(%dma_start3A_1228 : memref<64xi32, #tpu.memory_space<vmem>>) semaphore(%arg16 : memref<!tpu.dma_semaphore, #tpu.memory_space<semaphore_mem>>)
    %dma_wait3A_1232 = arith.constant 704 : i32
    %dma_wait3A_1233 = tpu.memref_slice %arg11[%dma_wait3A_1232] : memref<1600xi32, #tpu.memory_space<vmem>> -> memref<64xi32, #tpu.memory_space<vmem>>
    %dma_wait3A_1234 = arith.constant 0 : i32
    %dma_wait3A_1235 = arith.constant 0 : i32
    %dma_wait3A_1236 = tpu.memref_slice %arg6[%dma_wait3A_1234, %dma_wait3A_1235] : memref<31250x128xf32, #tpu.memory_space<hbm>> -> memref<31250x128xf32, #tpu.memory_space<hbm>>
    tpu.wait_indirect_dma semaphore(%arg16 : memref<!tpu.dma_semaphore, #tpu.memory_space<semaphore_mem>>) src(%dma_wait3A_1236 : memref<31250x128xf32, #tpu.memory_space<hbm>>) dst(%arg13 : memref<64x128xf32, #tpu.memory_space<vmem>>)
    %add3A_1237 = arith.constant 704 : i32
    %add3A_1238 = arith.addi %mul3A_2, %add3A_1237 : i32
    %dma_start3A_1239 = arith.constant 0 : i32
    %dma_start3A_1240 = tpu.memref_slice %arg9[%add3A_1238, %dma_start3A_1239] : memref<51200x128xf32, #tpu.memory_space<hbm>> -> memref<64x128xf32, #tpu.memory_space<hbm>>
    %dma_start3A_1241 = arith.constant 0 : i32
    %dma_start3A_1242 = tpu.memref_slice %arg9[%add3A_1238, %dma_start3A_1241] : memref<51200x128xf32, #tpu.memory_space<hbm>> -> memref<64x128xf32, #tpu.memory_space<hbm>>
    tpu.enqueue_dma source(%arg13 : memref<64x128xf32, #tpu.memory_space<vmem>>) target(%dma_start3A_1242 : memref<64x128xf32, #tpu.memory_space<hbm>>) target_semaphore(%arg17 : memref<!tpu.dma_semaphore, #tpu.memory_space<semaphore_mem>>)
    %dma_wait3A_1243 = arith.constant 0 : i32
    %dma_wait3A_1244 = tpu.memref_slice %arg9[%add3A_1218, %dma_wait3A_1243] : memref<51200x128xf32, #tpu.memory_space<hbm>> -> memref<64x128xf32, #tpu.memory_space<hbm>>
    %dma_wait3A_1245 = arith.constant 0 : i32
    %dma_wait3A_1246 = tpu.memref_slice %arg9[%add3A_1218, %dma_wait3A_1245] : memref<51200x128xf32, #tpu.memory_space<hbm>> -> memref<64x128xf32, #tpu.memory_space<hbm>>
    tpu.wait_dma2 semaphore(%arg17 : memref<!tpu.dma_semaphore, #tpu.memory_space<semaphore_mem>>) src(%arg12 : memref<64x128xf32, #tpu.memory_space<vmem>>) dst(%dma_wait3A_1246 : memref<64x128xf32, #tpu.memory_space<hbm>>)
    %dma_start3A_1247 = arith.constant 896 : i32
    %dma_start3A_1248 = tpu.memref_slice %arg11[%dma_start3A_1247] : memref<1600xi32, #tpu.memory_space<vmem>> -> memref<64xi32, #tpu.memory_space<vmem>>
    %dma_start3A_1249 = arith.constant 0 : i32
    %dma_start3A_1250 = arith.constant 0 : i32
    %dma_start3A_1251 = tpu.memref_slice %arg6[%dma_start3A_1249, %dma_start3A_1250] : memref<31250x128xf32, #tpu.memory_space<hbm>> -> memref<31250x128xf32, #tpu.memory_space<hbm>>
    tpu.enqueue_indirect_dma source(%dma_start3A_1251 : memref<31250x128xf32, #tpu.memory_space<hbm>>) target(%arg12 : memref<64x128xf32, #tpu.memory_space<vmem>>) offsets(%dma_start3A_1248 : memref<64xi32, #tpu.memory_space<vmem>>) semaphore(%arg16 : memref<!tpu.dma_semaphore, #tpu.memory_space<semaphore_mem>>)
    %dma_wait3A_1252 = arith.constant 768 : i32
    %dma_wait3A_1253 = tpu.memref_slice %arg11[%dma_wait3A_1252] : memref<1600xi32, #tpu.memory_space<vmem>> -> memref<64xi32, #tpu.memory_space<vmem>>
    %dma_wait3A_1254 = arith.constant 0 : i32
    %dma_wait3A_1255 = arith.constant 0 : i32
    %dma_wait3A_1256 = tpu.memref_slice %arg6[%dma_wait3A_1254, %dma_wait3A_1255] : memref<31250x128xf32, #tpu.memory_space<hbm>> -> memref<31250x128xf32, #tpu.memory_space<hbm>>
    tpu.wait_indirect_dma semaphore(%arg16 : memref<!tpu.dma_semaphore, #tpu.memory_space<semaphore_mem>>) src(%dma_wait3A_1256 : memref<31250x128xf32, #tpu.memory_space<hbm>>) dst(%arg14 : memref<64x128xf32, #tpu.memory_space<vmem>>)
    %add3A_1257 = arith.constant 768 : i32
    %add3A_1258 = arith.addi %mul3A_2, %add3A_1257 : i32
    %dma_start3A_1259 = arith.constant 0 : i32
    %dma_start3A_1260 = tpu.memref_slice %arg9[%add3A_1258, %dma_start3A_1259] : memref<51200x128xf32, #tpu.memory_space<hbm>> -> memref<64x128xf32, #tpu.memory_space<hbm>>
    %dma_start3A_1261 = arith.constant 0 : i32
    %dma_start3A_1262 = tpu.memref_slice %arg9[%add3A_1258, %dma_start3A_1261] : memref<51200x128xf32, #tpu.memory_space<hbm>> -> memref<64x128xf32, #tpu.memory_space<hbm>>
    tpu.enqueue_dma source(%arg14 : memref<64x128xf32, #tpu.memory_space<vmem>>) target(%dma_start3A_1262 : memref<64x128xf32, #tpu.memory_space<hbm>>) target_semaphore(%arg17 : memref<!tpu.dma_semaphore, #tpu.memory_space<semaphore_mem>>)
    %dma_wait3A_1263 = arith.constant 0 : i32
    %dma_wait3A_1264 = tpu.memref_slice %arg9[%add3A_1238, %dma_wait3A_1263] : memref<51200x128xf32, #tpu.memory_space<hbm>> -> memref<64x128xf32, #tpu.memory_space<hbm>>
    %dma_wait3A_1265 = arith.constant 0 : i32
    %dma_wait3A_1266 = tpu.memref_slice %arg9[%add3A_1238, %dma_wait3A_1265] : memref<51200x128xf32, #tpu.memory_space<hbm>> -> memref<64x128xf32, #tpu.memory_space<hbm>>
    tpu.wait_dma2 semaphore(%arg17 : memref<!tpu.dma_semaphore, #tpu.memory_space<semaphore_mem>>) src(%arg13 : memref<64x128xf32, #tpu.memory_space<vmem>>) dst(%dma_wait3A_1266 : memref<64x128xf32, #tpu.memory_space<hbm>>)
    %dma_start3A_1267 = arith.constant 960 : i32
    %dma_start3A_1268 = tpu.memref_slice %arg11[%dma_start3A_1267] : memref<1600xi32, #tpu.memory_space<vmem>> -> memref<64xi32, #tpu.memory_space<vmem>>
    %dma_start3A_1269 = arith.constant 0 : i32
    %dma_start3A_1270 = arith.constant 0 : i32
    %dma_start3A_1271 = tpu.memref_slice %arg6[%dma_start3A_1269, %dma_start3A_1270] : memref<31250x128xf32, #tpu.memory_space<hbm>> -> memref<31250x128xf32, #tpu.memory_space<hbm>>
    tpu.enqueue_indirect_dma source(%dma_start3A_1271 : memref<31250x128xf32, #tpu.memory_space<hbm>>) target(%arg13 : memref<64x128xf32, #tpu.memory_space<vmem>>) offsets(%dma_start3A_1268 : memref<64xi32, #tpu.memory_space<vmem>>) semaphore(%arg16 : memref<!tpu.dma_semaphore, #tpu.memory_space<semaphore_mem>>)
    %dma_wait3A_1272 = arith.constant 832 : i32
    %dma_wait3A_1273 = tpu.memref_slice %arg11[%dma_wait3A_1272] : memref<1600xi32, #tpu.memory_space<vmem>> -> memref<64xi32, #tpu.memory_space<vmem>>
    %dma_wait3A_1274 = arith.constant 0 : i32
    %dma_wait3A_1275 = arith.constant 0 : i32
    %dma_wait3A_1276 = tpu.memref_slice %arg6[%dma_wait3A_1274, %dma_wait3A_1275] : memref<31250x128xf32, #tpu.memory_space<hbm>> -> memref<31250x128xf32, #tpu.memory_space<hbm>>
    tpu.wait_indirect_dma semaphore(%arg16 : memref<!tpu.dma_semaphore, #tpu.memory_space<semaphore_mem>>) src(%dma_wait3A_1276 : memref<31250x128xf32, #tpu.memory_space<hbm>>) dst(%arg15 : memref<64x128xf32, #tpu.memory_space<vmem>>)
    %add3A_1277 = arith.constant 832 : i32
    %add3A_1278 = arith.addi %mul3A_2, %add3A_1277 : i32
    %dma_start3A_1279 = arith.constant 0 : i32
    %dma_start3A_1280 = tpu.memref_slice %arg9[%add3A_1278, %dma_start3A_1279] : memref<51200x128xf32, #tpu.memory_space<hbm>> -> memref<64x128xf32, #tpu.memory_space<hbm>>
    %dma_start3A_1281 = arith.constant 0 : i32
    %dma_start3A_1282 = tpu.memref_slice %arg9[%add3A_1278, %dma_start3A_1281] : memref<51200x128xf32, #tpu.memory_space<hbm>> -> memref<64x128xf32, #tpu.memory_space<hbm>>
    tpu.enqueue_dma source(%arg15 : memref<64x128xf32, #tpu.memory_space<vmem>>) target(%dma_start3A_1282 : memref<64x128xf32, #tpu.memory_space<hbm>>) target_semaphore(%arg17 : memref<!tpu.dma_semaphore, #tpu.memory_space<semaphore_mem>>)
    %dma_wait3A_1283 = arith.constant 0 : i32
    %dma_wait3A_1284 = tpu.memref_slice %arg9[%add3A_1258, %dma_wait3A_1283] : memref<51200x128xf32, #tpu.memory_space<hbm>> -> memref<64x128xf32, #tpu.memory_space<hbm>>
    %dma_wait3A_1285 = arith.constant 0 : i32
    %dma_wait3A_1286 = tpu.memref_slice %arg9[%add3A_1258, %dma_wait3A_1285] : memref<51200x128xf32, #tpu.memory_space<hbm>> -> memref<64x128xf32, #tpu.memory_space<hbm>>
    tpu.wait_dma2 semaphore(%arg17 : memref<!tpu.dma_semaphore, #tpu.memory_space<semaphore_mem>>) src(%arg14 : memref<64x128xf32, #tpu.memory_space<vmem>>) dst(%dma_wait3A_1286 : memref<64x128xf32, #tpu.memory_space<hbm>>)
    %dma_start3A_1287 = arith.constant 1024 : i32
    %dma_start3A_1288 = tpu.memref_slice %arg11[%dma_start3A_1287] : memref<1600xi32, #tpu.memory_space<vmem>> -> memref<64xi32, #tpu.memory_space<vmem>>
    %dma_start3A_1289 = arith.constant 0 : i32
    %dma_start3A_1290 = arith.constant 0 : i32
    %dma_start3A_1291 = tpu.memref_slice %arg6[%dma_start3A_1289, %dma_start3A_1290] : memref<31250x128xf32, #tpu.memory_space<hbm>> -> memref<31250x128xf32, #tpu.memory_space<hbm>>
    tpu.enqueue_indirect_dma source(%dma_start3A_1291 : memref<31250x128xf32, #tpu.memory_space<hbm>>) target(%arg14 : memref<64x128xf32, #tpu.memory_space<vmem>>) offsets(%dma_start3A_1288 : memref<64xi32, #tpu.memory_space<vmem>>) semaphore(%arg16 : memref<!tpu.dma_semaphore, #tpu.memory_space<semaphore_mem>>)
    %dma_wait3A_1292 = arith.constant 896 : i32
    %dma_wait3A_1293 = tpu.memref_slice %arg11[%dma_wait3A_1292] : memref<1600xi32, #tpu.memory_space<vmem>> -> memref<64xi32, #tpu.memory_space<vmem>>
    %dma_wait3A_1294 = arith.constant 0 : i32
    %dma_wait3A_1295 = arith.constant 0 : i32
    %dma_wait3A_1296 = tpu.memref_slice %arg6[%dma_wait3A_1294, %dma_wait3A_1295] : memref<31250x128xf32, #tpu.memory_space<hbm>> -> memref<31250x128xf32, #tpu.memory_space<hbm>>
    tpu.wait_indirect_dma semaphore(%arg16 : memref<!tpu.dma_semaphore, #tpu.memory_space<semaphore_mem>>) src(%dma_wait3A_1296 : memref<31250x128xf32, #tpu.memory_space<hbm>>) dst(%arg12 : memref<64x128xf32, #tpu.memory_space<vmem>>)
    %add3A_1297 = arith.constant 896 : i32
    %add3A_1298 = arith.addi %mul3A_2, %add3A_1297 : i32
    %dma_start3A_1299 = arith.constant 0 : i32
    %dma_start3A_1300 = tpu.memref_slice %arg9[%add3A_1298, %dma_start3A_1299] : memref<51200x128xf32, #tpu.memory_space<hbm>> -> memref<64x128xf32, #tpu.memory_space<hbm>>
    %dma_start3A_1301 = arith.constant 0 : i32
    %dma_start3A_1302 = tpu.memref_slice %arg9[%add3A_1298, %dma_start3A_1301] : memref<51200x128xf32, #tpu.memory_space<hbm>> -> memref<64x128xf32, #tpu.memory_space<hbm>>
    tpu.enqueue_dma source(%arg12 : memref<64x128xf32, #tpu.memory_space<vmem>>) target(%dma_start3A_1302 : memref<64x128xf32, #tpu.memory_space<hbm>>) target_semaphore(%arg17 : memref<!tpu.dma_semaphore, #tpu.memory_space<semaphore_mem>>)
    %dma_wait3A_1303 = arith.constant 0 : i32
    %dma_wait3A_1304 = tpu.memref_slice %arg9[%add3A_1278, %dma_wait3A_1303] : memref<51200x128xf32, #tpu.memory_space<hbm>> -> memref<64x128xf32, #tpu.memory_space<hbm>>
    %dma_wait3A_1305 = arith.constant 0 : i32
    %dma_wait3A_1306 = tpu.memref_slice %arg9[%add3A_1278, %dma_wait3A_1305] : memref<51200x128xf32, #tpu.memory_space<hbm>> -> memref<64x128xf32, #tpu.memory_space<hbm>>
    tpu.wait_dma2 semaphore(%arg17 : memref<!tpu.dma_semaphore, #tpu.memory_space<semaphore_mem>>) src(%arg15 : memref<64x128xf32, #tpu.memory_space<vmem>>) dst(%dma_wait3A_1306 : memref<64x128xf32, #tpu.memory_space<hbm>>)
    %dma_start3A_1307 = arith.constant 1088 : i32
    %dma_start3A_1308 = tpu.memref_slice %arg11[%dma_start3A_1307] : memref<1600xi32, #tpu.memory_space<vmem>> -> memref<64xi32, #tpu.memory_space<vmem>>
    %dma_start3A_1309 = arith.constant 0 : i32
    %dma_start3A_1310 = arith.constant 0 : i32
    %dma_start3A_1311 = tpu.memref_slice %arg6[%dma_start3A_1309, %dma_start3A_1310] : memref<31250x128xf32, #tpu.memory_space<hbm>> -> memref<31250x128xf32, #tpu.memory_space<hbm>>
    tpu.enqueue_indirect_dma source(%dma_start3A_1311 : memref<31250x128xf32, #tpu.memory_space<hbm>>) target(%arg15 : memref<64x128xf32, #tpu.memory_space<vmem>>) offsets(%dma_start3A_1308 : memref<64xi32, #tpu.memory_space<vmem>>) semaphore(%arg16 : memref<!tpu.dma_semaphore, #tpu.memory_space<semaphore_mem>>)
    %dma_wait3A_1312 = arith.constant 960 : i32
    %dma_wait3A_1313 = tpu.memref_slice %arg11[%dma_wait3A_1312] : memref<1600xi32, #tpu.memory_space<vmem>> -> memref<64xi32, #tpu.memory_space<vmem>>
    %dma_wait3A_1314 = arith.constant 0 : i32
    %dma_wait3A_1315 = arith.constant 0 : i32
    %dma_wait3A_1316 = tpu.memref_slice %arg6[%dma_wait3A_1314, %dma_wait3A_1315] : memref<31250x128xf32, #tpu.memory_space<hbm>> -> memref<31250x128xf32, #tpu.memory_space<hbm>>
    tpu.wait_indirect_dma semaphore(%arg16 : memref<!tpu.dma_semaphore, #tpu.memory_space<semaphore_mem>>) src(%dma_wait3A_1316 : memref<31250x128xf32, #tpu.memory_space<hbm>>) dst(%arg13 : memref<64x128xf32, #tpu.memory_space<vmem>>)
    %add3A_1317 = arith.constant 960 : i32
    %add3A_1318 = arith.addi %mul3A_2, %add3A_1317 : i32
    %dma_start3A_1319 = arith.constant 0 : i32
    %dma_start3A_1320 = tpu.memref_slice %arg9[%add3A_1318, %dma_start3A_1319] : memref<51200x128xf32, #tpu.memory_space<hbm>> -> memref<64x128xf32, #tpu.memory_space<hbm>>
    %dma_start3A_1321 = arith.constant 0 : i32
    %dma_start3A_1322 = tpu.memref_slice %arg9[%add3A_1318, %dma_start3A_1321] : memref<51200x128xf32, #tpu.memory_space<hbm>> -> memref<64x128xf32, #tpu.memory_space<hbm>>
    tpu.enqueue_dma source(%arg13 : memref<64x128xf32, #tpu.memory_space<vmem>>) target(%dma_start3A_1322 : memref<64x128xf32, #tpu.memory_space<hbm>>) target_semaphore(%arg17 : memref<!tpu.dma_semaphore, #tpu.memory_space<semaphore_mem>>)
    %dma_wait3A_1323 = arith.constant 0 : i32
    %dma_wait3A_1324 = tpu.memref_slice %arg9[%add3A_1298, %dma_wait3A_1323] : memref<51200x128xf32, #tpu.memory_space<hbm>> -> memref<64x128xf32, #tpu.memory_space<hbm>>
    %dma_wait3A_1325 = arith.constant 0 : i32
    %dma_wait3A_1326 = tpu.memref_slice %arg9[%add3A_1298, %dma_wait3A_1325] : memref<51200x128xf32, #tpu.memory_space<hbm>> -> memref<64x128xf32, #tpu.memory_space<hbm>>
    tpu.wait_dma2 semaphore(%arg17 : memref<!tpu.dma_semaphore, #tpu.memory_space<semaphore_mem>>) src(%arg12 : memref<64x128xf32, #tpu.memory_space<vmem>>) dst(%dma_wait3A_1326 : memref<64x128xf32, #tpu.memory_space<hbm>>)
    %dma_start3A_1327 = arith.constant 1152 : i32
    %dma_start3A_1328 = tpu.memref_slice %arg11[%dma_start3A_1327] : memref<1600xi32, #tpu.memory_space<vmem>> -> memref<64xi32, #tpu.memory_space<vmem>>
    %dma_start3A_1329 = arith.constant 0 : i32
    %dma_start3A_1330 = arith.constant 0 : i32
    %dma_start3A_1331 = tpu.memref_slice %arg6[%dma_start3A_1329, %dma_start3A_1330] : memref<31250x128xf32, #tpu.memory_space<hbm>> -> memref<31250x128xf32, #tpu.memory_space<hbm>>
    tpu.enqueue_indirect_dma source(%dma_start3A_1331 : memref<31250x128xf32, #tpu.memory_space<hbm>>) target(%arg12 : memref<64x128xf32, #tpu.memory_space<vmem>>) offsets(%dma_start3A_1328 : memref<64xi32, #tpu.memory_space<vmem>>) semaphore(%arg16 : memref<!tpu.dma_semaphore, #tpu.memory_space<semaphore_mem>>)
    %dma_wait3A_1332 = arith.constant 1024 : i32
    %dma_wait3A_1333 = tpu.memref_slice %arg11[%dma_wait3A_1332] : memref<1600xi32, #tpu.memory_space<vmem>> -> memref<64xi32, #tpu.memory_space<vmem>>
    %dma_wait3A_1334 = arith.constant 0 : i32
    %dma_wait3A_1335 = arith.constant 0 : i32
    %dma_wait3A_1336 = tpu.memref_slice %arg6[%dma_wait3A_1334, %dma_wait3A_1335] : memref<31250x128xf32, #tpu.memory_space<hbm>> -> memref<31250x128xf32, #tpu.memory_space<hbm>>
    tpu.wait_indirect_dma semaphore(%arg16 : memref<!tpu.dma_semaphore, #tpu.memory_space<semaphore_mem>>) src(%dma_wait3A_1336 : memref<31250x128xf32, #tpu.memory_space<hbm>>) dst(%arg14 : memref<64x128xf32, #tpu.memory_space<vmem>>)
    %add3A_1337 = arith.constant 1024 : i32
    %add3A_1338 = arith.addi %mul3A_2, %add3A_1337 : i32
    %dma_start3A_1339 = arith.constant 0 : i32
    %dma_start3A_1340 = tpu.memref_slice %arg9[%add3A_1338, %dma_start3A_1339] : memref<51200x128xf32, #tpu.memory_space<hbm>> -> memref<64x128xf32, #tpu.memory_space<hbm>>
    %dma_start3A_1341 = arith.constant 0 : i32
    %dma_start3A_1342 = tpu.memref_slice %arg9[%add3A_1338, %dma_start3A_1341] : memref<51200x128xf32, #tpu.memory_space<hbm>> -> memref<64x128xf32, #tpu.memory_space<hbm>>
    tpu.enqueue_dma source(%arg14 : memref<64x128xf32, #tpu.memory_space<vmem>>) target(%dma_start3A_1342 : memref<64x128xf32, #tpu.memory_space<hbm>>) target_semaphore(%arg17 : memref<!tpu.dma_semaphore, #tpu.memory_space<semaphore_mem>>)
    %dma_wait3A_1343 = arith.constant 0 : i32
    %dma_wait3A_1344 = tpu.memref_slice %arg9[%add3A_1318, %dma_wait3A_1343] : memref<51200x128xf32, #tpu.memory_space<hbm>> -> memref<64x128xf32, #tpu.memory_space<hbm>>
    %dma_wait3A_1345 = arith.constant 0 : i32
    %dma_wait3A_1346 = tpu.memref_slice %arg9[%add3A_1318, %dma_wait3A_1345] : memref<51200x128xf32, #tpu.memory_space<hbm>> -> memref<64x128xf32, #tpu.memory_space<hbm>>
    tpu.wait_dma2 semaphore(%arg17 : memref<!tpu.dma_semaphore, #tpu.memory_space<semaphore_mem>>) src(%arg13 : memref<64x128xf32, #tpu.memory_space<vmem>>) dst(%dma_wait3A_1346 : memref<64x128xf32, #tpu.memory_space<hbm>>)
    %dma_start3A_1347 = arith.constant 1216 : i32
    %dma_start3A_1348 = tpu.memref_slice %arg11[%dma_start3A_1347] : memref<1600xi32, #tpu.memory_space<vmem>> -> memref<64xi32, #tpu.memory_space<vmem>>
    %dma_start3A_1349 = arith.constant 0 : i32
    %dma_start3A_1350 = arith.constant 0 : i32
    %dma_start3A_1351 = tpu.memref_slice %arg6[%dma_start3A_1349, %dma_start3A_1350] : memref<31250x128xf32, #tpu.memory_space<hbm>> -> memref<31250x128xf32, #tpu.memory_space<hbm>>
    tpu.enqueue_indirect_dma source(%dma_start3A_1351 : memref<31250x128xf32, #tpu.memory_space<hbm>>) target(%arg13 : memref<64x128xf32, #tpu.memory_space<vmem>>) offsets(%dma_start3A_1348 : memref<64xi32, #tpu.memory_space<vmem>>) semaphore(%arg16 : memref<!tpu.dma_semaphore, #tpu.memory_space<semaphore_mem>>)
    %dma_wait3A_1352 = arith.constant 1088 : i32
    %dma_wait3A_1353 = tpu.memref_slice %arg11[%dma_wait3A_1352] : memref<1600xi32, #tpu.memory_space<vmem>> -> memref<64xi32, #tpu.memory_space<vmem>>
    %dma_wait3A_1354 = arith.constant 0 : i32
    %dma_wait3A_1355 = arith.constant 0 : i32
    %dma_wait3A_1356 = tpu.memref_slice %arg6[%dma_wait3A_1354, %dma_wait3A_1355] : memref<31250x128xf32, #tpu.memory_space<hbm>> -> memref<31250x128xf32, #tpu.memory_space<hbm>>
    tpu.wait_indirect_dma semaphore(%arg16 : memref<!tpu.dma_semaphore, #tpu.memory_space<semaphore_mem>>) src(%dma_wait3A_1356 : memref<31250x128xf32, #tpu.memory_space<hbm>>) dst(%arg15 : memref<64x128xf32, #tpu.memory_space<vmem>>)
    %add3A_1357 = arith.constant 1088 : i32
    %add3A_1358 = arith.addi %mul3A_2, %add3A_1357 : i32
    %dma_start3A_1359 = arith.constant 0 : i32
    %dma_start3A_1360 = tpu.memref_slice %arg9[%add3A_1358, %dma_start3A_1359] : memref<51200x128xf32, #tpu.memory_space<hbm>> -> memref<64x128xf32, #tpu.memory_space<hbm>>
    %dma_start3A_1361 = arith.constant 0 : i32
    %dma_start3A_1362 = tpu.memref_slice %arg9[%add3A_1358, %dma_start3A_1361] : memref<51200x128xf32, #tpu.memory_space<hbm>> -> memref<64x128xf32, #tpu.memory_space<hbm>>
    tpu.enqueue_dma source(%arg15 : memref<64x128xf32, #tpu.memory_space<vmem>>) target(%dma_start3A_1362 : memref<64x128xf32, #tpu.memory_space<hbm>>) target_semaphore(%arg17 : memref<!tpu.dma_semaphore, #tpu.memory_space<semaphore_mem>>)
    %dma_wait3A_1363 = arith.constant 0 : i32
    %dma_wait3A_1364 = tpu.memref_slice %arg9[%add3A_1338, %dma_wait3A_1363] : memref<51200x128xf32, #tpu.memory_space<hbm>> -> memref<64x128xf32, #tpu.memory_space<hbm>>
    %dma_wait3A_1365 = arith.constant 0 : i32
    %dma_wait3A_1366 = tpu.memref_slice %arg9[%add3A_1338, %dma_wait3A_1365] : memref<51200x128xf32, #tpu.memory_space<hbm>> -> memref<64x128xf32, #tpu.memory_space<hbm>>
    tpu.wait_dma2 semaphore(%arg17 : memref<!tpu.dma_semaphore, #tpu.memory_space<semaphore_mem>>) src(%arg14 : memref<64x128xf32, #tpu.memory_space<vmem>>) dst(%dma_wait3A_1366 : memref<64x128xf32, #tpu.memory_space<hbm>>)
    %dma_start3A_1367 = arith.constant 1280 : i32
    %dma_start3A_1368 = tpu.memref_slice %arg11[%dma_start3A_1367] : memref<1600xi32, #tpu.memory_space<vmem>> -> memref<64xi32, #tpu.memory_space<vmem>>
    %dma_start3A_1369 = arith.constant 0 : i32
    %dma_start3A_1370 = arith.constant 0 : i32
    %dma_start3A_1371 = tpu.memref_slice %arg6[%dma_start3A_1369, %dma_start3A_1370] : memref<31250x128xf32, #tpu.memory_space<hbm>> -> memref<31250x128xf32, #tpu.memory_space<hbm>>
    tpu.enqueue_indirect_dma source(%dma_start3A_1371 : memref<31250x128xf32, #tpu.memory_space<hbm>>) target(%arg14 : memref<64x128xf32, #tpu.memory_space<vmem>>) offsets(%dma_start3A_1368 : memref<64xi32, #tpu.memory_space<vmem>>) semaphore(%arg16 : memref<!tpu.dma_semaphore, #tpu.memory_space<semaphore_mem>>)
    %dma_wait3A_1372 = arith.constant 1152 : i32
    %dma_wait3A_1373 = tpu.memref_slice %arg11[%dma_wait3A_1372] : memref<1600xi32, #tpu.memory_space<vmem>> -> memref<64xi32, #tpu.memory_space<vmem>>
    %dma_wait3A_1374 = arith.constant 0 : i32
    %dma_wait3A_1375 = arith.constant 0 : i32
    %dma_wait3A_1376 = tpu.memref_slice %arg6[%dma_wait3A_1374, %dma_wait3A_1375] : memref<31250x128xf32, #tpu.memory_space<hbm>> -> memref<31250x128xf32, #tpu.memory_space<hbm>>
    tpu.wait_indirect_dma semaphore(%arg16 : memref<!tpu.dma_semaphore, #tpu.memory_space<semaphore_mem>>) src(%dma_wait3A_1376 : memref<31250x128xf32, #tpu.memory_space<hbm>>) dst(%arg12 : memref<64x128xf32, #tpu.memory_space<vmem>>)
    %add3A_1377 = arith.constant 1152 : i32
    %add3A_1378 = arith.addi %mul3A_2, %add3A_1377 : i32
    %dma_start3A_1379 = arith.constant 0 : i32
    %dma_start3A_1380 = tpu.memref_slice %arg9[%add3A_1378, %dma_start3A_1379] : memref<51200x128xf32, #tpu.memory_space<hbm>> -> memref<64x128xf32, #tpu.memory_space<hbm>>
    %dma_start3A_1381 = arith.constant 0 : i32
    %dma_start3A_1382 = tpu.memref_slice %arg9[%add3A_1378, %dma_start3A_1381] : memref<51200x128xf32, #tpu.memory_space<hbm>> -> memref<64x128xf32, #tpu.memory_space<hbm>>
    tpu.enqueue_dma source(%arg12 : memref<64x128xf32, #tpu.memory_space<vmem>>) target(%dma_start3A_1382 : memref<64x128xf32, #tpu.memory_space<hbm>>) target_semaphore(%arg17 : memref<!tpu.dma_semaphore, #tpu.memory_space<semaphore_mem>>)
    %dma_wait3A_1383 = arith.constant 0 : i32
    %dma_wait3A_1384 = tpu.memref_slice %arg9[%add3A_1358, %dma_wait3A_1383] : memref<51200x128xf32, #tpu.memory_space<hbm>> -> memref<64x128xf32, #tpu.memory_space<hbm>>
    %dma_wait3A_1385 = arith.constant 0 : i32
    %dma_wait3A_1386 = tpu.memref_slice %arg9[%add3A_1358, %dma_wait3A_1385] : memref<51200x128xf32, #tpu.memory_space<hbm>> -> memref<64x128xf32, #tpu.memory_space<hbm>>
    tpu.wait_dma2 semaphore(%arg17 : memref<!tpu.dma_semaphore, #tpu.memory_space<semaphore_mem>>) src(%arg15 : memref<64x128xf32, #tpu.memory_space<vmem>>) dst(%dma_wait3A_1386 : memref<64x128xf32, #tpu.memory_space<hbm>>)
    %dma_start3A_1387 = arith.constant 1344 : i32
    %dma_start3A_1388 = tpu.memref_slice %arg11[%dma_start3A_1387] : memref<1600xi32, #tpu.memory_space<vmem>> -> memref<64xi32, #tpu.memory_space<vmem>>
    %dma_start3A_1389 = arith.constant 0 : i32
    %dma_start3A_1390 = arith.constant 0 : i32
    %dma_start3A_1391 = tpu.memref_slice %arg6[%dma_start3A_1389, %dma_start3A_1390] : memref<31250x128xf32, #tpu.memory_space<hbm>> -> memref<31250x128xf32, #tpu.memory_space<hbm>>
    tpu.enqueue_indirect_dma source(%dma_start3A_1391 : memref<31250x128xf32, #tpu.memory_space<hbm>>) target(%arg15 : memref<64x128xf32, #tpu.memory_space<vmem>>) offsets(%dma_start3A_1388 : memref<64xi32, #tpu.memory_space<vmem>>) semaphore(%arg16 : memref<!tpu.dma_semaphore, #tpu.memory_space<semaphore_mem>>)
    %dma_wait3A_1392 = arith.constant 1216 : i32
    %dma_wait3A_1393 = tpu.memref_slice %arg11[%dma_wait3A_1392] : memref<1600xi32, #tpu.memory_space<vmem>> -> memref<64xi32, #tpu.memory_space<vmem>>
    %dma_wait3A_1394 = arith.constant 0 : i32
    %dma_wait3A_1395 = arith.constant 0 : i32
    %dma_wait3A_1396 = tpu.memref_slice %arg6[%dma_wait3A_1394, %dma_wait3A_1395] : memref<31250x128xf32, #tpu.memory_space<hbm>> -> memref<31250x128xf32, #tpu.memory_space<hbm>>
    tpu.wait_indirect_dma semaphore(%arg16 : memref<!tpu.dma_semaphore, #tpu.memory_space<semaphore_mem>>) src(%dma_wait3A_1396 : memref<31250x128xf32, #tpu.memory_space<hbm>>) dst(%arg13 : memref<64x128xf32, #tpu.memory_space<vmem>>)
    %add3A_1397 = arith.constant 1216 : i32
    %add3A_1398 = arith.addi %mul3A_2, %add3A_1397 : i32
    %dma_start3A_1399 = arith.constant 0 : i32
    %dma_start3A_1400 = tpu.memref_slice %arg9[%add3A_1398, %dma_start3A_1399] : memref<51200x128xf32, #tpu.memory_space<hbm>> -> memref<64x128xf32, #tpu.memory_space<hbm>>
    %dma_start3A_1401 = arith.constant 0 : i32
    %dma_start3A_1402 = tpu.memref_slice %arg9[%add3A_1398, %dma_start3A_1401] : memref<51200x128xf32, #tpu.memory_space<hbm>> -> memref<64x128xf32, #tpu.memory_space<hbm>>
    tpu.enqueue_dma source(%arg13 : memref<64x128xf32, #tpu.memory_space<vmem>>) target(%dma_start3A_1402 : memref<64x128xf32, #tpu.memory_space<hbm>>) target_semaphore(%arg17 : memref<!tpu.dma_semaphore, #tpu.memory_space<semaphore_mem>>)
    %dma_wait3A_1403 = arith.constant 0 : i32
    %dma_wait3A_1404 = tpu.memref_slice %arg9[%add3A_1378, %dma_wait3A_1403] : memref<51200x128xf32, #tpu.memory_space<hbm>> -> memref<64x128xf32, #tpu.memory_space<hbm>>
    %dma_wait3A_1405 = arith.constant 0 : i32
    %dma_wait3A_1406 = tpu.memref_slice %arg9[%add3A_1378, %dma_wait3A_1405] : memref<51200x128xf32, #tpu.memory_space<hbm>> -> memref<64x128xf32, #tpu.memory_space<hbm>>
    tpu.wait_dma2 semaphore(%arg17 : memref<!tpu.dma_semaphore, #tpu.memory_space<semaphore_mem>>) src(%arg12 : memref<64x128xf32, #tpu.memory_space<vmem>>) dst(%dma_wait3A_1406 : memref<64x128xf32, #tpu.memory_space<hbm>>)
    %dma_start3A_1407 = arith.constant 1408 : i32
    %dma_start3A_1408 = tpu.memref_slice %arg11[%dma_start3A_1407] : memref<1600xi32, #tpu.memory_space<vmem>> -> memref<64xi32, #tpu.memory_space<vmem>>
    %dma_start3A_1409 = arith.constant 0 : i32
    %dma_start3A_1410 = arith.constant 0 : i32
    %dma_start3A_1411 = tpu.memref_slice %arg6[%dma_start3A_1409, %dma_start3A_1410] : memref<31250x128xf32, #tpu.memory_space<hbm>> -> memref<31250x128xf32, #tpu.memory_space<hbm>>
    tpu.enqueue_indirect_dma source(%dma_start3A_1411 : memref<31250x128xf32, #tpu.memory_space<hbm>>) target(%arg12 : memref<64x128xf32, #tpu.memory_space<vmem>>) offsets(%dma_start3A_1408 : memref<64xi32, #tpu.memory_space<vmem>>) semaphore(%arg16 : memref<!tpu.dma_semaphore, #tpu.memory_space<semaphore_mem>>)
    %dma_wait3A_1412 = arith.constant 1280 : i32
    %dma_wait3A_1413 = tpu.memref_slice %arg11[%dma_wait3A_1412] : memref<1600xi32, #tpu.memory_space<vmem>> -> memref<64xi32, #tpu.memory_space<vmem>>
    %dma_wait3A_1414 = arith.constant 0 : i32
    %dma_wait3A_1415 = arith.constant 0 : i32
    %dma_wait3A_1416 = tpu.memref_slice %arg6[%dma_wait3A_1414, %dma_wait3A_1415] : memref<31250x128xf32, #tpu.memory_space<hbm>> -> memref<31250x128xf32, #tpu.memory_space<hbm>>
    tpu.wait_indirect_dma semaphore(%arg16 : memref<!tpu.dma_semaphore, #tpu.memory_space<semaphore_mem>>) src(%dma_wait3A_1416 : memref<31250x128xf32, #tpu.memory_space<hbm>>) dst(%arg14 : memref<64x128xf32, #tpu.memory_space<vmem>>)
    %add3A_1417 = arith.constant 1280 : i32
    %add3A_1418 = arith.addi %mul3A_2, %add3A_1417 : i32
    %dma_start3A_1419 = arith.constant 0 : i32
    %dma_start3A_1420 = tpu.memref_slice %arg9[%add3A_1418, %dma_start3A_1419] : memref<51200x128xf32, #tpu.memory_space<hbm>> -> memref<64x128xf32, #tpu.memory_space<hbm>>
    %dma_start3A_1421 = arith.constant 0 : i32
    %dma_start3A_1422 = tpu.memref_slice %arg9[%add3A_1418, %dma_start3A_1421] : memref<51200x128xf32, #tpu.memory_space<hbm>> -> memref<64x128xf32, #tpu.memory_space<hbm>>
    tpu.enqueue_dma source(%arg14 : memref<64x128xf32, #tpu.memory_space<vmem>>) target(%dma_start3A_1422 : memref<64x128xf32, #tpu.memory_space<hbm>>) target_semaphore(%arg17 : memref<!tpu.dma_semaphore, #tpu.memory_space<semaphore_mem>>)
    %dma_wait3A_1423 = arith.constant 0 : i32
    %dma_wait3A_1424 = tpu.memref_slice %arg9[%add3A_1398, %dma_wait3A_1423] : memref<51200x128xf32, #tpu.memory_space<hbm>> -> memref<64x128xf32, #tpu.memory_space<hbm>>
    %dma_wait3A_1425 = arith.constant 0 : i32
    %dma_wait3A_1426 = tpu.memref_slice %arg9[%add3A_1398, %dma_wait3A_1425] : memref<51200x128xf32, #tpu.memory_space<hbm>> -> memref<64x128xf32, #tpu.memory_space<hbm>>
    tpu.wait_dma2 semaphore(%arg17 : memref<!tpu.dma_semaphore, #tpu.memory_space<semaphore_mem>>) src(%arg13 : memref<64x128xf32, #tpu.memory_space<vmem>>) dst(%dma_wait3A_1426 : memref<64x128xf32, #tpu.memory_space<hbm>>)
    %dma_start3A_1427 = arith.constant 1472 : i32
    %dma_start3A_1428 = tpu.memref_slice %arg11[%dma_start3A_1427] : memref<1600xi32, #tpu.memory_space<vmem>> -> memref<64xi32, #tpu.memory_space<vmem>>
    %dma_start3A_1429 = arith.constant 0 : i32
    %dma_start3A_1430 = arith.constant 0 : i32
    %dma_start3A_1431 = tpu.memref_slice %arg6[%dma_start3A_1429, %dma_start3A_1430] : memref<31250x128xf32, #tpu.memory_space<hbm>> -> memref<31250x128xf32, #tpu.memory_space<hbm>>
    tpu.enqueue_indirect_dma source(%dma_start3A_1431 : memref<31250x128xf32, #tpu.memory_space<hbm>>) target(%arg13 : memref<64x128xf32, #tpu.memory_space<vmem>>) offsets(%dma_start3A_1428 : memref<64xi32, #tpu.memory_space<vmem>>) semaphore(%arg16 : memref<!tpu.dma_semaphore, #tpu.memory_space<semaphore_mem>>)
    %dma_wait3A_1432 = arith.constant 1344 : i32
    %dma_wait3A_1433 = tpu.memref_slice %arg11[%dma_wait3A_1432] : memref<1600xi32, #tpu.memory_space<vmem>> -> memref<64xi32, #tpu.memory_space<vmem>>
    %dma_wait3A_1434 = arith.constant 0 : i32
    %dma_wait3A_1435 = arith.constant 0 : i32
    %dma_wait3A_1436 = tpu.memref_slice %arg6[%dma_wait3A_1434, %dma_wait3A_1435] : memref<31250x128xf32, #tpu.memory_space<hbm>> -> memref<31250x128xf32, #tpu.memory_space<hbm>>
    tpu.wait_indirect_dma semaphore(%arg16 : memref<!tpu.dma_semaphore, #tpu.memory_space<semaphore_mem>>) src(%dma_wait3A_1436 : memref<31250x128xf32, #tpu.memory_space<hbm>>) dst(%arg15 : memref<64x128xf32, #tpu.memory_space<vmem>>)
    %add3A_1437 = arith.constant 1344 : i32
    %add3A_1438 = arith.addi %mul3A_2, %add3A_1437 : i32
    %dma_start3A_1439 = arith.constant 0 : i32
    %dma_start3A_1440 = tpu.memref_slice %arg9[%add3A_1438, %dma_start3A_1439] : memref<51200x128xf32, #tpu.memory_space<hbm>> -> memref<64x128xf32, #tpu.memory_space<hbm>>
    %dma_start3A_1441 = arith.constant 0 : i32
    %dma_start3A_1442 = tpu.memref_slice %arg9[%add3A_1438, %dma_start3A_1441] : memref<51200x128xf32, #tpu.memory_space<hbm>> -> memref<64x128xf32, #tpu.memory_space<hbm>>
    tpu.enqueue_dma source(%arg15 : memref<64x128xf32, #tpu.memory_space<vmem>>) target(%dma_start3A_1442 : memref<64x128xf32, #tpu.memory_space<hbm>>) target_semaphore(%arg17 : memref<!tpu.dma_semaphore, #tpu.memory_space<semaphore_mem>>)
    %dma_wait3A_1443 = arith.constant 0 : i32
    %dma_wait3A_1444 = tpu.memref_slice %arg9[%add3A_1418, %dma_wait3A_1443] : memref<51200x128xf32, #tpu.memory_space<hbm>> -> memref<64x128xf32, #tpu.memory_space<hbm>>
    %dma_wait3A_1445 = arith.constant 0 : i32
    %dma_wait3A_1446 = tpu.memref_slice %arg9[%add3A_1418, %dma_wait3A_1445] : memref<51200x128xf32, #tpu.memory_space<hbm>> -> memref<64x128xf32, #tpu.memory_space<hbm>>
    tpu.wait_dma2 semaphore(%arg17 : memref<!tpu.dma_semaphore, #tpu.memory_space<semaphore_mem>>) src(%arg14 : memref<64x128xf32, #tpu.memory_space<vmem>>) dst(%dma_wait3A_1446 : memref<64x128xf32, #tpu.memory_space<hbm>>)
    %dma_start3A_1447 = arith.constant 1536 : i32
    %dma_start3A_1448 = tpu.memref_slice %arg11[%dma_start3A_1447] : memref<1600xi32, #tpu.memory_space<vmem>> -> memref<64xi32, #tpu.memory_space<vmem>>
    %dma_start3A_1449 = arith.constant 0 : i32
    %dma_start3A_1450 = arith.constant 0 : i32
    %dma_start3A_1451 = tpu.memref_slice %arg6[%dma_start3A_1449, %dma_start3A_1450] : memref<31250x128xf32, #tpu.memory_space<hbm>> -> memref<31250x128xf32, #tpu.memory_space<hbm>>
    tpu.enqueue_indirect_dma source(%dma_start3A_1451 : memref<31250x128xf32, #tpu.memory_space<hbm>>) target(%arg14 : memref<64x128xf32, #tpu.memory_space<vmem>>) offsets(%dma_start3A_1448 : memref<64xi32, #tpu.memory_space<vmem>>) semaphore(%arg16 : memref<!tpu.dma_semaphore, #tpu.memory_space<semaphore_mem>>)
    %dma_wait3A_1452 = arith.constant 1408 : i32
    %dma_wait3A_1453 = tpu.memref_slice %arg11[%dma_wait3A_1452] : memref<1600xi32, #tpu.memory_space<vmem>> -> memref<64xi32, #tpu.memory_space<vmem>>
    %dma_wait3A_1454 = arith.constant 0 : i32
    %dma_wait3A_1455 = arith.constant 0 : i32
    %dma_wait3A_1456 = tpu.memref_slice %arg6[%dma_wait3A_1454, %dma_wait3A_1455] : memref<31250x128xf32, #tpu.memory_space<hbm>> -> memref<31250x128xf32, #tpu.memory_space<hbm>>
    tpu.wait_indirect_dma semaphore(%arg16 : memref<!tpu.dma_semaphore, #tpu.memory_space<semaphore_mem>>) src(%dma_wait3A_1456 : memref<31250x128xf32, #tpu.memory_space<hbm>>) dst(%arg12 : memref<64x128xf32, #tpu.memory_space<vmem>>)
    %add3A_1457 = arith.constant 1408 : i32
    %add3A_1458 = arith.addi %mul3A_2, %add3A_1457 : i32
    %dma_start3A_1459 = arith.constant 0 : i32
    %dma_start3A_1460 = tpu.memref_slice %arg9[%add3A_1458, %dma_start3A_1459] : memref<51200x128xf32, #tpu.memory_space<hbm>> -> memref<64x128xf32, #tpu.memory_space<hbm>>
    %dma_start3A_1461 = arith.constant 0 : i32
    %dma_start3A_1462 = tpu.memref_slice %arg9[%add3A_1458, %dma_start3A_1461] : memref<51200x128xf32, #tpu.memory_space<hbm>> -> memref<64x128xf32, #tpu.memory_space<hbm>>
    tpu.enqueue_dma source(%arg12 : memref<64x128xf32, #tpu.memory_space<vmem>>) target(%dma_start3A_1462 : memref<64x128xf32, #tpu.memory_space<hbm>>) target_semaphore(%arg17 : memref<!tpu.dma_semaphore, #tpu.memory_space<semaphore_mem>>)
    %dma_wait3A_1463 = arith.constant 1472 : i32
    %dma_wait3A_1464 = tpu.memref_slice %arg11[%dma_wait3A_1463] : memref<1600xi32, #tpu.memory_space<vmem>> -> memref<64xi32, #tpu.memory_space<vmem>>
    %dma_wait3A_1465 = arith.constant 0 : i32
    %dma_wait3A_1466 = arith.constant 0 : i32
    %dma_wait3A_1467 = tpu.memref_slice %arg6[%dma_wait3A_1465, %dma_wait3A_1466] : memref<31250x128xf32, #tpu.memory_space<hbm>> -> memref<31250x128xf32, #tpu.memory_space<hbm>>
    tpu.wait_indirect_dma semaphore(%arg16 : memref<!tpu.dma_semaphore, #tpu.memory_space<semaphore_mem>>) src(%dma_wait3A_1467 : memref<31250x128xf32, #tpu.memory_space<hbm>>) dst(%arg13 : memref<64x128xf32, #tpu.memory_space<vmem>>)
    %add3A_1468 = arith.constant 1472 : i32
    %add3A_1469 = arith.addi %mul3A_2, %add3A_1468 : i32
    %dma_start3A_1470 = arith.constant 0 : i32
    %dma_start3A_1471 = tpu.memref_slice %arg9[%add3A_1469, %dma_start3A_1470] : memref<51200x128xf32, #tpu.memory_space<hbm>> -> memref<64x128xf32, #tpu.memory_space<hbm>>
    %dma_start3A_1472 = arith.constant 0 : i32
    %dma_start3A_1473 = tpu.memref_slice %arg9[%add3A_1469, %dma_start3A_1472] : memref<51200x128xf32, #tpu.memory_space<hbm>> -> memref<64x128xf32, #tpu.memory_space<hbm>>
    tpu.enqueue_dma source(%arg13 : memref<64x128xf32, #tpu.memory_space<vmem>>) target(%dma_start3A_1473 : memref<64x128xf32, #tpu.memory_space<hbm>>) target_semaphore(%arg17 : memref<!tpu.dma_semaphore, #tpu.memory_space<semaphore_mem>>)
    %dma_wait3A_1474 = arith.constant 1536 : i32
    %dma_wait3A_1475 = tpu.memref_slice %arg11[%dma_wait3A_1474] : memref<1600xi32, #tpu.memory_space<vmem>> -> memref<64xi32, #tpu.memory_space<vmem>>
    %dma_wait3A_1476 = arith.constant 0 : i32
    %dma_wait3A_1477 = arith.constant 0 : i32
    %dma_wait3A_1478 = tpu.memref_slice %arg6[%dma_wait3A_1476, %dma_wait3A_1477] : memref<31250x128xf32, #tpu.memory_space<hbm>> -> memref<31250x128xf32, #tpu.memory_space<hbm>>
    tpu.wait_indirect_dma semaphore(%arg16 : memref<!tpu.dma_semaphore, #tpu.memory_space<semaphore_mem>>) src(%dma_wait3A_1478 : memref<31250x128xf32, #tpu.memory_space<hbm>>) dst(%arg14 : memref<64x128xf32, #tpu.memory_space<vmem>>)
    %add3A_1479 = arith.constant 1536 : i32
    %add3A_1480 = arith.addi %mul3A_2, %add3A_1479 : i32
    %dma_start3A_1481 = arith.constant 0 : i32
    %dma_start3A_1482 = tpu.memref_slice %arg9[%add3A_1480, %dma_start3A_1481] : memref<51200x128xf32, #tpu.memory_space<hbm>> -> memref<64x128xf32, #tpu.memory_space<hbm>>
    %dma_start3A_1483 = arith.constant 0 : i32
    %dma_start3A_1484 = tpu.memref_slice %arg9[%add3A_1480, %dma_start3A_1483] : memref<51200x128xf32, #tpu.memory_space<hbm>> -> memref<64x128xf32, #tpu.memory_space<hbm>>
    tpu.enqueue_dma source(%arg14 : memref<64x128xf32, #tpu.memory_space<vmem>>) target(%dma_start3A_1484 : memref<64x128xf32, #tpu.memory_space<hbm>>) target_semaphore(%arg17 : memref<!tpu.dma_semaphore, #tpu.memory_space<semaphore_mem>>)
    %dma_wait3A_1485 = arith.constant 0 : i32
    %dma_wait3A_1486 = tpu.memref_slice %arg9[%add3A_1438, %dma_wait3A_1485] : memref<51200x128xf32, #tpu.memory_space<hbm>> -> memref<64x128xf32, #tpu.memory_space<hbm>>
    %dma_wait3A_1487 = arith.constant 0 : i32
    %dma_wait3A_1488 = tpu.memref_slice %arg9[%add3A_1438, %dma_wait3A_1487] : memref<51200x128xf32, #tpu.memory_space<hbm>> -> memref<64x128xf32, #tpu.memory_space<hbm>>
    tpu.wait_dma2 semaphore(%arg17 : memref<!tpu.dma_semaphore, #tpu.memory_space<semaphore_mem>>) src(%arg15 : memref<64x128xf32, #tpu.memory_space<vmem>>) dst(%dma_wait3A_1488 : memref<64x128xf32, #tpu.memory_space<hbm>>)
    %dma_wait3A_1489 = arith.constant 0 : i32
    %dma_wait3A_1490 = tpu.memref_slice %arg9[%add3A_1458, %dma_wait3A_1489] : memref<51200x128xf32, #tpu.memory_space<hbm>> -> memref<64x128xf32, #tpu.memory_space<hbm>>
    %dma_wait3A_1491 = arith.constant 0 : i32
    %dma_wait3A_1492 = tpu.memref_slice %arg9[%add3A_1458, %dma_wait3A_1491] : memref<51200x128xf32, #tpu.memory_space<hbm>> -> memref<64x128xf32, #tpu.memory_space<hbm>>
    tpu.wait_dma2 semaphore(%arg17 : memref<!tpu.dma_semaphore, #tpu.memory_space<semaphore_mem>>) src(%arg12 : memref<64x128xf32, #tpu.memory_space<vmem>>) dst(%dma_wait3A_1492 : memref<64x128xf32, #tpu.memory_space<hbm>>)
    %dma_wait3A_1493 = arith.constant 0 : i32
    %dma_wait3A_1494 = tpu.memref_slice %arg9[%add3A_1469, %dma_wait3A_1493] : memref<51200x128xf32, #tpu.memory_space<hbm>> -> memref<64x128xf32, #tpu.memory_space<hbm>>
    %dma_wait3A_1495 = arith.constant 0 : i32
    %dma_wait3A_1496 = tpu.memref_slice %arg9[%add3A_1469, %dma_wait3A_1495] : memref<51200x128xf32, #tpu.memory_space<hbm>> -> memref<64x128xf32, #tpu.memory_space<hbm>>
    tpu.wait_dma2 semaphore(%arg17 : memref<!tpu.dma_semaphore, #tpu.memory_space<semaphore_mem>>) src(%arg13 : memref<64x128xf32, #tpu.memory_space<vmem>>) dst(%dma_wait3A_1496 : memref<64x128xf32, #tpu.memory_space<hbm>>)
    %dma_wait3A_1497 = arith.constant 0 : i32
    %dma_wait3A_1498 = tpu.memref_slice %arg9[%add3A_1480, %dma_wait3A_1497] : memref<51200x128xf32, #tpu.memory_space<hbm>> -> memref<64x128xf32, #tpu.memory_space<hbm>>
    %dma_wait3A_1499 = arith.constant 0 : i32
    %dma_wait3A_1500 = tpu.memref_slice %arg9[%add3A_1480, %dma_wait3A_1499] : memref<51200x128xf32, #tpu.memory_space<hbm>> -> memref<64x128xf32, #tpu.memory_space<hbm>>
    tpu.wait_dma2 semaphore(%arg17 : memref<!tpu.dma_semaphore, #tpu.memory_space<semaphore_mem>>) src(%arg14 : memref<64x128xf32, #tpu.memory_space<vmem>>) dst(%dma_wait3A_1500 : memref<64x128xf32, #tpu.memory_space<hbm>>)
    return
  }
}

module attributes {stable_mosaic.version = 14 : i64} {
  func.func @_extract_body(%arg0: i32, %arg1: memref<256x128xf32, #tpu.memory_space<vmem>>, %arg2: memref<256x128xf32, #tpu.memory_space<vmem>>, %arg3: memref<256x128xf32, #tpu.memory_space<vmem>>, %arg4: memref<256x1xi32, #tpu.memory_space<vmem>>, %arg5: memref<256x1xi32, #tpu.memory_space<vmem>>, %arg6: memref<256x32xf32, #tpu.memory_space<vmem>>, %arg7: memref<256x1024xf32, #tpu.memory_space<vmem>>, %arg8: memref<256x4xf32, #tpu.memory_space<vmem>>) attributes {dimension_semantics = [#tpu.dimension_semantics<arbitrary>], iteration_bounds = array<i64: 200>, scalar_prefetch = 0 : i64, scratch_operands = 0 : i64, tpu.core_type = #tpu.core_type<tc>, window_params = [{transform_indices = @transform_0, window_bounds = array<i64: 256, 128>}, {transform_indices = @transform_1, window_bounds = array<i64: 256, 128>}, {transform_indices = @transform_2, window_bounds = array<i64: 256, 128>}, {transform_indices = @transform_3, window_bounds = array<i64: 256, 1>}, {transform_indices = @transform_4, window_bounds = array<i64: 256, 1>}, {transform_indices = @transform_5, window_bounds = array<i64: 256, 32>}, {transform_indices = @transform_6, window_bounds = array<i64: 256, 1024>}, {transform_indices = @transform_7, window_bounds = array<i64: 256, 4>}]} {
    %iota3A = tpu.iota {dimensions = array<i32: 1>} : vector<256x128xi32>
    %and3A = arith.constant 3 : i32
    %and3A_0 = vector.broadcast %and3A : i32 to vector<256x128xi32>
    %and3A_1 = arith.andi %iota3A, %and3A_0 : vector<256x128xi32>
    %get3A = arith.constant 0 : index
    %get3A_2 = arith.constant 0 : index
    %get3A_3 = vector.load %arg4[%get3A, %get3A_2] : memref<256x1xi32, #tpu.memory_space<vmem>>, vector<256x1xi32>
    %eq3A = vector.broadcast %get3A_3 : vector<256x1xi32> to vector<256x128xi32>
    %eq3A_4 = arith.cmpi eq, %and3A_1, %eq3A : vector<256x128xi32>
    %iota3A_5 = tpu.iota {dimensions = array<i32: 0>} : vector<128x32xi32>
    %iota3A_6 = tpu.iota {dimensions = array<i32: 1>} : vector<128x32xi32>
    %shift_right_arithmetic3A = arith.constant 2 : i32
    %shift_right_arithmetic3A_7 = vector.broadcast %shift_right_arithmetic3A : i32 to vector<128x32xi32>
    %shift_right_arithmetic3A_8 = arith.shrsi %iota3A_5, %shift_right_arithmetic3A_7 : vector<128x32xi32>
    %eq3A_9 = arith.cmpi eq, %shift_right_arithmetic3A_8, %iota3A_6 : vector<128x32xi32>
    %jit3A = arith.constant 1.000000e+00 : f32
    %jit3A_10 = arith.constant 0.000000e+00 : f32
    %broadcast_in_dim3A = vector.broadcast %jit3A : f32 to vector<128x32xf32>
    %broadcast_in_dim3A_11 = vector.broadcast %jit3A_10 : f32 to vector<128x32xf32>
    %select_n3A = arith.select %eq3A_9, %broadcast_in_dim3A, %broadcast_in_dim3A_11 : vector<128x32xi1>, vector<128x32xf32>
    %get3A_12 = arith.constant 0 : index
    %get3A_13 = arith.constant 0 : index
    %get3A_14 = vector.load %arg1[%get3A_12, %get3A_13] : memref<256x128xf32, #tpu.memory_space<vmem>>, vector<256x128xf32>
    %jit3A_15 = arith.constant 0.000000e+00 : f32
    %broadcast_in_dim3A_16 = vector.broadcast %jit3A_15 : f32 to vector<256x128xf32>
    %select_n3A_17 = arith.select %eq3A_4, %get3A_14, %broadcast_in_dim3A_16 : vector<256x128xi1>, vector<256x128xf32>
    %dot_general3A = arith.constant dense<0.000000e+00> : vector<256x32xf32>
    %dot_general3A_18 = tpu.matmul %select_n3A_17, %select_n3A, %dot_general3A {dimension_numbers = #tpu.dot_dimension_numbers<[1], [0], [0], [1], [0, 0, 1, 1], [], []>, precision = #tpu.contract_precision<fp32>, transpose_lhs_hint = false} : vector<256x128xf32>, vector<128x32xf32>, vector<256x32xf32> -> vector<256x32xf32>
    %swap3A = arith.constant 0 : index
    %swap3A_19 = arith.constant 0 : index
    %swap3A_20 = vector.load %arg6[%swap3A, %swap3A_19] : memref<256x32xf32, #tpu.memory_space<vmem>>, vector<256x32xf32>
    tpu.vector_store %arg6[%swap3A, %swap3A_19], %dot_general3A_18 {strides = array<i32>} : memref<256x32xf32, #tpu.memory_space<vmem>>, vector<256x32xf32>,
    %get3A_21 = arith.constant 0 : index
    %get3A_22 = arith.constant 0 : index
    %get3A_23 = vector.load %arg2[%get3A_21, %get3A_22] : memref<256x128xf32, #tpu.memory_space<vmem>>, vector<256x128xf32>
    %jit3A_24 = arith.constant 0.000000e+00 : f32
    %broadcast_in_dim3A_25 = vector.broadcast %jit3A_24 : f32 to vector<256x128xf32>
    %select_n3A_26 = arith.select %eq3A_4, %get3A_23, %broadcast_in_dim3A_25 : vector<256x128xi1>, vector<256x128xf32>
    %dot_general3A_27 = arith.constant dense<0.000000e+00> : vector<256x32xf32>
    %dot_general3A_28 = tpu.matmul %select_n3A_26, %select_n3A, %dot_general3A_27 {dimension_numbers = #tpu.dot_dimension_numbers<[1], [0], [0], [1], [0, 0, 1, 1], [], []>, precision = #tpu.contract_precision<fp32>, transpose_lhs_hint = false} : vector<256x128xf32>, vector<128x32xf32>, vector<256x32xf32> -> vector<256x32xf32>
    %exp3A = math.exp %dot_general3A_28 : vector<256x32xf32>
    %iota3A_29 = tpu.iota {dimensions = array<i32: 0>} : vector<32x1024xi32>
    %iota3A_30 = tpu.iota {dimensions = array<i32: 1>} : vector<32x1024xi32>
    %mul3A = arith.constant 33 : i32
    %mul3A_31 = vector.broadcast %mul3A : i32 to vector<32x1024xi32>
    %mul3A_32 = arith.muli %mul3A_31, %iota3A_29 : vector<32x1024xi32>
    %eq3A_33 = arith.cmpi eq, %iota3A_30, %mul3A_32 : vector<32x1024xi32>
    %jit3A_34 = arith.constant 1.000000e+00 : f32
    %jit3A_35 = arith.constant 0.000000e+00 : f32
    %broadcast_in_dim3A_36 = vector.broadcast %jit3A_34 : f32 to vector<32x1024xf32>
    %broadcast_in_dim3A_37 = vector.broadcast %jit3A_35 : f32 to vector<32x1024xf32>
    %select_n3A_38 = arith.select %eq3A_33, %broadcast_in_dim3A_36, %broadcast_in_dim3A_37 : vector<32x1024xi1>, vector<32x1024xf32>
    %dot_general3A_39 = arith.constant dense<0.000000e+00> : vector<256x1024xf32>
    %dot_general3A_40 = tpu.matmul %exp3A, %select_n3A_38, %dot_general3A_39 {dimension_numbers = #tpu.dot_dimension_numbers<[1], [0], [0], [1], [0, 0, 1, 1], [], []>, precision = #tpu.contract_precision<fp32>, transpose_lhs_hint = false} : vector<256x32xf32>, vector<32x1024xf32>, vector<256x1024xf32> -> vector<256x1024xf32>
    %swap3A_41 = arith.constant 0 : index
    %swap3A_42 = arith.constant 0 : index
    %swap3A_43 = vector.load %arg7[%swap3A_41, %swap3A_42] : memref<256x1024xf32, #tpu.memory_space<vmem>>, vector<256x1024xf32>
    tpu.vector_store %arg7[%swap3A_41, %swap3A_42], %dot_general3A_40 {strides = array<i32>} : memref<256x1024xf32, #tpu.memory_space<vmem>>, vector<256x1024xf32>,
    %shift_right_arithmetic3A_44 = arith.constant 2 : i32
    %shift_right_arithmetic3A_45 = vector.broadcast %shift_right_arithmetic3A_44 : i32 to vector<256x128xi32>
    %shift_right_arithmetic3A_46 = arith.shrsi %iota3A, %shift_right_arithmetic3A_45 : vector<256x128xi32>
    %get3A_47 = arith.constant 0 : index
    %get3A_48 = arith.constant 0 : index
    %get3A_49 = vector.load %arg5[%get3A_47, %get3A_48] : memref<256x1xi32, #tpu.memory_space<vmem>>, vector<256x1xi32>
    %eq3A_50 = vector.broadcast %get3A_49 : vector<256x1xi32> to vector<256x128xi32>
    %eq3A_51 = arith.cmpi eq, %shift_right_arithmetic3A_46, %eq3A_50 : vector<256x128xi32>
    %iota3A_52 = tpu.iota {dimensions = array<i32: 0>} : vector<128x4xi32>
    %iota3A_53 = tpu.iota {dimensions = array<i32: 1>} : vector<128x4xi32>
    %and3A_54 = arith.constant 3 : i32
    %and3A_55 = vector.broadcast %and3A_54 : i32 to vector<128x4xi32>
    %and3A_56 = arith.andi %iota3A_52, %and3A_55 : vector<128x4xi32>
    %eq3A_57 = arith.cmpi eq, %and3A_56, %iota3A_53 : vector<128x4xi32>
    %jit3A_58 = arith.constant 1.000000e+00 : f32
    %jit3A_59 = arith.constant 0.000000e+00 : f32
    %broadcast_in_dim3A_60 = vector.broadcast %jit3A_58 : f32 to vector<128x4xf32>
    %broadcast_in_dim3A_61 = vector.broadcast %jit3A_59 : f32 to vector<128x4xf32>
    %select_n3A_62 = arith.select %eq3A_57, %broadcast_in_dim3A_60, %broadcast_in_dim3A_61 : vector<128x4xi1>, vector<128x4xf32>
    %get3A_63 = arith.constant 0 : index
    %get3A_64 = arith.constant 0 : index
    %get3A_65 = vector.load %arg3[%get3A_63, %get3A_64] : memref<256x128xf32, #tpu.memory_space<vmem>>, vector<256x128xf32>
    %jit3A_66 = arith.constant 0.000000e+00 : f32
    %broadcast_in_dim3A_67 = vector.broadcast %jit3A_66 : f32 to vector<256x128xf32>
    %select_n3A_68 = arith.select %eq3A_51, %get3A_65, %broadcast_in_dim3A_67 : vector<256x128xi1>, vector<256x128xf32>
    %dot_general3A_69 = arith.constant dense<0.000000e+00> : vector<256x4xf32>
    %dot_general3A_70 = tpu.matmul %select_n3A_68, %select_n3A_62, %dot_general3A_69 {dimension_numbers = #tpu.dot_dimension_numbers<[1], [0], [0], [1], [0, 0, 1, 1], [], []>, precision = #tpu.contract_precision<fp32>, transpose_lhs_hint = false} : vector<256x128xf32>, vector<128x4xf32>, vector<256x4xf32> -> vector<256x4xf32>
    %swap3A_71 = arith.constant 0 : index
    %swap3A_72 = arith.constant 0 : index
    %swap3A_73 = vector.load %arg8[%swap3A_71, %swap3A_72] : memref<256x4xf32, #tpu.memory_space<vmem>>, vector<256x4xf32>
    tpu.vector_store %arg8[%swap3A_71, %swap3A_72], %dot_general3A_70 {strides = array<i32>} : memref<256x4xf32, #tpu.memory_space<vmem>>, vector<256x4xf32>,
    return
  }
  func.func @transform_0(%arg0: i32) -> (i32, i32) {
    %c0_i32 = arith.constant 0 : i32
    %c0_i32_0 = arith.constant 0 : i32
    return %arg0, %c0_i32 : i32, i32
  }
  func.func @transform_1(%arg0: i32) -> (i32, i32) {
    %c0_i32 = arith.constant 0 : i32
    %c0_i32_0 = arith.constant 0 : i32
    return %arg0, %c0_i32 : i32, i32
  }
  func.func @transform_2(%arg0: i32) -> (i32, i32) {
    %c0_i32 = arith.constant 0 : i32
    %c0_i32_0 = arith.constant 0 : i32
    return %arg0, %c0_i32 : i32, i32
  }
  func.func @transform_3(%arg0: i32) -> (i32, i32) {
    %c0_i32 = arith.constant 0 : i32
    %c0_i32_0 = arith.constant 0 : i32
    return %arg0, %c0_i32 : i32, i32
  }
  func.func @transform_4(%arg0: i32) -> (i32, i32) {
    %c0_i32 = arith.constant 0 : i32
    %c0_i32_0 = arith.constant 0 : i32
    return %arg0, %c0_i32 : i32, i32
  }
  func.func @transform_5(%arg0: i32) -> (i32, i32) {
    %c0_i32 = arith.constant 0 : i32
    %c0_i32_0 = arith.constant 0 : i32
    return %arg0, %c0_i32 : i32, i32
  }
  func.func @transform_6(%arg0: i32) -> (i32, i32) {
    %c0_i32 = arith.constant 0 : i32
    %c0_i32_0 = arith.constant 0 : i32
    return %arg0, %c0_i32 : i32, i32
  }
  func.func @transform_7(%arg0: i32) -> (i32, i32) {
    %c0_i32 = arith.constant 0 : i32
    %c0_i32_0 = arith.constant 0 : i32
    return %arg0, %c0_i32 : i32, i32
  }
}

</mosaic_0001>

<sc_bundles>
// kernel: kernel.4.cloned.1.call-start
scs
__scs_entry_jumppad:
0x0: {  	(pc) =	sbr.rel $0x88, $3  }
0x1: {  	(tag) =	ssettag $0x0;
	lr =	simm.s32 $0x1  }
0x2: {  	[smem:$0x3F9D] =	sst lr;
	_ =	strace $0xD0000000  }
0x3: {  	_ = 	snop  }
0x4: {  	_ = 	snop  }
0x5: {  	_ = 	snop  }
0x6: {  	_ = 	snop  }
0x7: {  	_ = 	snop  }
__scs_overlays_trampoline_lowered:
0x8: {  	[smem:$0x3FAC] =	sst s0  }
0x9: {  	[smem:$0x3FAD] =	sst s1  }
0xa: {  	[smem:$0x3FAE] =	sst s2  }
0xb: {  	[smem:$0x3FAF] =	sst s3  }
0xc: {  	[smem:$0x3FB0] =	sst s4  }
0xd: {  	[smem:$0x3FB1] =	sst s5  }
0xe: {  	[smem:$0x3FB2] =	sst s6  }
0xf: {  	[smem:$0x3FB3] =	sst s7  }
0x10: {  	[smem:$0x3FB4] =	sst s8  }
0x11: {  	[smem:$0x3FB5] =	sst s9;
	s0 =	simm.s32 @!p0 $0x0  }
0x12: {  	s1 =	sld [smem:$0x3F9B];
	s0 =	simm.s32 @p0 $0x1  }
0x13: {  	[smem:$0x3FB6] =	sst s0;
	s0 =	simm.s32 @!p1 $0x0  }
0x14: {  	s2 =	sld [smem:$0x3F9A];
	s0 =	simm.s32 @p1 $0x1  }
0x15: {  	[smem:$0x3FB7] =	sst s0;
	s0 =	simm.s32 @!p2 $0x0  }
0x16: {  	s3 =	sld [smem:$0x3FDB];
	s0 =	simm.s32 @p2 $0x1  }
0x17: {  	s4 =	simm.s32 $0x1BF5;
	[smem:$0x3FB9] =	sst s0  }
0x18: {  	s0 =	sld [smem:$0x3F9C];
	_ =	swait.ge [sflag:s4], $0x0  }
0x19: {  	s7 =	sld [smem:$0x3F9D]  }
0x1a: {  	s8 =	sadd.s32 $0xFFFFE003, lr  }
0x1b: {  	s9 =	sadd.s32 $0xFFFFFEF7, lr;
	s5 =	simm.s32 $0xFFFFFFFF;
	p2 =	slt.u32 s8, $0xFFFFF086  }
0x1c: {  	p1 =	slt.u32 s9, $0xF7A;
	s5 =	simm.s32 @!p2 $0x0  }
0x1d: {  	s5 =	simm.s32 @p1 $0x1;
	p0 =	seq.s32 s7, s2  }
0x1e: {  	s7 =	smul.u32 @!p0 $0xF7A, s2;
	p2 =	seq.s32 @!p0 s5, $0x0  }
0x1f: {  	s9 =	smul.u32 $0xF7A, s1;
	s8 =	simm.s32 @!p0 $0x1BF5;
	p2 =	por !p2, p0  }
0x20: {  	[sflag:s8] =	ssyncset.s32 @!p0 $0xFFFFF086;
	s6 =	sadd.s32 @!p0 s3, s7;
	s7 =	simm.s32 @!p0 $0x108  }
0x21: {  	s3 =	sadd.s32 s3, s9;
	s6 =	sadd.s32 @!p0 $0x88, s6;
	s7 =	simm.s32 @p2 $0x1082  }
0x22: {  	[simem:s7], [sflag:s8] =	dma.local @!p0 [hbm:s6], $0xF7A  }
0x23: {  	s9 =	sor.u32 $0xD0000000, s2;
	s6 =	simm.s32 $0x108;
	_ =	swait.ge @!p0 [sflag:s8], $0x0  }
0x24: {  	s3 =	sadd.s32 $0x88, s3;
	s6 =	simm.s32 @!p1 $0x1082;
	[sflag:s4] =	ssyncset.s32 $0xFFFFF086  }
0x25: {  	[simem:s6], [sflag:s4] =	dma.local [hbm:s3], $0xF7A  }
0x26: {  	[smem:$0x3F9D] =	sst s1;
	(tag) =	ssettag s2;
	_ =	strace s9  }
0x27: {  	s1 =	sld [smem:$0x3FAD]  }
0x28: {  	s2 =	sld [smem:$0x3FAE]  }
0x29: {  	s4 =	sld [smem:$0x3FB0]  }
0x2a: {  	p0 =	seq.s32 s5, $0x0;
	s5 =	sld [smem:$0x3FB1]  }
0x2b: {  	s6 =	sld [smem:$0x3FB2]  }
0x2c: {  	s7 =	sld [smem:$0x3FB3]  }
0x2d: {  	s3 =	simm.s32 $0x108;
	s8 =	sld [smem:$0x3FB4]  }
0x2e: {  	s3 =	simm.s32 @!p0 $0x1082;
	s9 =	sld [smem:$0x3FB5]  }
0x2f: {  	lr =	sadd.s32 s0, s3;
	s0 =	sld [smem:$0x3FAC]  }
0x30: {  	s3 =	sld [smem:$0x3FAF]  }
0x31: {  	[smem:$0x3FB8] =	sst s10  }
0x32: {  	s10 =	sld [smem:$0x3FB6];
	_ =	sdelay $0x3  }
0x33: {  	p0 =	seq.s32 s10, $0x1;
	s10 =	sld [smem:$0x3FB8];
	_ =	sdelay $0x3  }
0x34: {  	[smem:$0x3FB8] =	sst s10  }
0x35: {  	s10 =	sld [smem:$0x3FB7];
	_ =	sdelay $0x3  }
0x36: {  	p1 =	seq.s32 s10, $0x1;
	s10 =	sld [smem:$0x3FB8];
	_ =	sdelay $0x3  }
0x37: {  	[smem:$0x3FB8] =	sst s10  }
0x38: {  	s10 =	sld [smem:$0x3FB9]  }
0x39: {  	_ = 	snop;
	(pc) =	sbr.ind lr, $3  }
0x3a: {  	_ = 	snop  }
0x3b: {  	_ = 	snop  }
0x3c: {  	p2 =	seq.s32 s10, $0x1;
	s10 =	sld [smem:$0x3FB8]  }
0x3d: {  	_ =	shalt  }
0x3e: {  	_ =	shalt  }
0x3f: {  	_ =	shalt  }
0x40: {  	_ =	shalt  }
0x41: {  	_ =	shalt  }
0x42: {  	_ =	shalt  }
0x43: {  	_ =	shalt  }
0x44: {  	_ =	shalt  }
0x45: {  	_ =	shalt  }
0x46: {  	_ =	shalt  }
0x47: {  	_ =	shalt  }
0x48: {  	_ =	shalt  }
0x49: {  	_ =	shalt  }
0x4a: {  	_ =	shalt  }
0x4b: {  	_ =	shalt  }
0x4c: {  	_ =	shalt  }
0x4d: {  	_ =	shalt  }
0x4e: {  	_ =	shalt  }
0x4f: {  	_ =	shalt  }
0x50: {  	_ =	shalt  }
0x51: {  	_ =	shalt  }
0x52: {  	_ =	shalt  }
0x53: {  	_ =	shalt  }
0x54: {  	_ =	shalt  }
0x55: {  	_ =	shalt  }
0x56: {  	_ =	shalt  }
0x57: {  	_ =	shalt  }
0x58: {  	_ =	shalt  }
0x59: {  	_ =	shalt  }
0x5a: {  	_ =	shalt  }
0x5b: {  	_ =	shalt  }
0x5c: {  	_ =	shalt  }
0x5d: {  	_ =	shalt  }
0x5e: {  	_ =	shalt  }
0x5f: {  	_ =	shalt  }
0x60: {  	_ =	shalt  }
0x61: {  	_ =	shalt  }
0x62: {  	_ =	shalt  }
0x63: {  	_ =	shalt  }
0x64: {  	_ =	shalt  }
0x65: {  	_ =	shalt  }
0x66: {  	_ =	shalt  }
0x67: {  	_ =	shalt  }
0x68: {  	_ =	shalt  }
0x69: {  	_ =	shalt  }
0x6a: {  	_ =	shalt  }
0x6b: {  	_ =	shalt  }
0x6c: {  	_ =	shalt  }
0x6d: {  	_ =	shalt  }
0x6e: {  	_ =	shalt  }
0x6f: {  	_ =	shalt  }
0x70: {  	_ =	shalt  }
0x71: {  	_ =	shalt  }
0x72: {  	_ =	shalt  }
0x73: {  	_ =	shalt  }
0x74: {  	_ =	shalt  }
0x75: {  	_ =	shalt  }
0x76: {  	_ =	shalt  }
0x77: {  	_ =	shalt  }
0x78: {  	_ =	shalt  }
0x79: {  	_ =	shalt  }
0x7a: {  	_ =	shalt  }
0x7b: {  	_ =	shalt  }
0x7c: {  	_ =	shalt  }
0x7d: {  	_ =	shalt  }
0x7e: {  	_ =	shalt  }
0x7f: {  	_ =	shalt  }
0x80: {  	_ =	shalt  }
0x81: {  	_ =	shalt  }
0x82: {  	_ =	shalt  }
0x83: {  	_ =	shalt  }
0x84: {  	_ =	shalt  }
0x85: {  	_ =	shalt  }
0x86: {  	_ =	shalt  }
0x87: {  	_ =	shalt  }
.Lfunc_end0:
.L_simem_size_0:
called_computation.3_lowered:
.L_overlay_start_0:
0x88: {  	s2 =	sld [smem:$0x3FD9]  }
0x89: {  	s3 =	sld [smem:$0x3FFE];
	_ =	sdelay $0x1  }
0x8a: {  	s1 =	srdreg.scid  }
0x8b: {  	s0 =	sand.u32 $0x1, s1  }
0x8c: {  	s14 =	sshll.u32 s0, $0xA;
	s2 =	sadd.s32 s3, s2  }
0x8d: {  	s2 =	sadd.s32 s2, s14  }
0x8e: {  	[smem:$0x3FC4] =	sst s2  }
0x8f: {  	_ = 	snop  }
0x90: {  	s2 =	sld [smem:$0x3FD0];
	_ =	sdelay $0x2  }
0x91: {  	s15 =	simm.s32 $0xB;
	s4 =	simm.s32 $0x10  }
0x92: {  	[smem:s4], [sflag:s15] =	dma.local [hbm:s2], $0x1  }
0x93: {  	_ =	swait.eq [sflag:s15], $0x1  }
0x94: {  	[sflag:s15] =	ssyncset.done $0x0  }
0x95: {  	[sflag:s15] =	ssyncadd.s32 $0xFFFFFFFF  }
0x96: {  	s16 =	sld [smem:$0x10];
	(tm) =	ssettm $0x1  }
0x97: {  	s17 =	sld [smem:$0x3FFB];
	_ =	sdelay $0x3  }
0x98: {  	_ =	strace s17  }
0x99: {  	s3 =	sld [smem:$0x3FFC];
	_ =	sdelay $0x3  }
0x9a: {  	_ =	strace s3  }
0x9b: {  	s3 =	sld [smem:$0x3FFD];
	_ =	sdelay $0x3  }
0x9c: {  	_ =	strace s3  }
0x9d: {  	_ =	strace $0x8FFFFFFF  }
0x9e: {  	s18 =	sld [smem:$0x3FDB];
	_ =	sdelay $0x1  }
0x9f: {  	s19 =	simm.s32 $_scs_section_size  }
0xa0: {  	s5 =	simm.s32 $_size__tile_overlayer_lowered;
	s6 =	simm.s32 $_tile_overlayer_lowered  }
0xa1: {  	s22 =	simm.s32 $0x1BFF;
	s21 =	sshll.u32 s6, $0x1;
	s3 =	sadd.s32 s19, s18  }
0xa2: {  	s7 =	simm.s32 $0x0;
	s20 =	sshll.u32 s5, $0x1;
	s5 =	sadd.s32 s21, s3  }
0xa3: {  	[timem:s7], [sflag:s22] =	dma.local [hbm:s5], s20  }
0xa4: {  	_ =	swait.ge [sflag:s22], s20  }
0xa5: {  	s4 =	ssub.s32 $0x0, s20;
	[sflag:s22] =	ssyncset.done $0x0  }
0xa6: {  	[sflag:s22] =	ssyncadd.s32 s4;
	_ =	sdelay $0x1  }
0xa7: {  	s23 =	simm.s32 $0x1B8B  }
0xa8: {  	_ =	swait.ge [sflag:s23], $0x1  }
0xa9: {  	[sflag:s23] =	ssyncset.done $0x0  }
0xaa: {  	s25 =	simm.s32 $0x1B8E;
	s24 =	sld [smem:$0x3FFE];
	[sflag:s23] =	ssyncadd.s32 $0xFFFFFFFF  }
0xab: {  	s26 =	simm.s32 $execute0_lowered;
	[smem:$0x3FD2] =	sst s25  }
0xac: {  	s5 =	sshll.u32 s26, $0x1;
	_ =	strace $0x8000004C;
	[dreg:$0x1] =	wrdreg $0xFFFFFFFF  }
0xad: {  	s28 =	simm.s32 $_size_execute0_lowered;
	s3 =	sadd.s32 s3, s5;
	[dreg:$0x0] =	wrdreg $0x0  }
0xae: {  	s5 =	sshll.u32 s28, $0x1;
	[dreg:$0x2] =	wrdreg s3  }
0xaf: {  	[dreg:$0x3] =	wrdreg s5  }
0xb0: {  	[dreg:$0x4] =	wrdreg $0xC0  }
0xb1: {  	_ =	task [dreg:s7], $0x5FFFF  }
0xb2: {  	[dreg:$0x1] =	wrdreg $0xFFFFFFFF  }
0xb3: {  	[dreg:$0x0] =	wrdreg $0x60  }
0xb4: {  	[dreg:$0x2] =	wrdreg s24  }
0xb5: {  	[dreg:$0x3] =	wrdreg s16  }
0xb6: {  	[dreg:$0x4] =	wrdreg $0x9  }
0xb7: {  	_ =	task.clear_ibuf [dreg:s7], $0x5FFFF;
	_ =	strace $0x9000004C  }
0xb8: {  	s29 =	simm.s32 $0x9;
	_ =	strace $0x8000004E  }
0xb9: {  	_ =	swait.ge [sflag:s29], $0x1  }
0xba: {  	[sflag:s29] =	ssyncadd.s32 $0xFFFFFFFF  }
0xbb: {  	_ =	strace $0x9000004E  }
0xbc: {  	_ =	sfence  }
0xbd: {  	s30 =	sld [smem:$0x0];
	_ =	sdelay $0x2  }
0xbe: {  	s31 =	sshll.u32 s1, $0xD;
	s1 =	sshrl.u32 s1, $0x2  }
0xbf: {  	s3 =	sand.u32 $0x4000, s31;
	s1 =	sadd.s32 s1, s30  }
0xc0: {  	s0 =	sor.u32 s3, s0;
	s1 =	sshll.u32 s1, $0x11  }
0xc1: {  	s0 =	sor.u32 s1, s0  }
0xc2: {  	s0 =	sadd.s32 $0x8F2B, s0  }
0xc3: {  	[sflag:s0] =	ssyncadd.remote.s32 $0x1  }
0xc4: {  	_ =	sfence.sel $0xFFFF  }
0xc5: {  	[dreg:$0x0] =	wrdreg $0xFFFFFFFF;
	(pc) =	sbr.abs _section_cstart, $3  }
0xc6: {  	[dreg:$0x1] =	wrdreg $0xFFFFFFFF  }
0xc7: {  	_ =	task.clear_ibuf [dreg:s7], $0x2FFFF;
	_ =	strace $0x9FFFFFFF  }
0xc8: {  	(tm) =	ssettm $0x7FFFFFFF  }
0xc9: {  	_ =	shalt  }
tec
execute0_lowered:
.L_overlay_start_1:
0x0: {  	(tag) =	ssettag $0x1  }
0x1: {  	s0 =	srdreg.scid;
	s2 =	stileid.u32  }
0x2: {  	s1 =	sand.u32 $0x1, s0;
	s24 =	sshll.u32 s2, $0x1  }
0x3: {  	s0 =	sor.u32 s1, s24  }
0x4: {  	s3 =	rddreg [dreg:$0x0];
	s5 =	smul.u32 $0xC8, s0  }
0x5: {  	s4 =	rddreg [dreg:$0x1];
	s2 =	simm.s32 $0x0;
	s7 =	smul.u32 $0x32000, s0  }
0x6: {  	s29 =	sadd.s32 $0x7A3A00, s3;
	[smem:$0x7FF] =	sst s2;
	s0 =	smul.u32 $0x6400, s0  }
0x7: {  	_ =	strace $0x8000004D;
	s6 =	sadd.s32 s5, s3;
	s4 =	sadd.s32 s4, s5  }
0x8: {  	s28 =	sshrl.u32 s7, $0x3;
	s25 =	sadd.s32 s29, s0;
	[dreg:$0x4] =	wrdreg s4  }
0x9: {  	s6 =	sadd.s32 $0x26A3000, s6;
	s4 =	sadd.s32 $0x400, s28;
	[dreg:$0x5] =	wrdreg s25  }
0xa: {  	s5 =	sadd.s32 $0x800, s28;
	[dreg:$0x3] =	wrdreg s6;
	s26 =	sadd.s32 s29, s4  }
0xb: {  	s30 =	sadd.s32 s29, s5;
	s6 =	sadd.s32 $0xC00, s28;
	[dreg:$0x6] =	wrdreg s26  }
0xc: {  	s7 =	sadd.s32 $0x1000, s28;
	[dreg:$0x7] =	wrdreg s30;
	s8 =	sadd.s32 s29, s6  }
0xd: {  	s9 =	sadd.s32 s29, s7;
	[dreg:$0x8] =	wrdreg s8;
	s8 =	sadd.s32 $0x1400, s28  }
0xe: {  	[dreg:$0x9] =	wrdreg s9;
	s9 =	sadd.s32 $0x1800, s28;
	s10 =	sadd.s32 s29, s8  }
0xf: {  	s11 =	sadd.s32 s29, s9;
	[dreg:$0xa] =	wrdreg s10;
	s10 =	sadd.s32 $0x1C00, s28  }
0x10: {  	[dreg:$0xb] =	wrdreg s11;
	s11 =	sadd.s32 $0x2000, s28;
	s12 =	sadd.s32 s29, s10  }
0x11: {  	s13 =	sadd.s32 s29, s11;
	[dreg:$0xc] =	wrdreg s12;
	s12 =	sadd.s32 $0x2400, s28  }
0x12: {  	[dreg:$0xd] =	wrdreg s13;
	s13 =	sadd.s32 $0x2800, s28;
	s14 =	sadd.s32 s29, s12  }
0x13: {  	s15 =	sadd.s32 s29, s13;
	[dreg:$0xe] =	wrdreg s14;
	s14 =	sadd.s32 $0x2C00, s28  }
0x14: {  	[dreg:$0xf] =	wrdreg s15;
	s15 =	sadd.s32 $0x3000, s28;
	s16 =	sadd.s32 s29, s14  }
0x15: {  	s17 =	sadd.s32 s29, s15;
	[dreg:$0x10] =	wrdreg s16;
	s16 =	sadd.s32 $0x3400, s28  }
0x16: {  	[dreg:$0x11] =	wrdreg s17;
	s17 =	sadd.s32 $0x3800, s28;
	s18 =	sadd.s32 s29, s16  }
0x17: {  	s19 =	sadd.s32 s29, s17;
	[dreg:$0x12] =	wrdreg s18;
	s18 =	sadd.s32 $0x3C00, s28  }
0x18: {  	[dreg:$0x13] =	wrdreg s19;
	s19 =	sadd.s32 $0x4000, s28;
	s20 =	sadd.s32 s29, s18  }
0x19: {  	s21 =	sadd.s32 s29, s19;
	[dreg:$0x14] =	wrdreg s20;
	s20 =	sadd.s32 $0x4400, s28  }
0x1a: {  	[dreg:$0x15] =	wrdreg s21;
	s21 =	sadd.s32 $0x4800, s28;
	s22 =	sadd.s32 s29, s20  }
0x1b: {  	s23 =	sadd.s32 s29, s21;
	[dreg:$0x16] =	wrdreg s22;
	s22 =	sadd.s32 $0x4C00, s28  }
0x1c: {  	[dreg:$0x17] =	wrdreg s23;
	s23 =	sadd.s32 $0x5000, s28;
	s24 =	sadd.s32 s29, s22  }
0x1d: {  	s25 =	sadd.s32 s29, s23;
	[dreg:$0x18] =	wrdreg s24;
	s24 =	sadd.s32 $0x5400, s28  }
0x1e: {  	[dreg:$0x19] =	wrdreg s25;
	s25 =	sadd.s32 $0x5800, s28;
	s26 =	sadd.s32 s29, s24  }
0x1f: {  	s30 =	sadd.s32 s29, s25;
	[dreg:$0x1a] =	wrdreg s26;
	s26 =	sadd.s32 $0x5C00, s28  }
0x20: {  	[dreg:$0x1b] =	wrdreg s30;
	s28 =	sadd.s32 $0x6000, s28;
	s31 =	sadd.s32 s29, s26  }
0x21: {  	s30 =	sadd.s32 $0x86BA00, s3;
	s29 =	sadd.s32 s29, s28;
	[dreg:$0x1c] =	wrdreg s31  }
0x22: {  	[dreg:$0x1d] =	wrdreg s29;
	s31 =	sadd.s32 s30, s0  }
0x23: {  	[dreg:$0x1e] =	wrdreg s31;
	s31 =	sadd.s32 s30, s4  }
0x24: {  	[dreg:$0x1f] =	wrdreg s31;
	s31 =	sadd.s32 s30, s5  }
0x25: {  	[smem:$0x7B6] =	sst s31;
	s31 =	sadd.s32 s30, s6  }
0x26: {  	[smem:$0x7B7] =	sst s31;
	s31 =	sadd.s32 s30, s7  }
0x27: {  	[smem:$0x7B8] =	sst s31;
	s31 =	sadd.s32 s30, s8  }
0x28: {  	[smem:$0x7B9] =	sst s31;
	s31 =	sadd.s32 s30, s9  }
0x29: {  	[smem:$0x7BA] =	sst s31;
	s31 =	sadd.s32 s30, s10  }
0x2a: {  	[smem:$0x7BB] =	sst s31;
	s31 =	sadd.s32 s30, s11  }
0x2b: {  	[smem:$0x7BC] =	sst s31;
	s31 =	sadd.s32 s30, s12  }
0x2c: {  	[smem:$0x7BD] =	sst s31;
	s31 =	sadd.s32 s30, s13  }
0x2d: {  	[smem:$0x7BE] =	sst s31;
	s31 =	sadd.s32 s30, s14  }
0x2e: {  	[smem:$0x7BF] =	sst s31;
	s31 =	sadd.s32 s30, s15  }
0x2f: {  	[smem:$0x7C0] =	sst s31;
	s31 =	sadd.s32 s30, s16  }
0x30: {  	[smem:$0x7C1] =	sst s31;
	s31 =	sadd.s32 s30, s17  }
0x31: {  	[smem:$0x7C2] =	sst s31;
	s31 =	sadd.s32 s30, s18  }
0x32: {  	[smem:$0x7C3] =	sst s31;
	s31 =	sadd.s32 s30, s19  }
0x33: {  	[smem:$0x7C4] =	sst s31;
	s31 =	sadd.s32 s30, s20  }
0x34: {  	[smem:$0x7C5] =	sst s31;
	s31 =	sadd.s32 s30, s21  }
0x35: {  	[smem:$0x7C6] =	sst s31;
	s31 =	sadd.s32 s30, s22  }
0x36: {  	[smem:$0x7C7] =	sst s31;
	s31 =	sadd.s32 s30, s23  }
0x37: {  	[smem:$0x7C8] =	sst s31;
	s31 =	sadd.s32 s30, s24  }
0x38: {  	[smem:$0x7C9] =	sst s31;
	s31 =	sadd.s32 s30, s25  }
0x39: {  	[smem:$0x7CA] =	sst s31;
	s31 =	sadd.s32 s30, s26  }
0x3a: {  	s29 =	sadd.s32 s30, s28;
	[smem:$0x7CB] =	sst s31;
	s31 =	sadd.s32 $0x933A00, s3  }
0x3b: {  	[smem:$0x7CC] =	sst s29;
	s0 =	sadd.s32 s31, s0  }
0x3c: {  	s4 =	sadd.s32 s31, s4;
	[smem:$0x7CD] =	sst s0  }
0x3d: {  	s5 =	sadd.s32 s31, s5;
	[smem:$0x7CE] =	sst s4  }
0x3e: {  	s6 =	sadd.s32 s31, s6;
	[smem:$0x7CF] =	sst s5  }
0x3f: {  	s7 =	sadd.s32 s31, s7;
	[smem:$0x7D0] =	sst s6  }
0x40: {  	s8 =	sadd.s32 s31, s8;
	[smem:$0x7D1] =	sst s7  }
0x41: {  	s9 =	sadd.s32 s31, s9;
	[smem:$0x7D2] =	sst s8  }
0x42: {  	s10 =	sadd.s32 s31, s10;
	[smem:$0x7D3] =	sst s9  }
0x43: {  	s11 =	sadd.s32 s31, s11;
	[smem:$0x7D4] =	sst s10  }
0x44: {  	s12 =	sadd.s32 s31, s12;
	[smem:$0x7D5] =	sst s11  }
0x45: {  	s13 =	sadd.s32 s31, s13;
	[smem:$0x7D6] =	sst s12  }
0x46: {  	s14 =	sadd.s32 s31, s14;
	[smem:$0x7D7] =	sst s13  }
0x47: {  	s15 =	sadd.s32 s31, s15;
	[smem:$0x7D8] =	sst s14  }
0x48: {  	s16 =	sadd.s32 s31, s16;
	[smem:$0x7D9] =	sst s15  }
0x49: {  	s17 =	sadd.s32 s31, s17;
	[smem:$0x7DA] =	sst s16  }
0x4a: {  	s18 =	sadd.s32 s31, s18;
	[smem:$0x7DB] =	sst s17  }
0x4b: {  	s19 =	sadd.s32 s31, s19;
	[smem:$0x7DC] =	sst s18  }
0x4c: {  	s20 =	sadd.s32 s31, s20;
	[smem:$0x7DD] =	sst s19  }
0x4d: {  	s21 =	sadd.s32 s31, s21;
	[smem:$0x7DE] =	sst s20  }
0x4e: {  	s22 =	sadd.s32 s31, s22;
	[smem:$0x7DF] =	sst s21  }
0x4f: {  	s23 =	sadd.s32 s31, s23;
	[smem:$0x7E0] =	sst s22  }
0x50: {  	s24 =	sadd.s32 s31, s24;
	[smem:$0x7E1] =	sst s23  }
0x51: {  	s25 =	sadd.s32 s31, s25;
	[smem:$0x7E2] =	sst s24  }
0x52: {  	s29 =	sadd.s32 s31, s26;
	[smem:$0x7E3] =	sst s25  }
0x53: {  	s30 =	sadd.s32 s31, s28;
	[smem:$0x7E4] =	sst s29  }
0x54: {  	s31 =	simm.s32 $0x6C0;
	[smem:$0x7E5] =	sst s30  }
0x55: {  	s26 =	simm.s32 $0xB80;
	[smem:$0x7E6] =	sst s31  }
0x56: {  	s28 =	simm.s32 $0xBC0;
	[smem:$0x7F9] =	sst s26  }
0x57: {  	s5 =	simm.s32 $0x700;
	[smem:$0x7FA] =	sst s28  }
0x58: {  	s6 =	simm.s32 $0x740;
	[smem:$0x7E7] =	sst s5  }
0x59: {  	s7 =	simm.s32 $0x780;
	[smem:$0x7E8] =	sst s6  }
0x5a: {  	s8 =	simm.s32 $0x7C0;
	[smem:$0x7E9] =	sst s7  }
0x5b: {  	s10 =	simm.s32 $0x800;
	[smem:$0x7EA] =	sst s8  }
0x5c: {  	s12 =	simm.s32 $0x840;
	[smem:$0x7EB] =	sst s10  }
0x5d: {  	p0 =	por $0x0, $0x0;
	s13 =	simm.s32 $0x880;
	[smem:$0x7EC] =	sst s12  }
0x5e: {  	s1 =	ssub.s32 $0x2, s1;
	s14 =	simm.s32 $0x8C0;
	[smem:$0x7ED] =	sst s13  }
0x5f: {  	s0 =	sadd.s32 $0x2600, s3;
	s15 =	simm.s32 $0x900;
	[smem:$0x7EE] =	sst s14  }
0x60: {  	s11 =	sadd.s32 $0x3D3000, s3;
	s16 =	simm.s32 $0x940;
	[smem:$0x7EF] =	sst s15  }
0x61: {  	s3 =	sadd.s32 $0x2628E00, s3;
	s18 =	simm.s32 $0x980;
	[smem:$0x7F0] =	sst s16  }
0x62: {  	s9 =	sshrl.u32 s1, $0x1;
	s19 =	simm.s32 $0x9C0;
	[smem:$0x7F1] =	sst s18  }
0x63: {  	s4 =	simm.s32 $0x2D00;
	s20 =	simm.s32 $0xA00;
	[smem:$0x7F2] =	sst s19  }
0x64: {  	s21 =	simm.s32 $0xA40;
	s22 =	simm.s32 $0xA80;
	[smem:$0x7F3] =	sst s20  }
0x65: {  	s23 =	simm.s32 $0xAC0;
	s24 =	simm.s32 $0xB00;
	[smem:$0x7F4] =	sst s21  }
0x66: {  	s25 =	simm.s32 $0xB40;
	s1 =	ssub.s32 s1, s9;
	[smem:$0x7F5] =	sst s22  }
0x67: {  	s29 =	simm.s32 $0xC00;
	[smem:$0x7F6] =	sst s23;
	s17 =	smax.u32 s1, $0x1  }
0x68: {  	s30 =	simm.s32 $0xC40;
	[smem:$0x7F7] =	sst s24;
	p1 =	sne.s32 s17, $0x1  }
.Ltmp0:
0x69: {  	s31 =	simm.s32 $0xC80;
	[smem:$0x7F8] =	sst s25;
	(pc) =	sbr.rel @!p1 .LBB2_5-.Ltmp0, $4  }
0x6a: {  	s12 =	simm.s32 $0x3;
	s8 =	simm.s32 $0x40;
	[smem:$0x7FB] =	sst s29  }
0x6b: {  	s7 =	simm.s32 $0xD00;
	s5 =	simm.s32 $0x4D00;
	[smem:$0x7FC] =	sst s30  }
0x6c: {  	s9 =	simm.s32 $0x1;
	s10 =	simm.s32 $0x6D00;
	[smem:$0x7FD] =	sst s31  }
0x6d: {  	s6 =	simm.s32 $0x2;
	s18 =	rddreg [dreg:$0x3];
	s1 =	sadd.s32 $0xFFFFFFFF, s17  }
0x6e: {  	[tilespmem:s2], [sflag:$0x3] =	stream.linear.gather [hbm4b:s18+s2], $0x640, $0x38;
	[tilespmem:$0x8D00] =	vst v63  }
0x6f: {  	_ =	swait.ge [sflag:s12], $0x640  }
0x70: {  	[sflag:s12] =	ssyncset.done $0x0  }
0x71: {  	s13 =	simm.s32 $0x680;
	s29 =	rddreg [dreg:$0x4];
	[sflag:s12] =	ssyncadd.s32 $0xFFFFF9C0  }
0x72: {  	[tilespmem:s13], [sflag:$0x3] =	stream.linear.gather [hbm4b:s29+s2], $0x640, $0x38;
	[tilespmem:$0x8D00] =	vst v63  }
0x73: {  	_ =	swait.ge [sflag:s12], $0x640  }
0x74: {  	[sflag:s12] =	ssyncset.done $0x0  }
0x75: {  	[sflag:s12] =	ssyncadd.s32 $0xFFFFF9C0  }
0x76: {  	[tilespmem:s7], [sflag:$0x1] =	stream.indirect.gather [hbm4b:s0+s8], $0x80, s2, s8, $0xb8;
	[tilespmem:$0x8D00] =	vst v63  }
0x77: {  	_ = 	snop  }
0x78: {  	[tilespmem:s4], [sflag:$0x1] =	stream.indirect.gather [hbm4b:s0+s8], $0x80, s8, s8, $0xb8;
	[tilespmem:$0x8D00] =	vst v63  }
0x79: {  	s14 =	simm.s32 $0x80  }
0x7a: {  	[tilespmem:s5], [sflag:$0x1] =	stream.indirect.gather [hbm4b:s0+s8], $0x80, s14, s8, $0xb8;
	[tilespmem:$0x8D00] =	vst v63  }
0x7b: {  	_ =	swait.ge [sflag:s9], $0x2000  }
0x7c: {  	[sflag:s9] =	ssyncset.done $0x0  }
0x7d: {  	s30 =	rddreg [dreg:$0x5];
	[sflag:s9] =	ssyncadd.s32 $0xFFFFE000  }
0x7e: {  	[hbm4b:s30+s2] =	stream.linear.scatter [tilespmem:s7], [sflag:$0x2], $0x2000, $0x38;
	[tilespmem:$0x8D00] =	vst v63  }
0x7f: {  	s15 =	simm.s32 $0xC0  }
0x80: {  	[tilespmem:s10], [sflag:$0x1] =	stream.indirect.gather [hbm4b:s0+s8], $0x80, s15, s8, $0xb8;
	[tilespmem:$0x8D00] =	vst v63  }
0x81: {  	_ =	swait.ge [sflag:s9], $0x2000  }
0x82: {  	[sflag:s9] =	ssyncset.done $0x0  }
0x83: {  	s31 =	rddreg [dreg:$0x6];
	[sflag:s9] =	ssyncadd.s32 $0xFFFFE000  }
0x84: {  	[hbm4b:s31+s2] =	stream.linear.scatter [tilespmem:s4], [sflag:$0x2], $0x2000, $0x38;
	[tilespmem:$0x8D00] =	vst v63  }
0x85: {  	_ =	swait.ge [sflag:s6], $0x2000  }
0x86: {  	[sflag:s6] =	ssyncset.done $0x0  }
0x87: {  	s13 =	simm.s32 $0x100;
	[sflag:s6] =	ssyncadd.s32 $0xFFFFE000  }
0x88: {  	[tilespmem:s7], [sflag:$0x1] =	stream.indirect.gather [hbm4b:s0+s8], $0x80, s13, s8, $0xb8;
	[tilespmem:$0x8D00] =	vst v63  }
0x89: {  	_ =	swait.ge [sflag:s9], $0x2000  }
0x8a: {  	[sflag:s9] =	ssyncset.done $0x0  }
0x8b: {  	s12 =	rddreg [dreg:$0x7];
	[sflag:s9] =	ssyncadd.s32 $0xFFFFE000  }
0x8c: {  	[hbm4b:s12+s2] =	stream.linear.scatter [tilespmem:s5], [sflag:$0x2], $0x2000, $0x38;
	[tilespmem:$0x8D00] =	vst v63  }
0x8d: {  	_ =	swait.ge [sflag:s6], $0x2000  }
0x8e: {  	[sflag:s6] =	ssyncset.done $0x0  }
0x8f: {  	s12 =	simm.s32 $0x140;
	[sflag:s6] =	ssyncadd.s32 $0xFFFFE000  }
0x90: {  	[tilespmem:s4], [sflag:$0x1] =	stream.indirect.gather [hbm4b:s0+s8], $0x80, s12, s8, $0xb8;
	[tilespmem:$0x8D00] =	vst v63  }
0x91: {  	_ =	swait.ge [sflag:s9], $0x2000  }
0x92: {  	[sflag:s9] =	ssyncset.done $0x0  }
0x93: {  	s16 =	rddreg [dreg:$0x8];
	[sflag:s9] =	ssyncadd.s32 $0xFFFFE000  }
0x94: {  	[hbm4b:s16+s2] =	stream.linear.scatter [tilespmem:s10], [sflag:$0x2], $0x2000, $0x38;
	[tilespmem:$0x8D00] =	vst v63  }
0x95: {  	_ =	swait.ge [sflag:s6], $0x2000  }
0x96: {  	[sflag:s6] =	ssyncset.done $0x0  }
0x97: {  	s22 =	simm.s32 $0x180;
	[sflag:s6] =	ssyncadd.s32 $0xFFFFE000  }
0x98: {  	[tilespmem:s5], [sflag:$0x1] =	stream.indirect.gather [hbm4b:s0+s8], $0x80, s22, s8, $0xb8;
	[tilespmem:$0x8D00] =	vst v63  }
0x99: {  	_ =	swait.ge [sflag:s9], $0x2000  }
0x9a: {  	[sflag:s9] =	ssyncset.done $0x0  }
0x9b: {  	s17 =	rddreg [dreg:$0x9];
	[sflag:s9] =	ssyncadd.s32 $0xFFFFE000  }
0x9c: {  	[hbm4b:s17+s2] =	stream.linear.scatter [tilespmem:s7], [sflag:$0x2], $0x2000, $0x38;
	[tilespmem:$0x8D00] =	vst v63  }
0x9d: {  	_ =	swait.ge [sflag:s6], $0x2000  }
0x9e: {  	[sflag:s6] =	ssyncset.done $0x0  }
0x9f: {  	s24 =	simm.s32 $0x1C0;
	[sflag:s6] =	ssyncadd.s32 $0xFFFFE000  }
0xa0: {  	[tilespmem:s10], [sflag:$0x1] =	stream.indirect.gather [hbm4b:s0+s8], $0x80, s24, s8, $0xb8;
	[tilespmem:$0x8D00] =	vst v63  }
0xa1: {  	_ =	swait.ge [sflag:s9], $0x2000  }
0xa2: {  	[sflag:s9] =	ssyncset.done $0x0  }
0xa3: {  	s19 =	rddreg [dreg:$0xa];
	[sflag:s9] =	ssyncadd.s32 $0xFFFFE000  }
0xa4: {  	[hbm4b:s19+s2] =	stream.linear.scatter [tilespmem:s4], [sflag:$0x2], $0x2000, $0x38;
	[tilespmem:$0x8D00] =	vst v63  }
0xa5: {  	_ =	swait.ge [sflag:s6], $0x2000  }
0xa6: {  	[sflag:s6] =	ssyncset.done $0x0  }
0xa7: {  	s26 =	simm.s32 $0x200;
	[sflag:s6] =	ssyncadd.s32 $0xFFFFE000  }
0xa8: {  	[tilespmem:s7], [sflag:$0x1] =	stream.indirect.gather [hbm4b:s0+s8], $0x80, s26, s8, $0xb8;
	[tilespmem:$0x8D00] =	vst v63  }
0xa9: {  	_ =	swait.ge [sflag:s9], $0x2000  }
0xaa: {  	[sflag:s9] =	ssyncset.done $0x0  }
0xab: {  	s20 =	rddreg [dreg:$0xb];
	[sflag:s9] =	ssyncadd.s32 $0xFFFFE000  }
0xac: {  	[hbm4b:s20+s2] =	stream.linear.scatter [tilespmem:s5], [sflag:$0x2], $0x2000, $0x38;
	[tilespmem:$0x8D00] =	vst v63  }
0xad: {  	_ =	swait.ge [sflag:s6], $0x2000  }
0xae: {  	[sflag:s6] =	ssyncset.done $0x0  }
0xaf: {  	s29 =	simm.s32 $0x240;
	[sflag:s6] =	ssyncadd.s32 $0xFFFFE000  }
0xb0: {  	[tilespmem:s4], [sflag:$0x1] =	stream.indirect.gather [hbm4b:s0+s8], $0x80, s29, s8, $0xb8;
	[tilespmem:$0x8D00] =	vst v63  }
0xb1: {  	_ =	swait.ge [sflag:s9], $0x2000  }
0xb2: {  	s21 =	rddreg [dreg:$0xc];
	[sflag:s9] =	ssyncset.done $0x0  }
0xb3: {  	[sflag:s9] =	ssyncadd.s32 $0xFFFFE000  }
0xb4: {  	[hbm4b:s21+s2] =	stream.linear.scatter [tilespmem:s10], [sflag:$0x2], $0x2000, $0x38;
	[tilespmem:$0x8D00] =	vst v63  }
0xb5: {  	_ =	swait.ge [sflag:s6], $0x2000  }
0xb6: {  	[sflag:s6] =	ssyncset.done $0x0  }
0xb7: {  	s31 =	simm.s32 $0x280;
	[sflag:s6] =	ssyncadd.s32 $0xFFFFE000  }
0xb8: {  	[tilespmem:s5], [sflag:$0x1] =	stream.indirect.gather [hbm4b:s0+s8], $0x80, s31, s8, $0xb8;
	[tilespmem:$0x8D00] =	vst v63  }
0xb9: {  	_ =	swait.ge [sflag:s9], $0x2000  }
0xba: {  	[sflag:s9] =	ssyncset.done $0x0  }
0xbb: {  	s23 =	rddreg [dreg:$0xd];
	[sflag:s9] =	ssyncadd.s32 $0xFFFFE000  }
0xbc: {  	[hbm4b:s23+s2] =	stream.linear.scatter [tilespmem:s7], [sflag:$0x2], $0x2000, $0x38;
	[tilespmem:$0x8D00] =	vst v63  }
0xbd: {  	_ =	swait.ge [sflag:s6], $0x2000  }
0xbe: {  	[sflag:s6] =	ssyncset.done $0x0  }
0xbf: {  	[smem:$0x7B5] =	sst s1;
	s1 =	simm.s32 $0x2C0;
	[sflag:s6] =	ssyncadd.s32 $0xFFFFE000  }
0xc0: {  	[tilespmem:s10], [sflag:$0x1] =	stream.indirect.gather [hbm4b:s0+s8], $0x80, s1, s8, $0xb8;
	[tilespmem:$0x8D00] =	vst v63  }
0xc1: {  	_ =	swait.ge [sflag:s9], $0x2000  }
0xc2: {  	[sflag:s9] =	ssyncset.done $0x0  }
0xc3: {  	s25 =	rddreg [dreg:$0xe];
	[sflag:s9] =	ssyncadd.s32 $0xFFFFE000  }
0xc4: {  	[hbm4b:s25+s2] =	stream.linear.scatter [tilespmem:s4], [sflag:$0x2], $0x2000, $0x38;
	[tilespmem:$0x8D00] =	vst v63  }
0xc5: {  	_ =	swait.ge [sflag:s6], $0x2000  }
0xc6: {  	[sflag:s6] =	ssyncset.done $0x0  }
0xc7: {  	s20 =	simm.s32 $0x300;
	[sflag:s6] =	ssyncadd.s32 $0xFFFFE000  }
0xc8: {  	[tilespmem:s7], [sflag:$0x1] =	stream.indirect.gather [hbm4b:s0+s8], $0x80, s20, s8, $0xb8;
	[tilespmem:$0x8D00] =	vst v63  }
0xc9: {  	_ =	swait.ge [sflag:s9], $0x2000  }
0xca: {  	[sflag:s9] =	ssyncset.done $0x0  }
0xcb: {  	s28 =	rddreg [dreg:$0xf];
	[sflag:s9] =	ssyncadd.s32 $0xFFFFE000  }
0xcc: {  	[hbm4b:s28+s2] =	stream.linear.scatter [tilespmem:s5], [sflag:$0x2], $0x2000, $0x38;
	[tilespmem:$0x8D00] =	vst v63  }
0xcd: {  	_ =	swait.ge [sflag:s6], $0x2000  }
0xce: {  	[sflag:s6] =	ssyncset.done $0x0  }
0xcf: {  	s21 =	simm.s32 $0x340;
	[sflag:s6] =	ssyncadd.s32 $0xFFFFE000  }
0xd0: {  	[tilespmem:s4], [sflag:$0x1] =	stream.indirect.gather [hbm4b:s0+s8], $0x80, s21, s8, $0xb8;
	[tilespmem:$0x8D00] =	vst v63  }
0xd1: {  	_ =	swait.ge [sflag:s9], $0x2000  }
0xd2: {  	[sflag:s9] =	ssyncset.done $0x0  }
0xd3: {  	s30 =	rddreg [dreg:$0x10];
	[sflag:s9] =	ssyncadd.s32 $0xFFFFE000  }
0xd4: {  	[hbm4b:s30+s2] =	stream.linear.scatter [tilespmem:s10], [sflag:$0x2], $0x2000, $0x38;
	[tilespmem:$0x8D00] =	vst v63  }
0xd5: {  	_ =	swait.ge [sflag:s6], $0x2000  }
0xd6: {  	[sflag:s6] =	ssyncset.done $0x0  }
0xd7: {  	s23 =	simm.s32 $0x380;
	[sflag:s6] =	ssyncadd.s32 $0xFFFFE000  }
0xd8: {  	[tilespmem:s5], [sflag:$0x1] =	stream.indirect.gather [hbm4b:s0+s8], $0x80, s23, s8, $0xb8;
	[tilespmem:$0x8D00] =	vst v63  }
0xd9: {  	_ =	swait.ge [sflag:s9], $0x2000  }
0xda: {  	[sflag:s9] =	ssyncset.done $0x0  }
0xdb: {  	s16 =	rddreg [dreg:$0x11];
	[sflag:s9] =	ssyncadd.s32 $0xFFFFE000  }
0xdc: {  	[hbm4b:s16+s2] =	stream.linear.scatter [tilespmem:s7], [sflag:$0x2], $0x2000, $0x38;
	[tilespmem:$0x8D00] =	vst v63  }
0xdd: {  	_ =	swait.ge [sflag:s6], $0x2000  }
0xde: {  	[sflag:s6] =	ssyncset.done $0x0  }
0xdf: {  	s16 =	simm.s32 $0x3C0;
	[sflag:s6] =	ssyncadd.s32 $0xFFFFE000  }
0xe0: {  	[tilespmem:s10], [sflag:$0x1] =	stream.indirect.gather [hbm4b:s0+s8], $0x80, s16, s8, $0xb8;
	[tilespmem:$0x8D00] =	vst v63  }
0xe1: {  	_ =	swait.ge [sflag:s9], $0x2000  }
0xe2: {  	[sflag:s9] =	ssyncset.done $0x0  }
0xe3: {  	s17 =	rddreg [dreg:$0x12];
	[sflag:s9] =	ssyncadd.s32 $0xFFFFE000  }
0xe4: {  	[hbm4b:s17+s2] =	stream.linear.scatter [tilespmem:s4], [sflag:$0x2], $0x2000, $0x38;
	[tilespmem:$0x8D00] =	vst v63  }
0xe5: {  	_ =	swait.ge [sflag:s6], $0x2000  }
0xe6: {  	[sflag:s6] =	ssyncset.done $0x0  }
0xe7: {  	s25 =	simm.s32 $0x400;
	[sflag:s6] =	ssyncadd.s32 $0xFFFFE000  }
0xe8: {  	[tilespmem:s7], [sflag:$0x1] =	stream.indirect.gather [hbm4b:s0+s8], $0x80, s25, s8, $0xb8;
	[tilespmem:$0x8D00] =	vst v63  }
0xe9: {  	_ =	swait.ge [sflag:s9], $0x2000  }
0xea: {  	[sflag:s9] =	ssyncset.done $0x0  }
0xeb: {  	s19 =	rddreg [dreg:$0x13];
	[sflag:s9] =	ssyncadd.s32 $0xFFFFE000  }
0xec: {  	[hbm4b:s19+s2] =	stream.linear.scatter [tilespmem:s5], [sflag:$0x2], $0x2000, $0x38;
	[tilespmem:$0x8D00] =	vst v63  }
0xed: {  	_ =	swait.ge [sflag:s6], $0x2000  }
0xee: {  	[sflag:s6] =	ssyncset.done $0x0  }
0xef: {  	s30 =	simm.s32 $0x440;
	[sflag:s6] =	ssyncadd.s32 $0xFFFFE000  }
0xf0: {  	[tilespmem:s4], [sflag:$0x1] =	stream.indirect.gather [hbm4b:s0+s8], $0x80, s30, s8, $0xb8;
	[tilespmem:$0x8D00] =	vst v63  }
0xf1: {  	_ =	swait.ge [sflag:s9], $0x2000  }
0xf2: {  	[sflag:s9] =	ssyncset.done $0x0  }
0xf3: {  	s28 =	rddreg [dreg:$0x14];
	[sflag:s9] =	ssyncadd.s32 $0xFFFFE000  }
0xf4: {  	[hbm4b:s28+s2] =	stream.linear.scatter [tilespmem:s10], [sflag:$0x2], $0x2000, $0x38;
	[tilespmem:$0x8D00] =	vst v63  }
0xf5: {  	_ =	swait.ge [sflag:s6], $0x2000  }
0xf6: {  	[sflag:s6] =	ssyncset.done $0x0  }
0xf7: {  	s28 =	simm.s32 $0x480;
	[sflag:s6] =	ssyncadd.s32 $0xFFFFE000  }
0xf8: {  	[tilespmem:s5], [sflag:$0x1] =	stream.indirect.gather [hbm4b:s0+s8], $0x80, s28, s8, $0xb8;
	[tilespmem:$0x8D00] =	vst v63  }
0xf9: {  	_ =	swait.ge [sflag:s9], $0x2000  }
0xfa: {  	[sflag:s9] =	ssyncset.done $0x0  }
0xfb: {  	s17 =	rddreg [dreg:$0x15];
	[sflag:s9] =	ssyncadd.s32 $0xFFFFE000  }
0xfc: {  	[hbm4b:s17+s2] =	stream.linear.scatter [tilespmem:s7], [sflag:$0x2], $0x2000, $0x38;
	[tilespmem:$0x8D00] =	vst v63  }
0xfd: {  	_ =	swait.ge [sflag:s6], $0x2000  }
0xfe: {  	[sflag:s6] =	ssyncset.done $0x0  }
0xff: {  	s17 =	simm.s32 $0x4C0;
	[sflag:s6] =	ssyncadd.s32 $0xFFFFE000  }
0x100: {  	[tilespmem:s10], [sflag:$0x1] =	stream.indirect.gather [hbm4b:s0+s8], $0x80, s17, s8, $0xb8;
	[tilespmem:$0x8D00] =	vst v63  }
0x101: {  	_ =	swait.ge [sflag:s9], $0x2000  }
0x102: {  	[sflag:s9] =	ssyncset.done $0x0  }
0x103: {  	s19 =	rddreg [dreg:$0x16];
	[sflag:s9] =	ssyncadd.s32 $0xFFFFE000  }
0x104: {  	[hbm4b:s19+s2] =	stream.linear.scatter [tilespmem:s4], [sflag:$0x2], $0x2000, $0x38;
	[tilespmem:$0x8D00] =	vst v63  }
0x105: {  	_ =	swait.ge [sflag:s6], $0x2000  }
0x106: {  	[sflag:s6] =	ssyncset.done $0x0  }
0x107: {  	s19 =	simm.s32 $0x500;
	[sflag:s6] =	ssyncadd.s32 $0xFFFFE000  }
0x108: {  	[tilespmem:s7], [sflag:$0x1] =	stream.indirect.gather [hbm4b:s0+s8], $0x80, s19, s8, $0xb8;
	[tilespmem:$0x8D00] =	vst v63  }
0x109: {  	_ =	swait.ge [sflag:s9], $0x2000  }
0x10a: {  	[sflag:s9] =	ssyncset.done $0x0  }
0x10b: {  	s18 =	rddreg [dreg:$0x17];
	[sflag:s9] =	ssyncadd.s32 $0xFFFFE000  }
0x10c: {  	[hbm4b:s18+s2] =	stream.linear.scatter [tilespmem:s5], [sflag:$0x2], $0x2000, $0x38;
	[tilespmem:$0x8D00] =	vst v63  }
0x10d: {  	_ =	swait.ge [sflag:s6], $0x2000  }
0x10e: {  	[sflag:s6] =	ssyncset.done $0x0  }
0x10f: {  	s18 =	simm.s32 $0x540;
	[sflag:s6] =	ssyncadd.s32 $0xFFFFE000  }
0x110: {  	[tilespmem:s4], [sflag:$0x1] =	stream.indirect.gather [hbm4b:s0+s8], $0x80, s18, s8, $0xb8;
	[tilespmem:$0x8D00] =	vst v63  }
0x111: {  	_ =	swait.ge [sflag:s9], $0x2000  }
0x112: {  	[sflag:s9] =	ssyncset.done $0x0  }
0x113: {  	s18 =	rddreg [dreg:$0x18];
	[sflag:s9] =	ssyncadd.s32 $0xFFFFE000  }
0x114: {  	[hbm4b:s18+s2] =	stream.linear.scatter [tilespmem:s10], [sflag:$0x2], $0x2000, $0x38;
	[tilespmem:$0x8D00] =	vst v63  }
0x115: {  	_ =	swait.ge [sflag:s6], $0x2000  }
0x116: {  	[sflag:s6] =	ssyncset.done $0x0  }
0x117: {  	s18 =	simm.s32 $0x580;
	[sflag:s6] =	ssyncadd.s32 $0xFFFFE000  }
0x118: {  	[tilespmem:s5], [sflag:$0x1] =	stream.indirect.gather [hbm4b:s0+s8], $0x80, s18, s8, $0xb8;
	[tilespmem:$0x8D00] =	vst v63  }
0x119: {  	_ =	swait.ge [sflag:s9], $0x2000  }
0x11a: {  	[sflag:s9] =	ssyncset.done $0x0  }
0x11b: {  	s18 =	rddreg [dreg:$0x19];
	[sflag:s9] =	ssyncadd.s32 $0xFFFFE000  }
0x11c: {  	[hbm4b:s18+s2] =	stream.linear.scatter [tilespmem:s7], [sflag:$0x2], $0x2000, $0x38;
	[tilespmem:$0x8D00] =	vst v63  }
0x11d: {  	_ =	swait.ge [sflag:s6], $0x2000  }
0x11e: {  	[sflag:s6] =	ssyncset.done $0x0  }
0x11f: {  	s18 =	simm.s32 $0x5C0;
	[sflag:s6] =	ssyncadd.s32 $0xFFFFE000  }
0x120: {  	[tilespmem:s10], [sflag:$0x1] =	stream.indirect.gather [hbm4b:s0+s8], $0x80, s18, s8, $0xb8;
	[tilespmem:$0x8D00] =	vst v63  }
0x121: {  	_ =	swait.ge [sflag:s9], $0x2000  }
0x122: {  	[sflag:s9] =	ssyncset.done $0x0  }
0x123: {  	s18 =	rddreg [dreg:$0x1a];
	[sflag:s9] =	ssyncadd.s32 $0xFFFFE000  }
0x124: {  	[hbm4b:s18+s2] =	stream.linear.scatter [tilespmem:s4], [sflag:$0x2], $0x2000, $0x38;
	[tilespmem:$0x8D00] =	vst v63  }
0x125: {  	_ =	swait.ge [sflag:s6], $0x2000  }
0x126: {  	[sflag:s6] =	ssyncset.done $0x0  }
0x127: {  	s18 =	simm.s32 $0x600;
	[sflag:s6] =	ssyncadd.s32 $0xFFFFE000  }
0x128: {  	[tilespmem:s7], [sflag:$0x1] =	stream.indirect.gather [hbm4b:s0+s8], $0x80, s18, s8, $0xb8;
	[tilespmem:$0x8D00] =	vst v63  }
0x129: {  	_ =	swait.ge [sflag:s9], $0x2000  }
0x12a: {  	[sflag:s9] =	ssyncset.done $0x0  }
0x12b: {  	s18 =	rddreg [dreg:$0x1b];
	[sflag:s9] =	ssyncadd.s32 $0xFFFFE000  }
0x12c: {  	[hbm4b:s18+s2] =	stream.linear.scatter [tilespmem:s5], [sflag:$0x2], $0x2000, $0x38;
	[tilespmem:$0x8D00] =	vst v63  }
0x12d: {  	_ =	swait.ge [sflag:s6], $0x2000  }
0x12e: {  	[sflag:s6] =	ssyncset.done $0x0  }
0x12f: {  	[sflag:s6] =	ssyncadd.s32 $0xFFFFE000  }
0x130: {  	[tilespmem:s4], [sflag:$0x1] =	stream.indirect.gather [hbm4b:s11+s8], $0x80, s2, s8, $0xb8;
	[tilespmem:$0x8D00] =	vst v63  }
0x131: {  	_ =	swait.ge [sflag:s9], $0x2000  }
0x132: {  	[sflag:s9] =	ssyncset.done $0x0  }
0x133: {  	s18 =	rddreg [dreg:$0x1c];
	[sflag:s9] =	ssyncadd.s32 $0xFFFFE000  }
0x134: {  	[hbm4b:s18+s2] =	stream.linear.scatter [tilespmem:s10], [sflag:$0x2], $0x2000, $0x38;
	[tilespmem:$0x8D00] =	vst v63  }
0x135: {  	_ =	swait.ge [sflag:s6], $0x2000  }
0x136: {  	[sflag:s6] =	ssyncset.done $0x0  }
0x137: {  	[sflag:s6] =	ssyncadd.s32 $0xFFFFE000  }
0x138: {  	[tilespmem:s5], [sflag:$0x1] =	stream.indirect.gather [hbm4b:s11+s8], $0x80, s8, s8, $0xb8;
	[tilespmem:$0x8D00] =	vst v63  }
0x139: {  	_ =	swait.ge [sflag:s9], $0x2000  }
0x13a: {  	[sflag:s9] =	ssyncset.done $0x0  }
0x13b: {  	s18 =	rddreg [dreg:$0x1d];
	[sflag:s9] =	ssyncadd.s32 $0xFFFFE000  }
0x13c: {  	[hbm4b:s18+s2] =	stream.linear.scatter [tilespmem:s7], [sflag:$0x2], $0x2000, $0x38;
	[tilespmem:$0x8D00] =	vst v63  }
0x13d: {  	_ =	swait.ge [sflag:s6], $0x2000  }
0x13e: {  	[sflag:s6] =	ssyncset.done $0x0  }
0x13f: {  	[sflag:s6] =	ssyncadd.s32 $0xFFFFE000  }
0x140: {  	[tilespmem:s10], [sflag:$0x1] =	stream.indirect.gather [hbm4b:s11+s8], $0x80, s14, s8, $0xb8;
	[tilespmem:$0x8D00] =	vst v63  }
0x141: {  	_ =	swait.ge [sflag:s9], $0x2000  }
0x142: {  	[sflag:s9] =	ssyncset.done $0x0  }
0x143: {  	s14 =	rddreg [dreg:$0x1e];
	[sflag:s9] =	ssyncadd.s32 $0xFFFFE000  }
0x144: {  	[hbm4b:s14+s2] =	stream.linear.scatter [tilespmem:s4], [sflag:$0x2], $0x2000, $0x38;
	[tilespmem:$0x8D00] =	vst v63  }
0x145: {  	_ =	swait.ge [sflag:s6], $0x2000  }
0x146: {  	[sflag:s6] =	ssyncset.done $0x0  }
0x147: {  	[sflag:s6] =	ssyncadd.s32 $0xFFFFE000  }
0x148: {  	[tilespmem:s7], [sflag:$0x1] =	stream.indirect.gather [hbm4b:s11+s8], $0x80, s15, s8, $0xb8;
	[tilespmem:$0x8D00] =	vst v63  }
0x149: {  	_ =	swait.ge [sflag:s9], $0x2000  }
0x14a: {  	[sflag:s9] =	ssyncset.done $0x0  }
0x14b: {  	s15 =	rddreg [dreg:$0x1f];
	[sflag:s9] =	ssyncadd.s32 $0xFFFFE000  }
0x14c: {  	[hbm4b:s15+s2] =	stream.linear.scatter [tilespmem:s5], [sflag:$0x2], $0x2000, $0x38;
	[tilespmem:$0x8D00] =	vst v63  }
0x14d: {  	_ =	swait.ge [sflag:s6], $0x2000  }
0x14e: {  	[sflag:s6] =	ssyncset.done $0x0  }
0x14f: {  	[sflag:s6] =	ssyncadd.s32 $0xFFFFE000  }
0x150: {  	[tilespmem:s4], [sflag:$0x1] =	stream.indirect.gather [hbm4b:s11+s8], $0x80, s13, s8, $0xb8;
	[tilespmem:$0x8D00] =	vst v63  }
0x151: {  	_ =	swait.ge [sflag:s9], $0x2000  }
0x152: {  	s14 =	sld [smem:$0x7B6]  }
0x153: {  	[sflag:s9] =	ssyncset.done $0x0  }
0x154: {  	[sflag:s9] =	ssyncadd.s32 $0xFFFFE000  }
0x155: {  	[hbm4b:s14+s2] =	stream.linear.scatter [tilespmem:s10], [sflag:$0x2], $0x2000, $0x38;
	[tilespmem:$0x8D00] =	vst v63  }
0x156: {  	_ =	swait.ge [sflag:s6], $0x2000  }
0x157: {  	[sflag:s6] =	ssyncset.done $0x0  }
0x158: {  	[sflag:s6] =	ssyncadd.s32 $0xFFFFE000  }
0x159: {  	[tilespmem:s5], [sflag:$0x1] =	stream.indirect.gather [hbm4b:s11+s8], $0x80, s12, s8, $0xb8;
	[tilespmem:$0x8D00] =	vst v63  }
0x15a: {  	_ =	swait.ge [sflag:s9], $0x2000  }
0x15b: {  	s15 =	sld [smem:$0x7B7]  }
0x15c: {  	[sflag:s9] =	ssyncset.done $0x0  }
0x15d: {  	[sflag:s9] =	ssyncadd.s32 $0xFFFFE000  }
0x15e: {  	[hbm4b:s15+s2] =	stream.linear.scatter [tilespmem:s7], [sflag:$0x2], $0x2000, $0x38;
	[tilespmem:$0x8D00] =	vst v63  }
0x15f: {  	_ =	swait.ge [sflag:s6], $0x2000  }
0x160: {  	[sflag:s6] =	ssyncset.done $0x0  }
0x161: {  	[sflag:s6] =	ssyncadd.s32 $0xFFFFE000  }
0x162: {  	[tilespmem:s10], [sflag:$0x1] =	stream.indirect.gather [hbm4b:s11+s8], $0x80, s22, s8, $0xb8;
	[tilespmem:$0x8D00] =	vst v63  }
0x163: {  	_ =	swait.ge [sflag:s9], $0x2000  }
0x164: {  	s22 =	sld [smem:$0x7B8]  }
0x165: {  	[sflag:s9] =	ssyncset.done $0x0  }
0x166: {  	[sflag:s9] =	ssyncadd.s32 $0xFFFFE000  }
0x167: {  	[hbm4b:s22+s2] =	stream.linear.scatter [tilespmem:s4], [sflag:$0x2], $0x2000, $0x38;
	[tilespmem:$0x8D00] =	vst v63  }
0x168: {  	_ =	swait.ge [sflag:s6], $0x2000  }
0x169: {  	[sflag:s6] =	ssyncset.done $0x0  }
0x16a: {  	[sflag:s6] =	ssyncadd.s32 $0xFFFFE000  }
0x16b: {  	[tilespmem:s7], [sflag:$0x1] =	stream.indirect.gather [hbm4b:s11+s8], $0x80, s24, s8, $0xb8;
	[tilespmem:$0x8D00] =	vst v63  }
0x16c: {  	_ =	swait.ge [sflag:s9], $0x2000  }
0x16d: {  	s24 =	sld [smem:$0x7B9]  }
0x16e: {  	[sflag:s9] =	ssyncset.done $0x0  }
0x16f: {  	[sflag:s9] =	ssyncadd.s32 $0xFFFFE000  }
0x170: {  	[hbm4b:s24+s2] =	stream.linear.scatter [tilespmem:s5], [sflag:$0x2], $0x2000, $0x38;
	[tilespmem:$0x8D00] =	vst v63  }
0x171: {  	_ =	swait.ge [sflag:s6], $0x2000  }
0x172: {  	[sflag:s6] =	ssyncset.done $0x0  }
0x173: {  	[sflag:s6] =	ssyncadd.s32 $0xFFFFE000  }
0x174: {  	[tilespmem:s4], [sflag:$0x1] =	stream.indirect.gather [hbm4b:s11+s8], $0x80, s26, s8, $0xb8;
	[tilespmem:$0x8D00] =	vst v63  }
0x175: {  	_ =	swait.ge [sflag:s9], $0x2000  }
0x176: {  	s26 =	sld [smem:$0x7BA]  }
0x177: {  	[sflag:s9] =	ssyncset.done $0x0  }
0x178: {  	[sflag:s9] =	ssyncadd.s32 $0xFFFFE000  }
0x179: {  	[hbm4b:s26+s2] =	stream.linear.scatter [tilespmem:s10], [sflag:$0x2], $0x2000, $0x38;
	[tilespmem:$0x8D00] =	vst v63  }
0x17a: {  	_ =	swait.ge [sflag:s6], $0x2000  }
0x17b: {  	[sflag:s6] =	ssyncset.done $0x0  }
0x17c: {  	[sflag:s6] =	ssyncadd.s32 $0xFFFFE000  }
0x17d: {  	[tilespmem:s5], [sflag:$0x1] =	stream.indirect.gather [hbm4b:s11+s8], $0x80, s29, s8, $0xb8;
	[tilespmem:$0x8D00] =	vst v63  }
0x17e: {  	_ =	swait.ge [sflag:s9], $0x2000  }
0x17f: {  	s29 =	sld [smem:$0x7BB]  }
0x180: {  	[sflag:s9] =	ssyncset.done $0x0  }
0x181: {  	[sflag:s9] =	ssyncadd.s32 $0xFFFFE000  }
0x182: {  	[hbm4b:s29+s2] =	stream.linear.scatter [tilespmem:s7], [sflag:$0x2], $0x2000, $0x38;
	[tilespmem:$0x8D00] =	vst v63  }
0x183: {  	_ =	swait.ge [sflag:s6], $0x2000  }
0x184: {  	[sflag:s6] =	ssyncset.done $0x0  }
0x185: {  	[sflag:s6] =	ssyncadd.s32 $0xFFFFE000  }
0x186: {  	[tilespmem:s10], [sflag:$0x1] =	stream.indirect.gather [hbm4b:s11+s8], $0x80, s31, s8, $0xb8;
	[tilespmem:$0x8D00] =	vst v63  }
0x187: {  	_ =	swait.ge [sflag:s9], $0x2000  }
0x188: {  	s31 =	sld [smem:$0x7BC]  }
0x189: {  	[sflag:s9] =	ssyncset.done $0x0  }
0x18a: {  	[sflag:s9] =	ssyncadd.s32 $0xFFFFE000  }
0x18b: {  	[hbm4b:s31+s2] =	stream.linear.scatter [tilespmem:s4], [sflag:$0x2], $0x2000, $0x38;
	[tilespmem:$0x8D00] =	vst v63  }
0x18c: {  	_ =	swait.ge [sflag:s6], $0x2000  }
0x18d: {  	[sflag:s6] =	ssyncset.done $0x0  }
0x18e: {  	[sflag:s6] =	ssyncadd.s32 $0xFFFFE000  }
0x18f: {  	[tilespmem:s7], [sflag:$0x1] =	stream.indirect.gather [hbm4b:s11+s8], $0x80, s1, s8, $0xb8;
	[tilespmem:$0x8D00] =	vst v63  }
0x190: {  	_ =	swait.ge [sflag:s9], $0x2000  }
0x191: {  	s12 =	sld [smem:$0x7BD]  }
0x192: {  	[sflag:s9] =	ssyncset.done $0x0  }
0x193: {  	[sflag:s9] =	ssyncadd.s32 $0xFFFFE000  }
0x194: {  	[hbm4b:s12+s2] =	stream.linear.scatter [tilespmem:s5], [sflag:$0x2], $0x2000, $0x38;
	[tilespmem:$0x8D00] =	vst v63  }
0x195: {  	_ =	swait.ge [sflag:s6], $0x2000  }
0x196: {  	[sflag:s6] =	ssyncset.done $0x0  }
0x197: {  	[sflag:s6] =	ssyncadd.s32 $0xFFFFE000  }
0x198: {  	[tilespmem:s4], [sflag:$0x1] =	stream.indirect.gather [hbm4b:s11+s8], $0x80, s20, s8, $0xb8;
	[tilespmem:$0x8D00] =	vst v63  }
0x199: {  	_ =	swait.ge [sflag:s9], $0x2000  }
0x19a: {  	s13 =	sld [smem:$0x7BE]  }
0x19b: {  	[sflag:s9] =	ssyncset.done $0x0  }
0x19c: {  	[sflag:s9] =	ssyncadd.s32 $0xFFFFE000  }
0x19d: {  	[hbm4b:s13+s2] =	stream.linear.scatter [tilespmem:s10], [sflag:$0x2], $0x2000, $0x38;
	[tilespmem:$0x8D00] =	vst v63  }
0x19e: {  	_ =	swait.ge [sflag:s6], $0x2000  }
0x19f: {  	[sflag:s6] =	ssyncset.done $0x0  }
0x1a0: {  	[sflag:s6] =	ssyncadd.s32 $0xFFFFE000  }
0x1a1: {  	[tilespmem:s5], [sflag:$0x1] =	stream.indirect.gather [hbm4b:s11+s8], $0x80, s21, s8, $0xb8;
	[tilespmem:$0x8D00] =	vst v63  }
0x1a2: {  	_ =	swait.ge [sflag:s9], $0x2000  }
0x1a3: {  	s14 =	sld [smem:$0x7BF]  }
0x1a4: {  	[sflag:s9] =	ssyncset.done $0x0  }
0x1a5: {  	[sflag:s9] =	ssyncadd.s32 $0xFFFFE000  }
0x1a6: {  	[hbm4b:s14+s2] =	stream.linear.scatter [tilespmem:s7], [sflag:$0x2], $0x2000, $0x38;
	[tilespmem:$0x8D00] =	vst v63  }
0x1a7: {  	_ =	swait.ge [sflag:s6], $0x2000  }
0x1a8: {  	[sflag:s6] =	ssyncset.done $0x0  }
0x1a9: {  	[sflag:s6] =	ssyncadd.s32 $0xFFFFE000  }
0x1aa: {  	[tilespmem:s10], [sflag:$0x1] =	stream.indirect.gather [hbm4b:s11+s8], $0x80, s23, s8, $0xb8;
	[tilespmem:$0x8D00] =	vst v63  }
0x1ab: {  	_ =	swait.ge [sflag:s9], $0x2000  }
0x1ac: {  	s15 =	sld [smem:$0x7C0]  }
0x1ad: {  	[sflag:s9] =	ssyncset.done $0x0  }
0x1ae: {  	[sflag:s9] =	ssyncadd.s32 $0xFFFFE000  }
0x1af: {  	[hbm4b:s15+s2] =	stream.linear.scatter [tilespmem:s4], [sflag:$0x2], $0x2000, $0x38;
	[tilespmem:$0x8D00] =	vst v63  }
0x1b0: {  	_ =	swait.ge [sflag:s6], $0x2000  }
0x1b1: {  	[sflag:s6] =	ssyncset.done $0x0  }
0x1b2: {  	[sflag:s6] =	ssyncadd.s32 $0xFFFFE000  }
0x1b3: {  	[tilespmem:s7], [sflag:$0x1] =	stream.indirect.gather [hbm4b:s11+s8], $0x80, s16, s8, $0xb8;
	[tilespmem:$0x8D00] =	vst v63  }
0x1b4: {  	_ =	swait.ge [sflag:s9], $0x2000  }
0x1b5: {  	s20 =	sld [smem:$0x7C1]  }
0x1b6: {  	[sflag:s9] =	ssyncset.done $0x0  }
0x1b7: {  	[sflag:s9] =	ssyncadd.s32 $0xFFFFE000  }
0x1b8: {  	[hbm4b:s20+s2] =	stream.linear.scatter [tilespmem:s5], [sflag:$0x2], $0x2000, $0x38;
	[tilespmem:$0x8D00] =	vst v63  }
0x1b9: {  	_ =	swait.ge [sflag:s6], $0x2000  }
0x1ba: {  	[sflag:s6] =	ssyncset.done $0x0  }
0x1bb: {  	[sflag:s6] =	ssyncadd.s32 $0xFFFFE000  }
0x1bc: {  	[tilespmem:s4], [sflag:$0x1] =	stream.indirect.gather [hbm4b:s11+s8], $0x80, s25, s8, $0xb8;
	[tilespmem:$0x8D00] =	vst v63  }
0x1bd: {  	_ =	swait.ge [sflag:s9], $0x2000  }
0x1be: {  	s21 =	sld [smem:$0x7C2]  }
0x1bf: {  	[sflag:s9] =	ssyncset.done $0x0  }
0x1c0: {  	[sflag:s9] =	ssyncadd.s32 $0xFFFFE000  }
0x1c1: {  	[hbm4b:s21+s2] =	stream.linear.scatter [tilespmem:s10], [sflag:$0x2], $0x2000, $0x38;
	[tilespmem:$0x8D00] =	vst v63  }
0x1c2: {  	_ =	swait.ge [sflag:s6], $0x2000  }
0x1c3: {  	[sflag:s6] =	ssyncset.done $0x0  }
0x1c4: {  	[sflag:s6] =	ssyncadd.s32 $0xFFFFE000  }
0x1c5: {  	[tilespmem:s5], [sflag:$0x1] =	stream.indirect.gather [hbm4b:s11+s8], $0x80, s30, s8, $0xb8;
	[tilespmem:$0x8D00] =	vst v63  }
0x1c6: {  	_ =	swait.ge [sflag:s9], $0x2000  }
0x1c7: {  	s22 =	sld [smem:$0x7C3]  }
0x1c8: {  	[sflag:s9] =	ssyncset.done $0x0  }
0x1c9: {  	[sflag:s9] =	ssyncadd.s32 $0xFFFFE000  }
0x1ca: {  	[hbm4b:s22+s2] =	stream.linear.scatter [tilespmem:s7], [sflag:$0x2], $0x2000, $0x38;
	[tilespmem:$0x8D00] =	vst v63  }
0x1cb: {  	_ =	swait.ge [sflag:s6], $0x2000  }
0x1cc: {  	[sflag:s6] =	ssyncset.done $0x0  }
0x1cd: {  	[sflag:s6] =	ssyncadd.s32 $0xFFFFE000  }
0x1ce: {  	[tilespmem:s10], [sflag:$0x1] =	stream.indirect.gather [hbm4b:s11+s8], $0x80, s28, s8, $0xb8;
	[tilespmem:$0x8D00] =	vst v63  }
0x1cf: {  	_ =	swait.ge [sflag:s9], $0x2000  }
0x1d0: {  	s23 =	sld [smem:$0x7C4]  }
0x1d1: {  	[sflag:s9] =	ssyncset.done $0x0  }
0x1d2: {  	[sflag:s9] =	ssyncadd.s32 $0xFFFFE000  }
0x1d3: {  	[hbm4b:s23+s2] =	stream.linear.scatter [tilespmem:s4], [sflag:$0x2], $0x2000, $0x38;
	[tilespmem:$0x8D00] =	vst v63  }
0x1d4: {  	_ =	swait.ge [sflag:s6], $0x2000  }
0x1d5: {  	[sflag:s6] =	ssyncset.done $0x0  }
0x1d6: {  	[sflag:s6] =	ssyncadd.s32 $0xFFFFE000  }
0x1d7: {  	[tilespmem:s7], [sflag:$0x1] =	stream.indirect.gather [hbm4b:s11+s8], $0x80, s17, s8, $0xb8;
	[tilespmem:$0x8D00] =	vst v63  }
0x1d8: {  	_ =	swait.ge [sflag:s9], $0x2000  }
0x1d9: {  	s24 =	sld [smem:$0x7C5]  }
0x1da: {  	[sflag:s9] =	ssyncset.done $0x0  }
0x1db: {  	[sflag:s9] =	ssyncadd.s32 $0xFFFFE000  }
0x1dc: {  	[hbm4b:s24+s2] =	stream.linear.scatter [tilespmem:s5], [sflag:$0x2], $0x2000, $0x38;
	[tilespmem:$0x8D00] =	vst v63  }
0x1dd: {  	_ =	swait.ge [sflag:s6], $0x2000  }
0x1de: {  	[sflag:s6] =	ssyncset.done $0x0  }
0x1df: {  	[sflag:s6] =	ssyncadd.s32 $0xFFFFE000  }
0x1e0: {  	[tilespmem:s4], [sflag:$0x1] =	stream.indirect.gather [hbm4b:s11+s8], $0x80, s19, s8, $0xb8;
	[tilespmem:$0x8D00] =	vst v63  }
0x1e1: {  	_ =	swait.ge [sflag:s9], $0x2000  }
0x1e2: {  	s25 =	sld [smem:$0x7C6]  }
0x1e3: {  	[sflag:s9] =	ssyncset.done $0x0  }
0x1e4: {  	[sflag:s9] =	ssyncadd.s32 $0xFFFFE000  }
0x1e5: {  	[hbm4b:s25+s2] =	stream.linear.scatter [tilespmem:s10], [sflag:$0x2], $0x2000, $0x38;
	[tilespmem:$0x8D00] =	vst v63  }
0x1e6: {  	_ =	swait.ge [sflag:s6], $0x2000  }
0x1e7: {  	[sflag:s6] =	ssyncset.done $0x0  }
0x1e8: {  	s26 =	simm.s32 $0x540;
	[sflag:s6] =	ssyncadd.s32 $0xFFFFE000  }
0x1e9: {  	[tilespmem:s5], [sflag:$0x1] =	stream.indirect.gather [hbm4b:s11+s8], $0x80, s26, s8, $0xb8;
	[tilespmem:$0x8D00] =	vst v63  }
0x1ea: {  	_ =	swait.ge [sflag:s9], $0x2000  }
0x1eb: {  	s28 =	sld [smem:$0x7C7]  }
0x1ec: {  	[sflag:s9] =	ssyncset.done $0x0  }
0x1ed: {  	[sflag:s9] =	ssyncadd.s32 $0xFFFFE000  }
0x1ee: {  	[hbm4b:s28+s2] =	stream.linear.scatter [tilespmem:s7], [sflag:$0x2], $0x2000, $0x38;
	[tilespmem:$0x8D00] =	vst v63  }
0x1ef: {  	_ =	swait.ge [sflag:s6], $0x2000  }
0x1f0: {  	[sflag:s6] =	ssyncset.done $0x0  }
0x1f1: {  	s29 =	simm.s32 $0x580;
	[sflag:s6] =	ssyncadd.s32 $0xFFFFE000  }
0x1f2: {  	[tilespmem:s10], [sflag:$0x1] =	stream.indirect.gather [hbm4b:s11+s8], $0x80, s29, s8, $0xb8;
	[tilespmem:$0x8D00] =	vst v63  }
0x1f3: {  	_ =	swait.ge [sflag:s9], $0x2000  }
0x1f4: {  	s30 =	sld [smem:$0x7C8]  }
0x1f5: {  	[sflag:s9] =	ssyncset.done $0x0  }
0x1f6: {  	[sflag:s9] =	ssyncadd.s32 $0xFFFFE000  }
0x1f7: {  	[hbm4b:s30+s2] =	stream.linear.scatter [tilespmem:s4], [sflag:$0x2], $0x2000, $0x38;
	[tilespmem:$0x8D00] =	vst v63  }
0x1f8: {  	_ =	swait.ge [sflag:s6], $0x2000  }
0x1f9: {  	[sflag:s6] =	ssyncset.done $0x0  }
0x1fa: {  	s31 =	simm.s32 $0x5C0;
	[sflag:s6] =	ssyncadd.s32 $0xFFFFE000  }
0x1fb: {  	[tilespmem:s7], [sflag:$0x1] =	stream.indirect.gather [hbm4b:s11+s8], $0x80, s31, s8, $0xb8;
	[tilespmem:$0x8D00] =	vst v63  }
0x1fc: {  	_ =	swait.ge [sflag:s9], $0x2000  }
0x1fd: {  	s12 =	sld [smem:$0x7C9]  }
0x1fe: {  	[sflag:s9] =	ssyncset.done $0x0  }
0x1ff: {  	[sflag:s9] =	ssyncadd.s32 $0xFFFFE000  }
0x200: {  	[hbm4b:s12+s2] =	stream.linear.scatter [tilespmem:s5], [sflag:$0x2], $0x2000, $0x38;
	[tilespmem:$0x8D00] =	vst v63  }
0x201: {  	_ =	swait.ge [sflag:s6], $0x2000  }
0x202: {  	[sflag:s6] =	ssyncset.done $0x0  }
0x203: {  	s13 =	simm.s32 $0x600;
	[sflag:s6] =	ssyncadd.s32 $0xFFFFE000  }
0x204: {  	[tilespmem:s4], [sflag:$0x1] =	stream.indirect.gather [hbm4b:s11+s8], $0x80, s13, s8, $0xb8;
	[tilespmem:$0x8D00] =	vst v63  }
0x205: {  	_ =	swait.ge [sflag:s9], $0x2000  }
0x206: {  	s14 =	sld [smem:$0x7CA]  }
0x207: {  	[sflag:s9] =	ssyncset.done $0x0  }
0x208: {  	[sflag:s9] =	ssyncadd.s32 $0xFFFFE000  }
0x209: {  	[hbm4b:s14+s2] =	stream.linear.scatter [tilespmem:s10], [sflag:$0x2], $0x2000, $0x38;
	[tilespmem:$0x8D00] =	vst v63  }
0x20a: {  	_ =	swait.ge [sflag:s6], $0x2000  }
0x20b: {  	[sflag:s6] =	ssyncset.done $0x0  }
0x20c: {  	s15 =	simm.s32 $0x680;
	[sflag:s6] =	ssyncadd.s32 $0xFFFFE000  }
0x20d: {  	[tilespmem:s5], [sflag:$0x1] =	stream.indirect.gather [hbm4b:s3+s8], $0x80, s15, s8, $0xb8;
	[tilespmem:$0x8D00] =	vst v63  }
0x20e: {  	_ =	swait.ge [sflag:s9], $0x2000  }
0x20f: {  	s16 =	sld [smem:$0x7CB]  }
0x210: {  	[sflag:s9] =	ssyncset.done $0x0  }
0x211: {  	[sflag:s9] =	ssyncadd.s32 $0xFFFFE000  }
0x212: {  	[hbm4b:s16+s2] =	stream.linear.scatter [tilespmem:s7], [sflag:$0x2], $0x2000, $0x38;
	[tilespmem:$0x8D00] =	vst v63  }
0x213: {  	_ =	swait.ge [sflag:s6], $0x2000  }
0x214: {  	s17 =	sld [smem:$0x7E6]  }
0x215: {  	[sflag:s6] =	ssyncset.done $0x0  }
0x216: {  	[sflag:s6] =	ssyncadd.s32 $0xFFFFE000  }
0x217: {  	[tilespmem:s10], [sflag:$0x1] =	stream.indirect.gather [hbm4b:s3+s8], $0x80, s17, s8, $0xb8;
	[tilespmem:$0x8D00] =	vst v63  }
0x218: {  	_ =	swait.ge [sflag:s9], $0x2000  }
0x219: {  	s19 =	sld [smem:$0x7CC]  }
0x21a: {  	[sflag:s9] =	ssyncset.done $0x0  }
0x21b: {  	[sflag:s9] =	ssyncadd.s32 $0xFFFFE000  }
0x21c: {  	[hbm4b:s19+s2] =	stream.linear.scatter [tilespmem:s4], [sflag:$0x2], $0x2000, $0x38;
	[tilespmem:$0x8D00] =	vst v63  }
0x21d: {  	_ =	swait.ge [sflag:s6], $0x2000  }
0x21e: {  	s20 =	sld [smem:$0x7E7]  }
0x21f: {  	[sflag:s6] =	ssyncset.done $0x0  }
0x220: {  	[sflag:s6] =	ssyncadd.s32 $0xFFFFE000  }
0x221: {  	[tilespmem:s7], [sflag:$0x1] =	stream.indirect.gather [hbm4b:s3+s8], $0x80, s20, s8, $0xb8;
	[tilespmem:$0x8D00] =	vst v63  }
0x222: {  	_ =	swait.ge [sflag:s9], $0x2000  }
0x223: {  	s21 =	sld [smem:$0x7CD]  }
0x224: {  	[sflag:s9] =	ssyncset.done $0x0  }
0x225: {  	[sflag:s9] =	ssyncadd.s32 $0xFFFFE000  }
0x226: {  	[hbm4b:s21+s2] =	stream.linear.scatter [tilespmem:s5], [sflag:$0x2], $0x2000, $0x38;
	[tilespmem:$0x8D00] =	vst v63  }
0x227: {  	_ =	swait.ge [sflag:s6], $0x2000  }
0x228: {  	s22 =	sld [smem:$0x7E8]  }
0x229: {  	[sflag:s6] =	ssyncset.done $0x0  }
0x22a: {  	[sflag:s6] =	ssyncadd.s32 $0xFFFFE000  }
0x22b: {  	[tilespmem:s4], [sflag:$0x1] =	stream.indirect.gather [hbm4b:s3+s8], $0x80, s22, s8, $0xb8;
	[tilespmem:$0x8D00] =	vst v63  }
0x22c: {  	_ =	swait.ge [sflag:s9], $0x2000  }
0x22d: {  	s23 =	sld [smem:$0x7CE]  }
0x22e: {  	[sflag:s9] =	ssyncset.done $0x0  }
0x22f: {  	[sflag:s9] =	ssyncadd.s32 $0xFFFFE000  }
0x230: {  	[hbm4b:s23+s2] =	stream.linear.scatter [tilespmem:s10], [sflag:$0x2], $0x2000, $0x38;
	[tilespmem:$0x8D00] =	vst v63  }
0x231: {  	_ =	swait.ge [sflag:s6], $0x2000  }
0x232: {  	s24 =	sld [smem:$0x7E9]  }
0x233: {  	[sflag:s6] =	ssyncset.done $0x0  }
0x234: {  	[sflag:s6] =	ssyncadd.s32 $0xFFFFE000  }
0x235: {  	[tilespmem:s5], [sflag:$0x1] =	stream.indirect.gather [hbm4b:s3+s8], $0x80, s24, s8, $0xb8;
	[tilespmem:$0x8D00] =	vst v63  }
0x236: {  	_ =	swait.ge [sflag:s9], $0x2000  }
0x237: {  	s25 =	sld [smem:$0x7CF]  }
0x238: {  	[sflag:s9] =	ssyncset.done $0x0  }
0x239: {  	[sflag:s9] =	ssyncadd.s32 $0xFFFFE000  }
0x23a: {  	[hbm4b:s25+s2] =	stream.linear.scatter [tilespmem:s7], [sflag:$0x2], $0x2000, $0x38;
	[tilespmem:$0x8D00] =	vst v63  }
0x23b: {  	_ =	swait.ge [sflag:s6], $0x2000  }
0x23c: {  	s26 =	sld [smem:$0x7EA]  }
0x23d: {  	[sflag:s6] =	ssyncset.done $0x0  }
0x23e: {  	[sflag:s6] =	ssyncadd.s32 $0xFFFFE000  }
0x23f: {  	[tilespmem:s10], [sflag:$0x1] =	stream.indirect.gather [hbm4b:s3+s8], $0x80, s26, s8, $0xb8;
	[tilespmem:$0x8D00] =	vst v63  }
0x240: {  	_ =	swait.ge [sflag:s9], $0x2000  }
0x241: {  	s28 =	sld [smem:$0x7D0]  }
0x242: {  	[sflag:s9] =	ssyncset.done $0x0  }
0x243: {  	[sflag:s9] =	ssyncadd.s32 $0xFFFFE000  }
0x244: {  	[hbm4b:s28+s2] =	stream.linear.scatter [tilespmem:s4], [sflag:$0x2], $0x2000, $0x38;
	[tilespmem:$0x8D00] =	vst v63  }
0x245: {  	_ =	swait.ge [sflag:s6], $0x2000  }
0x246: {  	s29 =	sld [smem:$0x7EB]  }
0x247: {  	[sflag:s6] =	ssyncset.done $0x0  }
0x248: {  	[sflag:s6] =	ssyncadd.s32 $0xFFFFE000  }
0x249: {  	[tilespmem:s7], [sflag:$0x1] =	stream.indirect.gather [hbm4b:s3+s8], $0x80, s29, s8, $0xb8;
	[tilespmem:$0x8D00] =	vst v63  }
0x24a: {  	_ =	swait.ge [sflag:s9], $0x2000  }
0x24b: {  	s30 =	sld [smem:$0x7D1]  }
0x24c: {  	[sflag:s9] =	ssyncset.done $0x0  }
0x24d: {  	[sflag:s9] =	ssyncadd.s32 $0xFFFFE000  }
0x24e: {  	[hbm4b:s30+s2] =	stream.linear.scatter [tilespmem:s5], [sflag:$0x2], $0x2000, $0x38;
	[tilespmem:$0x8D00] =	vst v63  }
0x24f: {  	_ =	swait.ge [sflag:s6], $0x2000  }
0x250: {  	s31 =	sld [smem:$0x7EC]  }
0x251: {  	[sflag:s6] =	ssyncset.done $0x0  }
0x252: {  	[sflag:s6] =	ssyncadd.s32 $0xFFFFE000  }
0x253: {  	[tilespmem:s4], [sflag:$0x1] =	stream.indirect.gather [hbm4b:s3+s8], $0x80, s31, s8, $0xb8;
	[tilespmem:$0x8D00] =	vst v63  }
0x254: {  	_ =	swait.ge [sflag:s9], $0x2000  }
0x255: {  	s1 =	sld [smem:$0x7D2]  }
0x256: {  	[sflag:s9] =	ssyncset.done $0x0  }
0x257: {  	[sflag:s9] =	ssyncadd.s32 $0xFFFFE000  }
0x258: {  	[hbm4b:s1+s2] =	stream.linear.scatter [tilespmem:s10], [sflag:$0x2], $0x2000, $0x38;
	[tilespmem:$0x8D00] =	vst v63  }
0x259: {  	_ =	swait.ge [sflag:s6], $0x2000  }
0x25a: {  	s12 =	sld [smem:$0x7ED]  }
0x25b: {  	[sflag:s6] =	ssyncset.done $0x0  }
0x25c: {  	[sflag:s6] =	ssyncadd.s32 $0xFFFFE000  }
0x25d: {  	[tilespmem:s5], [sflag:$0x1] =	stream.indirect.gather [hbm4b:s3+s8], $0x80, s12, s8, $0xb8;
	[tilespmem:$0x8D00] =	vst v63  }
0x25e: {  	_ =	swait.ge [sflag:s9], $0x2000  }
0x25f: {  	s13 =	sld [smem:$0x7D3]  }
0x260: {  	[sflag:s9] =	ssyncset.done $0x0  }
0x261: {  	[sflag:s9] =	ssyncadd.s32 $0xFFFFE000  }
0x262: {  	[hbm4b:s13+s2] =	stream.linear.scatter [tilespmem:s7], [sflag:$0x2], $0x2000, $0x38;
	[tilespmem:$0x8D00] =	vst v63  }
0x263: {  	_ =	swait.ge [sflag:s6], $0x2000  }
0x264: {  	s14 =	sld [smem:$0x7EE]  }
0x265: {  	[sflag:s6] =	ssyncset.done $0x0  }
0x266: {  	[sflag:s6] =	ssyncadd.s32 $0xFFFFE000  }
0x267: {  	[tilespmem:s10], [sflag:$0x1] =	stream.indirect.gather [hbm4b:s3+s8], $0x80, s14, s8, $0xb8;
	[tilespmem:$0x8D00] =	vst v63  }
0x268: {  	_ =	swait.ge [sflag:s9], $0x2000  }
0x269: {  	s15 =	sld [smem:$0x7D4]  }
0x26a: {  	[sflag:s9] =	ssyncset.done $0x0  }
0x26b: {  	[sflag:s9] =	ssyncadd.s32 $0xFFFFE000  }
0x26c: {  	[hbm4b:s15+s2] =	stream.linear.scatter [tilespmem:s4], [sflag:$0x2], $0x2000, $0x38;
	[tilespmem:$0x8D00] =	vst v63  }
0x26d: {  	_ =	swait.ge [sflag:s6], $0x2000  }
0x26e: {  	s16 =	sld [smem:$0x7EF]  }
0x26f: {  	[sflag:s6] =	ssyncset.done $0x0  }
0x270: {  	[sflag:s6] =	ssyncadd.s32 $0xFFFFE000  }
0x271: {  	[tilespmem:s7], [sflag:$0x1] =	stream.indirect.gather [hbm4b:s3+s8], $0x80, s16, s8, $0xb8;
	[tilespmem:$0x8D00] =	vst v63  }
0x272: {  	_ =	swait.ge [sflag:s9], $0x2000  }
0x273: {  	s17 =	sld [smem:$0x7D5]  }
0x274: {  	[sflag:s9] =	ssyncset.done $0x0  }
0x275: {  	[sflag:s9] =	ssyncadd.s32 $0xFFFFE000  }
0x276: {  	[hbm4b:s17+s2] =	stream.linear.scatter [tilespmem:s5], [sflag:$0x2], $0x2000, $0x38;
	[tilespmem:$0x8D00] =	vst v63  }
0x277: {  	_ =	swait.ge [sflag:s6], $0x2000  }
0x278: {  	s19 =	sld [smem:$0x7F0]  }
0x279: {  	[sflag:s6] =	ssyncset.done $0x0  }
0x27a: {  	[sflag:s6] =	ssyncadd.s32 $0xFFFFE000  }
0x27b: {  	[tilespmem:s4], [sflag:$0x1] =	stream.indirect.gather [hbm4b:s3+s8], $0x80, s19, s8, $0xb8;
	[tilespmem:$0x8D00] =	vst v63  }
0x27c: {  	_ =	swait.ge [sflag:s9], $0x2000  }
0x27d: {  	s20 =	sld [smem:$0x7D6]  }
0x27e: {  	[sflag:s9] =	ssyncset.done $0x0  }
0x27f: {  	[sflag:s9] =	ssyncadd.s32 $0xFFFFE000  }
0x280: {  	[hbm4b:s20+s2] =	stream.linear.scatter [tilespmem:s10], [sflag:$0x2], $0x2000, $0x38;
	[tilespmem:$0x8D00] =	vst v63  }
0x281: {  	_ =	swait.ge [sflag:s6], $0x2000  }
0x282: {  	s21 =	sld [smem:$0x7F1]  }
0x283: {  	[sflag:s6] =	ssyncset.done $0x0  }
0x284: {  	[sflag:s6] =	ssyncadd.s32 $0xFFFFE000  }
0x285: {  	[tilespmem:s5], [sflag:$0x1] =	stream.indirect.gather [hbm4b:s3+s8], $0x80, s21, s8, $0xb8;
	[tilespmem:$0x8D00] =	vst v63  }
0x286: {  	_ =	swait.ge [sflag:s9], $0x2000  }
0x287: {  	s22 =	sld [smem:$0x7D7]  }
0x288: {  	[sflag:s9] =	ssyncset.done $0x0  }
0x289: {  	[sflag:s9] =	ssyncadd.s32 $0xFFFFE000  }
0x28a: {  	[hbm4b:s22+s2] =	stream.linear.scatter [tilespmem:s7], [sflag:$0x2], $0x2000, $0x38;
	[tilespmem:$0x8D00] =	vst v63  }
0x28b: {  	_ =	swait.ge [sflag:s6], $0x2000  }
0x28c: {  	s23 =	sld [smem:$0x7F2]  }
0x28d: {  	[sflag:s6] =	ssyncset.done $0x0  }
0x28e: {  	[sflag:s6] =	ssyncadd.s32 $0xFFFFE000  }
0x28f: {  	[tilespmem:s10], [sflag:$0x1] =	stream.indirect.gather [hbm4b:s3+s8], $0x80, s23, s8, $0xb8;
	[tilespmem:$0x8D00] =	vst v63  }
0x290: {  	_ =	swait.ge [sflag:s9], $0x2000  }
0x291: {  	s24 =	sld [smem:$0x7D8]  }
0x292: {  	[sflag:s9] =	ssyncset.done $0x0  }
0x293: {  	[sflag:s9] =	ssyncadd.s32 $0xFFFFE000  }
0x294: {  	[hbm4b:s24+s2] =	stream.linear.scatter [tilespmem:s4], [sflag:$0x2], $0x2000, $0x38;
	[tilespmem:$0x8D00] =	vst v63  }
0x295: {  	_ =	swait.ge [sflag:s6], $0x2000  }
0x296: {  	s25 =	sld [smem:$0x7F3]  }
0x297: {  	[sflag:s6] =	ssyncset.done $0x0  }
0x298: {  	[sflag:s6] =	ssyncadd.s32 $0xFFFFE000  }
0x299: {  	[tilespmem:s7], [sflag:$0x1] =	stream.indirect.gather [hbm4b:s3+s8], $0x80, s25, s8, $0xb8;
	[tilespmem:$0x8D00] =	vst v63  }
0x29a: {  	_ =	swait.ge [sflag:s9], $0x2000  }
0x29b: {  	s26 =	sld [smem:$0x7D9]  }
0x29c: {  	[sflag:s9] =	ssyncset.done $0x0  }
0x29d: {  	[sflag:s9] =	ssyncadd.s32 $0xFFFFE000  }
0x29e: {  	[hbm4b:s26+s2] =	stream.linear.scatter [tilespmem:s5], [sflag:$0x2], $0x2000, $0x38;
	[tilespmem:$0x8D00] =	vst v63  }
0x29f: {  	_ =	swait.ge [sflag:s6], $0x2000  }
0x2a0: {  	s28 =	sld [smem:$0x7F4]  }
0x2a1: {  	[sflag:s6] =	ssyncset.done $0x0  }
0x2a2: {  	[sflag:s6] =	ssyncadd.s32 $0xFFFFE000  }
0x2a3: {  	[tilespmem:s4], [sflag:$0x1] =	stream.indirect.gather [hbm4b:s3+s8], $0x80, s28, s8, $0xb8;
	[tilespmem:$0x8D00] =	vst v63  }
0x2a4: {  	_ =	swait.ge [sflag:s9], $0x2000  }
0x2a5: {  	s29 =	sld [smem:$0x7DA]  }
0x2a6: {  	[sflag:s9] =	ssyncset.done $0x0  }
0x2a7: {  	[sflag:s9] =	ssyncadd.s32 $0xFFFFE000  }
0x2a8: {  	[hbm4b:s29+s2] =	stream.linear.scatter [tilespmem:s10], [sflag:$0x2], $0x2000, $0x38;
	[tilespmem:$0x8D00] =	vst v63  }
0x2a9: {  	_ =	swait.ge [sflag:s6], $0x2000  }
0x2aa: {  	s30 =	sld [smem:$0x7F5]  }
0x2ab: {  	[sflag:s6] =	ssyncset.done $0x0  }
0x2ac: {  	[sflag:s6] =	ssyncadd.s32 $0xFFFFE000  }
0x2ad: {  	[tilespmem:s5], [sflag:$0x1] =	stream.indirect.gather [hbm4b:s3+s8], $0x80, s30, s8, $0xb8;
	[tilespmem:$0x8D00] =	vst v63  }
0x2ae: {  	_ =	swait.ge [sflag:s9], $0x2000  }
0x2af: {  	s31 =	sld [smem:$0x7DB]  }
0x2b0: {  	[sflag:s9] =	ssyncset.done $0x0  }
0x2b1: {  	[sflag:s9] =	ssyncadd.s32 $0xFFFFE000  }
0x2b2: {  	[hbm4b:s31+s2] =	stream.linear.scatter [tilespmem:s7], [sflag:$0x2], $0x2000, $0x38;
	[tilespmem:$0x8D00] =	vst v63  }
0x2b3: {  	_ =	swait.ge [sflag:s6], $0x2000  }
0x2b4: {  	s1 =	sld [smem:$0x7F6]  }
0x2b5: {  	[sflag:s6] =	ssyncset.done $0x0  }
0x2b6: {  	[sflag:s6] =	ssyncadd.s32 $0xFFFFE000  }
0x2b7: {  	[tilespmem:s10], [sflag:$0x1] =	stream.indirect.gather [hbm4b:s3+s8], $0x80, s1, s8, $0xb8;
	[tilespmem:$0x8D00] =	vst v63  }
0x2b8: {  	_ =	swait.ge [sflag:s9], $0x2000  }
0x2b9: {  	s12 =	sld [smem:$0x7DC]  }
0x2ba: {  	[sflag:s9] =	ssyncset.done $0x0  }
0x2bb: {  	[sflag:s9] =	ssyncadd.s32 $0xFFFFE000  }
0x2bc: {  	[hbm4b:s12+s2] =	stream.linear.scatter [tilespmem:s4], [sflag:$0x2], $0x2000, $0x38;
	[tilespmem:$0x8D00] =	vst v63  }
0x2bd: {  	_ =	swait.ge [sflag:s6], $0x2000  }
0x2be: {  	s13 =	sld [smem:$0x7F7]  }
0x2bf: {  	[sflag:s6] =	ssyncset.done $0x0  }
0x2c0: {  	[sflag:s6] =	ssyncadd.s32 $0xFFFFE000  }
0x2c1: {  	[tilespmem:s7], [sflag:$0x1] =	stream.indirect.gather [hbm4b:s3+s8], $0x80, s13, s8, $0xb8;
	[tilespmem:$0x8D00] =	vst v63  }
0x2c2: {  	_ =	swait.ge [sflag:s9], $0x2000  }
0x2c3: {  	s14 =	sld [smem:$0x7DD]  }
0x2c4: {  	[sflag:s9] =	ssyncset.done $0x0  }
0x2c5: {  	[sflag:s9] =	ssyncadd.s32 $0xFFFFE000  }
0x2c6: {  	[hbm4b:s14+s2] =	stream.linear.scatter [tilespmem:s5], [sflag:$0x2], $0x2000, $0x38;
	[tilespmem:$0x8D00] =	vst v63  }
0x2c7: {  	_ =	swait.ge [sflag:s6], $0x2000  }
0x2c8: {  	s15 =	sld [smem:$0x7F8]  }
0x2c9: {  	[sflag:s6] =	ssyncset.done $0x0  }
0x2ca: {  	[sflag:s6] =	ssyncadd.s32 $0xFFFFE000  }
0x2cb: {  	[tilespmem:s4], [sflag:$0x1] =	stream.indirect.gather [hbm4b:s3+s8], $0x80, s15, s8, $0xb8;
	[tilespmem:$0x8D00] =	vst v63  }
0x2cc: {  	_ =	swait.ge [sflag:s9], $0x2000  }
0x2cd: {  	s16 =	sld [smem:$0x7DE]  }
0x2ce: {  	[sflag:s9] =	ssyncset.done $0x0  }
0x2cf: {  	[sflag:s9] =	ssyncadd.s32 $0xFFFFE000  }
0x2d0: {  	[hbm4b:s16+s2] =	stream.linear.scatter [tilespmem:s10], [sflag:$0x2], $0x2000, $0x38;
	[tilespmem:$0x8D00] =	vst v63  }
0x2d1: {  	_ =	swait.ge [sflag:s6], $0x2000  }
0x2d2: {  	s17 =	sld [smem:$0x7F9]  }
0x2d3: {  	[sflag:s6] =	ssyncset.done $0x0  }
0x2d4: {  	[sflag:s6] =	ssyncadd.s32 $0xFFFFE000  }
0x2d5: {  	[tilespmem:s5], [sflag:$0x1] =	stream.indirect.gather [hbm4b:s3+s8], $0x80, s17, s8, $0xb8;
	[tilespmem:$0x8D00] =	vst v63  }
0x2d6: {  	_ =	swait.ge [sflag:s9], $0x2000  }
0x2d7: {  	s19 =	sld [smem:$0x7DF]  }
0x2d8: {  	[sflag:s9] =	ssyncset.done $0x0  }
0x2d9: {  	[sflag:s9] =	ssyncadd.s32 $0xFFFFE000  }
0x2da: {  	[hbm4b:s19+s2] =	stream.linear.scatter [tilespmem:s7], [sflag:$0x2], $0x2000, $0x38;
	[tilespmem:$0x8D00] =	vst v63  }
0x2db: {  	_ =	swait.ge [sflag:s6], $0x2000  }
0x2dc: {  	s20 =	sld [smem:$0x7FA]  }
0x2dd: {  	[sflag:s6] =	ssyncset.done $0x0  }
0x2de: {  	[sflag:s6] =	ssyncadd.s32 $0xFFFFE000  }
0x2df: {  	[tilespmem:s10], [sflag:$0x1] =	stream.indirect.gather [hbm4b:s3+s8], $0x80, s20, s8, $0xb8;
	[tilespmem:$0x8D00] =	vst v63  }
0x2e0: {  	_ =	swait.ge [sflag:s9], $0x2000  }
0x2e1: {  	s21 =	sld [smem:$0x7E0]  }
0x2e2: {  	[sflag:s9] =	ssyncset.done $0x0  }
0x2e3: {  	[sflag:s9] =	ssyncadd.s32 $0xFFFFE000  }
0x2e4: {  	[hbm4b:s21+s2] =	stream.linear.scatter [tilespmem:s4], [sflag:$0x2], $0x2000, $0x38;
	[tilespmem:$0x8D00] =	vst v63  }
0x2e5: {  	_ =	swait.ge [sflag:s6], $0x2000  }
0x2e6: {  	s22 =	sld [smem:$0x7FB]  }
0x2e7: {  	[sflag:s6] =	ssyncset.done $0x0  }
0x2e8: {  	[sflag:s6] =	ssyncadd.s32 $0xFFFFE000  }
0x2e9: {  	[tilespmem:s7], [sflag:$0x1] =	stream.indirect.gather [hbm4b:s3+s8], $0x80, s22, s8, $0xb8;
	[tilespmem:$0x8D00] =	vst v63  }
0x2ea: {  	_ =	swait.ge [sflag:s9], $0x2000  }
0x2eb: {  	s23 =	sld [smem:$0x7E1]  }
0x2ec: {  	[sflag:s9] =	ssyncset.done $0x0  }
0x2ed: {  	[sflag:s9] =	ssyncadd.s32 $0xFFFFE000  }
0x2ee: {  	[hbm4b:s23+s2] =	stream.linear.scatter [tilespmem:s5], [sflag:$0x2], $0x2000, $0x38;
	[tilespmem:$0x8D00] =	vst v63  }
0x2ef: {  	_ =	swait.ge [sflag:s6], $0x2000  }
0x2f0: {  	s24 =	sld [smem:$0x7FC]  }
0x2f1: {  	[sflag:s6] =	ssyncset.done $0x0  }
0x2f2: {  	[sflag:s6] =	ssyncadd.s32 $0xFFFFE000  }
0x2f3: {  	[tilespmem:s4], [sflag:$0x1] =	stream.indirect.gather [hbm4b:s3+s8], $0x80, s24, s8, $0xb8;
	[tilespmem:$0x8D00] =	vst v63  }
0x2f4: {  	_ =	swait.ge [sflag:s9], $0x2000  }
0x2f5: {  	s25 =	sld [smem:$0x7E2]  }
0x2f6: {  	[sflag:s9] =	ssyncset.done $0x0  }
0x2f7: {  	[sflag:s9] =	ssyncadd.s32 $0xFFFFE000  }
0x2f8: {  	[hbm4b:s25+s2] =	stream.linear.scatter [tilespmem:s10], [sflag:$0x2], $0x2000, $0x38;
	[tilespmem:$0x8D00] =	vst v63  }
0x2f9: {  	_ =	swait.ge [sflag:s6], $0x2000  }
0x2fa: {  	s26 =	sld [smem:$0x7FD]  }
0x2fb: {  	[sflag:s6] =	ssyncset.done $0x0  }
0x2fc: {  	[sflag:s6] =	ssyncadd.s32 $0xFFFFE000  }
0x2fd: {  	[tilespmem:s5], [sflag:$0x1] =	stream.indirect.gather [hbm4b:s3+s8], $0x80, s26, s8, $0xb8;
	[tilespmem:$0x8D00] =	vst v63  }
0x2fe: {  	_ =	swait.ge [sflag:s9], $0x2000  }
0x2ff: {  	s28 =	sld [smem:$0x7E3]  }
0x300: {  	[sflag:s9] =	ssyncset.done $0x0  }
0x301: {  	[sflag:s9] =	ssyncadd.s32 $0xFFFFE000  }
0x302: {  	[hbm4b:s28+s2] =	stream.linear.scatter [tilespmem:s7], [sflag:$0x2], $0x2000, $0x38;
	[tilespmem:$0x8D00] =	vst v63  }
0x303: {  	_ =	swait.ge [sflag:s9], $0x2000  }
0x304: {  	s29 =	sld [smem:$0x7E4]  }
0x305: {  	[sflag:s9] =	ssyncset.done $0x0  }
0x306: {  	[sflag:s9] =	ssyncadd.s32 $0xFFFFE000  }
0x307: {  	[hbm4b:s29+s2] =	stream.linear.scatter [tilespmem:s4], [sflag:$0x2], $0x2000, $0x38;
	[tilespmem:$0x8D00] =	vst v63  }
0x308: {  	_ =	swait.ge [sflag:s9], $0x2000  }
0x309: {  	s30 =	sld [smem:$0x7E5]  }
0x30a: {  	[sflag:s9] =	ssyncset.done $0x0  }
0x30b: {  	[sflag:s9] =	ssyncadd.s32 $0xFFFFE000  }
0x30c: {  	[hbm4b:s30+s2] =	stream.linear.scatter [tilespmem:s5], [sflag:$0x2], $0x2000, $0x38;
	[tilespmem:$0x8D00] =	vst v63  }
0x30d: {  	_ =	swait.ge [sflag:s6], $0x2000  }
0x30e: {  	[sflag:s6] =	ssyncset.done $0x0  }
0x30f: {  	[sflag:s6] =	ssyncadd.s32 $0xFFFFE000  }
0x310: {  	_ =	swait.ge [sflag:s6], $0x2000  }
0x311: {  	[sflag:s6] =	ssyncset.done $0x0  }
0x312: {  	[sflag:s6] =	ssyncadd.s32 $0xFFFFE000  }
0x313: {  	_ =	swait.ge [sflag:s6], $0x2000  }
0x314: {  	s31 =	sld [smem:$0x7B5];
	_ =	sdelay $0x2  }
0x315: {  	p1 =	sne.s32 s31, $0x1  }
.Ltmp1:
0x316: {  	_ = 	snop;
	(pc) =	sbr.rel @!p1 .LBB2_6-.Ltmp1, $4  }
0x317: {  	[sflag:s6] =	ssyncset.done $0x0  }
0x318: {  	[sflag:s6] =	ssyncadd.s32 $0xFFFFE000  }
0x319: {  	p0 =	por $0x1, $0x1;
	_ =	swait.ge [sflag:s6], $0x2000  }
0x31a: {  	s17 =	sadd.s32 $0xFFFFFFFF, s31;
	s18 =	rddreg [dreg:$0x3];
	[sflag:s6] =	ssyncset.done $0x0  }
0x31b: {  	s14 =	simm.s32 $0x80  }
0x31c: {  	s15 =	simm.s32 $0xC0;
	s13 =	simm.s32 $0x100;
	s22 =	simm.s32 $0x180  }
0x31d: {  	s24 =	simm.s32 $0x1C0;
	s26 =	simm.s32 $0x200;
	s29 =	simm.s32 $0x240  }
0x31e: {  	s31 =	simm.s32 $0x280;
	s20 =	simm.s32 $0x300;
	s21 =	simm.s32 $0x340  }
0x31f: {  	s23 =	simm.s32 $0x380;
	s16 =	simm.s32 $0x3C0;
	s25 =	simm.s32 $0x400  }
0x320: {  	s30 =	simm.s32 $0x440;
	s28 =	simm.s32 $0x480;
	s19 =	simm.s32 $0x4C0  }
.LBB2_3:
0x321: {  	[sflag:s6] =	ssyncadd.s32 $0xFFFFE000;
	s1 =	simm.s32 $0x3  }
0x322: {  	[tilespmem:s2], [sflag:$0x3] =	stream.linear.gather [hbm4b:s18+s2], $0x640, $0x38;
	[tilespmem:$0x8D00] =	vst v63  }
0x323: {  	_ =	swait.ge [sflag:s1], $0x640  }
0x324: {  	[sflag:s1] =	ssyncset.done $0x0  }
0x325: {  	s12 =	simm.s32 $0x680;
	s18 =	rddreg [dreg:$0x4];
	[sflag:s1] =	ssyncadd.s32 $0xFFFFF9C0  }
0x326: {  	[tilespmem:s12], [sflag:$0x3] =	stream.linear.gather [hbm4b:s18+s2], $0x640, $0x38;
	[tilespmem:$0x8D00] =	vst v63  }
0x327: {  	_ =	swait.ge [sflag:s1], $0x640  }
0x328: {  	[sflag:s1] =	ssyncset.done $0x0  }
0x329: {  	[sflag:s1] =	ssyncadd.s32 $0xFFFFF9C0  }
0x32a: {  	[tilespmem:s7], [sflag:$0x1] =	stream.indirect.gather [hbm4b:s0+s8], $0x80, s2, s8, $0xb8;
	[tilespmem:$0x8D00] =	vst v63  }
0x32b: {  	_ = 	snop  }
0x32c: {  	[tilespmem:s4], [sflag:$0x1] =	stream.indirect.gather [hbm4b:s0+s8], $0x80, s8, s8, $0xb8;
	[tilespmem:$0x8D00] =	vst v63  }
0x32d: {  	_ = 	snop  }
0x32e: {  	[tilespmem:s5], [sflag:$0x1] =	stream.indirect.gather [hbm4b:s0+s8], $0x80, s14, s8, $0xb8;
	[tilespmem:$0x8D00] =	vst v63  }
0x32f: {  	_ =	swait.ge [sflag:s9], $0x2000  }
0x330: {  	[sflag:s9] =	ssyncset.done $0x0  }
0x331: {  	s12 =	rddreg [dreg:$0x5];
	[sflag:s9] =	ssyncadd.s32 $0xFFFFE000  }
0x332: {  	[hbm4b:s12+s2] =	stream.linear.scatter [tilespmem:s7], [sflag:$0x2], $0x2000, $0x38;
	[tilespmem:$0x8D00] =	vst v63  }
0x333: {  	_ = 	snop  }
0x334: {  	[tilespmem:s10], [sflag:$0x1] =	stream.indirect.gather [hbm4b:s0+s8], $0x80, s15, s8, $0xb8;
	[tilespmem:$0x8D00] =	vst v63  }
0x335: {  	_ =	swait.ge [sflag:s9], $0x2000  }
0x336: {  	[sflag:s9] =	ssyncset.done $0x0  }
0x337: {  	s1 =	rddreg [dreg:$0x6];
	[sflag:s9] =	ssyncadd.s32 $0xFFFFE000  }
0x338: {  	[hbm4b:s1+s2] =	stream.linear.scatter [tilespmem:s4], [sflag:$0x2], $0x2000, $0x38;
	[tilespmem:$0x8D00] =	vst v63  }
0x339: {  	_ =	swait.ge [sflag:s6], $0x2000  }
0x33a: {  	[sflag:s6] =	ssyncset.done $0x0  }
0x33b: {  	[sflag:s6] =	ssyncadd.s32 $0xFFFFE000  }
0x33c: {  	[tilespmem:s7], [sflag:$0x1] =	stream.indirect.gather [hbm4b:s0+s8], $0x80, s13, s8, $0xb8;
	[tilespmem:$0x8D00] =	vst v63  }
0x33d: {  	_ =	swait.ge [sflag:s9], $0x2000  }
0x33e: {  	[sflag:s9] =	ssyncset.done $0x0  }
0x33f: {  	s12 =	rddreg [dreg:$0x7];
	[sflag:s9] =	ssyncadd.s32 $0xFFFFE000  }
0x340: {  	[hbm4b:s12+s2] =	stream.linear.scatter [tilespmem:s5], [sflag:$0x2], $0x2000, $0x38;
	[tilespmem:$0x8D00] =	vst v63  }
0x341: {  	_ =	swait.ge [sflag:s6], $0x2000  }
0x342: {  	[sflag:s6] =	ssyncset.done $0x0  }
0x343: {  	s12 =	simm.s32 $0x140;
	[sflag:s6] =	ssyncadd.s32 $0xFFFFE000  }
0x344: {  	[tilespmem:s4], [sflag:$0x1] =	stream.indirect.gather [hbm4b:s0+s8], $0x80, s12, s8, $0xb8;
	[tilespmem:$0x8D00] =	vst v63  }
0x345: {  	_ =	swait.ge [sflag:s9], $0x2000  }
0x346: {  	[sflag:s9] =	ssyncset.done $0x0  }
0x347: {  	s1 =	rddreg [dreg:$0x8];
	[sflag:s9] =	ssyncadd.s32 $0xFFFFE000  }
0x348: {  	[hbm4b:s1+s2] =	stream.linear.scatter [tilespmem:s10], [sflag:$0x2], $0x2000, $0x38;
	[tilespmem:$0x8D00] =	vst v63  }
0x349: {  	_ =	swait.ge [sflag:s6], $0x2000  }
0x34a: {  	[sflag:s6] =	ssyncset.done $0x0  }
0x34b: {  	[sflag:s6] =	ssyncadd.s32 $0xFFFFE000  }
0x34c: {  	[tilespmem:s5], [sflag:$0x1] =	stream.indirect.gather [hbm4b:s0+s8], $0x80, s22, s8, $0xb8;
	[tilespmem:$0x8D00] =	vst v63  }
0x34d: {  	_ =	swait.ge [sflag:s9], $0x2000  }
0x34e: {  	[sflag:s9] =	ssyncset.done $0x0  }
0x34f: {  	s1 =	rddreg [dreg:$0x9];
	[sflag:s9] =	ssyncadd.s32 $0xFFFFE000  }
0x350: {  	[hbm4b:s1+s2] =	stream.linear.scatter [tilespmem:s7], [sflag:$0x2], $0x2000, $0x38;
	[tilespmem:$0x8D00] =	vst v63  }
0x351: {  	_ =	swait.ge [sflag:s6], $0x2000  }
0x352: {  	[sflag:s6] =	ssyncset.done $0x0  }
0x353: {  	[sflag:s6] =	ssyncadd.s32 $0xFFFFE000  }
0x354: {  	[tilespmem:s10], [sflag:$0x1] =	stream.indirect.gather [hbm4b:s0+s8], $0x80, s24, s8, $0xb8;
	[tilespmem:$0x8D00] =	vst v63  }
0x355: {  	_ =	swait.ge [sflag:s9], $0x2000  }
0x356: {  	[sflag:s9] =	ssyncset.done $0x0  }
0x357: {  	s1 =	rddreg [dreg:$0xa];
	[sflag:s9] =	ssyncadd.s32 $0xFFFFE000  }
0x358: {  	[hbm4b:s1+s2] =	stream.linear.scatter [tilespmem:s4], [sflag:$0x2], $0x2000, $0x38;
	[tilespmem:$0x8D00] =	vst v63  }
0x359: {  	_ =	swait.ge [sflag:s6], $0x2000  }
0x35a: {  	[sflag:s6] =	ssyncset.done $0x0  }
0x35b: {  	[sflag:s6] =	ssyncadd.s32 $0xFFFFE000  }
0x35c: {  	[tilespmem:s7], [sflag:$0x1] =	stream.indirect.gather [hbm4b:s0+s8], $0x80, s26, s8, $0xb8;
	[tilespmem:$0x8D00] =	vst v63  }
0x35d: {  	_ =	swait.ge [sflag:s9], $0x2000  }
0x35e: {  	[sflag:s9] =	ssyncset.done $0x0  }
0x35f: {  	s1 =	rddreg [dreg:$0xb];
	[sflag:s9] =	ssyncadd.s32 $0xFFFFE000  }
0x360: {  	[hbm4b:s1+s2] =	stream.linear.scatter [tilespmem:s5], [sflag:$0x2], $0x2000, $0x38;
	[tilespmem:$0x8D00] =	vst v63  }
0x361: {  	_ =	swait.ge [sflag:s6], $0x2000  }
0x362: {  	[sflag:s6] =	ssyncset.done $0x0  }
0x363: {  	[sflag:s6] =	ssyncadd.s32 $0xFFFFE000  }
0x364: {  	[tilespmem:s4], [sflag:$0x1] =	stream.indirect.gather [hbm4b:s0+s8], $0x80, s29, s8, $0xb8;
	[tilespmem:$0x8D00] =	vst v63  }
0x365: {  	_ =	swait.ge [sflag:s9], $0x2000  }
0x366: {  	[sflag:s9] =	ssyncset.done $0x0  }
0x367: {  	s1 =	rddreg [dreg:$0xc];
	[sflag:s9] =	ssyncadd.s32 $0xFFFFE000  }
0x368: {  	[hbm4b:s1+s2] =	stream.linear.scatter [tilespmem:s10], [sflag:$0x2], $0x2000, $0x38;
	[tilespmem:$0x8D00] =	vst v63  }
0x369: {  	_ =	swait.ge [sflag:s6], $0x2000  }
0x36a: {  	[sflag:s6] =	ssyncset.done $0x0  }
0x36b: {  	[sflag:s6] =	ssyncadd.s32 $0xFFFFE000  }
0x36c: {  	[tilespmem:s5], [sflag:$0x1] =	stream.indirect.gather [hbm4b:s0+s8], $0x80, s31, s8, $0xb8;
	[tilespmem:$0x8D00] =	vst v63  }
0x36d: {  	_ =	swait.ge [sflag:s9], $0x2000  }
0x36e: {  	[sflag:s9] =	ssyncset.done $0x0  }
0x36f: {  	s1 =	rddreg [dreg:$0xd];
	[sflag:s9] =	ssyncadd.s32 $0xFFFFE000  }
0x370: {  	[hbm4b:s1+s2] =	stream.linear.scatter [tilespmem:s7], [sflag:$0x2], $0x2000, $0x38;
	[tilespmem:$0x8D00] =	vst v63  }
0x371: {  	_ =	swait.ge [sflag:s6], $0x2000  }
0x372: {  	[sflag:s6] =	ssyncset.done $0x0  }
0x373: {  	s1 =	simm.s32 $0x2C0;
	[sflag:s6] =	ssyncadd.s32 $0xFFFFE000  }
0x374: {  	[tilespmem:s10], [sflag:$0x1] =	stream.indirect.gather [hbm4b:s0+s8], $0x80, s1, s8, $0xb8;
	[tilespmem:$0x8D00] =	vst v63  }
0x375: {  	_ =	swait.ge [sflag:s9], $0x2000  }
0x376: {  	[sflag:s9] =	ssyncset.done $0x0  }
0x377: {  	s18 =	rddreg [dreg:$0xe];
	[sflag:s9] =	ssyncadd.s32 $0xFFFFE000  }
0x378: {  	[hbm4b:s18+s2] =	stream.linear.scatter [tilespmem:s4], [sflag:$0x2], $0x2000, $0x38;
	[tilespmem:$0x8D00] =	vst v63  }
0x379: {  	_ =	swait.ge [sflag:s6], $0x2000  }
0x37a: {  	[sflag:s6] =	ssyncset.done $0x0  }
0x37b: {  	[sflag:s6] =	ssyncadd.s32 $0xFFFFE000  }
0x37c: {  	[tilespmem:s7], [sflag:$0x1] =	stream.indirect.gather [hbm4b:s0+s8], $0x80, s20, s8, $0xb8;
	[tilespmem:$0x8D00] =	vst v63  }
0x37d: {  	_ =	swait.ge [sflag:s9], $0x2000  }
0x37e: {  	[sflag:s9] =	ssyncset.done $0x0  }
0x37f: {  	s18 =	rddreg [dreg:$0xf];
	[sflag:s9] =	ssyncadd.s32 $0xFFFFE000  }
0x380: {  	[hbm4b:s18+s2] =	stream.linear.scatter [tilespmem:s5], [sflag:$0x2], $0x2000, $0x38;
	[tilespmem:$0x8D00] =	vst v63  }
0x381: {  	_ =	swait.ge [sflag:s6], $0x2000  }
0x382: {  	[sflag:s6] =	ssyncset.done $0x0  }
0x383: {  	[sflag:s6] =	ssyncadd.s32 $0xFFFFE000  }
0x384: {  	[tilespmem:s4], [sflag:$0x1] =	stream.indirect.gather [hbm4b:s0+s8], $0x80, s21, s8, $0xb8;
	[tilespmem:$0x8D00] =	vst v63  }
0x385: {  	_ =	swait.ge [sflag:s9], $0x2000  }
0x386: {  	[sflag:s9] =	ssyncset.done $0x0  }
0x387: {  	s18 =	rddreg [dreg:$0x10];
	[sflag:s9] =	ssyncadd.s32 $0xFFFFE000  }
0x388: {  	[hbm4b:s18+s2] =	stream.linear.scatter [tilespmem:s10], [sflag:$0x2], $0x2000, $0x38;
	[tilespmem:$0x8D00] =	vst v63  }
0x389: {  	_ =	swait.ge [sflag:s6], $0x2000  }
0x38a: {  	[sflag:s6] =	ssyncset.done $0x0  }
0x38b: {  	[sflag:s6] =	ssyncadd.s32 $0xFFFFE000  }
0x38c: {  	[tilespmem:s5], [sflag:$0x1] =	stream.indirect.gather [hbm4b:s0+s8], $0x80, s23, s8, $0xb8;
	[tilespmem:$0x8D00] =	vst v63  }
0x38d: {  	_ =	swait.ge [sflag:s9], $0x2000  }
0x38e: {  	[sflag:s9] =	ssyncset.done $0x0  }
0x38f: {  	s18 =	rddreg [dreg:$0x11];
	[sflag:s9] =	ssyncadd.s32 $0xFFFFE000  }
0x390: {  	[hbm4b:s18+s2] =	stream.linear.scatter [tilespmem:s7], [sflag:$0x2], $0x2000, $0x38;
	[tilespmem:$0x8D00] =	vst v63  }
0x391: {  	_ =	swait.ge [sflag:s6], $0x2000  }
0x392: {  	[sflag:s6] =	ssyncset.done $0x0  }
0x393: {  	[sflag:s6] =	ssyncadd.s32 $0xFFFFE000  }
0x394: {  	[tilespmem:s10], [sflag:$0x1] =	stream.indirect.gather [hbm4b:s0+s8], $0x80, s16, s8, $0xb8;
	[tilespmem:$0x8D00] =	vst v63  }
0x395: {  	_ =	swait.ge [sflag:s9], $0x2000  }
0x396: {  	[sflag:s9] =	ssyncset.done $0x0  }
0x397: {  	s18 =	rddreg [dreg:$0x12];
	[sflag:s9] =	ssyncadd.s32 $0xFFFFE000  }
0x398: {  	[hbm4b:s18+s2] =	stream.linear.scatter [tilespmem:s4], [sflag:$0x2], $0x2000, $0x38;
	[tilespmem:$0x8D00] =	vst v63  }
0x399: {  	_ =	swait.ge [sflag:s6], $0x2000  }
0x39a: {  	[sflag:s6] =	ssyncset.done $0x0  }
0x39b: {  	[sflag:s6] =	ssyncadd.s32 $0xFFFFE000  }
0x39c: {  	[tilespmem:s7], [sflag:$0x1] =	stream.indirect.gather [hbm4b:s0+s8], $0x80, s25, s8, $0xb8;
	[tilespmem:$0x8D00] =	vst v63  }
0x39d: {  	_ =	swait.ge [sflag:s9], $0x2000  }
0x39e: {  	[sflag:s9] =	ssyncset.done $0x0  }
0x39f: {  	s18 =	rddreg [dreg:$0x13];
	[sflag:s9] =	ssyncadd.s32 $0xFFFFE000  }
0x3a0: {  	[hbm4b:s18+s2] =	stream.linear.scatter [tilespmem:s5], [sflag:$0x2], $0x2000, $0x38;
	[tilespmem:$0x8D00] =	vst v63  }
0x3a1: {  	_ =	swait.ge [sflag:s6], $0x2000  }
0x3a2: {  	[sflag:s6] =	ssyncset.done $0x0  }
0x3a3: {  	[sflag:s6] =	ssyncadd.s32 $0xFFFFE000  }
0x3a4: {  	[tilespmem:s4], [sflag:$0x1] =	stream.indirect.gather [hbm4b:s0+s8], $0x80, s30, s8, $0xb8;
	[tilespmem:$0x8D00] =	vst v63  }
0x3a5: {  	_ =	swait.ge [sflag:s9], $0x2000  }
0x3a6: {  	[sflag:s9] =	ssyncset.done $0x0  }
0x3a7: {  	s18 =	rddreg [dreg:$0x14];
	[sflag:s9] =	ssyncadd.s32 $0xFFFFE000  }
0x3a8: {  	[hbm4b:s18+s2] =	stream.linear.scatter [tilespmem:s10], [sflag:$0x2], $0x2000, $0x38;
	[tilespmem:$0x8D00] =	vst v63  }
0x3a9: {  	_ =	swait.ge [sflag:s6], $0x2000  }
0x3aa: {  	[sflag:s6] =	ssyncset.done $0x0  }
0x3ab: {  	[sflag:s6] =	ssyncadd.s32 $0xFFFFE000  }
0x3ac: {  	[tilespmem:s5], [sflag:$0x1] =	stream.indirect.gather [hbm4b:s0+s8], $0x80, s28, s8, $0xb8;
	[tilespmem:$0x8D00] =	vst v63  }
0x3ad: {  	_ =	swait.ge [sflag:s9], $0x2000  }
0x3ae: {  	[sflag:s9] =	ssyncset.done $0x0  }
0x3af: {  	s18 =	rddreg [dreg:$0x15];
	[sflag:s9] =	ssyncadd.s32 $0xFFFFE000  }
0x3b0: {  	[hbm4b:s18+s2] =	stream.linear.scatter [tilespmem:s7], [sflag:$0x2], $0x2000, $0x38;
	[tilespmem:$0x8D00] =	vst v63  }
0x3b1: {  	_ =	swait.ge [sflag:s6], $0x2000  }
0x3b2: {  	[sflag:s6] =	ssyncset.done $0x0  }
0x3b3: {  	[sflag:s6] =	ssyncadd.s32 $0xFFFFE000  }
0x3b4: {  	[tilespmem:s10], [sflag:$0x1] =	stream.indirect.gather [hbm4b:s0+s8], $0x80, s19, s8, $0xb8;
	[tilespmem:$0x8D00] =	vst v63  }
0x3b5: {  	_ =	swait.ge [sflag:s9], $0x2000  }
0x3b6: {  	[sflag:s9] =	ssyncset.done $0x0  }
0x3b7: {  	s18 =	rddreg [dreg:$0x16];
	[sflag:s9] =	ssyncadd.s32 $0xFFFFE000  }
0x3b8: {  	[hbm4b:s18+s2] =	stream.linear.scatter [tilespmem:s4], [sflag:$0x2], $0x2000, $0x38;
	[tilespmem:$0x8D00] =	vst v63  }
0x3b9: {  	_ =	swait.ge [sflag:s6], $0x2000  }
0x3ba: {  	[sflag:s6] =	ssyncset.done $0x0  }
0x3bb: {  	s18 =	simm.s32 $0x500;
	[sflag:s6] =	ssyncadd.s32 $0xFFFFE000  }
0x3bc: {  	[tilespmem:s7], [sflag:$0x1] =	stream.indirect.gather [hbm4b:s0+s8], $0x80, s18, s8, $0xb8;
	[tilespmem:$0x8D00] =	vst v63  }
0x3bd: {  	_ =	swait.ge [sflag:s9], $0x2000  }
0x3be: {  	[sflag:s9] =	ssyncset.done $0x0  }
0x3bf: {  	s18 =	rddreg [dreg:$0x17];
	[sflag:s9] =	ssyncadd.s32 $0xFFFFE000  }
0x3c0: {  	[hbm4b:s18+s2] =	stream.linear.scatter [tilespmem:s5], [sflag:$0x2], $0x2000, $0x38;
	[tilespmem:$0x8D00] =	vst v63  }
0x3c1: {  	_ =	swait.ge [sflag:s6], $0x2000  }
0x3c2: {  	[sflag:s6] =	ssyncset.done $0x0  }
0x3c3: {  	s18 =	simm.s32 $0x540;
	[sflag:s6] =	ssyncadd.s32 $0xFFFFE000  }
0x3c4: {  	[tilespmem:s4], [sflag:$0x1] =	stream.indirect.gather [hbm4b:s0+s8], $0x80, s18, s8, $0xb8;
	[tilespmem:$0x8D00] =	vst v63  }
0x3c5: {  	_ =	swait.ge [sflag:s9], $0x2000  }
0x3c6: {  	[sflag:s9] =	ssyncset.done $0x0  }
0x3c7: {  	s18 =	rddreg [dreg:$0x18];
	[sflag:s9] =	ssyncadd.s32 $0xFFFFE000  }
0x3c8: {  	[hbm4b:s18+s2] =	stream.linear.scatter [tilespmem:s10], [sflag:$0x2], $0x2000, $0x38;
	[tilespmem:$0x8D00] =	vst v63  }
0x3c9: {  	_ =	swait.ge [sflag:s6], $0x2000  }
0x3ca: {  	[sflag:s6] =	ssyncset.done $0x0  }
0x3cb: {  	s18 =	simm.s32 $0x580;
	[sflag:s6] =	ssyncadd.s32 $0xFFFFE000  }
0x3cc: {  	[tilespmem:s5], [sflag:$0x1] =	stream.indirect.gather [hbm4b:s0+s8], $0x80, s18, s8, $0xb8;
	[tilespmem:$0x8D00] =	vst v63  }
0x3cd: {  	_ =	swait.ge [sflag:s9], $0x2000  }
0x3ce: {  	[sflag:s9] =	ssyncset.done $0x0  }
0x3cf: {  	s18 =	rddreg [dreg:$0x19];
	[sflag:s9] =	ssyncadd.s32 $0xFFFFE000  }
0x3d0: {  	[hbm4b:s18+s2] =	stream.linear.scatter [tilespmem:s7], [sflag:$0x2], $0x2000, $0x38;
	[tilespmem:$0x8D00] =	vst v63  }
0x3d1: {  	_ =	swait.ge [sflag:s6], $0x2000  }
0x3d2: {  	[sflag:s6] =	ssyncset.done $0x0  }
0x3d3: {  	s18 =	simm.s32 $0x5C0;
	[sflag:s6] =	ssyncadd.s32 $0xFFFFE000  }
0x3d4: {  	[tilespmem:s10], [sflag:$0x1] =	stream.indirect.gather [hbm4b:s0+s8], $0x80, s18, s8, $0xb8;
	[tilespmem:$0x8D00] =	vst v63  }
0x3d5: {  	_ =	swait.ge [sflag:s9], $0x2000  }
0x3d6: {  	[sflag:s9] =	ssyncset.done $0x0  }
0x3d7: {  	s18 =	rddreg [dreg:$0x1a];
	[sflag:s9] =	ssyncadd.s32 $0xFFFFE000  }
0x3d8: {  	[hbm4b:s18+s2] =	stream.linear.scatter [tilespmem:s4], [sflag:$0x2], $0x2000, $0x38;
	[tilespmem:$0x8D00] =	vst v63  }
0x3d9: {  	_ =	swait.ge [sflag:s6], $0x2000  }
0x3da: {  	[sflag:s6] =	ssyncset.done $0x0  }
0x3db: {  	s18 =	simm.s32 $0x600;
	[sflag:s6] =	ssyncadd.s32 $0xFFFFE000  }
0x3dc: {  	[tilespmem:s7], [sflag:$0x1] =	stream.indirect.gather [hbm4b:s0+s8], $0x80, s18, s8, $0xb8;
	[tilespmem:$0x8D00] =	vst v63  }
0x3dd: {  	_ =	swait.ge [sflag:s9], $0x2000  }
0x3de: {  	[sflag:s9] =	ssyncset.done $0x0  }
0x3df: {  	s18 =	rddreg [dreg:$0x1b];
	[sflag:s9] =	ssyncadd.s32 $0xFFFFE000  }
0x3e0: {  	[hbm4b:s18+s2] =	stream.linear.scatter [tilespmem:s5], [sflag:$0x2], $0x2000, $0x38;
	[tilespmem:$0x8D00] =	vst v63  }
0x3e1: {  	_ =	swait.ge [sflag:s6], $0x2000  }
0x3e2: {  	[sflag:s6] =	ssyncset.done $0x0  }
0x3e3: {  	[sflag:s6] =	ssyncadd.s32 $0xFFFFE000  }
0x3e4: {  	[tilespmem:s4], [sflag:$0x1] =	stream.indirect.gather [hbm4b:s11+s8], $0x80, s2, s8, $0xb8;
	[tilespmem:$0x8D00] =	vst v63  }
0x3e5: {  	_ =	swait.ge [sflag:s9], $0x2000  }
0x3e6: {  	[sflag:s9] =	ssyncset.done $0x0  }
0x3e7: {  	s18 =	rddreg [dreg:$0x1c];
	[sflag:s9] =	ssyncadd.s32 $0xFFFFE000  }
0x3e8: {  	[hbm4b:s18+s2] =	stream.linear.scatter [tilespmem:s10], [sflag:$0x2], $0x2000, $0x38;
	[tilespmem:$0x8D00] =	vst v63  }
0x3e9: {  	_ =	swait.ge [sflag:s6], $0x2000  }
0x3ea: {  	[sflag:s6] =	ssyncset.done $0x0  }
0x3eb: {  	[sflag:s6] =	ssyncadd.s32 $0xFFFFE000  }
0x3ec: {  	[tilespmem:s5], [sflag:$0x1] =	stream.indirect.gather [hbm4b:s11+s8], $0x80, s8, s8, $0xb8;
	[tilespmem:$0x8D00] =	vst v63  }
0x3ed: {  	_ =	swait.ge [sflag:s9], $0x2000  }
0x3ee: {  	[sflag:s9] =	ssyncset.done $0x0  }
0x3ef: {  	s18 =	rddreg [dreg:$0x1d];
	[sflag:s9] =	ssyncadd.s32 $0xFFFFE000  }
0x3f0: {  	[hbm4b:s18+s2] =	stream.linear.scatter [tilespmem:s7], [sflag:$0x2], $0x2000, $0x38;
	[tilespmem:$0x8D00] =	vst v63  }
0x3f1: {  	_ =	swait.ge [sflag:s6], $0x2000  }
0x3f2: {  	[sflag:s6] =	ssyncset.done $0x0  }
0x3f3: {  	[sflag:s6] =	ssyncadd.s32 $0xFFFFE000  }
0x3f4: {  	[tilespmem:s10], [sflag:$0x1] =	stream.indirect.gather [hbm4b:s11+s8], $0x80, s14, s8, $0xb8;
	[tilespmem:$0x8D00] =	vst v63  }
0x3f5: {  	_ =	swait.ge [sflag:s9], $0x2000  }
0x3f6: {  	[sflag:s9] =	ssyncset.done $0x0  }
0x3f7: {  	s18 =	rddreg [dreg:$0x1e];
	[sflag:s9] =	ssyncadd.s32 $0xFFFFE000  }
0x3f8: {  	[hbm4b:s18+s2] =	stream.linear.scatter [tilespmem:s4], [sflag:$0x2], $0x2000, $0x38;
	[tilespmem:$0x8D00] =	vst v63  }
0x3f9: {  	_ =	swait.ge [sflag:s6], $0x2000  }
0x3fa: {  	[sflag:s6] =	ssyncset.done $0x0  }
0x3fb: {  	[sflag:s6] =	ssyncadd.s32 $0xFFFFE000  }
0x3fc: {  	[tilespmem:s7], [sflag:$0x1] =	stream.indirect.gather [hbm4b:s11+s8], $0x80, s15, s8, $0xb8;
	[tilespmem:$0x8D00] =	vst v63  }
0x3fd: {  	_ =	swait.ge [sflag:s9], $0x2000  }
0x3fe: {  	[sflag:s9] =	ssyncset.done $0x0  }
0x3ff: {  	s18 =	rddreg [dreg:$0x1f];
	[sflag:s9] =	ssyncadd.s32 $0xFFFFE000  }
0x400: {  	[hbm4b:s18+s2] =	stream.linear.scatter [tilespmem:s5], [sflag:$0x2], $0x2000, $0x38;
	[tilespmem:$0x8D00] =	vst v63  }
0x401: {  	_ =	swait.ge [sflag:s6], $0x2000  }
0x402: {  	[sflag:s6] =	ssyncset.done $0x0  }
0x403: {  	[sflag:s6] =	ssyncadd.s32 $0xFFFFE000  }
0x404: {  	[tilespmem:s4], [sflag:$0x1] =	stream.indirect.gather [hbm4b:s11+s8], $0x80, s13, s8, $0xb8;
	[tilespmem:$0x8D00] =	vst v63  }
0x405: {  	_ =	swait.ge [sflag:s9], $0x2000  }
0x406: {  	s18 =	sld [smem:$0x7B6]  }
0x407: {  	[sflag:s9] =	ssyncset.done $0x0  }
0x408: {  	[sflag:s9] =	ssyncadd.s32 $0xFFFFE000  }
0x409: {  	[hbm4b:s18+s2] =	stream.linear.scatter [tilespmem:s10], [sflag:$0x2], $0x2000, $0x38;
	[tilespmem:$0x8D00] =	vst v63  }
0x40a: {  	_ =	swait.ge [sflag:s6], $0x2000  }
0x40b: {  	[sflag:s6] =	ssyncset.done $0x0  }
0x40c: {  	[sflag:s6] =	ssyncadd.s32 $0xFFFFE000  }
0x40d: {  	[tilespmem:s5], [sflag:$0x1] =	stream.indirect.gather [hbm4b:s11+s8], $0x80, s12, s8, $0xb8;
	[tilespmem:$0x8D00] =	vst v63  }
0x40e: {  	_ =	swait.ge [sflag:s9], $0x2000  }
0x40f: {  	s12 =	sld [smem:$0x7B7]  }
0x410: {  	[sflag:s9] =	ssyncset.done $0x0  }
0x411: {  	[sflag:s9] =	ssyncadd.s32 $0xFFFFE000  }
0x412: {  	[hbm4b:s12+s2] =	stream.linear.scatter [tilespmem:s7], [sflag:$0x2], $0x2000, $0x38;
	[tilespmem:$0x8D00] =	vst v63  }
0x413: {  	_ =	swait.ge [sflag:s6], $0x2000  }
0x414: {  	[sflag:s6] =	ssyncset.done $0x0  }
0x415: {  	[sflag:s6] =	ssyncadd.s32 $0xFFFFE000  }
0x416: {  	[tilespmem:s10], [sflag:$0x1] =	stream.indirect.gather [hbm4b:s11+s8], $0x80, s22, s8, $0xb8;
	[tilespmem:$0x8D00] =	vst v63  }
0x417: {  	_ =	swait.ge [sflag:s9], $0x2000  }
0x418: {  	s12 =	sld [smem:$0x7B8]  }
0x419: {  	[sflag:s9] =	ssyncset.done $0x0  }
0x41a: {  	[sflag:s9] =	ssyncadd.s32 $0xFFFFE000  }
0x41b: {  	[hbm4b:s12+s2] =	stream.linear.scatter [tilespmem:s4], [sflag:$0x2], $0x2000, $0x38;
	[tilespmem:$0x8D00] =	vst v63  }
0x41c: {  	_ =	swait.ge [sflag:s6], $0x2000  }
0x41d: {  	[sflag:s6] =	ssyncset.done $0x0  }
0x41e: {  	[sflag:s6] =	ssyncadd.s32 $0xFFFFE000  }
0x41f: {  	[tilespmem:s7], [sflag:$0x1] =	stream.indirect.gather [hbm4b:s11+s8], $0x80, s24, s8, $0xb8;
	[tilespmem:$0x8D00] =	vst v63  }
0x420: {  	_ =	swait.ge [sflag:s9], $0x2000  }
0x421: {  	s12 =	sld [smem:$0x7B9]  }
0x422: {  	[sflag:s9] =	ssyncset.done $0x0  }
0x423: {  	[sflag:s9] =	ssyncadd.s32 $0xFFFFE000  }
0x424: {  	[hbm4b:s12+s2] =	stream.linear.scatter [tilespmem:s5], [sflag:$0x2], $0x2000, $0x38;
	[tilespmem:$0x8D00] =	vst v63  }
0x425: {  	_ =	swait.ge [sflag:s6], $0x2000  }
0x426: {  	[sflag:s6] =	ssyncset.done $0x0  }
0x427: {  	[sflag:s6] =	ssyncadd.s32 $0xFFFFE000  }
0x428: {  	[tilespmem:s4], [sflag:$0x1] =	stream.indirect.gather [hbm4b:s11+s8], $0x80, s26, s8, $0xb8;
	[tilespmem:$0x8D00] =	vst v63  }
0x429: {  	_ =	swait.ge [sflag:s9], $0x2000  }
0x42a: {  	s12 =	sld [smem:$0x7BA]  }
0x42b: {  	[sflag:s9] =	ssyncset.done $0x0  }
0x42c: {  	[sflag:s9] =	ssyncadd.s32 $0xFFFFE000  }
0x42d: {  	[hbm4b:s12+s2] =	stream.linear.scatter [tilespmem:s10], [sflag:$0x2], $0x2000, $0x38;
	[tilespmem:$0x8D00] =	vst v63  }
0x42e: {  	_ =	swait.ge [sflag:s6], $0x2000  }
0x42f: {  	[sflag:s6] =	ssyncset.done $0x0  }
0x430: {  	[sflag:s6] =	ssyncadd.s32 $0xFFFFE000  }
0x431: {  	[tilespmem:s5], [sflag:$0x1] =	stream.indirect.gather [hbm4b:s11+s8], $0x80, s29, s8, $0xb8;
	[tilespmem:$0x8D00] =	vst v63  }
0x432: {  	_ =	swait.ge [sflag:s9], $0x2000  }
0x433: {  	s12 =	sld [smem:$0x7BB]  }
0x434: {  	[sflag:s9] =	ssyncset.done $0x0  }
0x435: {  	[sflag:s9] =	ssyncadd.s32 $0xFFFFE000  }
0x436: {  	[hbm4b:s12+s2] =	stream.linear.scatter [tilespmem:s7], [sflag:$0x2], $0x2000, $0x38;
	[tilespmem:$0x8D00] =	vst v63  }
0x437: {  	_ =	swait.ge [sflag:s6], $0x2000  }
0x438: {  	[sflag:s6] =	ssyncset.done $0x0  }
0x439: {  	[sflag:s6] =	ssyncadd.s32 $0xFFFFE000  }
0x43a: {  	[tilespmem:s10], [sflag:$0x1] =	stream.indirect.gather [hbm4b:s11+s8], $0x80, s31, s8, $0xb8;
	[tilespmem:$0x8D00] =	vst v63  }
0x43b: {  	_ =	swait.ge [sflag:s9], $0x2000  }
0x43c: {  	s12 =	sld [smem:$0x7BC]  }
0x43d: {  	[sflag:s9] =	ssyncset.done $0x0  }
0x43e: {  	[sflag:s9] =	ssyncadd.s32 $0xFFFFE000  }
0x43f: {  	[hbm4b:s12+s2] =	stream.linear.scatter [tilespmem:s4], [sflag:$0x2], $0x2000, $0x38;
	[tilespmem:$0x8D00] =	vst v63  }
0x440: {  	_ =	swait.ge [sflag:s6], $0x2000  }
0x441: {  	[sflag:s6] =	ssyncset.done $0x0  }
0x442: {  	[sflag:s6] =	ssyncadd.s32 $0xFFFFE000  }
0x443: {  	[tilespmem:s7], [sflag:$0x1] =	stream.indirect.gather [hbm4b:s11+s8], $0x80, s1, s8, $0xb8;
	[tilespmem:$0x8D00] =	vst v63  }
0x444: {  	_ =	swait.ge [sflag:s9], $0x2000  }
0x445: {  	s12 =	sld [smem:$0x7BD]  }
0x446: {  	[sflag:s9] =	ssyncset.done $0x0  }
0x447: {  	[sflag:s9] =	ssyncadd.s32 $0xFFFFE000  }
0x448: {  	[hbm4b:s12+s2] =	stream.linear.scatter [tilespmem:s5], [sflag:$0x2], $0x2000, $0x38;
	[tilespmem:$0x8D00] =	vst v63  }
0x449: {  	_ =	swait.ge [sflag:s6], $0x2000  }
0x44a: {  	[sflag:s6] =	ssyncset.done $0x0  }
0x44b: {  	[sflag:s6] =	ssyncadd.s32 $0xFFFFE000  }
0x44c: {  	[tilespmem:s4], [sflag:$0x1] =	stream.indirect.gather [hbm4b:s11+s8], $0x80, s20, s8, $0xb8;
	[tilespmem:$0x8D00] =	vst v63  }
0x44d: {  	_ =	swait.ge [sflag:s9], $0x2000  }
0x44e: {  	s1 =	sld [smem:$0x7BE]  }
0x44f: {  	[sflag:s9] =	ssyncset.done $0x0  }
0x450: {  	[sflag:s9] =	ssyncadd.s32 $0xFFFFE000  }
0x451: {  	[hbm4b:s1+s2] =	stream.linear.scatter [tilespmem:s10], [sflag:$0x2], $0x2000, $0x38;
	[tilespmem:$0x8D00] =	vst v63  }
0x452: {  	_ =	swait.ge [sflag:s6], $0x2000  }
0x453: {  	[sflag:s6] =	ssyncset.done $0x0  }
0x454: {  	[sflag:s6] =	ssyncadd.s32 $0xFFFFE000  }
0x455: {  	[tilespmem:s5], [sflag:$0x1] =	stream.indirect.gather [hbm4b:s11+s8], $0x80, s21, s8, $0xb8;
	[tilespmem:$0x8D00] =	vst v63  }
0x456: {  	_ =	swait.ge [sflag:s9], $0x2000  }
0x457: {  	s12 =	sld [smem:$0x7BF]  }
0x458: {  	[sflag:s9] =	ssyncset.done $0x0  }
0x459: {  	[sflag:s9] =	ssyncadd.s32 $0xFFFFE000  }
0x45a: {  	[hbm4b:s12+s2] =	stream.linear.scatter [tilespmem:s7], [sflag:$0x2], $0x2000, $0x38;
	[tilespmem:$0x8D00] =	vst v63  }
0x45b: {  	_ =	swait.ge [sflag:s6], $0x2000  }
0x45c: {  	[sflag:s6] =	ssyncset.done $0x0  }
0x45d: {  	[sflag:s6] =	ssyncadd.s32 $0xFFFFE000  }
0x45e: {  	[tilespmem:s10], [sflag:$0x1] =	stream.indirect.gather [hbm4b:s11+s8], $0x80, s23, s8, $0xb8;
	[tilespmem:$0x8D00] =	vst v63  }
0x45f: {  	_ =	swait.ge [sflag:s9], $0x2000  }
0x460: {  	s1 =	sld [smem:$0x7C0]  }
0x461: {  	[sflag:s9] =	ssyncset.done $0x0  }
0x462: {  	[sflag:s9] =	ssyncadd.s32 $0xFFFFE000  }
0x463: {  	[hbm4b:s1+s2] =	stream.linear.scatter [tilespmem:s4], [sflag:$0x2], $0x2000, $0x38;
	[tilespmem:$0x8D00] =	vst v63  }
0x464: {  	_ =	swait.ge [sflag:s6], $0x2000  }
0x465: {  	[sflag:s6] =	ssyncset.done $0x0  }
0x466: {  	[sflag:s6] =	ssyncadd.s32 $0xFFFFE000  }
0x467: {  	[tilespmem:s7], [sflag:$0x1] =	stream.indirect.gather [hbm4b:s11+s8], $0x80, s16, s8, $0xb8;
	[tilespmem:$0x8D00] =	vst v63  }
0x468: {  	_ =	swait.ge [sflag:s9], $0x2000  }
0x469: {  	s12 =	sld [smem:$0x7C1]  }
0x46a: {  	[sflag:s9] =	ssyncset.done $0x0  }
0x46b: {  	[sflag:s9] =	ssyncadd.s32 $0xFFFFE000  }
0x46c: {  	[hbm4b:s12+s2] =	stream.linear.scatter [tilespmem:s5], [sflag:$0x2], $0x2000, $0x38;
	[tilespmem:$0x8D00] =	vst v63  }
0x46d: {  	_ =	swait.ge [sflag:s6], $0x2000  }
0x46e: {  	[sflag:s6] =	ssyncset.done $0x0  }
0x46f: {  	[sflag:s6] =	ssyncadd.s32 $0xFFFFE000  }
0x470: {  	[tilespmem:s4], [sflag:$0x1] =	stream.indirect.gather [hbm4b:s11+s8], $0x80, s25, s8, $0xb8;
	[tilespmem:$0x8D00] =	vst v63  }
0x471: {  	_ =	swait.ge [sflag:s9], $0x2000  }
0x472: {  	s1 =	sld [smem:$0x7C2]  }
0x473: {  	[sflag:s9] =	ssyncset.done $0x0  }
0x474: {  	[sflag:s9] =	ssyncadd.s32 $0xFFFFE000  }
0x475: {  	[hbm4b:s1+s2] =	stream.linear.scatter [tilespmem:s10], [sflag:$0x2], $0x2000, $0x38;
	[tilespmem:$0x8D00] =	vst v63  }
0x476: {  	_ =	swait.ge [sflag:s6], $0x2000  }
0x477: {  	[sflag:s6] =	ssyncset.done $0x0  }
0x478: {  	[sflag:s6] =	ssyncadd.s32 $0xFFFFE000  }
0x479: {  	[tilespmem:s5], [sflag:$0x1] =	stream.indirect.gather [hbm4b:s11+s8], $0x80, s30, s8, $0xb8;
	[tilespmem:$0x8D00] =	vst v63  }
0x47a: {  	_ =	swait.ge [sflag:s9], $0x2000  }
0x47b: {  	s12 =	sld [smem:$0x7C3]  }
0x47c: {  	[sflag:s9] =	ssyncset.done $0x0  }
0x47d: {  	[sflag:s9] =	ssyncadd.s32 $0xFFFFE000  }
0x47e: {  	[hbm4b:s12+s2] =	stream.linear.scatter [tilespmem:s7], [sflag:$0x2], $0x2000, $0x38;
	[tilespmem:$0x8D00] =	vst v63  }
0x47f: {  	_ =	swait.ge [sflag:s6], $0x2000  }
0x480: {  	[sflag:s6] =	ssyncset.done $0x0  }
0x481: {  	[sflag:s6] =	ssyncadd.s32 $0xFFFFE000  }
0x482: {  	[tilespmem:s10], [sflag:$0x1] =	stream.indirect.gather [hbm4b:s11+s8], $0x80, s28, s8, $0xb8;
	[tilespmem:$0x8D00] =	vst v63  }
0x483: {  	_ =	swait.ge [sflag:s9], $0x2000  }
0x484: {  	s1 =	sld [smem:$0x7C4]  }
0x485: {  	[sflag:s9] =	ssyncset.done $0x0  }
0x486: {  	[sflag:s9] =	ssyncadd.s32 $0xFFFFE000  }
0x487: {  	[hbm4b:s1+s2] =	stream.linear.scatter [tilespmem:s4], [sflag:$0x2], $0x2000, $0x38;
	[tilespmem:$0x8D00] =	vst v63  }
0x488: {  	_ =	swait.ge [sflag:s6], $0x2000  }
0x489: {  	[sflag:s6] =	ssyncset.done $0x0  }
0x48a: {  	[sflag:s6] =	ssyncadd.s32 $0xFFFFE000  }
0x48b: {  	[tilespmem:s7], [sflag:$0x1] =	stream.indirect.gather [hbm4b:s11+s8], $0x80, s19, s8, $0xb8;
	[tilespmem:$0x8D00] =	vst v63  }
0x48c: {  	_ =	swait.ge [sflag:s9], $0x2000  }
0x48d: {  	s12 =	sld [smem:$0x7C5]  }
0x48e: {  	[sflag:s9] =	ssyncset.done $0x0  }
0x48f: {  	[sflag:s9] =	ssyncadd.s32 $0xFFFFE000  }
0x490: {  	[hbm4b:s12+s2] =	stream.linear.scatter [tilespmem:s5], [sflag:$0x2], $0x2000, $0x38;
	[tilespmem:$0x8D00] =	vst v63  }
0x491: {  	_ =	swait.ge [sflag:s6], $0x2000  }
0x492: {  	[sflag:s6] =	ssyncset.done $0x0  }
0x493: {  	s18 =	simm.s32 $0x500;
	[sflag:s6] =	ssyncadd.s32 $0xFFFFE000  }
0x494: {  	[tilespmem:s4], [sflag:$0x1] =	stream.indirect.gather [hbm4b:s11+s8], $0x80, s18, s8, $0xb8;
	[tilespmem:$0x8D00] =	vst v63  }
0x495: {  	_ =	swait.ge [sflag:s9], $0x2000  }
0x496: {  	s12 =	sld [smem:$0x7C6]  }
0x497: {  	[sflag:s9] =	ssyncset.done $0x0  }
0x498: {  	[sflag:s9] =	ssyncadd.s32 $0xFFFFE000  }
0x499: {  	[hbm4b:s12+s2] =	stream.linear.scatter [tilespmem:s10], [sflag:$0x2], $0x2000, $0x38;
	[tilespmem:$0x8D00] =	vst v63  }
0x49a: {  	_ =	swait.ge [sflag:s6], $0x2000  }
0x49b: {  	[sflag:s6] =	ssyncset.done $0x0  }
0x49c: {  	s18 =	simm.s32 $0x540;
	[sflag:s6] =	ssyncadd.s32 $0xFFFFE000  }
0x49d: {  	[tilespmem:s5], [sflag:$0x1] =	stream.indirect.gather [hbm4b:s11+s8], $0x80, s18, s8, $0xb8;
	[tilespmem:$0x8D00] =	vst v63  }
0x49e: {  	_ =	swait.ge [sflag:s9], $0x2000  }
0x49f: {  	s12 =	sld [smem:$0x7C7]  }
0x4a0: {  	[sflag:s9] =	ssyncset.done $0x0  }
0x4a1: {  	[sflag:s9] =	ssyncadd.s32 $0xFFFFE000  }
0x4a2: {  	[hbm4b:s12+s2] =	stream.linear.scatter [tilespmem:s7], [sflag:$0x2], $0x2000, $0x38;
	[tilespmem:$0x8D00] =	vst v63  }
0x4a3: {  	_ =	swait.ge [sflag:s6], $0x2000  }
0x4a4: {  	[sflag:s6] =	ssyncset.done $0x0  }
0x4a5: {  	s18 =	simm.s32 $0x580;
	[sflag:s6] =	ssyncadd.s32 $0xFFFFE000  }
0x4a6: {  	[tilespmem:s10], [sflag:$0x1] =	stream.indirect.gather [hbm4b:s11+s8], $0x80, s18, s8, $0xb8;
	[tilespmem:$0x8D00] =	vst v63  }
0x4a7: {  	_ =	swait.ge [sflag:s9], $0x2000  }
0x4a8: {  	s12 =	sld [smem:$0x7C8]  }
0x4a9: {  	[sflag:s9] =	ssyncset.done $0x0  }
0x4aa: {  	[sflag:s9] =	ssyncadd.s32 $0xFFFFE000  }
0x4ab: {  	[hbm4b:s12+s2] =	stream.linear.scatter [tilespmem:s4], [sflag:$0x2], $0x2000, $0x38;
	[tilespmem:$0x8D00] =	vst v63  }
0x4ac: {  	_ =	swait.ge [sflag:s6], $0x2000  }
0x4ad: {  	[sflag:s6] =	ssyncset.done $0x0  }
0x4ae: {  	s18 =	simm.s32 $0x5C0;
	[sflag:s6] =	ssyncadd.s32 $0xFFFFE000  }
0x4af: {  	[tilespmem:s7], [sflag:$0x1] =	stream.indirect.gather [hbm4b:s11+s8], $0x80, s18, s8, $0xb8;
	[tilespmem:$0x8D00] =	vst v63  }
0x4b0: {  	_ =	swait.ge [sflag:s9], $0x2000  }
0x4b1: {  	s12 =	sld [smem:$0x7C9]  }
0x4b2: {  	[sflag:s9] =	ssyncset.done $0x0  }
0x4b3: {  	[sflag:s9] =	ssyncadd.s32 $0xFFFFE000  }
0x4b4: {  	[hbm4b:s12+s2] =	stream.linear.scatter [tilespmem:s5], [sflag:$0x2], $0x2000, $0x38;
	[tilespmem:$0x8D00] =	vst v63  }
0x4b5: {  	_ =	swait.ge [sflag:s6], $0x2000  }
0x4b6: {  	[sflag:s6] =	ssyncset.done $0x0  }
0x4b7: {  	s18 =	simm.s32 $0x600;
	[sflag:s6] =	ssyncadd.s32 $0xFFFFE000  }
0x4b8: {  	[tilespmem:s4], [sflag:$0x1] =	stream.indirect.gather [hbm4b:s11+s8], $0x80, s18, s8, $0xb8;
	[tilespmem:$0x8D00] =	vst v63  }
0x4b9: {  	_ =	swait.ge [sflag:s9], $0x2000  }
0x4ba: {  	s12 =	sld [smem:$0x7CA]  }
0x4bb: {  	[sflag:s9] =	ssyncset.done $0x0  }
0x4bc: {  	[sflag:s9] =	ssyncadd.s32 $0xFFFFE000  }
0x4bd: {  	[hbm4b:s12+s2] =	stream.linear.scatter [tilespmem:s10], [sflag:$0x2], $0x2000, $0x38;
	[tilespmem:$0x8D00] =	vst v63  }
0x4be: {  	_ =	swait.ge [sflag:s6], $0x2000  }
0x4bf: {  	[sflag:s6] =	ssyncset.done $0x0  }
0x4c0: {  	s18 =	simm.s32 $0x680;
	[sflag:s6] =	ssyncadd.s32 $0xFFFFE000  }
0x4c1: {  	[tilespmem:s5], [sflag:$0x1] =	stream.indirect.gather [hbm4b:s3+s8], $0x80, s18, s8, $0xb8;
	[tilespmem:$0x8D00] =	vst v63  }
0x4c2: {  	_ =	swait.ge [sflag:s9], $0x2000  }
0x4c3: {  	s12 =	sld [smem:$0x7CB]  }
0x4c4: {  	[sflag:s9] =	ssyncset.done $0x0  }
0x4c5: {  	[sflag:s9] =	ssyncadd.s32 $0xFFFFE000  }
0x4c6: {  	[hbm4b:s12+s2] =	stream.linear.scatter [tilespmem:s7], [sflag:$0x2], $0x2000, $0x38;
	[tilespmem:$0x8D00] =	vst v63  }
0x4c7: {  	_ =	swait.ge [sflag:s6], $0x2000  }
0x4c8: {  	s1 =	sld [smem:$0x7E6]  }
0x4c9: {  	[sflag:s6] =	ssyncset.done $0x0  }
0x4ca: {  	[sflag:s6] =	ssyncadd.s32 $0xFFFFE000  }
0x4cb: {  	[tilespmem:s10], [sflag:$0x1] =	stream.indirect.gather [hbm4b:s3+s8], $0x80, s1, s8, $0xb8;
	[tilespmem:$0x8D00] =	vst v63  }
0x4cc: {  	_ =	swait.ge [sflag:s9], $0x2000  }
0x4cd: {  	s12 =	sld [smem:$0x7CC]  }
0x4ce: {  	[sflag:s9] =	ssyncset.done $0x0  }
0x4cf: {  	[sflag:s9] =	ssyncadd.s32 $0xFFFFE000  }
0x4d0: {  	[hbm4b:s12+s2] =	stream.linear.scatter [tilespmem:s4], [sflag:$0x2], $0x2000, $0x38;
	[tilespmem:$0x8D00] =	vst v63  }
0x4d1: {  	_ =	swait.ge [sflag:s6], $0x2000  }
0x4d2: {  	s1 =	sld [smem:$0x7E7]  }
0x4d3: {  	[sflag:s6] =	ssyncset.done $0x0  }
0x4d4: {  	[sflag:s6] =	ssyncadd.s32 $0xFFFFE000  }
0x4d5: {  	[tilespmem:s7], [sflag:$0x1] =	stream.indirect.gather [hbm4b:s3+s8], $0x80, s1, s8, $0xb8;
	[tilespmem:$0x8D00] =	vst v63  }
0x4d6: {  	_ =	swait.ge [sflag:s9], $0x2000  }
0x4d7: {  	s12 =	sld [smem:$0x7CD]  }
0x4d8: {  	[sflag:s9] =	ssyncset.done $0x0  }
0x4d9: {  	[sflag:s9] =	ssyncadd.s32 $0xFFFFE000  }
0x4da: {  	[hbm4b:s12+s2] =	stream.linear.scatter [tilespmem:s5], [sflag:$0x2], $0x2000, $0x38;
	[tilespmem:$0x8D00] =	vst v63  }
0x4db: {  	_ =	swait.ge [sflag:s6], $0x2000  }
0x4dc: {  	s1 =	sld [smem:$0x7E8]  }
0x4dd: {  	[sflag:s6] =	ssyncset.done $0x0  }
0x4de: {  	[sflag:s6] =	ssyncadd.s32 $0xFFFFE000  }
0x4df: {  	[tilespmem:s4], [sflag:$0x1] =	stream.indirect.gather [hbm4b:s3+s8], $0x80, s1, s8, $0xb8;
	[tilespmem:$0x8D00] =	vst v63  }
0x4e0: {  	_ =	swait.ge [sflag:s9], $0x2000  }
0x4e1: {  	s12 =	sld [smem:$0x7CE]  }
0x4e2: {  	[sflag:s9] =	ssyncset.done $0x0  }
0x4e3: {  	[sflag:s9] =	ssyncadd.s32 $0xFFFFE000  }
0x4e4: {  	[hbm4b:s12+s2] =	stream.linear.scatter [tilespmem:s10], [sflag:$0x2], $0x2000, $0x38;
	[tilespmem:$0x8D00] =	vst v63  }
0x4e5: {  	_ =	swait.ge [sflag:s6], $0x2000  }
0x4e6: {  	s1 =	sld [smem:$0x7E9]  }
0x4e7: {  	[sflag:s6] =	ssyncset.done $0x0  }
0x4e8: {  	[sflag:s6] =	ssyncadd.s32 $0xFFFFE000  }
0x4e9: {  	[tilespmem:s5], [sflag:$0x1] =	stream.indirect.gather [hbm4b:s3+s8], $0x80, s1, s8, $0xb8;
	[tilespmem:$0x8D00] =	vst v63  }
0x4ea: {  	_ =	swait.ge [sflag:s9], $0x2000  }
0x4eb: {  	s12 =	sld [smem:$0x7CF]  }
0x4ec: {  	[sflag:s9] =	ssyncset.done $0x0  }
0x4ed: {  	[sflag:s9] =	ssyncadd.s32 $0xFFFFE000  }
0x4ee: {  	[hbm4b:s12+s2] =	stream.linear.scatter [tilespmem:s7], [sflag:$0x2], $0x2000, $0x38;
	[tilespmem:$0x8D00] =	vst v63  }
0x4ef: {  	_ =	swait.ge [sflag:s6], $0x2000  }
0x4f0: {  	s1 =	sld [smem:$0x7EA]  }
0x4f1: {  	[sflag:s6] =	ssyncset.done $0x0  }
0x4f2: {  	[sflag:s6] =	ssyncadd.s32 $0xFFFFE000  }
0x4f3: {  	[tilespmem:s10], [sflag:$0x1] =	stream.indirect.gather [hbm4b:s3+s8], $0x80, s1, s8, $0xb8;
	[tilespmem:$0x8D00] =	vst v63  }
0x4f4: {  	_ =	swait.ge [sflag:s9], $0x2000  }
0x4f5: {  	s12 =	sld [smem:$0x7D0]  }
0x4f6: {  	[sflag:s9] =	ssyncset.done $0x0  }
0x4f7: {  	[sflag:s9] =	ssyncadd.s32 $0xFFFFE000  }
0x4f8: {  	[hbm4b:s12+s2] =	stream.linear.scatter [tilespmem:s4], [sflag:$0x2], $0x2000, $0x38;
	[tilespmem:$0x8D00] =	vst v63  }
0x4f9: {  	_ =	swait.ge [sflag:s6], $0x2000  }
0x4fa: {  	s1 =	sld [smem:$0x7EB]  }
0x4fb: {  	[sflag:s6] =	ssyncset.done $0x0  }
0x4fc: {  	[sflag:s6] =	ssyncadd.s32 $0xFFFFE000  }
0x4fd: {  	[tilespmem:s7], [sflag:$0x1] =	stream.indirect.gather [hbm4b:s3+s8], $0x80, s1, s8, $0xb8;
	[tilespmem:$0x8D00] =	vst v63  }
0x4fe: {  	_ =	swait.ge [sflag:s9], $0x2000  }
0x4ff: {  	s12 =	sld [smem:$0x7D1]  }
0x500: {  	[sflag:s9] =	ssyncset.done $0x0  }
0x501: {  	[sflag:s9] =	ssyncadd.s32 $0xFFFFE000  }
0x502: {  	[hbm4b:s12+s2] =	stream.linear.scatter [tilespmem:s5], [sflag:$0x2], $0x2000, $0x38;
	[tilespmem:$0x8D00] =	vst v63  }
0x503: {  	_ =	swait.ge [sflag:s6], $0x2000  }
0x504: {  	s1 =	sld [smem:$0x7EC]  }
0x505: {  	[sflag:s6] =	ssyncset.done $0x0  }
0x506: {  	[sflag:s6] =	ssyncadd.s32 $0xFFFFE000  }
0x507: {  	[tilespmem:s4], [sflag:$0x1] =	stream.indirect.gather [hbm4b:s3+s8], $0x80, s1, s8, $0xb8;
	[tilespmem:$0x8D00] =	vst v63  }
0x508: {  	_ =	swait.ge [sflag:s9], $0x2000  }
0x509: {  	s12 =	sld [smem:$0x7D2]  }
0x50a: {  	[sflag:s9] =	ssyncset.done $0x0  }
0x50b: {  	[sflag:s9] =	ssyncadd.s32 $0xFFFFE000  }
0x50c: {  	[hbm4b:s12+s2] =	stream.linear.scatter [tilespmem:s10], [sflag:$0x2], $0x2000, $0x38;
	[tilespmem:$0x8D00] =	vst v63  }
0x50d: {  	_ =	swait.ge [sflag:s6], $0x2000  }
0x50e: {  	s1 =	sld [smem:$0x7ED]  }
0x50f: {  	[sflag:s6] =	ssyncset.done $0x0  }
0x510: {  	[sflag:s6] =	ssyncadd.s32 $0xFFFFE000  }
0x511: {  	[tilespmem:s5], [sflag:$0x1] =	stream.indirect.gather [hbm4b:s3+s8], $0x80, s1, s8, $0xb8;
	[tilespmem:$0x8D00] =	vst v63  }
0x512: {  	_ =	swait.ge [sflag:s9], $0x2000  }
0x513: {  	s12 =	sld [smem:$0x7D3]  }
0x514: {  	[sflag:s9] =	ssyncset.done $0x0  }
0x515: {  	[sflag:s9] =	ssyncadd.s32 $0xFFFFE000  }
0x516: {  	[hbm4b:s12+s2] =	stream.linear.scatter [tilespmem:s7], [sflag:$0x2], $0x2000, $0x38;
	[tilespmem:$0x8D00] =	vst v63  }
0x517: {  	_ =	swait.ge [sflag:s6], $0x2000  }
0x518: {  	s1 =	sld [smem:$0x7EE]  }
0x519: {  	[sflag:s6] =	ssyncset.done $0x0  }
0x51a: {  	[sflag:s6] =	ssyncadd.s32 $0xFFFFE000  }
0x51b: {  	[tilespmem:s10], [sflag:$0x1] =	stream.indirect.gather [hbm4b:s3+s8], $0x80, s1, s8, $0xb8;
	[tilespmem:$0x8D00] =	vst v63  }
0x51c: {  	_ =	swait.ge [sflag:s9], $0x2000  }
0x51d: {  	s12 =	sld [smem:$0x7D4]  }
0x51e: {  	[sflag:s9] =	ssyncset.done $0x0  }
0x51f: {  	[sflag:s9] =	ssyncadd.s32 $0xFFFFE000  }
0x520: {  	[hbm4b:s12+s2] =	stream.linear.scatter [tilespmem:s4], [sflag:$0x2], $0x2000, $0x38;
	[tilespmem:$0x8D00] =	vst v63  }
0x521: {  	_ =	swait.ge [sflag:s6], $0x2000  }
0x522: {  	s1 =	sld [smem:$0x7EF]  }
0x523: {  	[sflag:s6] =	ssyncset.done $0x0  }
0x524: {  	[sflag:s6] =	ssyncadd.s32 $0xFFFFE000  }
0x525: {  	[tilespmem:s7], [sflag:$0x1] =	stream.indirect.gather [hbm4b:s3+s8], $0x80, s1, s8, $0xb8;
	[tilespmem:$0x8D00] =	vst v63  }
0x526: {  	_ =	swait.ge [sflag:s9], $0x2000  }
0x527: {  	s12 =	sld [smem:$0x7D5]  }
0x528: {  	[sflag:s9] =	ssyncset.done $0x0  }
0x529: {  	[sflag:s9] =	ssyncadd.s32 $0xFFFFE000  }
0x52a: {  	[hbm4b:s12+s2] =	stream.linear.scatter [tilespmem:s5], [sflag:$0x2], $0x2000, $0x38;
	[tilespmem:$0x8D00] =	vst v63  }
0x52b: {  	_ =	swait.ge [sflag:s6], $0x2000  }
0x52c: {  	s1 =	sld [smem:$0x7F0]  }
0x52d: {  	[sflag:s6] =	ssyncset.done $0x0  }
0x52e: {  	[sflag:s6] =	ssyncadd.s32 $0xFFFFE000  }
0x52f: {  	[tilespmem:s4], [sflag:$0x1] =	stream.indirect.gather [hbm4b:s3+s8], $0x80, s1, s8, $0xb8;
	[tilespmem:$0x8D00] =	vst v63  }
0x530: {  	_ =	swait.ge [sflag:s9], $0x2000  }
0x531: {  	s12 =	sld [smem:$0x7D6]  }
0x532: {  	[sflag:s9] =	ssyncset.done $0x0  }
0x533: {  	[sflag:s9] =	ssyncadd.s32 $0xFFFFE000  }
0x534: {  	[hbm4b:s12+s2] =	stream.linear.scatter [tilespmem:s10], [sflag:$0x2], $0x2000, $0x38;
	[tilespmem:$0x8D00] =	vst v63  }
0x535: {  	_ =	swait.ge [sflag:s6], $0x2000  }
0x536: {  	s1 =	sld [smem:$0x7F1]  }
0x537: {  	[sflag:s6] =	ssyncset.done $0x0  }
0x538: {  	[sflag:s6] =	ssyncadd.s32 $0xFFFFE000  }
0x539: {  	[tilespmem:s5], [sflag:$0x1] =	stream.indirect.gather [hbm4b:s3+s8], $0x80, s1, s8, $0xb8;
	[tilespmem:$0x8D00] =	vst v63  }
0x53a: {  	_ =	swait.ge [sflag:s9], $0x2000  }
0x53b: {  	s12 =	sld [smem:$0x7D7]  }
0x53c: {  	[sflag:s9] =	ssyncset.done $0x0  }
0x53d: {  	[sflag:s9] =	ssyncadd.s32 $0xFFFFE000  }
0x53e: {  	[hbm4b:s12+s2] =	stream.linear.scatter [tilespmem:s7], [sflag:$0x2], $0x2000, $0x38;
	[tilespmem:$0x8D00] =	vst v63  }
0x53f: {  	_ =	swait.ge [sflag:s6], $0x2000  }
0x540: {  	s1 =	sld [smem:$0x7F2]  }
0x541: {  	[sflag:s6] =	ssyncset.done $0x0  }
0x542: {  	[sflag:s6] =	ssyncadd.s32 $0xFFFFE000  }
0x543: {  	[tilespmem:s10], [sflag:$0x1] =	stream.indirect.gather [hbm4b:s3+s8], $0x80, s1, s8, $0xb8;
	[tilespmem:$0x8D00] =	vst v63  }
0x544: {  	_ =	swait.ge [sflag:s9], $0x2000  }
0x545: {  	s12 =	sld [smem:$0x7D8]  }
0x546: {  	[sflag:s9] =	ssyncset.done $0x0  }
0x547: {  	[sflag:s9] =	ssyncadd.s32 $0xFFFFE000  }
0x548: {  	[hbm4b:s12+s2] =	stream.linear.scatter [tilespmem:s4], [sflag:$0x2], $0x2000, $0x38;
	[tilespmem:$0x8D00] =	vst v63  }
0x549: {  	_ =	swait.ge [sflag:s6], $0x2000  }
0x54a: {  	s1 =	sld [smem:$0x7F3]  }
0x54b: {  	[sflag:s6] =	ssyncset.done $0x0  }
0x54c: {  	[sflag:s6] =	ssyncadd.s32 $0xFFFFE000  }
0x54d: {  	[tilespmem:s7], [sflag:$0x1] =	stream.indirect.gather [hbm4b:s3+s8], $0x80, s1, s8, $0xb8;
	[tilespmem:$0x8D00] =	vst v63  }
0x54e: {  	_ =	swait.ge [sflag:s9], $0x2000  }
0x54f: {  	s12 =	sld [smem:$0x7D9]  }
0x550: {  	[sflag:s9] =	ssyncset.done $0x0  }
0x551: {  	[sflag:s9] =	ssyncadd.s32 $0xFFFFE000  }
0x552: {  	[hbm4b:s12+s2] =	stream.linear.scatter [tilespmem:s5], [sflag:$0x2], $0x2000, $0x38;
	[tilespmem:$0x8D00] =	vst v63  }
0x553: {  	_ =	swait.ge [sflag:s6], $0x2000  }
0x554: {  	s1 =	sld [smem:$0x7F4]  }
0x555: {  	[sflag:s6] =	ssyncset.done $0x0  }
0x556: {  	[sflag:s6] =	ssyncadd.s32 $0xFFFFE000  }
0x557: {  	[tilespmem:s4], [sflag:$0x1] =	stream.indirect.gather [hbm4b:s3+s8], $0x80, s1, s8, $0xb8;
	[tilespmem:$0x8D00] =	vst v63  }
0x558: {  	_ =	swait.ge [sflag:s9], $0x2000  }
0x559: {  	s12 =	sld [smem:$0x7DA]  }
0x55a: {  	[sflag:s9] =	ssyncset.done $0x0  }
0x55b: {  	[sflag:s9] =	ssyncadd.s32 $0xFFFFE000  }
0x55c: {  	[hbm4b:s12+s2] =	stream.linear.scatter [tilespmem:s10], [sflag:$0x2], $0x2000, $0x38;
	[tilespmem:$0x8D00] =	vst v63  }
0x55d: {  	_ =	swait.ge [sflag:s6], $0x2000  }
0x55e: {  	s1 =	sld [smem:$0x7F5]  }
0x55f: {  	[sflag:s6] =	ssyncset.done $0x0  }
0x560: {  	[sflag:s6] =	ssyncadd.s32 $0xFFFFE000  }
0x561: {  	[tilespmem:s5], [sflag:$0x1] =	stream.indirect.gather [hbm4b:s3+s8], $0x80, s1, s8, $0xb8;
	[tilespmem:$0x8D00] =	vst v63  }
0x562: {  	_ =	swait.ge [sflag:s9], $0x2000  }
0x563: {  	s12 =	sld [smem:$0x7DB]  }
0x564: {  	[sflag:s9] =	ssyncset.done $0x0  }
0x565: {  	[sflag:s9] =	ssyncadd.s32 $0xFFFFE000  }
0x566: {  	[hbm4b:s12+s2] =	stream.linear.scatter [tilespmem:s7], [sflag:$0x2], $0x2000, $0x38;
	[tilespmem:$0x8D00] =	vst v63  }
0x567: {  	_ =	swait.ge [sflag:s6], $0x2000  }
0x568: {  	s1 =	sld [smem:$0x7F6]  }
0x569: {  	[sflag:s6] =	ssyncset.done $0x0  }
0x56a: {  	[sflag:s6] =	ssyncadd.s32 $0xFFFFE000  }
0x56b: {  	[tilespmem:s10], [sflag:$0x1] =	stream.indirect.gather [hbm4b:s3+s8], $0x80, s1, s8, $0xb8;
	[tilespmem:$0x8D00] =	vst v63  }
0x56c: {  	_ =	swait.ge [sflag:s9], $0x2000  }
0x56d: {  	s12 =	sld [smem:$0x7DC]  }
0x56e: {  	[sflag:s9] =	ssyncset.done $0x0  }
0x56f: {  	[sflag:s9] =	ssyncadd.s32 $0xFFFFE000  }
0x570: {  	[hbm4b:s12+s2] =	stream.linear.scatter [tilespmem:s4], [sflag:$0x2], $0x2000, $0x38;
	[tilespmem:$0x8D00] =	vst v63  }
0x571: {  	_ =	swait.ge [sflag:s6], $0x2000  }
0x572: {  	s1 =	sld [smem:$0x7F7]  }
0x573: {  	[sflag:s6] =	ssyncset.done $0x0  }
0x574: {  	[sflag:s6] =	ssyncadd.s32 $0xFFFFE000  }
0x575: {  	[tilespmem:s7], [sflag:$0x1] =	stream.indirect.gather [hbm4b:s3+s8], $0x80, s1, s8, $0xb8;
	[tilespmem:$0x8D00] =	vst v63  }
0x576: {  	_ =	swait.ge [sflag:s9], $0x2000  }
0x577: {  	s12 =	sld [smem:$0x7DD]  }
0x578: {  	[sflag:s9] =	ssyncset.done $0x0  }
0x579: {  	[sflag:s9] =	ssyncadd.s32 $0xFFFFE000  }
0x57a: {  	[hbm4b:s12+s2] =	stream.linear.scatter [tilespmem:s5], [sflag:$0x2], $0x2000, $0x38;
	[tilespmem:$0x8D00] =	vst v63  }
0x57b: {  	_ =	swait.ge [sflag:s6], $0x2000  }
0x57c: {  	s1 =	sld [smem:$0x7F8]  }
0x57d: {  	[sflag:s6] =	ssyncset.done $0x0  }
0x57e: {  	[sflag:s6] =	ssyncadd.s32 $0xFFFFE000  }
0x57f: {  	[tilespmem:s4], [sflag:$0x1] =	stream.indirect.gather [hbm4b:s3+s8], $0x80, s1, s8, $0xb8;
	[tilespmem:$0x8D00] =	vst v63  }
0x580: {  	_ =	swait.ge [sflag:s9], $0x2000  }
0x581: {  	s12 =	sld [smem:$0x7DE]  }
0x582: {  	[sflag:s9] =	ssyncset.done $0x0  }
0x583: {  	[sflag:s9] =	ssyncadd.s32 $0xFFFFE000  }
0x584: {  	[hbm4b:s12+s2] =	stream.linear.scatter [tilespmem:s10], [sflag:$0x2], $0x2000, $0x38;
	[tilespmem:$0x8D00] =	vst v63  }
0x585: {  	_ =	swait.ge [sflag:s6], $0x2000  }
0x586: {  	s1 =	sld [smem:$0x7F9]  }
0x587: {  	[sflag:s6] =	ssyncset.done $0x0  }
0x588: {  	[sflag:s6] =	ssyncadd.s32 $0xFFFFE000  }
0x589: {  	[tilespmem:s5], [sflag:$0x1] =	stream.indirect.gather [hbm4b:s3+s8], $0x80, s1, s8, $0xb8;
	[tilespmem:$0x8D00] =	vst v63  }
0x58a: {  	_ =	swait.ge [sflag:s9], $0x2000  }
0x58b: {  	s12 =	sld [smem:$0x7DF]  }
0x58c: {  	[sflag:s9] =	ssyncset.done $0x0  }
0x58d: {  	[sflag:s9] =	ssyncadd.s32 $0xFFFFE000  }
0x58e: {  	[hbm4b:s12+s2] =	stream.linear.scatter [tilespmem:s7], [sflag:$0x2], $0x2000, $0x38;
	[tilespmem:$0x8D00] =	vst v63  }
0x58f: {  	_ =	swait.ge [sflag:s6], $0x2000  }
0x590: {  	s1 =	sld [smem:$0x7FA]  }
0x591: {  	[sflag:s6] =	ssyncset.done $0x0  }
0x592: {  	[sflag:s6] =	ssyncadd.s32 $0xFFFFE000  }
0x593: {  	[tilespmem:s10], [sflag:$0x1] =	stream.indirect.gather [hbm4b:s3+s8], $0x80, s1, s8, $0xb8;
	[tilespmem:$0x8D00] =	vst v63  }
0x594: {  	_ =	swait.ge [sflag:s9], $0x2000  }
0x595: {  	s12 =	sld [smem:$0x7E0]  }
0x596: {  	[sflag:s9] =	ssyncset.done $0x0  }
0x597: {  	[sflag:s9] =	ssyncadd.s32 $0xFFFFE000  }
0x598: {  	[hbm4b:s12+s2] =	stream.linear.scatter [tilespmem:s4], [sflag:$0x2], $0x2000, $0x38;
	[tilespmem:$0x8D00] =	vst v63  }
0x599: {  	_ =	swait.ge [sflag:s6], $0x2000  }
0x59a: {  	s1 =	sld [smem:$0x7FB]  }
0x59b: {  	[sflag:s6] =	ssyncset.done $0x0  }
0x59c: {  	[sflag:s6] =	ssyncadd.s32 $0xFFFFE000  }
0x59d: {  	[tilespmem:s7], [sflag:$0x1] =	stream.indirect.gather [hbm4b:s3+s8], $0x80, s1, s8, $0xb8;
	[tilespmem:$0x8D00] =	vst v63  }
0x59e: {  	_ =	swait.ge [sflag:s9], $0x2000  }
0x59f: {  	s12 =	sld [smem:$0x7E1]  }
0x5a0: {  	[sflag:s9] =	ssyncset.done $0x0  }
0x5a1: {  	[sflag:s9] =	ssyncadd.s32 $0xFFFFE000  }
0x5a2: {  	[hbm4b:s12+s2] =	stream.linear.scatter [tilespmem:s5], [sflag:$0x2], $0x2000, $0x38;
	[tilespmem:$0x8D00] =	vst v63  }
0x5a3: {  	_ =	swait.ge [sflag:s6], $0x2000  }
0x5a4: {  	s1 =	sld [smem:$0x7FC]  }
0x5a5: {  	[sflag:s6] =	ssyncset.done $0x0  }
0x5a6: {  	[sflag:s6] =	ssyncadd.s32 $0xFFFFE000  }
0x5a7: {  	[tilespmem:s4], [sflag:$0x1] =	stream.indirect.gather [hbm4b:s3+s8], $0x80, s1, s8, $0xb8;
	[tilespmem:$0x8D00] =	vst v63  }
0x5a8: {  	_ =	swait.ge [sflag:s9], $0x2000  }
0x5a9: {  	s12 =	sld [smem:$0x7E2]  }
0x5aa: {  	[sflag:s9] =	ssyncset.done $0x0  }
0x5ab: {  	[sflag:s9] =	ssyncadd.s32 $0xFFFFE000  }
0x5ac: {  	[hbm4b:s12+s2] =	stream.linear.scatter [tilespmem:s10], [sflag:$0x2], $0x2000, $0x38;
	[tilespmem:$0x8D00] =	vst v63  }
0x5ad: {  	_ =	swait.ge [sflag:s6], $0x2000  }
0x5ae: {  	s1 =	sld [smem:$0x7FD]  }
0x5af: {  	[sflag:s6] =	ssyncset.done $0x0  }
0x5b0: {  	[sflag:s6] =	ssyncadd.s32 $0xFFFFE000  }
0x5b1: {  	[tilespmem:s5], [sflag:$0x1] =	stream.indirect.gather [hbm4b:s3+s8], $0x80, s1, s8, $0xb8;
	[tilespmem:$0x8D00] =	vst v63  }
0x5b2: {  	_ =	swait.ge [sflag:s9], $0x2000  }
0x5b3: {  	s12 =	sld [smem:$0x7E3]  }
0x5b4: {  	[sflag:s9] =	ssyncset.done $0x0  }
0x5b5: {  	[sflag:s9] =	ssyncadd.s32 $0xFFFFE000  }
0x5b6: {  	[hbm4b:s12+s2] =	stream.linear.scatter [tilespmem:s7], [sflag:$0x2], $0x2000, $0x38;
	[tilespmem:$0x8D00] =	vst v63  }
0x5b7: {  	_ =	swait.ge [sflag:s9], $0x2000  }
0x5b8: {  	s1 =	sld [smem:$0x7E4]  }
0x5b9: {  	[sflag:s9] =	ssyncset.done $0x0  }
0x5ba: {  	[sflag:s9] =	ssyncadd.s32 $0xFFFFE000  }
0x5bb: {  	[hbm4b:s1+s2] =	stream.linear.scatter [tilespmem:s4], [sflag:$0x2], $0x2000, $0x38;
	[tilespmem:$0x8D00] =	vst v63  }
0x5bc: {  	_ =	swait.ge [sflag:s9], $0x2000  }
0x5bd: {  	s12 =	sld [smem:$0x7E5]  }
0x5be: {  	[sflag:s9] =	ssyncset.done $0x0  }
0x5bf: {  	[sflag:s9] =	ssyncadd.s32 $0xFFFFE000  }
0x5c0: {  	[hbm4b:s12+s2] =	stream.linear.scatter [tilespmem:s5], [sflag:$0x2], $0x2000, $0x38;
	[tilespmem:$0x8D00] =	vst v63  }
0x5c1: {  	_ =	swait.ge [sflag:s6], $0x2000  }
0x5c2: {  	[sflag:s6] =	ssyncset.done $0x0  }
0x5c3: {  	[sflag:s6] =	ssyncadd.s32 $0xFFFFE000  }
0x5c4: {  	_ =	swait.ge [sflag:s6], $0x2000  }
0x5c5: {  	[sflag:s6] =	ssyncset.done $0x0  }
0x5c6: {  	p1 =	sne.s32 s17, $0x1;
	[sflag:s6] =	ssyncadd.s32 $0xFFFFE000  }
.Ltmp2:
0x5c7: {  	_ =	swait.ge [sflag:s6], $0x2000;
	(pc) =	sbr.rel @p1 .LBB2_3-.Ltmp2, $4  }
0x5c8: {  	[sflag:s6] =	ssyncset.done $0x0  }
0x5c9: {  	[sflag:s6] =	ssyncadd.s32 $0xFFFFE000  }
0x5ca: {  	_ =	swait.ge [sflag:s6], $0x2000  }
0x5cb: {  	s17 =	sadd.s32 $0xFFFFFFFF, s17;
	s18 =	rddreg [dreg:$0x3];
	[sflag:s6] =	ssyncset.done $0x0  }
0x5cc: {  	s12 =	simm.s32 $0x3  }
.LBB2_5:
0x5cd: {  	[sflag:s6] =	ssyncadd.s32 @p0 $0xFFFFE000  }
0x5ce: {  	[tilespmem:s2], [sflag:$0x3] =	stream.linear.gather [hbm4b:s18+s2], $0x640, $0x38;
	[tilespmem:$0x8D00] =	vst v63  }
0x5cf: {  	_ =	swait.ge [sflag:s12], $0x640  }
0x5d0: {  	[sflag:s12] =	ssyncset.done $0x0  }
0x5d1: {  	s1 =	simm.s32 $0x680;
	s17 =	rddreg [dreg:$0x4];
	[sflag:s12] =	ssyncadd.s32 $0xFFFFF9C0  }
0x5d2: {  	[tilespmem:s1], [sflag:$0x3] =	stream.linear.gather [hbm4b:s17+s2], $0x640, $0x38;
	[tilespmem:$0x8D00] =	vst v63  }
0x5d3: {  	_ =	swait.ge [sflag:s12], $0x640  }
0x5d4: {  	[sflag:s12] =	ssyncset.done $0x0  }
0x5d5: {  	[sflag:s12] =	ssyncadd.s32 $0xFFFFF9C0  }
0x5d6: {  	[tilespmem:s7], [sflag:$0x1] =	stream.indirect.gather [hbm4b:s0+s8], $0x80, s2, s8, $0xb8;
	[tilespmem:$0x8D00] =	vst v63  }
0x5d7: {  	_ = 	snop  }
0x5d8: {  	[tilespmem:s4], [sflag:$0x1] =	stream.indirect.gather [hbm4b:s0+s8], $0x80, s8, s8, $0xb8;
	[tilespmem:$0x8D00] =	vst v63  }
0x5d9: {  	s1 =	simm.s32 $0x80  }
0x5da: {  	[tilespmem:s5], [sflag:$0x1] =	stream.indirect.gather [hbm4b:s0+s8], $0x80, s1, s8, $0xb8;
	[tilespmem:$0x8D00] =	vst v63  }
0x5db: {  	_ =	swait.ge [sflag:s9], $0x2000  }
0x5dc: {  	[sflag:s9] =	ssyncset.done $0x0  }
0x5dd: {  	s16 =	rddreg [dreg:$0x5];
	[sflag:s9] =	ssyncadd.s32 $0xFFFFE000  }
0x5de: {  	[hbm4b:s16+s2] =	stream.linear.scatter [tilespmem:s7], [sflag:$0x2], $0x2000, $0x38;
	[tilespmem:$0x8D00] =	vst v63  }
0x5df: {  	s12 =	simm.s32 $0xC0  }
0x5e0: {  	[tilespmem:s10], [sflag:$0x1] =	stream.indirect.gather [hbm4b:s0+s8], $0x80, s12, s8, $0xb8;
	[tilespmem:$0x8D00] =	vst v63  }
0x5e1: {  	_ =	swait.ge [sflag:s9], $0x2000  }
0x5e2: {  	[sflag:s9] =	ssyncset.done $0x0  }
0x5e3: {  	s24 =	rddreg [dreg:$0x6];
	[sflag:s9] =	ssyncadd.s32 $0xFFFFE000  }
0x5e4: {  	[hbm4b:s24+s2] =	stream.linear.scatter [tilespmem:s4], [sflag:$0x2], $0x2000, $0x38;
	[tilespmem:$0x8D00] =	vst v63  }
0x5e5: {  	_ =	swait.ge [sflag:s6], $0x2000  }
0x5e6: {  	[sflag:s6] =	ssyncset.done $0x0  }
0x5e7: {  	s13 =	simm.s32 $0x100;
	[sflag:s6] =	ssyncadd.s32 $0xFFFFE000  }
0x5e8: {  	[tilespmem:s7], [sflag:$0x1] =	stream.indirect.gather [hbm4b:s0+s8], $0x80, s13, s8, $0xb8;
	[tilespmem:$0x8D00] =	vst v63  }
0x5e9: {  	_ =	swait.ge [sflag:s9], $0x2000  }
0x5ea: {  	[sflag:s9] =	ssyncset.done $0x0  }
0x5eb: {  	s25 =	rddreg [dreg:$0x7];
	[sflag:s9] =	ssyncadd.s32 $0xFFFFE000  }
0x5ec: {  	[hbm4b:s25+s2] =	stream.linear.scatter [tilespmem:s5], [sflag:$0x2], $0x2000, $0x38;
	[tilespmem:$0x8D00] =	vst v63  }
0x5ed: {  	_ =	swait.ge [sflag:s6], $0x2000  }
0x5ee: {  	[sflag:s6] =	ssyncset.done $0x0  }
0x5ef: {  	s18 =	simm.s32 $0x140;
	[sflag:s6] =	ssyncadd.s32 $0xFFFFE000  }
0x5f0: {  	[tilespmem:s4], [sflag:$0x1] =	stream.indirect.gather [hbm4b:s0+s8], $0x80, s18, s8, $0xb8;
	[tilespmem:$0x8D00] =	vst v63  }
0x5f1: {  	_ =	swait.ge [sflag:s9], $0x2000  }
0x5f2: {  	[sflag:s9] =	ssyncset.done $0x0  }
0x5f3: {  	s26 =	rddreg [dreg:$0x8];
	[sflag:s9] =	ssyncadd.s32 $0xFFFFE000  }
0x5f4: {  	[hbm4b:s26+s2] =	stream.linear.scatter [tilespmem:s10], [sflag:$0x2], $0x2000, $0x38;
	[tilespmem:$0x8D00] =	vst v63  }
0x5f5: {  	_ =	swait.ge [sflag:s6], $0x2000  }
0x5f6: {  	[sflag:s6] =	ssyncset.done $0x0  }
0x5f7: {  	s31 =	simm.s32 $0x180;
	[sflag:s6] =	ssyncadd.s32 $0xFFFFE000  }
0x5f8: {  	[tilespmem:s5], [sflag:$0x1] =	stream.indirect.gather [hbm4b:s0+s8], $0x80, s31, s8, $0xb8;
	[tilespmem:$0x8D00] =	vst v63  }
0x5f9: {  	_ =	swait.ge [sflag:s9], $0x2000  }
0x5fa: {  	[sflag:s9] =	ssyncset.done $0x0  }
0x5fb: {  	s28 =	rddreg [dreg:$0x9];
	[sflag:s9] =	ssyncadd.s32 $0xFFFFE000  }
0x5fc: {  	[hbm4b:s28+s2] =	stream.linear.scatter [tilespmem:s7], [sflag:$0x2], $0x2000, $0x38;
	[tilespmem:$0x8D00] =	vst v63  }
0x5fd: {  	_ =	swait.ge [sflag:s6], $0x2000  }
0x5fe: {  	[sflag:s6] =	ssyncset.done $0x0  }
0x5ff: {  	s30 =	simm.s32 $0x1C0;
	[sflag:s6] =	ssyncadd.s32 $0xFFFFE000  }
0x600: {  	[tilespmem:s10], [sflag:$0x1] =	stream.indirect.gather [hbm4b:s0+s8], $0x80, s30, s8, $0xb8;
	[tilespmem:$0x8D00] =	vst v63  }
0x601: {  	_ =	swait.ge [sflag:s9], $0x2000  }
0x602: {  	[sflag:s9] =	ssyncset.done $0x0  }
0x603: {  	s29 =	rddreg [dreg:$0xa];
	[sflag:s9] =	ssyncadd.s32 $0xFFFFE000  }
0x604: {  	[hbm4b:s29+s2] =	stream.linear.scatter [tilespmem:s4], [sflag:$0x2], $0x2000, $0x38;
	[tilespmem:$0x8D00] =	vst v63  }
0x605: {  	_ =	swait.ge [sflag:s6], $0x2000  }
0x606: {  	[sflag:s6] =	ssyncset.done $0x0  }
0x607: {  	s29 =	simm.s32 $0x200;
	[sflag:s6] =	ssyncadd.s32 $0xFFFFE000  }
0x608: {  	[tilespmem:s7], [sflag:$0x1] =	stream.indirect.gather [hbm4b:s0+s8], $0x80, s29, s8, $0xb8;
	[tilespmem:$0x8D00] =	vst v63  }
0x609: {  	_ =	swait.ge [sflag:s9], $0x2000  }
0x60a: {  	[sflag:s9] =	ssyncset.done $0x0  }
0x60b: {  	s13 =	rddreg [dreg:$0xb];
	[sflag:s9] =	ssyncadd.s32 $0xFFFFE000  }
0x60c: {  	[hbm4b:s13+s2] =	stream.linear.scatter [tilespmem:s5], [sflag:$0x2], $0x2000, $0x38;
	[tilespmem:$0x8D00] =	vst v63  }
0x60d: {  	_ =	swait.ge [sflag:s6], $0x2000  }
0x60e: {  	[sflag:s6] =	ssyncset.done $0x0  }
0x60f: {  	s15 =	simm.s32 $0x240;
	[sflag:s6] =	ssyncadd.s32 $0xFFFFE000  }
0x610: {  	[tilespmem:s4], [sflag:$0x1] =	stream.indirect.gather [hbm4b:s0+s8], $0x80, s15, s8, $0xb8;
	[tilespmem:$0x8D00] =	vst v63  }
0x611: {  	_ =	swait.ge [sflag:s9], $0x2000  }
0x612: {  	s14 =	rddreg [dreg:$0xc];
	[sflag:s9] =	ssyncset.done $0x0  }
0x613: {  	[sflag:s9] =	ssyncadd.s32 $0xFFFFE000  }
0x614: {  	[hbm4b:s14+s2] =	stream.linear.scatter [tilespmem:s10], [sflag:$0x2], $0x2000, $0x38;
	[tilespmem:$0x8D00] =	vst v63  }
0x615: {  	_ =	swait.ge [sflag:s6], $0x2000  }
0x616: {  	[sflag:s6] =	ssyncset.done $0x0  }
0x617: {  	s14 =	simm.s32 $0x280;
	[sflag:s6] =	ssyncadd.s32 $0xFFFFE000  }
0x618: {  	[tilespmem:s5], [sflag:$0x1] =	stream.indirect.gather [hbm4b:s0+s8], $0x80, s14, s8, $0xb8;
	[tilespmem:$0x8D00] =	vst v63  }
0x619: {  	_ =	swait.ge [sflag:s9], $0x2000  }
0x61a: {  	[sflag:s9] =	ssyncset.done $0x0  }
0x61b: {  	s17 =	rddreg [dreg:$0xd];
	[sflag:s9] =	ssyncadd.s32 $0xFFFFE000  }
0x61c: {  	[hbm4b:s17+s2] =	stream.linear.scatter [tilespmem:s7], [sflag:$0x2], $0x2000, $0x38;
	[tilespmem:$0x8D00] =	vst v63  }
0x61d: {  	_ =	swait.ge [sflag:s6], $0x2000  }
0x61e: {  	[sflag:s6] =	ssyncset.done $0x0  }
0x61f: {  	s13 =	simm.s32 $0x2C0;
	[sflag:s6] =	ssyncadd.s32 $0xFFFFE000  }
0x620: {  	[tilespmem:s10], [sflag:$0x1] =	stream.indirect.gather [hbm4b:s0+s8], $0x80, s13, s8, $0xb8;
	[tilespmem:$0x8D00] =	vst v63  }
0x621: {  	_ =	swait.ge [sflag:s9], $0x2000  }
0x622: {  	[sflag:s9] =	ssyncset.done $0x0  }
0x623: {  	s19 =	rddreg [dreg:$0xe];
	[sflag:s9] =	ssyncadd.s32 $0xFFFFE000  }
0x624: {  	[hbm4b:s19+s2] =	stream.linear.scatter [tilespmem:s4], [sflag:$0x2], $0x2000, $0x38;
	[tilespmem:$0x8D00] =	vst v63  }
0x625: {  	_ =	swait.ge [sflag:s6], $0x2000  }
0x626: {  	[sflag:s6] =	ssyncset.done $0x0  }
0x627: {  	s20 =	simm.s32 $0x300;
	[sflag:s6] =	ssyncadd.s32 $0xFFFFE000  }
0x628: {  	[tilespmem:s7], [sflag:$0x1] =	stream.indirect.gather [hbm4b:s0+s8], $0x80, s20, s8, $0xb8;
	[tilespmem:$0x8D00] =	vst v63  }
0x629: {  	_ =	swait.ge [sflag:s9], $0x2000  }
0x62a: {  	[sflag:s9] =	ssyncset.done $0x0  }
0x62b: {  	s21 =	rddreg [dreg:$0xf];
	[sflag:s9] =	ssyncadd.s32 $0xFFFFE000  }
0x62c: {  	[hbm4b:s21+s2] =	stream.linear.scatter [tilespmem:s5], [sflag:$0x2], $0x2000, $0x38;
	[tilespmem:$0x8D00] =	vst v63  }
0x62d: {  	_ =	swait.ge [sflag:s6], $0x2000  }
0x62e: {  	[sflag:s6] =	ssyncset.done $0x0  }
0x62f: {  	s22 =	simm.s32 $0x340;
	[sflag:s6] =	ssyncadd.s32 $0xFFFFE000  }
0x630: {  	[tilespmem:s4], [sflag:$0x1] =	stream.indirect.gather [hbm4b:s0+s8], $0x80, s22, s8, $0xb8;
	[tilespmem:$0x8D00] =	vst v63  }
0x631: {  	_ =	swait.ge [sflag:s9], $0x2000  }
0x632: {  	[sflag:s9] =	ssyncset.done $0x0  }
0x633: {  	s23 =	rddreg [dreg:$0x10];
	[sflag:s9] =	ssyncadd.s32 $0xFFFFE000  }
0x634: {  	[hbm4b:s23+s2] =	stream.linear.scatter [tilespmem:s10], [sflag:$0x2], $0x2000, $0x38;
	[tilespmem:$0x8D00] =	vst v63  }
0x635: {  	_ =	swait.ge [sflag:s6], $0x2000  }
0x636: {  	[sflag:s6] =	ssyncset.done $0x0  }
0x637: {  	s28 =	simm.s32 $0x380;
	[sflag:s6] =	ssyncadd.s32 $0xFFFFE000  }
0x638: {  	[tilespmem:s5], [sflag:$0x1] =	stream.indirect.gather [hbm4b:s0+s8], $0x80, s28, s8, $0xb8;
	[tilespmem:$0x8D00] =	vst v63  }
0x639: {  	_ =	swait.ge [sflag:s9], $0x2000  }
0x63a: {  	[sflag:s9] =	ssyncset.done $0x0  }
0x63b: {  	s24 =	rddreg [dreg:$0x11];
	[sflag:s9] =	ssyncadd.s32 $0xFFFFE000  }
0x63c: {  	[hbm4b:s24+s2] =	stream.linear.scatter [tilespmem:s7], [sflag:$0x2], $0x2000, $0x38;
	[tilespmem:$0x8D00] =	vst v63  }
0x63d: {  	_ =	swait.ge [sflag:s6], $0x2000  }
0x63e: {  	[sflag:s6] =	ssyncset.done $0x0  }
0x63f: {  	s26 =	simm.s32 $0x3C0;
	[sflag:s6] =	ssyncadd.s32 $0xFFFFE000  }
0x640: {  	[tilespmem:s10], [sflag:$0x1] =	stream.indirect.gather [hbm4b:s0+s8], $0x80, s26, s8, $0xb8;
	[tilespmem:$0x8D00] =	vst v63  }
0x641: {  	_ =	swait.ge [sflag:s9], $0x2000  }
0x642: {  	[sflag:s9] =	ssyncset.done $0x0  }
0x643: {  	s25 =	rddreg [dreg:$0x12];
	[sflag:s9] =	ssyncadd.s32 $0xFFFFE000  }
0x644: {  	[hbm4b:s25+s2] =	stream.linear.scatter [tilespmem:s4], [sflag:$0x2], $0x2000, $0x38;
	[tilespmem:$0x8D00] =	vst v63  }
0x645: {  	_ =	swait.ge [sflag:s6], $0x2000  }
0x646: {  	[sflag:s6] =	ssyncset.done $0x0  }
0x647: {  	s25 =	simm.s32 $0x400;
	[sflag:s6] =	ssyncadd.s32 $0xFFFFE000  }
0x648: {  	[tilespmem:s7], [sflag:$0x1] =	stream.indirect.gather [hbm4b:s0+s8], $0x80, s25, s8, $0xb8;
	[tilespmem:$0x8D00] =	vst v63  }
0x649: {  	_ =	swait.ge [sflag:s9], $0x2000  }
0x64a: {  	[sflag:s9] =	ssyncset.done $0x0  }
0x64b: {  	s17 =	rddreg [dreg:$0x13];
	[sflag:s9] =	ssyncadd.s32 $0xFFFFE000  }
0x64c: {  	[hbm4b:s17+s2] =	stream.linear.scatter [tilespmem:s5], [sflag:$0x2], $0x2000, $0x38;
	[tilespmem:$0x8D00] =	vst v63  }
0x64d: {  	_ =	swait.ge [sflag:s6], $0x2000  }
0x64e: {  	[sflag:s6] =	ssyncset.done $0x0  }
0x64f: {  	s24 =	simm.s32 $0x440;
	[sflag:s6] =	ssyncadd.s32 $0xFFFFE000  }
0x650: {  	[tilespmem:s4], [sflag:$0x1] =	stream.indirect.gather [hbm4b:s0+s8], $0x80, s24, s8, $0xb8;
	[tilespmem:$0x8D00] =	vst v63  }
0x651: {  	_ =	swait.ge [sflag:s9], $0x2000  }
0x652: {  	[sflag:s9] =	ssyncset.done $0x0  }
0x653: {  	s19 =	rddreg [dreg:$0x14];
	[sflag:s9] =	ssyncadd.s32 $0xFFFFE000  }
0x654: {  	[hbm4b:s19+s2] =	stream.linear.scatter [tilespmem:s10], [sflag:$0x2], $0x2000, $0x38;
	[tilespmem:$0x8D00] =	vst v63  }
0x655: {  	_ =	swait.ge [sflag:s6], $0x2000  }
0x656: {  	[sflag:s6] =	ssyncset.done $0x0  }
0x657: {  	s23 =	simm.s32 $0x480;
	[sflag:s6] =	ssyncadd.s32 $0xFFFFE000  }
0x658: {  	[tilespmem:s5], [sflag:$0x1] =	stream.indirect.gather [hbm4b:s0+s8], $0x80, s23, s8, $0xb8;
	[tilespmem:$0x8D00] =	vst v63  }
0x659: {  	_ =	swait.ge [sflag:s9], $0x2000  }
0x65a: {  	[sflag:s9] =	ssyncset.done $0x0  }
0x65b: {  	s20 =	rddreg [dreg:$0x15];
	[sflag:s9] =	ssyncadd.s32 $0xFFFFE000  }
0x65c: {  	[hbm4b:s20+s2] =	stream.linear.scatter [tilespmem:s7], [sflag:$0x2], $0x2000, $0x38;
	[tilespmem:$0x8D00] =	vst v63  }
0x65d: {  	_ =	swait.ge [sflag:s6], $0x2000  }
0x65e: {  	[sflag:s6] =	ssyncset.done $0x0  }
0x65f: {  	s22 =	simm.s32 $0x4C0;
	[sflag:s6] =	ssyncadd.s32 $0xFFFFE000  }
0x660: {  	[tilespmem:s10], [sflag:$0x1] =	stream.indirect.gather [hbm4b:s0+s8], $0x80, s22, s8, $0xb8;
	[tilespmem:$0x8D00] =	vst v63  }
0x661: {  	_ =	swait.ge [sflag:s9], $0x2000  }
0x662: {  	[sflag:s9] =	ssyncset.done $0x0  }
0x663: {  	s21 =	rddreg [dreg:$0x16];
	[sflag:s9] =	ssyncadd.s32 $0xFFFFE000  }
0x664: {  	[hbm4b:s21+s2] =	stream.linear.scatter [tilespmem:s4], [sflag:$0x2], $0x2000, $0x38;
	[tilespmem:$0x8D00] =	vst v63  }
0x665: {  	_ =	swait.ge [sflag:s6], $0x2000  }
0x666: {  	[sflag:s6] =	ssyncset.done $0x0  }
0x667: {  	s21 =	simm.s32 $0x500;
	[sflag:s6] =	ssyncadd.s32 $0xFFFFE000  }
0x668: {  	[tilespmem:s7], [sflag:$0x1] =	stream.indirect.gather [hbm4b:s0+s8], $0x80, s21, s8, $0xb8;
	[tilespmem:$0x8D00] =	vst v63  }
0x669: {  	_ =	swait.ge [sflag:s9], $0x2000  }
0x66a: {  	[sflag:s9] =	ssyncset.done $0x0  }
0x66b: {  	s17 =	rddreg [dreg:$0x17];
	[sflag:s9] =	ssyncadd.s32 $0xFFFFE000  }
0x66c: {  	[hbm4b:s17+s2] =	stream.linear.scatter [tilespmem:s5], [sflag:$0x2], $0x2000, $0x38;
	[tilespmem:$0x8D00] =	vst v63  }
0x66d: {  	_ =	swait.ge [sflag:s6], $0x2000  }
0x66e: {  	[sflag:s6] =	ssyncset.done $0x0  }
0x66f: {  	s20 =	simm.s32 $0x540;
	[sflag:s6] =	ssyncadd.s32 $0xFFFFE000  }
0x670: {  	[tilespmem:s4], [sflag:$0x1] =	stream.indirect.gather [hbm4b:s0+s8], $0x80, s20, s8, $0xb8;
	[tilespmem:$0x8D00] =	vst v63  }
0x671: {  	_ =	swait.ge [sflag:s9], $0x2000  }
0x672: {  	[sflag:s9] =	ssyncset.done $0x0  }
0x673: {  	s19 =	rddreg [dreg:$0x18];
	[sflag:s9] =	ssyncadd.s32 $0xFFFFE000  }
0x674: {  	[hbm4b:s19+s2] =	stream.linear.scatter [tilespmem:s10], [sflag:$0x2], $0x2000, $0x38;
	[tilespmem:$0x8D00] =	vst v63  }
0x675: {  	_ =	swait.ge [sflag:s6], $0x2000  }
0x676: {  	[sflag:s6] =	ssyncset.done $0x0  }
0x677: {  	s19 =	simm.s32 $0x580;
	[sflag:s6] =	ssyncadd.s32 $0xFFFFE000  }
0x678: {  	[tilespmem:s5], [sflag:$0x1] =	stream.indirect.gather [hbm4b:s0+s8], $0x80, s19, s8, $0xb8;
	[tilespmem:$0x8D00] =	vst v63  }
0x679: {  	_ =	swait.ge [sflag:s9], $0x2000  }
0x67a: {  	[sflag:s9] =	ssyncset.done $0x0  }
0x67b: {  	s17 =	rddreg [dreg:$0x19];
	[sflag:s9] =	ssyncadd.s32 $0xFFFFE000  }
0x67c: {  	[hbm4b:s17+s2] =	stream.linear.scatter [tilespmem:s7], [sflag:$0x2], $0x2000, $0x38;
	[tilespmem:$0x8D00] =	vst v63  }
0x67d: {  	_ =	swait.ge [sflag:s6], $0x2000  }
0x67e: {  	[sflag:s6] =	ssyncset.done $0x0  }
0x67f: {  	s17 =	simm.s32 $0x5C0;
	[sflag:s6] =	ssyncadd.s32 $0xFFFFE000  }
0x680: {  	[tilespmem:s10], [sflag:$0x1] =	stream.indirect.gather [hbm4b:s0+s8], $0x80, s17, s8, $0xb8;
	[tilespmem:$0x8D00] =	vst v63  }
0x681: {  	_ =	swait.ge [sflag:s9], $0x2000  }
0x682: {  	[sflag:s9] =	ssyncset.done $0x0  }
0x683: {  	s16 =	rddreg [dreg:$0x1a];
	[sflag:s9] =	ssyncadd.s32 $0xFFFFE000  }
0x684: {  	[hbm4b:s16+s2] =	stream.linear.scatter [tilespmem:s4], [sflag:$0x2], $0x2000, $0x38;
	[tilespmem:$0x8D00] =	vst v63  }
0x685: {  	_ =	swait.ge [sflag:s6], $0x2000  }
0x686: {  	[sflag:s6] =	ssyncset.done $0x0  }
0x687: {  	s16 =	simm.s32 $0x600;
	[sflag:s6] =	ssyncadd.s32 $0xFFFFE000  }
0x688: {  	[tilespmem:s7], [sflag:$0x1] =	stream.indirect.gather [hbm4b:s0+s8], $0x80, s16, s8, $0xb8;
	[tilespmem:$0x8D00] =	vst v63  }
0x689: {  	_ =	swait.ge [sflag:s9], $0x2000  }
0x68a: {  	[sflag:s9] =	ssyncset.done $0x0  }
0x68b: {  	s0 =	rddreg [dreg:$0x1b];
	[sflag:s9] =	ssyncadd.s32 $0xFFFFE000  }
0x68c: {  	[hbm4b:s0+s2] =	stream.linear.scatter [tilespmem:s5], [sflag:$0x2], $0x2000, $0x38;
	[tilespmem:$0x8D00] =	vst v63  }
0x68d: {  	_ =	swait.ge [sflag:s6], $0x2000  }
0x68e: {  	[sflag:s6] =	ssyncset.done $0x0  }
0x68f: {  	[sflag:s6] =	ssyncadd.s32 $0xFFFFE000  }
0x690: {  	[tilespmem:s4], [sflag:$0x1] =	stream.indirect.gather [hbm4b:s11+s8], $0x80, s2, s8, $0xb8;
	[tilespmem:$0x8D00] =	vst v63  }
0x691: {  	_ =	swait.ge [sflag:s9], $0x2000  }
0x692: {  	[sflag:s9] =	ssyncset.done $0x0  }
0x693: {  	s0 =	rddreg [dreg:$0x1c];
	[sflag:s9] =	ssyncadd.s32 $0xFFFFE000  }
0x694: {  	[hbm4b:s0+s2] =	stream.linear.scatter [tilespmem:s10], [sflag:$0x2], $0x2000, $0x38;
	[tilespmem:$0x8D00] =	vst v63  }
0x695: {  	_ =	swait.ge [sflag:s6], $0x2000  }
0x696: {  	[sflag:s6] =	ssyncset.done $0x0  }
0x697: {  	[sflag:s6] =	ssyncadd.s32 $0xFFFFE000  }
0x698: {  	[tilespmem:s5], [sflag:$0x1] =	stream.indirect.gather [hbm4b:s11+s8], $0x80, s8, s8, $0xb8;
	[tilespmem:$0x8D00] =	vst v63  }
0x699: {  	_ =	swait.ge [sflag:s9], $0x2000  }
0x69a: {  	[sflag:s9] =	ssyncset.done $0x0  }
0x69b: {  	s0 =	rddreg [dreg:$0x1d];
	[sflag:s9] =	ssyncadd.s32 $0xFFFFE000  }
0x69c: {  	[hbm4b:s0+s2] =	stream.linear.scatter [tilespmem:s7], [sflag:$0x2], $0x2000, $0x38;
	[tilespmem:$0x8D00] =	vst v63  }
0x69d: {  	_ =	swait.ge [sflag:s6], $0x2000  }
0x69e: {  	[sflag:s6] =	ssyncset.done $0x0  }
0x69f: {  	[sflag:s6] =	ssyncadd.s32 $0xFFFFE000  }
0x6a0: {  	[tilespmem:s10], [sflag:$0x1] =	stream.indirect.gather [hbm4b:s11+s8], $0x80, s1, s8, $0xb8;
	[tilespmem:$0x8D00] =	vst v63  }
0x6a1: {  	_ =	swait.ge [sflag:s9], $0x2000  }
0x6a2: {  	[sflag:s9] =	ssyncset.done $0x0  }
0x6a3: {  	s1 =	rddreg [dreg:$0x1e];
	[sflag:s9] =	ssyncadd.s32 $0xFFFFE000  }
0x6a4: {  	[hbm4b:s1+s2] =	stream.linear.scatter [tilespmem:s4], [sflag:$0x2], $0x2000, $0x38;
	[tilespmem:$0x8D00] =	vst v63  }
0x6a5: {  	_ =	swait.ge [sflag:s6], $0x2000  }
0x6a6: {  	[sflag:s6] =	ssyncset.done $0x0  }
0x6a7: {  	[sflag:s6] =	ssyncadd.s32 $0xFFFFE000  }
0x6a8: {  	[tilespmem:s7], [sflag:$0x1] =	stream.indirect.gather [hbm4b:s11+s8], $0x80, s12, s8, $0xb8;
	[tilespmem:$0x8D00] =	vst v63  }
0x6a9: {  	_ =	swait.ge [sflag:s9], $0x2000  }
0x6aa: {  	[sflag:s9] =	ssyncset.done $0x0  }
0x6ab: {  	s12 =	rddreg [dreg:$0x1f];
	[sflag:s9] =	ssyncadd.s32 $0xFFFFE000  }
0x6ac: {  	[hbm4b:s12+s2] =	stream.linear.scatter [tilespmem:s5], [sflag:$0x2], $0x2000, $0x38;
	[tilespmem:$0x8D00] =	vst v63  }
0x6ad: {  	_ =	swait.ge [sflag:s6], $0x2000  }
0x6ae: {  	[sflag:s6] =	ssyncset.done $0x0  }
0x6af: {  	s1 =	simm.s32 $0x100;
	[sflag:s6] =	ssyncadd.s32 $0xFFFFE000  }
0x6b0: {  	[tilespmem:s4], [sflag:$0x1] =	stream.indirect.gather [hbm4b:s11+s8], $0x80, s1, s8, $0xb8;
	[tilespmem:$0x8D00] =	vst v63  }
0x6b1: {  	_ =	swait.ge [sflag:s9], $0x2000  }
0x6b2: {  	s12 =	sld [smem:$0x7B6]  }
0x6b3: {  	[sflag:s9] =	ssyncset.done $0x0  }
0x6b4: {  	[sflag:s9] =	ssyncadd.s32 $0xFFFFE000  }
0x6b5: {  	[hbm4b:s12+s2] =	stream.linear.scatter [tilespmem:s10], [sflag:$0x2], $0x2000, $0x38;
	[tilespmem:$0x8D00] =	vst v63  }
0x6b6: {  	_ =	swait.ge [sflag:s6], $0x2000  }
0x6b7: {  	[sflag:s6] =	ssyncset.done $0x0  }
0x6b8: {  	[sflag:s6] =	ssyncadd.s32 $0xFFFFE000  }
0x6b9: {  	[tilespmem:s5], [sflag:$0x1] =	stream.indirect.gather [hbm4b:s11+s8], $0x80, s18, s8, $0xb8;
	[tilespmem:$0x8D00] =	vst v63  }
0x6ba: {  	_ =	swait.ge [sflag:s9], $0x2000  }
0x6bb: {  	s1 =	sld [smem:$0x7B7]  }
0x6bc: {  	[sflag:s9] =	ssyncset.done $0x0  }
0x6bd: {  	[sflag:s9] =	ssyncadd.s32 $0xFFFFE000  }
0x6be: {  	[hbm4b:s1+s2] =	stream.linear.scatter [tilespmem:s7], [sflag:$0x2], $0x2000, $0x38;
	[tilespmem:$0x8D00] =	vst v63  }
0x6bf: {  	_ =	swait.ge [sflag:s6], $0x2000  }
0x6c0: {  	[sflag:s6] =	ssyncset.done $0x0  }
0x6c1: {  	[sflag:s6] =	ssyncadd.s32 $0xFFFFE000  }
0x6c2: {  	[tilespmem:s10], [sflag:$0x1] =	stream.indirect.gather [hbm4b:s11+s8], $0x80, s31, s8, $0xb8;
	[tilespmem:$0x8D00] =	vst v63  }
0x6c3: {  	_ =	swait.ge [sflag:s9], $0x2000  }
0x6c4: {  	s12 =	sld [smem:$0x7B8]  }
0x6c5: {  	[sflag:s9] =	ssyncset.done $0x0  }
0x6c6: {  	[sflag:s9] =	ssyncadd.s32 $0xFFFFE000  }
0x6c7: {  	[hbm4b:s12+s2] =	stream.linear.scatter [tilespmem:s4], [sflag:$0x2], $0x2000, $0x38;
	[tilespmem:$0x8D00] =	vst v63  }
0x6c8: {  	_ =	swait.ge [sflag:s6], $0x2000  }
0x6c9: {  	[sflag:s6] =	ssyncset.done $0x0  }
0x6ca: {  	[sflag:s6] =	ssyncadd.s32 $0xFFFFE000  }
0x6cb: {  	[tilespmem:s7], [sflag:$0x1] =	stream.indirect.gather [hbm4b:s11+s8], $0x80, s30, s8, $0xb8;
	[tilespmem:$0x8D00] =	vst v63  }
0x6cc: {  	_ =	swait.ge [sflag:s9], $0x2000  }
0x6cd: {  	s18 =	sld [smem:$0x7B9]  }
0x6ce: {  	[sflag:s9] =	ssyncset.done $0x0  }
0x6cf: {  	[sflag:s9] =	ssyncadd.s32 $0xFFFFE000  }
0x6d0: {  	[hbm4b:s18+s2] =	stream.linear.scatter [tilespmem:s5], [sflag:$0x2], $0x2000, $0x38;
	[tilespmem:$0x8D00] =	vst v63  }
0x6d1: {  	_ =	swait.ge [sflag:s6], $0x2000  }
0x6d2: {  	[sflag:s6] =	ssyncset.done $0x0  }
0x6d3: {  	[sflag:s6] =	ssyncadd.s32 $0xFFFFE000  }
0x6d4: {  	[tilespmem:s4], [sflag:$0x1] =	stream.indirect.gather [hbm4b:s11+s8], $0x80, s29, s8, $0xb8;
	[tilespmem:$0x8D00] =	vst v63  }
0x6d5: {  	_ =	swait.ge [sflag:s9], $0x2000  }
0x6d6: {  	s30 =	sld [smem:$0x7BA]  }
0x6d7: {  	[sflag:s9] =	ssyncset.done $0x0  }
0x6d8: {  	[sflag:s9] =	ssyncadd.s32 $0xFFFFE000  }
0x6d9: {  	[hbm4b:s30+s2] =	stream.linear.scatter [tilespmem:s10], [sflag:$0x2], $0x2000, $0x38;
	[tilespmem:$0x8D00] =	vst v63  }
0x6da: {  	_ =	swait.ge [sflag:s6], $0x2000  }
0x6db: {  	[sflag:s6] =	ssyncset.done $0x0  }
0x6dc: {  	[sflag:s6] =	ssyncadd.s32 $0xFFFFE000  }
0x6dd: {  	[tilespmem:s5], [sflag:$0x1] =	stream.indirect.gather [hbm4b:s11+s8], $0x80, s15, s8, $0xb8;
	[tilespmem:$0x8D00] =	vst v63  }
0x6de: {  	_ =	swait.ge [sflag:s9], $0x2000  }
0x6df: {  	s31 =	sld [smem:$0x7BB]  }
0x6e0: {  	[sflag:s9] =	ssyncset.done $0x0  }
0x6e1: {  	[sflag:s9] =	ssyncadd.s32 $0xFFFFE000  }
0x6e2: {  	[hbm4b:s31+s2] =	stream.linear.scatter [tilespmem:s7], [sflag:$0x2], $0x2000, $0x38;
	[tilespmem:$0x8D00] =	vst v63  }
0x6e3: {  	_ =	swait.ge [sflag:s6], $0x2000  }
0x6e4: {  	[sflag:s6] =	ssyncset.done $0x0  }
0x6e5: {  	[sflag:s6] =	ssyncadd.s32 $0xFFFFE000  }
0x6e6: {  	[tilespmem:s10], [sflag:$0x1] =	stream.indirect.gather [hbm4b:s11+s8], $0x80, s14, s8, $0xb8;
	[tilespmem:$0x8D00] =	vst v63  }
0x6e7: {  	_ =	swait.ge [sflag:s9], $0x2000  }
0x6e8: {  	s1 =	sld [smem:$0x7BC]  }
0x6e9: {  	[sflag:s9] =	ssyncset.done $0x0  }
0x6ea: {  	[sflag:s9] =	ssyncadd.s32 $0xFFFFE000  }
0x6eb: {  	[hbm4b:s1+s2] =	stream.linear.scatter [tilespmem:s4], [sflag:$0x2], $0x2000, $0x38;
	[tilespmem:$0x8D00] =	vst v63  }
0x6ec: {  	_ =	swait.ge [sflag:s6], $0x2000  }
0x6ed: {  	[sflag:s6] =	ssyncset.done $0x0  }
0x6ee: {  	[sflag:s6] =	ssyncadd.s32 $0xFFFFE000  }
0x6ef: {  	[tilespmem:s7], [sflag:$0x1] =	stream.indirect.gather [hbm4b:s11+s8], $0x80, s13, s8, $0xb8;
	[tilespmem:$0x8D00] =	vst v63  }
0x6f0: {  	_ =	swait.ge [sflag:s9], $0x2000  }
0x6f1: {  	s12 =	sld [smem:$0x7BD]  }
0x6f2: {  	[sflag:s9] =	ssyncset.done $0x0  }
0x6f3: {  	[sflag:s9] =	ssyncadd.s32 $0xFFFFE000  }
0x6f4: {  	[hbm4b:s12+s2] =	stream.linear.scatter [tilespmem:s5], [sflag:$0x2], $0x2000, $0x38;
	[tilespmem:$0x8D00] =	vst v63  }
0x6f5: {  	_ =	swait.ge [sflag:s6], $0x2000  }
0x6f6: {  	[sflag:s6] =	ssyncset.done $0x0  }
0x6f7: {  	s13 =	simm.s32 $0x300;
	[sflag:s6] =	ssyncadd.s32 $0xFFFFE000  }
0x6f8: {  	[tilespmem:s4], [sflag:$0x1] =	stream.indirect.gather [hbm4b:s11+s8], $0x80, s13, s8, $0xb8;
	[tilespmem:$0x8D00] =	vst v63  }
0x6f9: {  	_ =	swait.ge [sflag:s9], $0x2000  }
0x6fa: {  	s14 =	sld [smem:$0x7BE]  }
0x6fb: {  	[sflag:s9] =	ssyncset.done $0x0  }
0x6fc: {  	[sflag:s9] =	ssyncadd.s32 $0xFFFFE000  }
0x6fd: {  	[hbm4b:s14+s2] =	stream.linear.scatter [tilespmem:s10], [sflag:$0x2], $0x2000, $0x38;
	[tilespmem:$0x8D00] =	vst v63  }
0x6fe: {  	_ =	swait.ge [sflag:s6], $0x2000  }
0x6ff: {  	[sflag:s6] =	ssyncset.done $0x0  }
0x700: {  	s15 =	simm.s32 $0x340;
	[sflag:s6] =	ssyncadd.s32 $0xFFFFE000  }
0x701: {  	[tilespmem:s5], [sflag:$0x1] =	stream.indirect.gather [hbm4b:s11+s8], $0x80, s15, s8, $0xb8;
	[tilespmem:$0x8D00] =	vst v63  }
0x702: {  	_ =	swait.ge [sflag:s9], $0x2000  }
0x703: {  	s18 =	sld [smem:$0x7BF]  }
0x704: {  	[sflag:s9] =	ssyncset.done $0x0  }
0x705: {  	[sflag:s9] =	ssyncadd.s32 $0xFFFFE000  }
0x706: {  	[hbm4b:s18+s2] =	stream.linear.scatter [tilespmem:s7], [sflag:$0x2], $0x2000, $0x38;
	[tilespmem:$0x8D00] =	vst v63  }
0x707: {  	_ =	swait.ge [sflag:s6], $0x2000  }
0x708: {  	[sflag:s6] =	ssyncset.done $0x0  }
0x709: {  	[sflag:s6] =	ssyncadd.s32 $0xFFFFE000  }
0x70a: {  	[tilespmem:s10], [sflag:$0x1] =	stream.indirect.gather [hbm4b:s11+s8], $0x80, s28, s8, $0xb8;
	[tilespmem:$0x8D00] =	vst v63  }
0x70b: {  	_ =	swait.ge [sflag:s9], $0x2000  }
0x70c: {  	s28 =	sld [smem:$0x7C0]  }
0x70d: {  	[sflag:s9] =	ssyncset.done $0x0  }
0x70e: {  	[sflag:s9] =	ssyncadd.s32 $0xFFFFE000  }
0x70f: {  	[hbm4b:s28+s2] =	stream.linear.scatter [tilespmem:s4], [sflag:$0x2], $0x2000, $0x38;
	[tilespmem:$0x8D00] =	vst v63  }
0x710: {  	_ =	swait.ge [sflag:s6], $0x2000  }
0x711: {  	[sflag:s6] =	ssyncset.done $0x0  }
0x712: {  	[sflag:s6] =	ssyncadd.s32 $0xFFFFE000  }
0x713: {  	[tilespmem:s7], [sflag:$0x1] =	stream.indirect.gather [hbm4b:s11+s8], $0x80, s26, s8, $0xb8;
	[tilespmem:$0x8D00] =	vst v63  }
0x714: {  	_ =	swait.ge [sflag:s9], $0x2000  }
0x715: {  	s29 =	sld [smem:$0x7C1]  }
0x716: {  	[sflag:s9] =	ssyncset.done $0x0  }
0x717: {  	[sflag:s9] =	ssyncadd.s32 $0xFFFFE000  }
0x718: {  	[hbm4b:s29+s2] =	stream.linear.scatter [tilespmem:s5], [sflag:$0x2], $0x2000, $0x38;
	[tilespmem:$0x8D00] =	vst v63  }
0x719: {  	_ =	swait.ge [sflag:s6], $0x2000  }
0x71a: {  	[sflag:s6] =	ssyncset.done $0x0  }
0x71b: {  	[sflag:s6] =	ssyncadd.s32 $0xFFFFE000  }
0x71c: {  	[tilespmem:s4], [sflag:$0x1] =	stream.indirect.gather [hbm4b:s11+s8], $0x80, s25, s8, $0xb8;
	[tilespmem:$0x8D00] =	vst v63  }
0x71d: {  	_ =	swait.ge [sflag:s9], $0x2000  }
0x71e: {  	s30 =	sld [smem:$0x7C2]  }
0x71f: {  	[sflag:s9] =	ssyncset.done $0x0  }
0x720: {  	[sflag:s9] =	ssyncadd.s32 $0xFFFFE000  }
0x721: {  	[hbm4b:s30+s2] =	stream.linear.scatter [tilespmem:s10], [sflag:$0x2], $0x2000, $0x38;
	[tilespmem:$0x8D00] =	vst v63  }
0x722: {  	_ =	swait.ge [sflag:s6], $0x2000  }
0x723: {  	[sflag:s6] =	ssyncset.done $0x0  }
0x724: {  	[sflag:s6] =	ssyncadd.s32 $0xFFFFE000  }
0x725: {  	[tilespmem:s5], [sflag:$0x1] =	stream.indirect.gather [hbm4b:s11+s8], $0x80, s24, s8, $0xb8;
	[tilespmem:$0x8D00] =	vst v63  }
0x726: {  	_ =	swait.ge [sflag:s9], $0x2000  }
0x727: {  	s31 =	sld [smem:$0x7C3]  }
0x728: {  	[sflag:s9] =	ssyncset.done $0x0  }
0x729: {  	[sflag:s9] =	ssyncadd.s32 $0xFFFFE000  }
0x72a: {  	[hbm4b:s31+s2] =	stream.linear.scatter [tilespmem:s7], [sflag:$0x2], $0x2000, $0x38;
	[tilespmem:$0x8D00] =	vst v63  }
0x72b: {  	_ =	swait.ge [sflag:s6], $0x2000  }
0x72c: {  	[sflag:s6] =	ssyncset.done $0x0  }
0x72d: {  	[sflag:s6] =	ssyncadd.s32 $0xFFFFE000  }
0x72e: {  	[tilespmem:s10], [sflag:$0x1] =	stream.indirect.gather [hbm4b:s11+s8], $0x80, s23, s8, $0xb8;
	[tilespmem:$0x8D00] =	vst v63  }
0x72f: {  	_ =	swait.ge [sflag:s9], $0x2000  }
0x730: {  	s1 =	sld [smem:$0x7C4]  }
0x731: {  	[sflag:s9] =	ssyncset.done $0x0  }
0x732: {  	[sflag:s9] =	ssyncadd.s32 $0xFFFFE000  }
0x733: {  	[hbm4b:s1+s2] =	stream.linear.scatter [tilespmem:s4], [sflag:$0x2], $0x2000, $0x38;
	[tilespmem:$0x8D00] =	vst v63  }
0x734: {  	_ =	swait.ge [sflag:s6], $0x2000  }
0x735: {  	[sflag:s6] =	ssyncset.done $0x0  }
0x736: {  	[sflag:s6] =	ssyncadd.s32 $0xFFFFE000  }
0x737: {  	[tilespmem:s7], [sflag:$0x1] =	stream.indirect.gather [hbm4b:s11+s8], $0x80, s22, s8, $0xb8;
	[tilespmem:$0x8D00] =	vst v63  }
0x738: {  	_ =	swait.ge [sflag:s9], $0x2000  }
0x739: {  	s12 =	sld [smem:$0x7C5]  }
0x73a: {  	[sflag:s9] =	ssyncset.done $0x0  }
0x73b: {  	[sflag:s9] =	ssyncadd.s32 $0xFFFFE000  }
0x73c: {  	[hbm4b:s12+s2] =	stream.linear.scatter [tilespmem:s5], [sflag:$0x2], $0x2000, $0x38;
	[tilespmem:$0x8D00] =	vst v63  }
0x73d: {  	_ =	swait.ge [sflag:s6], $0x2000  }
0x73e: {  	[sflag:s6] =	ssyncset.done $0x0  }
0x73f: {  	[sflag:s6] =	ssyncadd.s32 $0xFFFFE000  }
0x740: {  	[tilespmem:s4], [sflag:$0x1] =	stream.indirect.gather [hbm4b:s11+s8], $0x80, s21, s8, $0xb8;
	[tilespmem:$0x8D00] =	vst v63  }
0x741: {  	_ =	swait.ge [sflag:s9], $0x2000  }
0x742: {  	s13 =	sld [smem:$0x7C6]  }
0x743: {  	[sflag:s9] =	ssyncset.done $0x0  }
0x744: {  	[sflag:s9] =	ssyncadd.s32 $0xFFFFE000  }
0x745: {  	[hbm4b:s13+s2] =	stream.linear.scatter [tilespmem:s10], [sflag:$0x2], $0x2000, $0x38;
	[tilespmem:$0x8D00] =	vst v63  }
0x746: {  	_ =	swait.ge [sflag:s6], $0x2000  }
0x747: {  	[sflag:s6] =	ssyncset.done $0x0  }
0x748: {  	[sflag:s6] =	ssyncadd.s32 $0xFFFFE000  }
0x749: {  	[tilespmem:s5], [sflag:$0x1] =	stream.indirect.gather [hbm4b:s11+s8], $0x80, s20, s8, $0xb8;
	[tilespmem:$0x8D00] =	vst v63  }
0x74a: {  	_ =	swait.ge [sflag:s9], $0x2000  }
0x74b: {  	s14 =	sld [smem:$0x7C7]  }
0x74c: {  	[sflag:s9] =	ssyncset.done $0x0  }
0x74d: {  	[sflag:s9] =	ssyncadd.s32 $0xFFFFE000  }
0x74e: {  	[hbm4b:s14+s2] =	stream.linear.scatter [tilespmem:s7], [sflag:$0x2], $0x2000, $0x38;
	[tilespmem:$0x8D00] =	vst v63  }
0x74f: {  	_ =	swait.ge [sflag:s6], $0x2000  }
0x750: {  	[sflag:s6] =	ssyncset.done $0x0  }
0x751: {  	[sflag:s6] =	ssyncadd.s32 $0xFFFFE000  }
0x752: {  	[tilespmem:s10], [sflag:$0x1] =	stream.indirect.gather [hbm4b:s11+s8], $0x80, s19, s8, $0xb8;
	[tilespmem:$0x8D00] =	vst v63  }
0x753: {  	_ =	swait.ge [sflag:s9], $0x2000  }
0x754: {  	s15 =	sld [smem:$0x7C8]  }
0x755: {  	[sflag:s9] =	ssyncset.done $0x0  }
0x756: {  	[sflag:s9] =	ssyncadd.s32 $0xFFFFE000  }
0x757: {  	[hbm4b:s15+s2] =	stream.linear.scatter [tilespmem:s4], [sflag:$0x2], $0x2000, $0x38;
	[tilespmem:$0x8D00] =	vst v63  }
0x758: {  	_ =	swait.ge [sflag:s6], $0x2000  }
0x759: {  	[sflag:s6] =	ssyncset.done $0x0  }
0x75a: {  	[sflag:s6] =	ssyncadd.s32 $0xFFFFE000  }
0x75b: {  	[tilespmem:s7], [sflag:$0x1] =	stream.indirect.gather [hbm4b:s11+s8], $0x80, s17, s8, $0xb8;
	[tilespmem:$0x8D00] =	vst v63  }
0x75c: {  	_ =	swait.ge [sflag:s9], $0x2000  }
0x75d: {  	s18 =	sld [smem:$0x7C9]  }
0x75e: {  	[sflag:s9] =	ssyncset.done $0x0  }
0x75f: {  	[sflag:s9] =	ssyncadd.s32 $0xFFFFE000  }
0x760: {  	[hbm4b:s18+s2] =	stream.linear.scatter [tilespmem:s5], [sflag:$0x2], $0x2000, $0x38;
	[tilespmem:$0x8D00] =	vst v63  }
0x761: {  	_ =	swait.ge [sflag:s6], $0x2000  }
0x762: {  	[sflag:s6] =	ssyncset.done $0x0  }
0x763: {  	[sflag:s6] =	ssyncadd.s32 $0xFFFFE000  }
0x764: {  	[tilespmem:s4], [sflag:$0x1] =	stream.indirect.gather [hbm4b:s11+s8], $0x80, s16, s8, $0xb8;
	[tilespmem:$0x8D00] =	vst v63  }
0x765: {  	_ =	swait.ge [sflag:s9], $0x2000  }
0x766: {  	s19 =	sld [smem:$0x7CA]  }
0x767: {  	[sflag:s9] =	ssyncset.done $0x0  }
0x768: {  	[sflag:s9] =	ssyncadd.s32 $0xFFFFE000  }
0x769: {  	[hbm4b:s19+s2] =	stream.linear.scatter [tilespmem:s10], [sflag:$0x2], $0x2000, $0x38;
	[tilespmem:$0x8D00] =	vst v63  }
0x76a: {  	_ =	swait.ge [sflag:s6], $0x2000  }
0x76b: {  	[sflag:s6] =	ssyncset.done $0x0  }
0x76c: {  	s20 =	simm.s32 $0x680;
	[sflag:s6] =	ssyncadd.s32 $0xFFFFE000  }
0x76d: {  	[tilespmem:s5], [sflag:$0x1] =	stream.indirect.gather [hbm4b:s3+s8], $0x80, s20, s8, $0xb8;
	[tilespmem:$0x8D00] =	vst v63  }
0x76e: {  	_ =	swait.ge [sflag:s9], $0x2000  }
0x76f: {  	s21 =	sld [smem:$0x7CB]  }
0x770: {  	[sflag:s9] =	ssyncset.done $0x0  }
0x771: {  	[sflag:s9] =	ssyncadd.s32 $0xFFFFE000  }
0x772: {  	[hbm4b:s21+s2] =	stream.linear.scatter [tilespmem:s7], [sflag:$0x2], $0x2000, $0x38;
	[tilespmem:$0x8D00] =	vst v63  }
0x773: {  	_ =	swait.ge [sflag:s6], $0x2000  }
0x774: {  	s22 =	sld [smem:$0x7E6]  }
0x775: {  	[sflag:s6] =	ssyncset.done $0x0  }
0x776: {  	[sflag:s6] =	ssyncadd.s32 $0xFFFFE000  }
0x777: {  	[tilespmem:s10], [sflag:$0x1] =	stream.indirect.gather [hbm4b:s3+s8], $0x80, s22, s8, $0xb8;
	[tilespmem:$0x8D00] =	vst v63  }
0x778: {  	_ =	swait.ge [sflag:s9], $0x2000  }
0x779: {  	s23 =	sld [smem:$0x7CC]  }
0x77a: {  	[sflag:s9] =	ssyncset.done $0x0  }
0x77b: {  	[sflag:s9] =	ssyncadd.s32 $0xFFFFE000  }
0x77c: {  	[hbm4b:s23+s2] =	stream.linear.scatter [tilespmem:s4], [sflag:$0x2], $0x2000, $0x38;
	[tilespmem:$0x8D00] =	vst v63  }
0x77d: {  	_ =	swait.ge [sflag:s6], $0x2000  }
0x77e: {  	s24 =	sld [smem:$0x7E7]  }
0x77f: {  	[sflag:s6] =	ssyncset.done $0x0  }
0x780: {  	[sflag:s6] =	ssyncadd.s32 $0xFFFFE000  }
0x781: {  	[tilespmem:s7], [sflag:$0x1] =	stream.indirect.gather [hbm4b:s3+s8], $0x80, s24, s8, $0xb8;
	[tilespmem:$0x8D00] =	vst v63  }
0x782: {  	_ =	swait.ge [sflag:s9], $0x2000  }
0x783: {  	s25 =	sld [smem:$0x7CD]  }
0x784: {  	[sflag:s9] =	ssyncset.done $0x0  }
0x785: {  	[sflag:s9] =	ssyncadd.s32 $0xFFFFE000  }
0x786: {  	[hbm4b:s25+s2] =	stream.linear.scatter [tilespmem:s5], [sflag:$0x2], $0x2000, $0x38;
	[tilespmem:$0x8D00] =	vst v63  }
0x787: {  	_ =	swait.ge [sflag:s6], $0x2000  }
0x788: {  	s26 =	sld [smem:$0x7E8]  }
0x789: {  	[sflag:s6] =	ssyncset.done $0x0  }
0x78a: {  	[sflag:s6] =	ssyncadd.s32 $0xFFFFE000  }
0x78b: {  	[tilespmem:s4], [sflag:$0x1] =	stream.indirect.gather [hbm4b:s3+s8], $0x80, s26, s8, $0xb8;
	[tilespmem:$0x8D00] =	vst v63  }
0x78c: {  	_ =	swait.ge [sflag:s9], $0x2000  }
0x78d: {  	s28 =	sld [smem:$0x7CE]  }
0x78e: {  	[sflag:s9] =	ssyncset.done $0x0  }
0x78f: {  	[sflag:s9] =	ssyncadd.s32 $0xFFFFE000  }
0x790: {  	[hbm4b:s28+s2] =	stream.linear.scatter [tilespmem:s10], [sflag:$0x2], $0x2000, $0x38;
	[tilespmem:$0x8D00] =	vst v63  }
0x791: {  	_ =	swait.ge [sflag:s6], $0x2000  }
0x792: {  	s29 =	sld [smem:$0x7E9]  }
0x793: {  	[sflag:s6] =	ssyncset.done $0x0  }
0x794: {  	[sflag:s6] =	ssyncadd.s32 $0xFFFFE000  }
0x795: {  	[tilespmem:s5], [sflag:$0x1] =	stream.indirect.gather [hbm4b:s3+s8], $0x80, s29, s8, $0xb8;
	[tilespmem:$0x8D00] =	vst v63  }
0x796: {  	_ =	swait.ge [sflag:s9], $0x2000  }
0x797: {  	s30 =	sld [smem:$0x7CF]  }
0x798: {  	[sflag:s9] =	ssyncset.done $0x0  }
0x799: {  	[sflag:s9] =	ssyncadd.s32 $0xFFFFE000  }
0x79a: {  	[hbm4b:s30+s2] =	stream.linear.scatter [tilespmem:s7], [sflag:$0x2], $0x2000, $0x38;
	[tilespmem:$0x8D00] =	vst v63  }
0x79b: {  	_ =	swait.ge [sflag:s6], $0x2000  }
0x79c: {  	s31 =	sld [smem:$0x7EA]  }
0x79d: {  	[sflag:s6] =	ssyncset.done $0x0  }
0x79e: {  	[sflag:s6] =	ssyncadd.s32 $0xFFFFE000  }
0x79f: {  	[tilespmem:s10], [sflag:$0x1] =	stream.indirect.gather [hbm4b:s3+s8], $0x80, s31, s8, $0xb8;
	[tilespmem:$0x8D00] =	vst v63  }
0x7a0: {  	_ =	swait.ge [sflag:s9], $0x2000  }
0x7a1: {  	s1 =	sld [smem:$0x7D0]  }
0x7a2: {  	[sflag:s9] =	ssyncset.done $0x0  }
0x7a3: {  	[sflag:s9] =	ssyncadd.s32 $0xFFFFE000  }
0x7a4: {  	[hbm4b:s1+s2] =	stream.linear.scatter [tilespmem:s4], [sflag:$0x2], $0x2000, $0x38;
	[tilespmem:$0x8D00] =	vst v63  }
0x7a5: {  	_ =	swait.ge [sflag:s6], $0x2000  }
0x7a6: {  	s11 =	sld [smem:$0x7EB]  }
0x7a7: {  	[sflag:s6] =	ssyncset.done $0x0  }
0x7a8: {  	[sflag:s6] =	ssyncadd.s32 $0xFFFFE000  }
0x7a9: {  	[tilespmem:s7], [sflag:$0x1] =	stream.indirect.gather [hbm4b:s3+s8], $0x80, s11, s8, $0xb8;
	[tilespmem:$0x8D00] =	vst v63  }
0x7aa: {  	_ =	swait.ge [sflag:s9], $0x2000  }
0x7ab: {  	s12 =	sld [smem:$0x7D1]  }
0x7ac: {  	[sflag:s9] =	ssyncset.done $0x0  }
0x7ad: {  	[sflag:s9] =	ssyncadd.s32 $0xFFFFE000  }
0x7ae: {  	[hbm4b:s12+s2] =	stream.linear.scatter [tilespmem:s5], [sflag:$0x2], $0x2000, $0x38;
	[tilespmem:$0x8D00] =	vst v63  }
0x7af: {  	_ =	swait.ge [sflag:s6], $0x2000  }
0x7b0: {  	s13 =	sld [smem:$0x7EC]  }
0x7b1: {  	[sflag:s6] =	ssyncset.done $0x0  }
0x7b2: {  	[sflag:s6] =	ssyncadd.s32 $0xFFFFE000  }
0x7b3: {  	[tilespmem:s4], [sflag:$0x1] =	stream.indirect.gather [hbm4b:s3+s8], $0x80, s13, s8, $0xb8;
	[tilespmem:$0x8D00] =	vst v63  }
0x7b4: {  	_ =	swait.ge [sflag:s9], $0x2000  }
0x7b5: {  	s14 =	sld [smem:$0x7D2]  }
0x7b6: {  	[sflag:s9] =	ssyncset.done $0x0  }
0x7b7: {  	[sflag:s9] =	ssyncadd.s32 $0xFFFFE000  }
0x7b8: {  	[hbm4b:s14+s2] =	stream.linear.scatter [tilespmem:s10], [sflag:$0x2], $0x2000, $0x38;
	[tilespmem:$0x8D00] =	vst v63  }
0x7b9: {  	_ =	swait.ge [sflag:s6], $0x2000  }
0x7ba: {  	s15 =	sld [smem:$0x7ED]  }
0x7bb: {  	[sflag:s6] =	ssyncset.done $0x0  }
0x7bc: {  	[sflag:s6] =	ssyncadd.s32 $0xFFFFE000  }
0x7bd: {  	[tilespmem:s5], [sflag:$0x1] =	stream.indirect.gather [hbm4b:s3+s8], $0x80, s15, s8, $0xb8;
	[tilespmem:$0x8D00] =	vst v63  }
0x7be: {  	_ =	swait.ge [sflag:s9], $0x2000  }
0x7bf: {  	s16 =	sld [smem:$0x7D3]  }
0x7c0: {  	[sflag:s9] =	ssyncset.done $0x0  }
0x7c1: {  	[sflag:s9] =	ssyncadd.s32 $0xFFFFE000  }
0x7c2: {  	[hbm4b:s16+s2] =	stream.linear.scatter [tilespmem:s7], [sflag:$0x2], $0x2000, $0x38;
	[tilespmem:$0x8D00] =	vst v63  }
0x7c3: {  	_ =	swait.ge [sflag:s6], $0x2000  }
0x7c4: {  	s17 =	sld [smem:$0x7EE]  }
0x7c5: {  	[sflag:s6] =	ssyncset.done $0x0  }
0x7c6: {  	[sflag:s6] =	ssyncadd.s32 $0xFFFFE000  }
0x7c7: {  	[tilespmem:s10], [sflag:$0x1] =	stream.indirect.gather [hbm4b:s3+s8], $0x80, s17, s8, $0xb8;
	[tilespmem:$0x8D00] =	vst v63  }
0x7c8: {  	_ =	swait.ge [sflag:s9], $0x2000  }
0x7c9: {  	s18 =	sld [smem:$0x7D4]  }
0x7ca: {  	[sflag:s9] =	ssyncset.done $0x0  }
0x7cb: {  	[sflag:s9] =	ssyncadd.s32 $0xFFFFE000  }
0x7cc: {  	[hbm4b:s18+s2] =	stream.linear.scatter [tilespmem:s4], [sflag:$0x2], $0x2000, $0x38;
	[tilespmem:$0x8D00] =	vst v63  }
0x7cd: {  	_ =	swait.ge [sflag:s6], $0x2000  }
0x7ce: {  	s19 =	sld [smem:$0x7EF]  }
0x7cf: {  	[sflag:s6] =	ssyncset.done $0x0  }
0x7d0: {  	[sflag:s6] =	ssyncadd.s32 $0xFFFFE000  }
0x7d1: {  	[tilespmem:s7], [sflag:$0x1] =	stream.indirect.gather [hbm4b:s3+s8], $0x80, s19, s8, $0xb8;
	[tilespmem:$0x8D00] =	vst v63  }
0x7d2: {  	_ =	swait.ge [sflag:s9], $0x2000  }
0x7d3: {  	s20 =	sld [smem:$0x7D5]  }
0x7d4: {  	[sflag:s9] =	ssyncset.done $0x0  }
0x7d5: {  	[sflag:s9] =	ssyncadd.s32 $0xFFFFE000  }
0x7d6: {  	[hbm4b:s20+s2] =	stream.linear.scatter [tilespmem:s5], [sflag:$0x2], $0x2000, $0x38;
	[tilespmem:$0x8D00] =	vst v63  }
0x7d7: {  	_ =	swait.ge [sflag:s6], $0x2000  }
0x7d8: {  	s21 =	sld [smem:$0x7F0]  }
0x7d9: {  	[sflag:s6] =	ssyncset.done $0x0  }
0x7da: {  	[sflag:s6] =	ssyncadd.s32 $0xFFFFE000  }
0x7db: {  	[tilespmem:s4], [sflag:$0x1] =	stream.indirect.gather [hbm4b:s3+s8], $0x80, s21, s8, $0xb8;
	[tilespmem:$0x8D00] =	vst v63  }
0x7dc: {  	_ =	swait.ge [sflag:s9], $0x2000  }
0x7dd: {  	s22 =	sld [smem:$0x7D6]  }
0x7de: {  	[sflag:s9] =	ssyncset.done $0x0  }
0x7df: {  	[sflag:s9] =	ssyncadd.s32 $0xFFFFE000  }
0x7e0: {  	[hbm4b:s22+s2] =	stream.linear.scatter [tilespmem:s10], [sflag:$0x2], $0x2000, $0x38;
	[tilespmem:$0x8D00] =	vst v63  }
0x7e1: {  	_ =	swait.ge [sflag:s6], $0x2000  }
0x7e2: {  	s23 =	sld [smem:$0x7F1]  }
0x7e3: {  	[sflag:s6] =	ssyncset.done $0x0  }
0x7e4: {  	[sflag:s6] =	ssyncadd.s32 $0xFFFFE000  }
0x7e5: {  	[tilespmem:s5], [sflag:$0x1] =	stream.indirect.gather [hbm4b:s3+s8], $0x80, s23, s8, $0xb8;
	[tilespmem:$0x8D00] =	vst v63  }
0x7e6: {  	_ =	swait.ge [sflag:s9], $0x2000  }
0x7e7: {  	s24 =	sld [smem:$0x7D7]  }
0x7e8: {  	[sflag:s9] =	ssyncset.done $0x0  }
0x7e9: {  	[sflag:s9] =	ssyncadd.s32 $0xFFFFE000  }
0x7ea: {  	[hbm4b:s24+s2] =	stream.linear.scatter [tilespmem:s7], [sflag:$0x2], $0x2000, $0x38;
	[tilespmem:$0x8D00] =	vst v63  }
0x7eb: {  	_ =	swait.ge [sflag:s6], $0x2000  }
0x7ec: {  	s25 =	sld [smem:$0x7F2]  }
0x7ed: {  	[sflag:s6] =	ssyncset.done $0x0  }
0x7ee: {  	[sflag:s6] =	ssyncadd.s32 $0xFFFFE000  }
0x7ef: {  	[tilespmem:s10], [sflag:$0x1] =	stream.indirect.gather [hbm4b:s3+s8], $0x80, s25, s8, $0xb8;
	[tilespmem:$0x8D00] =	vst v63  }
0x7f0: {  	_ =	swait.ge [sflag:s9], $0x2000  }
0x7f1: {  	s26 =	sld [smem:$0x7D8]  }
0x7f2: {  	[sflag:s9] =	ssyncset.done $0x0  }
0x7f3: {  	[sflag:s9] =	ssyncadd.s32 $0xFFFFE000  }
0x7f4: {  	[hbm4b:s26+s2] =	stream.linear.scatter [tilespmem:s4], [sflag:$0x2], $0x2000, $0x38;
	[tilespmem:$0x8D00] =	vst v63  }
0x7f5: {  	_ =	swait.ge [sflag:s6], $0x2000  }
0x7f6: {  	s28 =	sld [smem:$0x7F3]  }
0x7f7: {  	[sflag:s6] =	ssyncset.done $0x0  }
0x7f8: {  	[sflag:s6] =	ssyncadd.s32 $0xFFFFE000  }
0x7f9: {  	[tilespmem:s7], [sflag:$0x1] =	stream.indirect.gather [hbm4b:s3+s8], $0x80, s28, s8, $0xb8;
	[tilespmem:$0x8D00] =	vst v63  }
0x7fa: {  	_ =	swait.ge [sflag:s9], $0x2000  }
0x7fb: {  	s29 =	sld [smem:$0x7D9]  }
0x7fc: {  	[sflag:s9] =	ssyncset.done $0x0  }
0x7fd: {  	[sflag:s9] =	ssyncadd.s32 $0xFFFFE000  }
0x7fe: {  	[hbm4b:s29+s2] =	stream.linear.scatter [tilespmem:s5], [sflag:$0x2], $0x2000, $0x38;
	[tilespmem:$0x8D00] =	vst v63  }
0x7ff: {  	_ =	swait.ge [sflag:s6], $0x2000  }
0x800: {  	s30 =	sld [smem:$0x7F4]  }
0x801: {  	[sflag:s6] =	ssyncset.done $0x0  }
0x802: {  	[sflag:s6] =	ssyncadd.s32 $0xFFFFE000  }
0x803: {  	[tilespmem:s4], [sflag:$0x1] =	stream.indirect.gather [hbm4b:s3+s8], $0x80, s30, s8, $0xb8;
	[tilespmem:$0x8D00] =	vst v63  }
0x804: {  	_ =	swait.ge [sflag:s9], $0x2000  }
0x805: {  	s31 =	sld [smem:$0x7DA]  }
0x806: {  	[sflag:s9] =	ssyncset.done $0x0  }
0x807: {  	[sflag:s9] =	ssyncadd.s32 $0xFFFFE000  }
0x808: {  	[hbm4b:s31+s2] =	stream.linear.scatter [tilespmem:s10], [sflag:$0x2], $0x2000, $0x38;
	[tilespmem:$0x8D00] =	vst v63  }
0x809: {  	_ =	swait.ge [sflag:s6], $0x2000  }
0x80a: {  	s1 =	sld [smem:$0x7F5]  }
0x80b: {  	[sflag:s6] =	ssyncset.done $0x0  }
0x80c: {  	[sflag:s6] =	ssyncadd.s32 $0xFFFFE000  }
0x80d: {  	[tilespmem:s5], [sflag:$0x1] =	stream.indirect.gather [hbm4b:s3+s8], $0x80, s1, s8, $0xb8;
	[tilespmem:$0x8D00] =	vst v63  }
0x80e: {  	_ =	swait.ge [sflag:s9], $0x2000  }
0x80f: {  	s11 =	sld [smem:$0x7DB]  }
0x810: {  	[sflag:s9] =	ssyncset.done $0x0  }
0x811: {  	[sflag:s9] =	ssyncadd.s32 $0xFFFFE000  }
0x812: {  	[hbm4b:s11+s2] =	stream.linear.scatter [tilespmem:s7], [sflag:$0x2], $0x2000, $0x38;
	[tilespmem:$0x8D00] =	vst v63  }
0x813: {  	_ =	swait.ge [sflag:s6], $0x2000  }
0x814: {  	s12 =	sld [smem:$0x7F6]  }
0x815: {  	[sflag:s6] =	ssyncset.done $0x0  }
0x816: {  	[sflag:s6] =	ssyncadd.s32 $0xFFFFE000  }
0x817: {  	[tilespmem:s10], [sflag:$0x1] =	stream.indirect.gather [hbm4b:s3+s8], $0x80, s12, s8, $0xb8;
	[tilespmem:$0x8D00] =	vst v63  }
0x818: {  	_ =	swait.ge [sflag:s9], $0x2000  }
0x819: {  	s13 =	sld [smem:$0x7DC]  }
0x81a: {  	[sflag:s9] =	ssyncset.done $0x0  }
0x81b: {  	[sflag:s9] =	ssyncadd.s32 $0xFFFFE000  }
0x81c: {  	[hbm4b:s13+s2] =	stream.linear.scatter [tilespmem:s4], [sflag:$0x2], $0x2000, $0x38;
	[tilespmem:$0x8D00] =	vst v63  }
0x81d: {  	_ =	swait.ge [sflag:s6], $0x2000  }
0x81e: {  	s14 =	sld [smem:$0x7F7]  }
0x81f: {  	[sflag:s6] =	ssyncset.done $0x0  }
0x820: {  	[sflag:s6] =	ssyncadd.s32 $0xFFFFE000  }
0x821: {  	[tilespmem:s7], [sflag:$0x1] =	stream.indirect.gather [hbm4b:s3+s8], $0x80, s14, s8, $0xb8;
	[tilespmem:$0x8D00] =	vst v63  }
0x822: {  	_ =	swait.ge [sflag:s9], $0x2000  }
0x823: {  	s15 =	sld [smem:$0x7DD]  }
0x824: {  	[sflag:s9] =	ssyncset.done $0x0  }
0x825: {  	[sflag:s9] =	ssyncadd.s32 $0xFFFFE000  }
0x826: {  	[hbm4b:s15+s2] =	stream.linear.scatter [tilespmem:s5], [sflag:$0x2], $0x2000, $0x38;
	[tilespmem:$0x8D00] =	vst v63  }
0x827: {  	_ =	swait.ge [sflag:s6], $0x2000  }
0x828: {  	s16 =	sld [smem:$0x7F8]  }
0x829: {  	[sflag:s6] =	ssyncset.done $0x0  }
0x82a: {  	[sflag:s6] =	ssyncadd.s32 $0xFFFFE000  }
0x82b: {  	[tilespmem:s4], [sflag:$0x1] =	stream.indirect.gather [hbm4b:s3+s8], $0x80, s16, s8, $0xb8;
	[tilespmem:$0x8D00] =	vst v63  }
0x82c: {  	_ =	swait.ge [sflag:s9], $0x2000  }
0x82d: {  	s17 =	sld [smem:$0x7DE]  }
0x82e: {  	[sflag:s9] =	ssyncset.done $0x0  }
0x82f: {  	[sflag:s9] =	ssyncadd.s32 $0xFFFFE000  }
0x830: {  	[hbm4b:s17+s2] =	stream.linear.scatter [tilespmem:s10], [sflag:$0x2], $0x2000, $0x38;
	[tilespmem:$0x8D00] =	vst v63  }
0x831: {  	_ =	swait.ge [sflag:s6], $0x2000  }
0x832: {  	s18 =	sld [smem:$0x7F9]  }
0x833: {  	[sflag:s6] =	ssyncset.done $0x0  }
0x834: {  	[sflag:s6] =	ssyncadd.s32 $0xFFFFE000  }
0x835: {  	[tilespmem:s5], [sflag:$0x1] =	stream.indirect.gather [hbm4b:s3+s8], $0x80, s18, s8, $0xb8;
	[tilespmem:$0x8D00] =	vst v63  }
0x836: {  	_ =	swait.ge [sflag:s9], $0x2000  }
0x837: {  	s19 =	sld [smem:$0x7DF]  }
0x838: {  	[sflag:s9] =	ssyncset.done $0x0  }
0x839: {  	[sflag:s9] =	ssyncadd.s32 $0xFFFFE000  }
0x83a: {  	[hbm4b:s19+s2] =	stream.linear.scatter [tilespmem:s7], [sflag:$0x2], $0x2000, $0x38;
	[tilespmem:$0x8D00] =	vst v63  }
0x83b: {  	_ =	swait.ge [sflag:s6], $0x2000  }
0x83c: {  	s20 =	sld [smem:$0x7FA]  }
0x83d: {  	[sflag:s6] =	ssyncset.done $0x0  }
0x83e: {  	[sflag:s6] =	ssyncadd.s32 $0xFFFFE000  }
0x83f: {  	[tilespmem:s10], [sflag:$0x1] =	stream.indirect.gather [hbm4b:s3+s8], $0x80, s20, s8, $0xb8;
	[tilespmem:$0x8D00] =	vst v63  }
0x840: {  	_ =	swait.ge [sflag:s9], $0x2000  }
0x841: {  	s21 =	sld [smem:$0x7E0]  }
0x842: {  	[sflag:s9] =	ssyncset.done $0x0  }
0x843: {  	[sflag:s9] =	ssyncadd.s32 $0xFFFFE000  }
0x844: {  	[hbm4b:s21+s2] =	stream.linear.scatter [tilespmem:s4], [sflag:$0x2], $0x2000, $0x38;
	[tilespmem:$0x8D00] =	vst v63  }
0x845: {  	_ =	swait.ge [sflag:s6], $0x2000  }
0x846: {  	s22 =	sld [smem:$0x7FB]  }
0x847: {  	[sflag:s6] =	ssyncset.done $0x0  }
0x848: {  	[sflag:s6] =	ssyncadd.s32 $0xFFFFE000  }
0x849: {  	[tilespmem:s7], [sflag:$0x1] =	stream.indirect.gather [hbm4b:s3+s8], $0x80, s22, s8, $0xb8;
	[tilespmem:$0x8D00] =	vst v63  }
0x84a: {  	_ =	swait.ge [sflag:s9], $0x2000  }
0x84b: {  	s23 =	sld [smem:$0x7E1]  }
0x84c: {  	[sflag:s9] =	ssyncset.done $0x0  }
0x84d: {  	[sflag:s9] =	ssyncadd.s32 $0xFFFFE000  }
0x84e: {  	[hbm4b:s23+s2] =	stream.linear.scatter [tilespmem:s5], [sflag:$0x2], $0x2000, $0x38;
	[tilespmem:$0x8D00] =	vst v63  }
0x84f: {  	_ =	swait.ge [sflag:s6], $0x2000  }
0x850: {  	s24 =	sld [smem:$0x7FC]  }
0x851: {  	[sflag:s6] =	ssyncset.done $0x0  }
0x852: {  	[sflag:s6] =	ssyncadd.s32 $0xFFFFE000  }
0x853: {  	[tilespmem:s4], [sflag:$0x1] =	stream.indirect.gather [hbm4b:s3+s8], $0x80, s24, s8, $0xb8;
	[tilespmem:$0x8D00] =	vst v63  }
0x854: {  	_ =	swait.ge [sflag:s9], $0x2000  }
0x855: {  	s25 =	sld [smem:$0x7E2]  }
0x856: {  	[sflag:s9] =	ssyncset.done $0x0  }
0x857: {  	[sflag:s9] =	ssyncadd.s32 $0xFFFFE000  }
0x858: {  	[hbm4b:s25+s2] =	stream.linear.scatter [tilespmem:s10], [sflag:$0x2], $0x2000, $0x38;
	[tilespmem:$0x8D00] =	vst v63  }
0x859: {  	_ =	swait.ge [sflag:s6], $0x2000  }
0x85a: {  	s26 =	sld [smem:$0x7FD]  }
0x85b: {  	[sflag:s6] =	ssyncset.done $0x0  }
0x85c: {  	[sflag:s6] =	ssyncadd.s32 $0xFFFFE000  }
0x85d: {  	[tilespmem:s5], [sflag:$0x1] =	stream.indirect.gather [hbm4b:s3+s8], $0x80, s26, s8, $0xb8;
	[tilespmem:$0x8D00] =	vst v63  }
0x85e: {  	_ =	swait.ge [sflag:s9], $0x2000  }
0x85f: {  	s28 =	sld [smem:$0x7E3]  }
0x860: {  	[sflag:s9] =	ssyncset.done $0x0  }
0x861: {  	[sflag:s9] =	ssyncadd.s32 $0xFFFFE000  }
0x862: {  	[hbm4b:s28+s2] =	stream.linear.scatter [tilespmem:s7], [sflag:$0x2], $0x2000, $0x38;
	[tilespmem:$0x8D00] =	vst v63  }
0x863: {  	_ =	swait.ge [sflag:s9], $0x2000  }
0x864: {  	s29 =	sld [smem:$0x7E4]  }
0x865: {  	[sflag:s9] =	ssyncset.done $0x0  }
0x866: {  	[sflag:s9] =	ssyncadd.s32 $0xFFFFE000  }
0x867: {  	[hbm4b:s29+s2] =	stream.linear.scatter [tilespmem:s4], [sflag:$0x2], $0x2000, $0x38;
	[tilespmem:$0x8D00] =	vst v63  }
0x868: {  	_ =	swait.ge [sflag:s9], $0x2000  }
0x869: {  	s30 =	sld [smem:$0x7E5]  }
0x86a: {  	[sflag:s9] =	ssyncset.done $0x0  }
0x86b: {  	[sflag:s9] =	ssyncadd.s32 $0xFFFFE000  }
0x86c: {  	[hbm4b:s30+s2] =	stream.linear.scatter [tilespmem:s5], [sflag:$0x2], $0x2000, $0x38;
	[tilespmem:$0x8D00] =	vst v63  }
0x86d: {  	_ =	swait.ge [sflag:s6], $0x2000  }
0x86e: {  	[sflag:s6] =	ssyncset.done $0x0  }
0x86f: {  	[sflag:s6] =	ssyncadd.s32 $0xFFFFE000  }
0x870: {  	_ =	swait.ge [sflag:s6], $0x2000  }
0x871: {  	[sflag:s6] =	ssyncset.done $0x0  }
0x872: {  	[sflag:s6] =	ssyncadd.s32 $0xFFFFE000  }
0x873: {  	_ =	swait.ge [sflag:s6], $0x2000  }
0x874: {  	[sflag:s6] =	ssyncset.done $0x0  }
0x875: {  	[sflag:s6] =	ssyncadd.s32 $0xFFFFE000  }
0x876: {  	_ =	swait.ge [sflag:s6], $0x2000  }
0x877: {  	[sflag:s6] =	ssyncset.done $0x0  }
0x878: {  	[sflag:s6] =	ssyncadd.s32 $0xFFFFE000  }
0x879: {  	_ =	sfence.sel $0x180000  }
0x87a: {  	[bflag:$0x0] =	sbarrier.arrive $0xFFFF  }
0x87b: {  	_ =	strace $0x9000004D  }
0x87c: {  	s31 =	stileid.u32;
	[bflag:$0x2] =	sbarrier.arrive $0xFFFF  }
0x87d: {  	p0 =	sne.s32 s31, $0x0;
	s0 =	rddreg [dreg:$0x2]  }
0x87e: {  	s0 =	sadd.s32 @!p0 $0x100000, s0  }
0x87f: {  	[sflag:s0] =	ssyncadd.tile.s32 @!p0 $0x1;
	_ =	shalt  }
.LBB2_6:
.Ltmp3:
0x880: {  	(pc) =	sbr.rel .LBB2_5-.Ltmp3, $2  }
0x881: {  	_ =	sdelay $0x2  }
0x882: {  	s12 =	simm.s32 $0x3  }
.Lfunc_end2:
_tile_overlayer_lowered:
.L_overlay_start_2:
0x883: {  	(tag) =	ssettag $0x2  }
0x884: {  	s0 =	rddreg [dreg:$0x0];
	s2 =	stileid.u32  }
0x885: {  	s1 =	rddreg [dreg:$0x1];
	p0 =	sne.s32 s2, $0x0  }
0x886: {  	s3 =	rddreg [dreg:$0x2];
	[bflag:$0x3] =	sbarrier.arrive $0xFFFF;
	s2 =	simm.s32 @!p0 $0x1C03  }
0x887: {  	[timem:s3], [sflag:s2] =	dma.local @!p0 [hbm:s0], s1  }
0x888: {  	s0 =	simm.s32 @!p0 $0x3  }
0x889: {  	_ =	swait.ge @!p0 [sflag:s0], s1  }
0x88a: {  	s1 =	ssub.s32 @!p0 $0x0, s1;
	[sflag:s0] =	ssyncset.done @!p0 $0x0  }
0x88b: {  	[sflag:s0] =	ssyncadd.s32 @!p0 s1  }
0x88c: {  	[bflag:$0x3] =	sbarrier.arrive $0xFFFF  }
0x88d: {  	_ =	shalt  }

// kernel: sparse-core-data-format-call.1.cloned.1.call-start
scs
called_computation.1_lowered:
.L_overlay_start_0:
0x0: {  	s2 =	sld [smem:$0x3FD9]  }
0x1: {  	s3 =	sld [smem:$0x3FFE];
	_ =	sdelay $0x1  }
0x2: {  	s1 =	srdreg.scid  }
0x3: {  	s0 =	sand.u32 $0x1, s1  }
0x4: {  	s18 =	sshll.u32 s0, $0xA;
	s2 =	sadd.s32 s3, s2  }
0x5: {  	s2 =	sadd.s32 s2, s18  }
0x6: {  	[smem:$0x3FC4] =	sst s2  }
0x7: {  	_ = 	snop  }
0x8: {  	(tm) =	ssettm $0x1  }
0x9: {  	s19 =	sld [smem:$0x3FFB];
	_ =	sdelay $0x3  }
0xa: {  	_ =	strace s19  }
0xb: {  	s2 =	sld [smem:$0x3FFC];
	_ =	sdelay $0x3  }
0xc: {  	_ =	strace s2  }
0xd: {  	s2 =	sld [smem:$0x3FFD];
	_ =	sdelay $0x3  }
0xe: {  	_ =	strace s2  }
0xf: {  	_ =	strace $0x8FFFFFFF  }
0x10: {  	s20 =	sld [smem:$0x3FDB];
	_ =	sdelay $0x1  }
0x11: {  	s21 =	simm.s32 $_scs_section_size  }
0x12: {  	s4 =	simm.s32 $_size__tile_overlayer_lowered;
	s5 =	simm.s32 $_tile_overlayer_lowered  }
0x13: {  	s6 =	simm.s32 $0x1BFF;
	s22 =	sshll.u32 s5, $0x1;
	s3 =	sadd.s32 s21, s20  }
0x14: {  	s23 =	simm.s32 $0x0;
	s4 =	sshll.u32 s4, $0x1;
	s5 =	sadd.s32 s22, s3  }
0x15: {  	[timem:s23], [sflag:s6] =	dma.local [hbm:s5], s4  }
0x16: {  	_ =	swait.ge [sflag:s6], s4  }
0x17: {  	s4 =	ssub.s32 $0x0, s4;
	[sflag:s6] =	ssyncset.done $0x0  }
0x18: {  	[sflag:s6] =	ssyncadd.s32 s4;
	_ =	sdelay $0x1  }
0x19: {  	s24 =	simm.s32 $0x1B8B  }
0x1a: {  	_ =	swait.ge [sflag:s24], $0x1  }
0x1b: {  	[sflag:s24] =	ssyncset.done $0x0  }
0x1c: {  	[sflag:s24] =	ssyncadd.s32 $0xFFFFFFFF  }
0x1d: {  	s4 =	sld [smem:$0x0]  }
0x1e: {  	s5 =	sand.u32 $0xFFFFFFFE, s1  }
0x1f: {  	p0 =	sne.s32 s1, s5  }
0x20: {  	s5 =	sshll.u32 @p0 s5, $0xE  }
0x21: {  	s5 =	sadd.s32 @p0 $0x11B8D, s5;
	s6 =	sshll.u32 @p0 s4, $0x11  }
0x22: {  	s5 =	sor.u32 @p0 s6, s5  }
0x23: {  	[sflag:s5] =	ssyncadd.remote.s32 @p0 $0x1;
	_ =	sdelay $0x1  }
0x24: {  	s5 =	simm.s32 @p0 $0x1B8D  }
0x25: {  	_ =	swait.eq @p0 [sflag:s5], $0x1  }
0x26: {  	[sflag:s5] =	ssyncadd.s32 @p0 $0xFFFFFFFF  }
0x27: {  	s6 =	sshll.u32 @!p0 s1, $0xE  }
0x28: {  	s6 =	sor.u32 @!p0 $0x4000, s6;
	s5 =	simm.s32 @!p0 $0x1B8D  }
0x29: {  	s4 =	sshll.u32 @!p0 s4, $0x11;
	s6 =	sadd.s32 @!p0 $0x11B8D, s6;
	_ =	swait.eq @!p0 [sflag:s5], $0x1  }
0x2a: {  	s4 =	sor.u32 @!p0 s4, s6;
	[sflag:s5] =	ssyncadd.s32 @!p0 $0xFFFFFFFF  }
0x2b: {  	s26 =	simm.s32 $0x1B8E;
	s25 =	sld [smem:$0x3FFE];
	[sflag:s4] =	ssyncadd.remote.s32 @!p0 $0x1  }
0x2c: {  	s27 =	simm.s32 $execute0_lowered;
	[smem:$0x3FD2] =	sst s26  }
0x2d: {  	s5 =	sshll.u32 s27, $0x1;
	_ =	strace $0x80000049;
	[dreg:$0x1] =	wrdreg $0xFFFFFFFF  }
0x2e: {  	s28 =	simm.s32 $_size_execute0_lowered;
	s3 =	sadd.s32 s3, s5;
	[dreg:$0x0] =	wrdreg $0x0  }
0x2f: {  	s5 =	sshll.u32 s28, $0x1;
	[dreg:$0x2] =	wrdreg s3  }
0x30: {  	[dreg:$0x3] =	wrdreg s5  }
0x31: {  	[dreg:$0x4] =	wrdreg $0xC0  }
0x32: {  	_ =	task [dreg:s23], $0x5FFFF  }
0x33: {  	[dreg:$0x1] =	wrdreg $0xFFFFFFFF  }
0x34: {  	[dreg:$0x0] =	wrdreg $0x60  }
0x35: {  	[dreg:$0x2] =	wrdreg s25  }
0x36: {  	[dreg:$0x3] =	wrdreg $0x9  }
0x37: {  	_ =	task.clear_ibuf [dreg:s23], $0x4FFFF;
	_ =	strace $0x90000049  }
0x38: {  	s29 =	simm.s32 $0x9;
	_ =	strace $0x8000004B  }
0x39: {  	_ =	swait.ge [sflag:s29], $0x1  }
0x3a: {  	[sflag:s29] =	ssyncadd.s32 $0xFFFFFFFF  }
0x3b: {  	_ =	strace $0x9000004B  }
0x3c: {  	_ =	sfence  }
0x3d: {  	s30 =	sld [smem:$0x0];
	_ =	sdelay $0x2  }
0x3e: {  	s31 =	sshll.u32 s1, $0xD;
	s1 =	sshrl.u32 s1, $0x2  }
0x3f: {  	s4 =	sand.u32 $0x4000, s31;
	s1 =	sadd.s32 s1, s30  }
0x40: {  	s0 =	sor.u32 s4, s0;
	s1 =	sshll.u32 s1, $0x11  }
0x41: {  	s0 =	sor.u32 s1, s0  }
0x42: {  	s0 =	sadd.s32 $0x8F2B, s0  }
0x43: {  	[sflag:s0] =	ssyncadd.remote.s32 $0x1  }
0x44: {  	_ =	sfence.sel $0xFFFF  }
0x45: {  	[dreg:$0x0] =	wrdreg $0xFFFFFFFF;
	(pc) =	sbr.abs _section_cstart, $3  }
0x46: {  	[dreg:$0x1] =	wrdreg $0xFFFFFFFF  }
0x47: {  	_ =	task.clear_ibuf [dreg:s23], $0x2FFFF;
	_ =	strace $0x9FFFFFFF  }
0x48: {  	(tm) =	ssettm $0x7FFFFFFF  }
0x49: {  	_ =	shalt  }
tec
execute0_lowered:
.L_overlay_start_1:
0x0: {  	(tag) =	ssettag $0x1  }
0x1: {  	s0 =	srdreg.scid  }
0x2: {  	s4 =	rddreg [dreg:$0x0];
	s1 =	stileid.u32  }
0x3: {  	s5 =	simm.s32 $0x1;
	s7 =	simm.s32 $0x2;
	s0 =	sshll.u32 s0, $0x4  }
0x4: {  	s11 =	simm.s32 $0x0;
	p0 =	por $0x0, $0x0;
	s2 =	sand.u32 $0x10, s0  }
.Ltmp0:
0x5: {  	s8 =	simm.s32 $0xF4400;
	s3 =	sor.u32 s1, s2;
	(pc) =	sbr.rel .LBB1_1-.Ltmp0, $4  }
0x6: {  	s0 =	rddreg [dreg:$0x1];
	_ =	strace $0x8000004A;
	s3 =	sshll.u32 s3, $0x7  }
0x7: {  	s10 =	simm.s32 $0x0;
	s2 =	sadd.s32 $0x1315A00, s4;
	s6 =	ssub.s32 $0x3D080, s3  }
0x8: {  	s4 =	sadd.s32 $0x2257E00, s4;
	[sflag:s5] =	ssyncpa.u1 $0x0;
	s6 =	sshrl.u32 s6, $0xC  }
0x9: {  	[sflag:s7] =	ssyncpa.u1 $0x0;
	s9 =	smov.u32 s3;
	s7 =	sor.u32 $0x2, s6  }
.LBB1_7:
0xa: {  	s13 =	sadd.s32 $0x1000, s9  }
0xb: {  	p2 =	sgt.s32 s13, $0x3D08F  }
0xc: {  	s13 =	smov.u32 @p2 s3;
	p2 =	sne.s32 s10, s7  }
.Ltmp1:
0xd: {  	p1 =	slt.u32 s10, $0x2;
	(pc) =	sbr.rel @!p2 .LBB1_8-.Ltmp1, $4  }
0xe: {  	s12 =	simm.s32 @!p1 $0x2  }
0xf: {  	s14 =	sadd.s32 $0x1, s10;
	_ =	swait.ge @!p1 [sflag:s12], $0x4000  }
0x10: {  	s11 =	smov.u32 s9;
	p0 =	por !p0, !p0;
	[sflag:s12] =	ssyncset.done @!p1 $0x0  }
0x11: {  	s10 =	smov.u32 s14;
	s9 =	smov.u32 s13;
	[sflag:s12] =	ssyncadd.s32 @!p1 $0xFFFFC000  }
.LBB1_1:
0x12: {  	p1 =	sgt.u32 s10, s6  }
0x13: {  	p2 =	sgt.s32 @!p1 s9, $0x3D010  }
0x14: {  	s12 =	smov.u32 s9;
	s13 =	sshra.s32 @!p1 s9, $0x1F;
	p2 =	por !p2, p1  }
0x15: {  	s13 =	sand.u32 @!p1 s13, s9;
	s12 =	simm.s32 @p2 $0x3D010  }
0x16: {  	s12 =	ssub.s32 @!p1 s12, s13  }
0x17: {  	s14 =	sxor.u32 @!p1 $0xFFFFFFFF, s10;
	s12 =	sadd.s32 @!p1 $0xFFFC2FF0, s12  }
0x18: {  	s15 =	simm.s32 @!p1 $0x20;
	s16 =	simm.s32 @!p1 $0x80;
	s13 =	sshll.u32 @!p1 s12, $0x9  }
0x19: {  	p2 =	sgt.s32 @!p1 s12, $0x7F;
	s12 =	ssub.s32 @!p1 $0x10000, s13;
	s13 =	sshll.u32 @!p1 s14, $0xE  }
0x1a: {  	p2 =	por !p2, p1;
	s14 =	sshll.u32 @!p1 s9, $0x6;
	s12 =	sshrl.u32 @!p1 s12, $0x2  }
0x1b: {  	s13 =	sand.u32 @!p1 $0x4000, s13;
	s14 =	sadd.s32 @!p1 s2, s14;
	s12 =	simm.s32 @!p2 $0x0  }
0x1c: {  	[tilespmem:s13], [sflag:$0x1] =	stream.strided.gather @!p1 [hbm4b:s14+s15], s12, s16, s15, $0x38;
	[tilespmem:$0x10100] =	vst v63  }
0x1d: {  	p1 =	seq.s32 s10, $0x0  }
0x1e: {  	p2 =	sge.u32 @!p1 s10, s7  }
0x1f: {  	p1 =	por p1, p2  }
.Ltmp2:
0x20: {  	_ = 	snop;
	(pc) =	sbr.rel @p1 .LBB1_7-.Ltmp2, $1  }
0x21: {  	_ =	sdelay $0x3  }
0x22: {  	p1 =	sgt.s32 s11, $0x3D010;
	s12 =	smov.u32 s11;
	s13 =	sshra.s32 s11, $0x1F  }
0x23: {  	s12 =	simm.s32 @!p1 $0x3D010;
	s13 =	sand.u32 s13, s11  }
0x24: {  	s12 =	ssub.s32 s12, s13  }
0x25: {  	s12 =	sadd.s32 $0xFFFC2FF0, s12  }
0x26: {  	s14 =	simm.s32 $0x1;
	s16 =	sand.u32 $0x1, s10;
	s29 =	sshll.u32 s12, $0x9  }
0x27: {  	s14 =	simm.s32 @!p0 $0x0;
	s31 =	smul.u32 $0x10200, s16;
	s13 =	ssub.s32 $0x10000, s29  }
0x28: {  	s15 =	smul.u32 $0x10200, s14;
	p1 =	sgt.s32 s12, $0x7F;
	s12 =	sshrl.u32 s13, $0x2  }
0x29: {  	s14 =	sshll.u32 s14, $0xE;
	s12 =	simm.s32 @p1 $0x0  }
0x2a: {  	s30 =	sshrl.u32 s15, $0x2;
	s15 =	sshrl.u32 s31, $0x2;
	_ =	swait.ge [sflag:s5], s12  }
0x2b: {  	s13 =	sadd.s32 $0xA040, s30;
	s12 =	ssub.s32 $0x0, s12;
	[sflag:s5] =	ssyncset.done $0x0  }
0x2c: {  	[sflag:s5] =	ssyncadd.s32 s12;
	s12 =	sor.u32 $0x8000, s15;
	s15 =	simm.s32 $0x0  }
.LBB1_3:
0x2d: {  	v0 =	vmov s14;
	_ =	sdelay $0x3  }
0x2e: {  	s16 =	simm.s32 $0x0  }
0x2f: {  	v1 =	vld.idx.msk [tilespmem:v0+s16+$0x10 ss:$0x1], $0xffff  }
0x30: {  	v2 =	vld.idx.msk [tilespmem:v0+s16+$0x0 ss:$0x1], $0xffff;
	_ =	sdelay $0x1  }
0x31: {  	s17 =	simm.s32 $0x80;
	s16 =	smov.u32 s13  }
.LBB1_4:
0x32: {  	s18 =	sshra.s32 s17, $0x2;
	p1 =	sne.s32 s17, $0x180;
	s17 =	sadd.s32 $0x80, s17  }
.Ltmp3:
0x33: {  	[tilespmem:s16+$0x0 ss:$0x204] =	vst.msk $0xffff, v1;
	v1 =	vld.idx.msk [tilespmem:v0+s18+$0x10 ss:$0x1], $0xffff;
	(pc) =	sbr.rel @p1 .LBB1_4-.Ltmp3, $2  }
0x34: {  	[tilespmem:s16+$0xFFFFDFC0 ss:$0x204] =	vst.msk $0xffff, v2;
	v2 =	vld.idx.msk [tilespmem:v0+s18+$0x0 ss:$0x1], $0xffff;
	_ =	sdelay $0x2  }
0x35: {  	s16 =	sadd.s32 $0x81, s16  }
0x36: {  	s15 =	sadd.s32 $0x1, s15  }
0x37: {  	p1 =	sne.s32 s15, $0x80  }
.Ltmp4:
0x38: {  	_ = 	snop;
	(pc) =	sbr.rel @p1 .LBB1_3-.Ltmp4, $3  }
0x39: {  	_ =	sdelay $0x1  }
0x3a: {  	[tilespmem:s16+$0x0 ss:$0x204] =	vst.msk $0xffff, v1  }
0x3b: {  	s13 =	sadd.s32 $0x1, s13;
	s14 =	sadd.s32 $0x80, s14;
	[tilespmem:s16+$0xFFFFDFC0 ss:$0x204] =	vst.msk $0xffff, v2  }
0x3c: {  	s13 =	sshll.u32 s11, $0x2  }
0x3d: {  	s13 =	sand.u32 $0xFFFFFE00, s13  }
0x3e: {  	s14 =	sshrl.u32 s13, $0x8  }
0x3f: {  	s14 =	smulhi.u32 $0x10C50B5, s14;
	_ =	sdelay $0x1  }
0x40: {  	s14 =	sshrl.u32 s14, $0x2  }
0x41: {  	s29 =	sand.u32 $0x7F, s11;
	s15 =	smul.u32 $0x3D100, s14  }
0x42: {  	s11 =	sor.u32 s29, s13  }
.Ltmp5:
0x43: {  	s30 =	sand.u32 $0x3, s14;
	s11 =	ssub.s32 s11, s15;
	(pc) =	sbr.rel .LBB1_7-.Ltmp5, $4  }
0x44: {  	s13 =	smul.u32 $0x7A20, s30;
	s31 =	sshrl.u32 s11, $0x3;
	s11 =	sand.u32 $0x7, s11  }
0x45: {  	s14 =	sadd.s32 s4, s31;
	s11 =	sshll.u32 s11, $0x12  }
0x46: {  	s13 =	sadd.s32 s13, s14;
	s11 =	sor.u32 $0x200, s11  }
0x47: {  	[hbm4b:s13+s11] =	stream.strided.scatter [tilespmem:s12], [sflag:$0x2], $0x4000, s8, s11, $0x20;
	[tilespmem:$0x10100] =	vst v63  }
.LBB1_8:
0x48: {  	_ =	sfence.sel $0x180000  }
0x49: {  	s2 =	simm.s32 $0x1;
	[bflag:$0x0] =	sbarrier.arrive $0xFFFF  }
0x4a: {  	s31 =	simm.s32 $0x2;
	[sflag:s2] =	ssyncpa.u1 $0x1  }
0x4b: {  	[sflag:s31] =	ssyncpa.u1 $0x1  }
0x4c: {  	p0 =	sne.s32 s1, $0x0;
	_ =	strace $0x9000004A  }
0x4d: {  	s0 =	sadd.s32 @!p0 $0x100000, s0;
	[bflag:$0x2] =	sbarrier.arrive $0xFFFF  }
0x4e: {  	[sflag:s0] =	ssyncadd.tile.s32 @!p0 $0x1;
	_ =	shalt  }
.Lfunc_end1:
_tile_overlayer_lowered:
.L_overlay_start_2:
0x4f: {  	(tag) =	ssettag $0x2  }
0x50: {  	s0 =	rddreg [dreg:$0x0];
	s2 =	stileid.u32  }
0x51: {  	s1 =	rddreg [dreg:$0x1];
	p0 =	sne.s32 s2, $0x0  }
0x52: {  	s3 =	rddreg [dreg:$0x2];
	[bflag:$0x3] =	sbarrier.arrive $0xFFFF;
	s2 =	simm.s32 @!p0 $0x1C01  }
0x53: {  	[timem:s3], [sflag:s2] =	dma.local @!p0 [hbm:s0], s1  }
0x54: {  	s0 =	simm.s32 @!p0 $0x1  }
0x55: {  	_ =	swait.ge @!p0 [sflag:s0], s1  }
0x56: {  	s1 =	ssub.s32 @!p0 $0x0, s1;
	[sflag:s0] =	ssyncset.done @!p0 $0x0  }
0x57: {  	[sflag:s0] =	ssyncadd.s32 @!p0 s1  }
0x58: {  	[bflag:$0x3] =	sbarrier.arrive $0xFFFF  }
0x59: {  	_ =	shalt  }

// kernel: sparse-core-data-format-call.2.cloned.1.call-start
scs
called_computation.2_lowered:
.L_overlay_start_0:
0x0: {  	s1 =	sld [smem:$0x3FD9]  }
0x1: {  	s2 =	sld [smem:$0x3FFE];
	_ =	sdelay $0x1  }
0x2: {  	s3 =	srdreg.scid  }
0x3: {  	s0 =	sand.u32 $0x1, s3  }
0x4: {  	s17 =	sshll.u32 s0, $0xA;
	s1 =	sadd.s32 s2, s1  }
0x5: {  	s1 =	sadd.s32 s1, s17  }
0x6: {  	[smem:$0x3FC4] =	sst s1  }
0x7: {  	_ = 	snop  }
0x8: {  	(tm) =	ssettm $0x1  }
0x9: {  	s18 =	sld [smem:$0x3FFB];
	_ =	sdelay $0x3  }
0xa: {  	_ =	strace s18  }
0xb: {  	s1 =	sld [smem:$0x3FFC];
	_ =	sdelay $0x3  }
0xc: {  	_ =	strace s1  }
0xd: {  	s1 =	sld [smem:$0x3FFD];
	_ =	sdelay $0x3  }
0xe: {  	_ =	strace s1  }
0xf: {  	_ =	strace $0x8FFFFFFF  }
0x10: {  	s19 =	sld [smem:$0x3FDB];
	_ =	sdelay $0x1  }
0x11: {  	s20 =	simm.s32 $_scs_section_size  }
0x12: {  	s4 =	simm.s32 $_size__tile_overlayer_lowered;
	s5 =	simm.s32 $_tile_overlayer_lowered  }
0x13: {  	s23 =	simm.s32 $0x1BFF;
	s22 =	sshll.u32 s5, $0x1;
	s1 =	sadd.s32 s20, s19  }
0x14: {  	s6 =	simm.s32 $0x0;
	s21 =	sshll.u32 s4, $0x1;
	s4 =	sadd.s32 s22, s1  }
0x15: {  	[timem:s6], [sflag:s23] =	dma.local [hbm:s4], s21  }
0x16: {  	_ =	swait.ge [sflag:s23], s21  }
0x17: {  	s2 =	ssub.s32 $0x0, s21;
	[sflag:s23] =	ssyncset.done $0x0  }
0x18: {  	[sflag:s23] =	ssyncadd.s32 s2;
	_ =	sdelay $0x1  }
0x19: {  	s24 =	simm.s32 $0x1B8B  }
0x1a: {  	_ =	swait.ge [sflag:s24], $0x1  }
0x1b: {  	[sflag:s24] =	ssyncset.done $0x0  }
0x1c: {  	s26 =	simm.s32 $0x1B8E;
	s25 =	sld [smem:$0x3FFE];
	[sflag:s24] =	ssyncadd.s32 $0xFFFFFFFF  }
0x1d: {  	s27 =	simm.s32 $execute0_lowered;
	[smem:$0x3FD2] =	sst s26  }
0x1e: {  	s4 =	sshll.u32 s27, $0x1;
	_ =	strace $0x80000046;
	[dreg:$0x1] =	wrdreg $0xFFFFFFFF  }
0x1f: {  	s28 =	simm.s32 $_size_execute0_lowered;
	s1 =	sadd.s32 s1, s4;
	[dreg:$0x0] =	wrdreg $0x0  }
0x20: {  	s4 =	sshll.u32 s28, $0x1;
	[dreg:$0x2] =	wrdreg s1  }
0x21: {  	[dreg:$0x3] =	wrdreg s4  }
0x22: {  	[dreg:$0x4] =	wrdreg $0xC0  }
0x23: {  	_ =	task [dreg:s6], $0x5FFFF  }
0x24: {  	[dreg:$0x1] =	wrdreg $0xFFFFFFFF  }
0x25: {  	[dreg:$0x0] =	wrdreg $0x60  }
0x26: {  	[dreg:$0x2] =	wrdreg s25  }
0x27: {  	[dreg:$0x3] =	wrdreg $0xA  }
0x28: {  	_ =	task.clear_ibuf [dreg:s6], $0x4FFFF;
	_ =	strace $0x90000046  }
0x29: {  	s29 =	simm.s32 $0xA;
	_ =	strace $0x80000048  }
0x2a: {  	_ =	swait.ge [sflag:s29], $0x1  }
0x2b: {  	[sflag:s29] =	ssyncadd.s32 $0xFFFFFFFF  }
0x2c: {  	_ =	strace $0x90000048  }
0x2d: {  	_ =	sfence  }
0x2e: {  	s30 =	sld [smem:$0x0];
	_ =	sdelay $0x2  }
0x2f: {  	s31 =	sshll.u32 s3, $0xD;
	s3 =	sshrl.u32 s3, $0x2  }
0x30: {  	s2 =	sand.u32 $0x4000, s31;
	s1 =	sadd.s32 s3, s30  }
0x31: {  	s0 =	sor.u32 s2, s0;
	s1 =	sshll.u32 s1, $0x11  }
0x32: {  	s0 =	sor.u32 s1, s0  }
0x33: {  	s0 =	sadd.s32 $0x8F2B, s0  }
0x34: {  	[sflag:s0] =	ssyncadd.remote.s32 $0x1  }
0x35: {  	_ =	sfence.sel $0xFFFF  }
0x36: {  	[dreg:$0x0] =	wrdreg $0xFFFFFFFF;
	(pc) =	sbr.abs _section_cstart, $3  }
0x37: {  	[dreg:$0x1] =	wrdreg $0xFFFFFFFF  }
0x38: {  	_ =	task.clear_ibuf [dreg:s6], $0x2FFFF;
	_ =	strace $0x9FFFFFFF  }
0x39: {  	(tm) =	ssettm $0x7FFFFFFF  }
tec
execute0_lowered:
.L_overlay_start_1:
0x0: {  	(tag) =	ssettag $0x1  }
0x1: {  	s0 =	srdreg.scid  }
0x2: {  	s4 =	rddreg [dreg:$0x0];
	s1 =	stileid.u32  }
0x3: {  	s5 =	simm.s32 $0x1;
	s7 =	simm.s32 $0x2;
	s0 =	sshll.u32 s0, $0x4  }
0x4: {  	s11 =	simm.s32 $0x0;
	p0 =	por $0x0, $0x0;
	s2 =	sand.u32 $0x10, s0  }
.Ltmp0:
0x5: {  	s8 =	simm.s32 $0xF4400;
	s3 =	sor.u32 s1, s2;
	(pc) =	sbr.rel .LBB1_1-.Ltmp0, $4  }
0x6: {  	s10 =	simm.s32 $0x0;
	s0 =	rddreg [dreg:$0x1];
	s3 =	sshll.u32 s3, $0x7  }
0x7: {  	_ =	strace $0x80000047;
	s2 =	sadd.s32 $0x2600, s4;
	s6 =	ssub.s32 $0x3D080, s3  }
0x8: {  	s4 =	sadd.s32 $0xF44A00, s4;
	[sflag:s5] =	ssyncpa.u1 $0x0;
	s6 =	sshrl.u32 s6, $0xC  }
0x9: {  	[sflag:s7] =	ssyncpa.u1 $0x0;
	s9 =	smov.u32 s3;
	s7 =	sor.u32 $0x2, s6  }
.LBB1_7:
0xa: {  	s13 =	sadd.s32 $0x1000, s9  }
0xb: {  	p2 =	sgt.s32 s13, $0x3D08F  }
0xc: {  	s13 =	smov.u32 @p2 s3;
	p2 =	sne.s32 s10, s7  }
.Ltmp1:
0xd: {  	p1 =	slt.u32 s10, $0x2;
	(pc) =	sbr.rel @!p2 .LBB1_8-.Ltmp1, $4  }
0xe: {  	s12 =	simm.s32 @!p1 $0x2  }
0xf: {  	s14 =	sadd.s32 $0x1, s10;
	_ =	swait.ge @!p1 [sflag:s12], $0x4000  }
0x10: {  	s11 =	smov.u32 s9;
	p0 =	por !p0, !p0;
	[sflag:s12] =	ssyncset.done @!p1 $0x0  }
0x11: {  	s10 =	smov.u32 s14;
	s9 =	smov.u32 s13;
	[sflag:s12] =	ssyncadd.s32 @!p1 $0xFFFFC000  }
.LBB1_1:
0x12: {  	p1 =	sgt.u32 s10, s6  }
0x13: {  	p2 =	sgt.s32 @!p1 s9, $0x3D010  }
0x14: {  	s12 =	smov.u32 s9;
	s13 =	sshra.s32 @!p1 s9, $0x1F;
	p2 =	por !p2, p1  }
0x15: {  	s13 =	sand.u32 @!p1 s13, s9;
	s12 =	simm.s32 @p2 $0x3D010  }
0x16: {  	s12 =	ssub.s32 @!p1 s12, s13  }
0x17: {  	s14 =	sxor.u32 @!p1 $0xFFFFFFFF, s10;
	s12 =	sadd.s32 @!p1 $0xFFFC2FF0, s12  }
0x18: {  	s15 =	simm.s32 @!p1 $0x20;
	s16 =	simm.s32 @!p1 $0x80;
	s13 =	sshll.u32 @!p1 s12, $0x9  }
0x19: {  	p2 =	sgt.s32 @!p1 s12, $0x7F;
	s12 =	ssub.s32 @!p1 $0x10000, s13;
	s13 =	sshll.u32 @!p1 s14, $0xE  }
0x1a: {  	p2 =	por !p2, p1;
	s14 =	sshll.u32 @!p1 s9, $0x6;
	s12 =	sshrl.u32 @!p1 s12, $0x2  }
0x1b: {  	s13 =	sand.u32 @!p1 $0x4000, s13;
	s14 =	sadd.s32 @!p1 s2, s14;
	s12 =	simm.s32 @!p2 $0x0  }
0x1c: {  	[tilespmem:s13], [sflag:$0x1] =	stream.strided.gather @!p1 [hbm4b:s14+s15], s12, s16, s15, $0x38;
	[tilespmem:$0x10100] =	vst v63  }
0x1d: {  	p1 =	seq.s32 s10, $0x0  }
0x1e: {  	p2 =	sge.u32 @!p1 s10, s7  }
0x1f: {  	p1 =	por p1, p2  }
.Ltmp2:
0x20: {  	_ = 	snop;
	(pc) =	sbr.rel @p1 .LBB1_7-.Ltmp2, $1  }
0x21: {  	_ =	sdelay $0x3  }
0x22: {  	p1 =	sgt.s32 s11, $0x3D010;
	s12 =	smov.u32 s11;
	s13 =	sshra.s32 s11, $0x1F  }
0x23: {  	s12 =	simm.s32 @!p1 $0x3D010;
	s13 =	sand.u32 s13, s11  }
0x24: {  	s12 =	ssub.s32 s12, s13  }
0x25: {  	s12 =	sadd.s32 $0xFFFC2FF0, s12  }
0x26: {  	s14 =	simm.s32 $0x1;
	s16 =	sand.u32 $0x1, s10;
	s29 =	sshll.u32 s12, $0x9  }
0x27: {  	s14 =	simm.s32 @!p0 $0x0;
	s31 =	smul.u32 $0x10200, s16;
	s13 =	ssub.s32 $0x10000, s29  }
0x28: {  	s15 =	smul.u32 $0x10200, s14;
	p1 =	sgt.s32 s12, $0x7F;
	s12 =	sshrl.u32 s13, $0x2  }
0x29: {  	s14 =	sshll.u32 s14, $0xE;
	s12 =	simm.s32 @p1 $0x0  }
0x2a: {  	s30 =	sshrl.u32 s15, $0x2;
	s15 =	sshrl.u32 s31, $0x2;
	_ =	swait.ge [sflag:s5], s12  }
0x2b: {  	s13 =	sadd.s32 $0xA040, s30;
	s12 =	ssub.s32 $0x0, s12;
	[sflag:s5] =	ssyncset.done $0x0  }
0x2c: {  	[sflag:s5] =	ssyncadd.s32 s12;
	s12 =	sor.u32 $0x8000, s15;
	s15 =	simm.s32 $0x0  }
.LBB1_3:
0x2d: {  	v0 =	vmov s14;
	_ =	sdelay $0x3  }
0x2e: {  	s16 =	simm.s32 $0x0  }
0x2f: {  	v1 =	vld.idx.msk [tilespmem:v0+s16+$0x10 ss:$0x1], $0xffff  }
0x30: {  	v2 =	vld.idx.msk [tilespmem:v0+s16+$0x0 ss:$0x1], $0xffff;
	_ =	sdelay $0x1  }
0x31: {  	s17 =	simm.s32 $0x80;
	s16 =	smov.u32 s13  }
.LBB1_4:
0x32: {  	s18 =	sshra.s32 s17, $0x2;
	p1 =	sne.s32 s17, $0x180;
	s17 =	sadd.s32 $0x80, s17  }
.Ltmp3:
0x33: {  	[tilespmem:s16+$0x0 ss:$0x204] =	vst.msk $0xffff, v1;
	v1 =	vld.idx.msk [tilespmem:v0+s18+$0x10 ss:$0x1], $0xffff;
	(pc) =	sbr.rel @p1 .LBB1_4-.Ltmp3, $2  }
0x34: {  	[tilespmem:s16+$0xFFFFDFC0 ss:$0x204] =	vst.msk $0xffff, v2;
	v2 =	vld.idx.msk [tilespmem:v0+s18+$0x0 ss:$0x1], $0xffff;
	_ =	sdelay $0x2  }
0x35: {  	s16 =	sadd.s32 $0x81, s16  }
0x36: {  	s15 =	sadd.s32 $0x1, s15  }
0x37: {  	p1 =	sne.s32 s15, $0x80  }
.Ltmp4:
0x38: {  	_ = 	snop;
	(pc) =	sbr.rel @p1 .LBB1_3-.Ltmp4, $3  }
0x39: {  	_ =	sdelay $0x1  }
0x3a: {  	[tilespmem:s16+$0x0 ss:$0x204] =	vst.msk $0xffff, v1  }
0x3b: {  	s13 =	sadd.s32 $0x1, s13;
	s14 =	sadd.s32 $0x80, s14;
	[tilespmem:s16+$0xFFFFDFC0 ss:$0x204] =	vst.msk $0xffff, v2  }
0x3c: {  	s13 =	sshll.u32 s11, $0x2  }
0x3d: {  	s13 =	sand.u32 $0xFFFFFE00, s13  }
0x3e: {  	s14 =	sshrl.u32 s13, $0x8  }
0x3f: {  	s14 =	smulhi.u32 $0x10C50B5, s14;
	_ =	sdelay $0x1  }
0x40: {  	s14 =	sshrl.u32 s14, $0x2  }
0x41: {  	s29 =	sand.u32 $0x7F, s11;
	s15 =	smul.u32 $0x3D100, s14  }
0x42: {  	s11 =	sor.u32 s29, s13  }
.Ltmp5:
0x43: {  	s30 =	sand.u32 $0x3, s14;
	s11 =	ssub.s32 s11, s15;
	(pc) =	sbr.rel .LBB1_7-.Ltmp5, $4  }
0x44: {  	s13 =	smul.u32 $0x7A20, s30;
	s31 =	sshrl.u32 s11, $0x3;
	s11 =	sand.u32 $0x7, s11  }
0x45: {  	s14 =	sadd.s32 s4, s31;
	s11 =	sshll.u32 s11, $0x12  }
0x46: {  	s13 =	sadd.s32 s13, s14;
	s11 =	sor.u32 $0x200, s11  }
0x47: {  	[hbm4b:s13+s11] =	stream.strided.scatter [tilespmem:s12], [sflag:$0x2], $0x4000, s8, s11, $0x20;
	[tilespmem:$0x10100] =	vst v63  }
.LBB1_8:
0x48: {  	_ =	sfence.sel $0x180000  }
0x49: {  	s2 =	simm.s32 $0x1;
	[bflag:$0x0] =	sbarrier.arrive $0xFFFF  }
0x4a: {  	s31 =	simm.s32 $0x2;
	[sflag:s2] =	ssyncpa.u1 $0x1  }
0x4b: {  	[sflag:s31] =	ssyncpa.u1 $0x1  }
0x4c: {  	p0 =	sne.s32 s1, $0x0;
	_ =	strace $0x90000047  }
0x4d: {  	s0 =	sadd.s32 @!p0 $0x100000, s0;
	[bflag:$0x2] =	sbarrier.arrive $0xFFFF  }
0x4e: {  	[sflag:s0] =	ssyncadd.tile.s32 @!p0 $0x1;
	_ =	shalt  }
.Lfunc_end1:
_tile_overlayer_lowered:
.L_overlay_start_2:
0x4f: {  	(tag) =	ssettag $0x2  }
0x50: {  	s0 =	rddreg [dreg:$0x0];
	s2 =	stileid.u32  }
0x51: {  	s1 =	rddreg [dreg:$0x1];
	p0 =	sne.s32 s2, $0x0  }
0x52: {  	s3 =	rddreg [dreg:$0x2];
	[bflag:$0x3] =	sbarrier.arrive $0xFFFF;
	s2 =	simm.s32 @!p0 $0x1C01  }
0x53: {  	[timem:s3], [sflag:s2] =	dma.local @!p0 [hbm:s0], s1  }
0x54: {  	s0 =	simm.s32 @!p0 $0x1  }
0x55: {  	_ =	swait.ge @!p0 [sflag:s0], s1  }
0x56: {  	s1 =	ssub.s32 @!p0 $0x0, s1;
	[sflag:s0] =	ssyncset.done @!p0 $0x0  }
0x57: {  	[sflag:s0] =	ssyncadd.s32 @!p0 s1  }
0x58: {  	[bflag:$0x3] =	sbarrier.arrive $0xFFFF  }
0x59: {  	_ =	shalt  }

// kernel: sparse-core-data-format-call.cloned.1.call-start
scs
called_computation_lowered:
.L_overlay_start_0:
0x0: {  	s2 =	sld [smem:$0x3FD9]  }
0x1: {  	s3 =	sld [smem:$0x3FFE];
	_ =	sdelay $0x1  }
0x2: {  	s1 =	srdreg.scid  }
0x3: {  	s0 =	sand.u32 $0x1, s1  }
0x4: {  	s15 =	sshll.u32 s0, $0xA;
	s2 =	sadd.s32 s3, s2  }
0x5: {  	s2 =	sadd.s32 s2, s15  }
0x6: {  	[smem:$0x3FC4] =	sst s2  }
0x7: {  	_ = 	snop  }
0x8: {  	s2 =	sld [smem:$0x3FD0];
	_ =	sdelay $0x2  }
0x9: {  	s16 =	simm.s32 $0xB;
	s4 =	simm.s32 $0x10  }
0xa: {  	[smem:s4], [sflag:s16] =	dma.local [hbm:s2], $0x1  }
0xb: {  	_ =	swait.eq [sflag:s16], $0x1  }
0xc: {  	[sflag:s16] =	ssyncset.done $0x0  }
0xd: {  	[sflag:s16] =	ssyncadd.s32 $0xFFFFFFFF  }
0xe: {  	s17 =	sld [smem:$0x11];
	(tm) =	ssettm $0x1  }
0xf: {  	s18 =	sld [smem:$0x3FFB];
	_ =	sdelay $0x3  }
0x10: {  	_ =	strace s18  }
0x11: {  	s3 =	sld [smem:$0x3FFC];
	_ =	sdelay $0x3  }
0x12: {  	_ =	strace s3  }
0x13: {  	s3 =	sld [smem:$0x3FFD];
	_ =	sdelay $0x3  }
0x14: {  	_ =	strace s3  }
0x15: {  	_ =	strace $0x8FFFFFFF  }
0x16: {  	s19 =	sld [smem:$0x3FDB];
	_ =	sdelay $0x1  }
0x17: {  	s20 =	simm.s32 $_scs_section_size  }
0x18: {  	s5 =	simm.s32 $_size__tile_overlayer_lowered;
	s6 =	simm.s32 $_tile_overlayer_lowered  }
0x19: {  	s23 =	simm.s32 $0x1BFF;
	s22 =	sshll.u32 s6, $0x1;
	s3 =	sadd.s32 s20, s19  }
0x1a: {  	s7 =	simm.s32 $0x0;
	s21 =	sshll.u32 s5, $0x1;
	s5 =	sadd.s32 s22, s3  }
0x1b: {  	[timem:s7], [sflag:s23] =	dma.local [hbm:s5], s21  }
0x1c: {  	_ =	swait.ge [sflag:s23], s21  }
0x1d: {  	s4 =	ssub.s32 $0x0, s21;
	[sflag:s23] =	ssyncset.done $0x0  }
0x1e: {  	[sflag:s23] =	ssyncadd.s32 s4;
	_ =	sdelay $0x1  }
0x1f: {  	s24 =	simm.s32 $0x1B8B  }
0x20: {  	_ =	swait.ge [sflag:s24], $0x1  }
0x21: {  	[sflag:s24] =	ssyncset.done $0x0  }
0x22: {  	s26 =	simm.s32 $0x1B8E;
	s25 =	sld [smem:$0x3FFE];
	[sflag:s24] =	ssyncadd.s32 $0xFFFFFFFF  }
0x23: {  	s27 =	simm.s32 $execute0_lowered;
	[smem:$0x3FD2] =	sst s26  }
0x24: {  	s5 =	sshll.u32 s27, $0x1;
	_ =	strace $0x8000004F;
	[dreg:$0x1] =	wrdreg $0xFFFFFFFF  }
0x25: {  	s28 =	simm.s32 $_size_execute0_lowered;
	s3 =	sadd.s32 s3, s5;
	[dreg:$0x0] =	wrdreg $0x0  }
0x26: {  	s5 =	sshll.u32 s28, $0x1;
	[dreg:$0x2] =	wrdreg s3  }
0x27: {  	[dreg:$0x3] =	wrdreg s5  }
0x28: {  	[dreg:$0x4] =	wrdreg $0xC0  }
0x29: {  	_ =	task [dreg:s7], $0x5FFFF  }
0x2a: {  	[dreg:$0x1] =	wrdreg $0xFFFFFFFF  }
0x2b: {  	[dreg:$0x0] =	wrdreg $0x60  }
0x2c: {  	[dreg:$0x2] =	wrdreg s25  }
0x2d: {  	[dreg:$0x3] =	wrdreg s17  }
0x2e: {  	[dreg:$0x4] =	wrdreg $0x9  }
0x2f: {  	_ =	task.clear_ibuf [dreg:s7], $0x5FFFF;
	_ =	strace $0x9000004F  }
0x30: {  	s29 =	simm.s32 $0x9;
	_ =	strace $0x80000051  }
0x31: {  	_ =	swait.ge [sflag:s29], $0x1  }
0x32: {  	[sflag:s29] =	ssyncadd.s32 $0xFFFFFFFF  }
0x33: {  	_ =	strace $0x90000051  }
0x34: {  	_ =	sfence  }
0x35: {  	s30 =	sld [smem:$0x0];
	_ =	sdelay $0x2  }
0x36: {  	s31 =	sshll.u32 s1, $0xD;
	s1 =	sshrl.u32 s1, $0x2  }
0x37: {  	s3 =	sand.u32 $0x4000, s31;
	s1 =	sadd.s32 s1, s30  }
0x38: {  	s0 =	sor.u32 s3, s0;
	s1 =	sshll.u32 s1, $0x11  }
0x39: {  	s0 =	sor.u32 s1, s0  }
0x3a: {  	s0 =	sadd.s32 $0x8F2B, s0  }
0x3b: {  	[sflag:s0] =	ssyncadd.remote.s32 $0x1  }
0x3c: {  	_ =	sfence.sel $0xFFFF  }
0x3d: {  	[dreg:$0x0] =	wrdreg $0xFFFFFFFF;
	(pc) =	sbr.abs _section_cstart, $3  }
0x3e: {  	[dreg:$0x1] =	wrdreg $0xFFFFFFFF  }
0x3f: {  	_ =	task.clear_ibuf [dreg:s7], $0x2FFFF;
	_ =	strace $0x9FFFFFFF  }
0x40: {  	(tm) =	ssettm $0x7FFFFFFF  }
0x41: {  	_ =	shalt  }
tec
execute0_lowered:
.L_overlay_start_1:
0x0: {  	(tag) =	ssettag $0x1  }
0x1: {  	s4 =	rddreg [dreg:$0x0]  }
0x2: {  	s0 =	stileid.u32;
	s2 =	rddreg [dreg:$0x1]  }
0x3: {  	s7 =	srdreg.scid;
	s8 =	simm.s32 $0x2;
	s14 =	simm.s32 $0x0  }
0x4: {  	s9 =	simm.s32 $0x2000;
	s16 =	simm.s32 $0x0;
	s1 =	sshll.u32 s0, $0x7  }
0x5: {  	s15 =	simm.s32 $0x0;
	s11 =	simm.s32 $0x0;
	s3 =	sand.u32 $0x380, s1  }
0x6: {  	s13 =	simm.s32 $0x0;
	s7 =	sshll.u32 s7, $0x4;
	s5 =	ssub.s32 $0x400, s3  }
0x7: {  	s4 =	sadd.s32 $0x192600, s4;
	s1 =	rddreg [dreg:$0x2];
	s6 =	sand.u32 $0x380, s5  }
0x8: {  	s7 =	sand.u32 $0x10, s7;
	p0 =	sne.s32 s6, $0x0;
	s6 =	simm.s32 $0x1  }
.Ltmp0:
0x9: {  	s5 =	sshrl.u32 s5, $0xA;
	s6 =	simm.s32 @!p0 $0x0;
	(pc) =	sbr.rel .LBB1_1-.Ltmp0, $4  }
0xa: {  	_ =	strace $0x80000050;
	s7 =	sor.u32 s0, s7;
	s6 =	sadd.s32 s6, s5  }
0xb: {  	s7 =	sshrl.u32 s7, $0x3;
	s5 =	simm.s32 $0x1;
	s6 =	smul.u32 $0x190, s6  }
0xc: {  	s12 =	smov.u32 s3;
	s10 =	smov.u32 s7;
	[sflag:s5] =	ssyncpa.u1 $0x0  }
0xd: {  	p0 =	por $0x0, $0x0;
	[sflag:s8] =	ssyncpa.u1 $0x0;
	s8 =	sor.u32 $0x1, s6  }
.LBB1_4:
0xe: {  	s19 =	sand.u32 $0xF80, s15  }
0xf: {  	s16 =	sshll.u32 s16, $0x11;
	s20 =	sshrl.u32 s15, $0x3;
	s19 =	sadd.s32 s2, s19  }
0x10: {  	s31 =	sand.u32 $0x7, s15;
	s20 =	sand.u32 $0xF, s20;
	s16 =	sadd.s32 s16, s19  }
0x11: {  	s14 =	sshll.u32 s14, $0xC;
	s15 =	sshll.u32 s31, $0x12;
	s16 =	sadd.s32 s20, s16  }
0x12: {  	[tilespmem:s18+$0x0 ss:$0x81] =	vst.msk $0xffff, v0;
	s15 =	sor.u32 $0x400, s15;
	s14 =	sadd.s32 s14, s16  }
0x13: {  	[hbm4b:s14+s15] =	stream.strided.scatter [tilespmem:s17], [sflag:$0x2], $0x1000, s9, s15, $0x20;
	[tilespmem:$0x4040] =	vst v63  }
.LBB1_5:
0x14: {  	s17 =	sadd.s32 $0x4, s10  }
0x15: {  	s14 =	simm.s32 $0x1;
	p2 =	sgt.s32 s17, $0x1F  }
0x16: {  	s14 =	simm.s32 @!p2 $0x0  }
0x17: {  	s18 =	sadd.s32 s14, s11  }
0x18: {  	s20 =	smov.u32 s12;
	s14 =	sadd.s32 $0x400, s12;
	p3 =	sgt.s32 s18, $0x31  }
0x19: {  	s20 =	smov.u32 @p3 s14  }
0x1a: {  	p1 =	slt.u32 s13, $0x2;
	s17 =	smov.u32 @p2 s7;
	p2 =	sgt.s32 s20, $0x3FF  }
0x1b: {  	s19 =	simm.s32 @!p1 $0x2;
	s20 =	smov.u32 @p2 s3;
	p2 =	sne.s32 s13, s8  }
.Ltmp1:
0x1c: {  	_ =	swait.ge @!p1 [sflag:s19], $0x1000;
	(pc) =	sbr.rel @!p2 .LBB1_6-.Ltmp1, $4  }
0x1d: {  	s16 =	smov.u32 s11;
	[sflag:s19] =	ssyncset.done @!p1 $0x0  }
0x1e: {  	s15 =	smov.u32 s12;
	p0 =	por !p0, !p0;
	[sflag:s19] =	ssyncadd.s32 @!p1 $0xFFFFF000  }
0x1f: {  	s18 =	simm.s32 @p3 $0x0;
	s14 =	smov.u32 s10;
	s10 =	smov.u32 s17  }
0x20: {  	s11 =	smov.u32 s18;
	s13 =	sadd.s32 $0x1, s13;
	s12 =	smov.u32 s20  }
.LBB1_1:
0x21: {  	p1 =	sge.u32 s13, s6  }
0x22: {  	s18 =	smul.u32 @!p1 $0x6400, s12  }
0x23: {  	s31 =	sadd.s32 $0xFFFFFFFF, s13;
	s17 =	sxor.u32 @!p1 $0xFFFFFFFF, s13;
	s19 =	sshll.u32 @!p1 s11, $0x9  }
0x24: {  	s20 =	sshll.u32 @!p1 s10, $0x4;
	s17 =	sshll.u32 @!p1 s17, $0xC;
	s18 =	sadd.s32 @!p1 s4, s18  }
0x25: {  	s20 =	sand.u32 @!p1 $0x1F0, s20;
	s17 =	sand.u32 @!p1 $0x1000, s17;
	s18 =	sadd.s32 @!p1 s19, s18  }
0x26: {  	s19 =	simm.s32 @!p1 $0x20;
	s18 =	sadd.s32 @!p1 s20, s18;
	s20 =	simm.s32 @!p1 $0x32000  }
0x27: {  	[tilespmem:s17], [sflag:$0x1] =	stream.strided.gather @!p1 [hbm4b:s18+s19], $0x1000, s20, s19, $0x38;
	[tilespmem:$0x4040] =	vst v63  }
0x28: {  	p1 =	sge.u32 s31, s6  }
.Ltmp2:
0x29: {  	_ = 	snop;
	(pc) =	sbr.rel @p1 .LBB1_5-.Ltmp2, $1  }
0x2a: {  	_ =	sdelay $0x3  }
0x2b: {  	s17 =	simm.s32 $0x1  }
0x2c: {  	_ =	swait.ge [sflag:s5], $0x1000;
	s17 =	simm.s32 @!p0 $0x0  }
0x2d: {  	[sflag:s5] =	ssyncset.done $0x0;
	s18 =	sshll.u32 s17, $0xC  }
0x2e: {  	[sflag:s5] =	ssyncadd.s32 $0xFFFFF000;
	s21 =	sor.u32 $0x10, s18  }
0x2f: {  	s17 =	smul.u32 $0x4080, s17;
	v1 =	vld [tilespmem:s21+$0x0]  }
0x30: {  	s30 =	sand.u32 $0x1, s13;
	v0 =	vld [tilespmem:s21+$0xFFFFFFF0]  }
0x31: {  	s18 =	smul.u32 $0x4080, s30;
	s17 =	sshrl.u32 s17, $0x2  }
0x32: {  	s19 =	sor.u32 $0x2000, s17  }
0x33: {  	s31 =	sshrl.u32 s18, $0x2;
	s18 =	sadd.s32 $0x0, s19  }
0x34: {  	s20 =	simm.s32 $0x4;
	s21 =	sadd.s32 $0x20, s21;
	s17 =	sor.u32 $0x2000, s31;
	[tilespmem:s18+$0x810 ss:$0x81] =	vst.msk $0xffff, v1  }
.LBB1_3:
0x35: {  	v1 =	vld [tilespmem:s21+$0x0];
	p1 =	sne.s32 s20, $0x1FC;
	[tilespmem:s18+$0x0 ss:$0x81] =	vst.msk $0xffff, v0;
	s18 =	smov.u32 s20;
	s20 =	sadd.s32 $0x4, s20  }
.Ltmp3:
0x36: {  	v0 =	vld [tilespmem:s21+$0xFFFFFFF0];
	(pc) =	sbr.rel @p1 .LBB1_3-.Ltmp3, $4  }
0x37: {  	_ = 	snop  }
0x38: {  	s18 =	sshra.s32 s18, $0x2  }
0x39: {  	s18 =	sadd.s32 s18, s19  }
0x3a: {  	s21 =	sadd.s32 $0x20, s21;
	[tilespmem:s18+$0x810 ss:$0x81] =	vst.msk $0xffff, v1  }
.Ltmp4:
0x3b: {  	_ = 	snop;
	(pc) =	sbr.rel .LBB1_4-.Ltmp4, $1  }
0x3c: {  	_ =	sdelay $0x3  }
.LBB1_6:
0x3d: {  	_ =	sfence.sel $0x180000  }
0x3e: {  	s2 =	simm.s32 $0x1;
	[bflag:$0x0] =	sbarrier.arrive $0xFFFF  }
0x3f: {  	s31 =	simm.s32 $0x2;
	[sflag:s2] =	ssyncpa.u1 $0x1  }
0x40: {  	[sflag:s31] =	ssyncpa.u1 $0x1  }
0x41: {  	p0 =	sne.s32 s0, $0x0;
	_ =	strace $0x90000050  }
0x42: {  	s0 =	sadd.s32 @!p0 $0x100000, s1;
	[bflag:$0x2] =	sbarrier.arrive $0xFFFF  }
0x43: {  	[sflag:s0] =	ssyncadd.tile.s32 @!p0 $0x1;
	_ =	shalt  }
.Lfunc_end1:
_tile_overlayer_lowered:
.L_overlay_start_2:
0x44: {  	(tag) =	ssettag $0x2  }
0x45: {  	s0 =	rddreg [dreg:$0x0];
	s2 =	stileid.u32  }
0x46: {  	s1 =	rddreg [dreg:$0x1];
	p0 =	sne.s32 s2, $0x0  }
0x47: {  	s3 =	rddreg [dreg:$0x2];
	[bflag:$0x3] =	sbarrier.arrive $0xFFFF;
	s2 =	simm.s32 @!p0 $0x1C01  }
0x48: {  	[timem:s3], [sflag:s2] =	dma.local @!p0 [hbm:s0], s1  }
0x49: {  	s0 =	simm.s32 @!p0 $0x1  }
0x4a: {  	_ =	swait.ge @!p0 [sflag:s0], s1  }
0x4b: {  	s1 =	ssub.s32 @!p0 $0x0, s1;
	[sflag:s0] =	ssyncset.done @!p0 $0x0  }
0x4c: {  	[sflag:s0] =	ssyncadd.s32 @!p0 s1  }
0x4d: {  	[bflag:$0x3] =	sbarrier.arrive $0xFFFF  }
0x4e: {  	_ =	shalt  }

</sc_bundles>
